<compile_context>
chip_gen: v7x
topology: tpu7x:2x2x1
jax: 0.10.2.dev20260603
libtpu: 0.0.44.dev20260713+nightly
codegen_flags: <defaults>
</compile_context>

<pallas_src>
import jax
import jax.numpy as jnp
from jax import lax
from jax.experimental import pallas as pl
from jax.experimental.pallas import tpu as pltpu
from jax.experimental.pallas import tpu_sc as plsc

H, W = 496, 432
C = 64
B, P = 4, 12000

NC, NS, L = 2, 16, 16
NW = NC * NS
RR = 48
XSPAN = W // RR
NTASK = B * RR
SG = 4
CHUNK = 2400
CH = 128
NSLOT = 8
D16 = 16
MAPN = XSPAN * H
LISTN = P + L


def _sc_body(y_hbm, x_hbm, featv_hbm, out_hbm,
             ybuf, xbuf, cells, pg16, cmap, imgbuf, idxbuf, featbuf,
             zlist, g0, g1, g2, g3, g4, g5, g6, g7, sem_s):
  gsems = (g0, g1, g2, g3, g4, g5, g6, g7)
  wid = lax.axis_index("s") * NC + lax.axis_index("c")
  iota = lax.iota(jnp.int32, L)
  iota_map = iota * MAPN
  zeros16 = jnp.zeros((L,), jnp.float32)

  def splat(v):
    return jnp.full((L,), v, jnp.int32)

  def build_idx(slot, chk, sg, cnt2):
    m0 = chk * CH

    def ib(qi, _):
      sl = m0 + qi * L
      pv = pg16[pl.ds(sl, L)]
      act = (sl + iota) < cnt2
      idxbuf[pl.ds(slot * CH + qi * L, L)] = jnp.where(act, pv + sg, 0)
      return 0

    lax.fori_loop(0, CH // L, ib, 0)

  def fire(slot, sem, cnt2=None, chk=None, sg=None):
    if cnt2 is not None:
      build_idx(slot, chk, sg, cnt2)
    return pltpu.async_copy(
        featv_hbm.at[idxbuf.at[pl.ds(slot * CH, CH)]],
        featbuf.at[slot], sem)

  def drain_gather(slot, sem):
    pltpu.make_async_copy(
        featv_hbm.at[idxbuf.at[pl.ds(slot * CH, CH)]],
        featbuf.at[slot], sem).wait()

  def drain_streams():
    pltpu.make_async_copy(
        imgbuf, out_hbm.at[pl.ds(0, D16 * MAPN)], sem_s).wait()

  def run_task(t, zcnt):
    task = t * NW + wid
    b = task // RR
    rr = task % RR
    r0 = rr * XSPAN

    def chunk_body(ci, cntv):
      base = ci * CHUNK
      pltpu.sync_copy(y_hbm.at[b, pl.ds(base, CHUNK)], ybuf)
      pltpu.sync_copy(x_hbm.at[b, pl.ds(base, CHUNK)], xbuf)
      pgb = (b * P + base + iota) * SG

      def grp(gi, cntv):
        o = gi * (2 * L)
        xv0 = xbuf[pl.ds(o, L)]
        yv0 = ybuf[pl.ds(o, L)]
        xv1 = xbuf[pl.ds(o + L, L)]
        yv1 = ybuf[pl.ds(o + L, L)]
        ux0 = xv0 - r0
        ux1 = xv1 - r0
        m0 = (ux0.astype(jnp.uint32) < XSPAN) & (yv0.astype(jnp.uint32) < H)
        m1 = (ux1.astype(jnp.uint32) < XSPAN) & (yv1.astype(jnp.uint32) < H)
        cs0 = plsc.cumsum(m0.astype(jnp.int32))
        cs1 = plsc.cumsum(m1.astype(jnp.int32))
        pc0 = plsc.all_reduce_population_count(m0)
        pc1 = plsc.all_reduce_population_count(m1)
        idx0 = cntv + cs0 - 1
        cnt1 = cntv + pc0
        idx1 = cnt1 + cs1 - 1
        plsc.store_scatter(cells, [idx0], ux0 * H + yv0, mask=m0)
        plsc.store_scatter(pg16, [idx0], pgb + o * SG, mask=m0)
        plsc.store_scatter(cells, [idx1], ux1 * H + yv1, mask=m1)
        plsc.store_scatter(pg16, [idx1], pgb + (o + L) * SG, mask=m1)
        return cnt1 + pc1

      return lax.fori_loop(0, CHUNK // (2 * L), grp, cntv)

    cntv = lax.fori_loop(0, P // CHUNK, chunk_body, splat(0))
    cnt = jnp.max(cntv)

    def mi(i, _):
      cmap[pl.ds(i * L, L)] = jnp.full((L,), -1, jnp.int32)
      return 0

    lax.fori_loop(0, MAPN // L, mi, 0)

    ngrp = (cnt + L - 1) // L

    def dgrp(gi, _):
      sl = gi * L
      cvec = cells[pl.ds(sl, L)]
      slot = sl + iota
      act = (slot < cnt).astype(jnp.int32)

      def cond(pend):
        return jnp.max(pend) > 0

      def body(pend):
        pm = pend > 0
        plsc.store_scatter(cmap, [cvec], slot, mask=pm)
        w = plsc.load_gather(cmap, [cvec], mask=pm)
        return (pm & (w < slot)).astype(jnp.int32)

      lax.while_loop(cond, body, act)
      return 0

    lax.fori_loop(0, ngrp, dgrp, 0)

    def kgrp(gi, cnt2v):
      sl = gi * L
      cvec = cells[pl.ds(sl, L)]
      pvec = pg16[pl.ds(sl, L)]
      slot = sl + iota
      act = slot < cnt
      w = plsc.load_gather(cmap, [cvec], mask=act)
      keep = act & (w == slot)
      csum = plsc.cumsum(keep.astype(jnp.int32))
      idx = cnt2v + csum - 1
      plsc.store_scatter(cells, [idx], cvec, mask=keep)
      plsc.store_scatter(pg16, [idx], pvec, mask=keep)
      return cnt2v + plsc.all_reduce_population_count(keep)

    cnt2 = jnp.max(lax.fori_loop(0, ngrp, kgrp, splat(0)))
    nch = (cnt2 + CH - 1) // CH

    for k in range(NSLOT):
      sgi, chk = k // 2, k % 2

      @pl.when(chk < nch)
      def _(k=k, sgi=sgi, chk=chk):
        fire(k, gsems[k], cnt2=cnt2, chk=chk, sg=sgi)

    @pl.when(t > 0)
    def _():
      drain_streams()

    def zq(q, _):
      cellv = plsc.load_gather(zlist, [splat(q)])
      plsc.store_scatter(imgbuf, [cellv + iota_map], zeros16)
      return 0

    lax.fori_loop(0, zcnt, zq, 0)

    for sgi in range(SG):
      if sgi > 0:
        drain_streams()

      def chunk_loop(ch, _, sgi=sgi):
        par = ch & 1
        refire = ch >= 2

        for parb in range(2):
          slot = sgi * 2 + parb

          @pl.when(refire & (par == parb))
          def _(slot=slot):
            fire(slot, gsems[slot], cnt2=cnt2, chk=ch, sg=sgi).wait()

          @pl.when((~refire) & (par == parb))
          def _(slot=slot):
            drain_gather(slot, gsems[slot])

        slotv = sgi * 2 + par
        mcnt = jnp.minimum(CH, cnt2 - ch * CH)
        slots = splat(slotv)

        def sq(q, _):
          cellv = plsc.load_gather(cells, [splat(ch * CH + q)])
          vals = plsc.load_gather(featbuf, [slots, splat(q), iota])
          plsc.store_scatter(imgbuf, [cellv + iota_map], vals)
          return 0

        lax.fori_loop(0, mcnt, sq, 0)
        return 0

      lax.fori_loop(0, nch, chunk_loop, 0)

      for cc in range(D16):
        obase = ((b * C + sgi * D16 + cc) * W + r0) * H
        pltpu.async_copy(imgbuf.at[pl.ds(cc * MAPN, MAPN)],
                         out_hbm.at[pl.ds(obase, MAPN)], sem_s)

    def zc(i, _):
      zlist[pl.ds(i * L, L)] = cells[pl.ds(i * L, L)]
      return 0

    lax.fori_loop(0, (cnt2 + L - 1) // L, zc, 0)
    return cnt2

  def zi(i, _):
    imgbuf[pl.ds(i * L, L)] = zeros16
    return 0

  lax.fori_loop(0, D16 * MAPN // L, zi, 0)
  lax.fori_loop(0, NTASK // NW, run_task, jnp.int32(0))
  drain_streams()


@jax.jit
def kernel(pillar_features, coords):
  y32 = coords[:, :, 1].astype(jnp.int32)
  x32 = coords[:, :, 2].astype(jnp.int32)
  featv = pillar_features.reshape(B * P * (C // D16), D16)

  mesh = plsc.VectorSubcoreMesh(core_axis_name="c", subcore_axis_name="s",
                                num_cores=NC, num_subcores=NS)
  f = pl.kernel(
      _sc_body,
      out_type=jax.ShapeDtypeStruct((B * C * H * W,), jnp.float32),
      mesh=mesh,
      compiler_params=pltpu.CompilerParams(use_tc_tiling_on_sc=False,
                                           needs_layout_passes=False),
      scratch_types=[
          pltpu.VMEM((CHUNK,), jnp.int32),
          pltpu.VMEM((CHUNK,), jnp.int32),
          pltpu.VMEM((LISTN,), jnp.int32),
          pltpu.VMEM((LISTN,), jnp.int32),
          pltpu.VMEM((MAPN,), jnp.int32),
          pltpu.VMEM((D16 * MAPN,), jnp.float32),
          pltpu.VMEM((NSLOT * CH,), jnp.int32),
          pltpu.VMEM((NSLOT, CH, D16), jnp.float32),
          pltpu.VMEM((MAPN,), jnp.int32),
          pltpu.SemaphoreType.DMA,
          pltpu.SemaphoreType.DMA,
          pltpu.SemaphoreType.DMA,
          pltpu.SemaphoreType.DMA,
          pltpu.SemaphoreType.DMA,
          pltpu.SemaphoreType.DMA,
          pltpu.SemaphoreType.DMA,
          pltpu.SemaphoreType.DMA,
          pltpu.SemaphoreType.DMA,
      ],
  )
  out_flat = f(y32, x32, featv)
  return out_flat.reshape(B, C, W, H).transpose(0, 1, 3, 2)

# --- scband reference (transcript-rebuilt; emitter-appended) ---
"""Pipeline reference for scband-pseudo-image-scatter-17815524343997 (READ-ONLY COPY).

The authoritative reference and input builder live on the scoring server;
editing this copy changes nothing except your own understanding.
"""

import jax, jax.numpy as jnp
import numpy as np

H, W = 496, 432
NUM_FEATURES = 64
B, P = 4, 12000

def setup_inputs(seed: int = 0) -> dict:
    key = jax.random.key(seed)
    k1, k2 = jax.random.split(key)
    pillar_features = jax.random.normal(k1, (B, P, NUM_FEATURES), dtype=jnp.float32)
    coords = jax.random.randint(k2, (B, P, 4), 0, 432, dtype=jnp.int64)
    return {"pillar_features": pillar_features, "coords": coords}

def reference(pillar_features, coords):
    # pillar_features: [B, P, C]; coords: [B, P, 4] with (batch_idx, y_idx, x_idx, ...)
    Bn, Pn, C = pillar_features.shape
    y = coords[:, :, 1].astype(jnp.int32)
    x = coords[:, :, 2].astype(jnp.int32)
    mask = (x >= 0) & (x < W) & (y >= 0) & (y < H)
    # route invalid pillars to out-of-bounds indices; mode='drop' discards them
    y_ = jnp.where(mask, y, H)
    x_ = jnp.where(mask, x, W)
    b_idx = jnp.arange(Bn, dtype=jnp.int32)[:, None]
    pseudo_image = jnp.zeros((Bn, C, H, W), dtype=pillar_features.dtype)
    # advanced indexing img[b, :, y, x] -> value shape (B, P, C); scatter-overwrite
    pseudo_image = pseudo_image.at[b_idx, :, y_, x_].set(pillar_features, mode='drop')
    return pseudo_image

if __name__ == "__main__":
    import jax
    _d = setup_inputs()
    print(jax.jit(kernel)(*tuple(_d.values())))

</pallas_src>

<mosaic_0001>
#map = affine_map<(d0, d1) -> (0, 0)>
#map1 = affine_map<(d0, d1) -> (0)>
module attributes {stable_mosaic.version = 14 : i64} {
  func.func @_sc_body(%arg0: i32, %arg1: i32, %arg2: memref<4x12000xi32, #tpu.memory_space<hbm>>, %arg3: memref<4x12000xi32, #tpu.memory_space<hbm>>, %arg4: memref<192000x16xf32, #tpu.memory_space<hbm>>, %arg5: memref<54853632xf32, #tpu.memory_space<hbm>>, %arg6: memref<2400xi32, #tpu.memory_space<vmem>>, %arg7: memref<2400xi32, #tpu.memory_space<vmem>>, %arg8: memref<12016xi32, #tpu.memory_space<vmem>>, %arg9: memref<12016xi32, #tpu.memory_space<vmem>>, %arg10: memref<4464xi32, #tpu.memory_space<vmem>>, %arg11: memref<71424xf32, #tpu.memory_space<vmem>>, %arg12: memref<1024xi32, #tpu.memory_space<vmem>>, %arg13: memref<8x128x16xf32, #tpu.memory_space<vmem>>, %arg14: memref<4464xi32, #tpu.memory_space<vmem>>, %arg15: memref<!tpu.dma_semaphore, #tpu.memory_space<semaphore_mem>>, %arg16: memref<!tpu.dma_semaphore, #tpu.memory_space<semaphore_mem>>, %arg17: memref<!tpu.dma_semaphore, #tpu.memory_space<semaphore_mem>>, %arg18: memref<!tpu.dma_semaphore, #tpu.memory_space<semaphore_mem>>, %arg19: memref<!tpu.dma_semaphore, #tpu.memory_space<semaphore_mem>>, %arg20: memref<!tpu.dma_semaphore, #tpu.memory_space<semaphore_mem>>, %arg21: memref<!tpu.dma_semaphore, #tpu.memory_space<semaphore_mem>>, %arg22: memref<!tpu.dma_semaphore, #tpu.memory_space<semaphore_mem>>, %arg23: memref<!tpu.dma_semaphore, #tpu.memory_space<semaphore_mem>>) attributes {dimension_semantics = [#tpu.dimension_semantics<core_parallel>, #tpu.dimension_semantics<subcore_parallel>], iteration_bounds = array<i64: 2, 16>, scalar_prefetch = 0 : i64, scratch_operands = 18 : i64, tpu.core_type = #tpu.core_type<sc_vector_subcore>, window_params = [{transform_indices = #map}, {transform_indices = #map}, {transform_indices = #map}, {transform_indices = #map1}]} {
    %mul3A = arith.constant 2 : i32
    %mul3A_0 = arith.muli %arg1, %mul3A : i32
    %add3A = arith.addi %mul3A_0, %arg0 : i32
    %iota3A = tpu.iota {dimensions = array<i32: 0>} : vector<16xi32>
    %mul3A_1 = arith.constant 4464 : i32
    %mul3A_2 = vector.broadcast %mul3A_1 : i32 to vector<16xi32>
    %mul3A_3 = arith.muli %iota3A, %mul3A_2 : vector<16xi32>
    %broadcast_in_dim3A = arith.constant 0.000000e+00 : f32
    %broadcast_in_dim3A_4 = vector.broadcast %broadcast_in_dim3A : f32 to vector<16xf32>
    %scan3A = arith.constant 0 : i32
    %scan3A_5 = arith.constant 0 : i32
    %scan3A_6 = arith.constant 4464 : i32
    %scan3A_7 = arith.addi %scan3A_5, %scan3A_6 : i32
    %scan3A_8 = arith.constant 1 : i32
    %scan3A_9 = scf.for %scan3A_21 = %scan3A_5 to %scan3A_7 step %scan3A_8 iter_args(%scan3A_22 = %scan3A) -> (i32)  : i32 {
      %mul3A_23 = arith.constant 16 : i32
      %mul3A_24 = arith.muli %scan3A_21, %mul3A_23 : i32
      %swap3A = arith.index_cast %mul3A_24 : i32 to index
      %swap3A_25 = tpu.vector_load %arg11[%swap3A] {strides = array<i32>} : memref<71424xf32, #tpu.memory_space<vmem>>, vector<16xf32>,
      tpu.vector_store %arg11[%swap3A], %broadcast_in_dim3A_4 {strides = array<i32>} : memref<71424xf32, #tpu.memory_space<vmem>>, vector<16xf32>,
      %scan3A_26 = arith.constant 0 : i32
      scf.yield %scan3A_26 : i32
    }
    %scan3A_10 = arith.constant 4464 : i32
    %scan3A_11 = arith.constant 0 : i32
    %scan3A_12 = arith.constant 0 : i32
    %scan3A_13 = arith.constant 6 : i32
    %scan3A_14 = arith.addi %scan3A_12, %scan3A_13 : i32
    %scan3A_15 = arith.constant 1 : i32
    %scan3A_16 = scf.for %scan3A_21 = %scan3A_12 to %scan3A_14 step %scan3A_15 iter_args(%scan3A_22 = %scan3A_11) -> (i32)  : i32 {
      %mul3A_23 = arith.constant 32 : i32
      %mul3A_24 = arith.muli %scan3A_21, %mul3A_23 : i32
      %add3A_25 = arith.addi %mul3A_24, %add3A : i32
      %jit3A = arith.constant 48 : i32
      %div3A = arith.divsi %add3A_25, %jit3A : i32
      %sign3A = arith.constant 0 : i32
      %sign3A_26 = arith.cmpi sgt, %add3A_25, %sign3A : i32
      %sign3A_27 = arith.extui %sign3A_26 : i1 to i32
      %sign3A_28 = arith.constant 0 : i32
      %sign3A_29 = arith.cmpi slt, %add3A_25, %sign3A_28 : i32
      %sign3A_30 = arith.extui %sign3A_29 : i1 to i32
      %sign3A_31 = arith.subi %sign3A_27, %sign3A_30 : i32
      %sign3A_32 = arith.constant 0 : i32
      %sign3A_33 = arith.cmpi sgt, %jit3A, %sign3A_32 : i32
      %sign3A_34 = arith.extui %sign3A_33 : i1 to i32
      %sign3A_35 = arith.constant 0 : i32
      %sign3A_36 = arith.cmpi slt, %jit3A, %sign3A_35 : i32
      %sign3A_37 = arith.extui %sign3A_36 : i1 to i32
      %sign3A_38 = arith.subi %sign3A_34, %sign3A_37 : i32
      %ne3A = arith.cmpi ne, %sign3A_31, %sign3A_38 : i32
      %rem3A = arith.remsi %add3A_25, %jit3A : i32
      %ne3A_39 = arith.constant 0 : i32
      %ne3A_40 = arith.cmpi ne, %rem3A, %ne3A_39 : i32
      %and3A = arith.andi %ne3A, %ne3A_40 : i1
      %sub3A = arith.constant 1 : i32
      %sub3A_41 = arith.subi %div3A, %sub3A : i32
      %select_n3A = arith.select %and3A, %sub3A_41, %div3A : i32
      %jit3A_42 = arith.constant 48 : i32
      %eq3A = arith.constant 0 : i32
      %eq3A_43 = arith.cmpi eq, %jit3A_42, %eq3A : i32
      %jit3A_44 = arith.constant 1 : i32
      %select_n3A_45 = arith.select %eq3A_43, %jit3A_44, %jit3A_42 : i32
      %rem3A_46 = arith.remsi %add3A_25, %select_n3A_45 : i32
      %ne3A_47 = arith.constant 0 : i32
      %ne3A_48 = arith.cmpi ne, %rem3A_46, %ne3A_47 : i32
      %lt3A = arith.constant 0 : i32
      %lt3A_49 = arith.cmpi slt, %rem3A_46, %lt3A : i32
      %lt3A_50 = arith.constant 0 : i32
      %lt3A_51 = arith.cmpi slt, %select_n3A_45, %lt3A_50 : i32
      %ne3A_52 = arith.xori %lt3A_49, %lt3A_51 : i1
      %and3A_53 = arith.andi %ne3A_52, %ne3A_48 : i1
      %add3A_54 = arith.addi %rem3A_46, %select_n3A_45 : i32
      %select_n3A_55 = arith.select %and3A_53, %add3A_54, %rem3A_46 : i32
      %mul3A_56 = arith.constant 9 : i32
      %mul3A_57 = arith.muli %select_n3A_55, %mul3A_56 : i32
      %broadcast_in_dim3A_58 = arith.constant 0 : i32
      %broadcast_in_dim3A_59 = vector.broadcast %broadcast_in_dim3A_58 : i32 to vector<16xi32>
      %scan3A_60 = arith.constant 0 : i32
      %scan3A_61 = arith.constant 5 : i32
      %scan3A_62 = arith.addi %scan3A_60, %scan3A_61 : i32
      %scan3A_63 = arith.constant 1 : i32
      %scan3A_64 = scf.for %scan3A_1409 = %scan3A_60 to %scan3A_62 step %scan3A_63 iter_args(%scan3A_1410 = %broadcast_in_dim3A_59) -> (vector<16xi32>)  : i32 {
        %mul3A_1411 = arith.constant 2400 : i32
        %mul3A_1412 = arith.muli %scan3A_1409, %mul3A_1411 : i32
        "tpu.region"() ({
          %run_scoped3A = tpu.sem_alloc : memref<!tpu.dma_semaphore, #tpu.memory_space<semaphore_mem>>
          %dma_start3A_1427 = tpu.memref_slice %arg2[%select_n3A, %mul3A_1412] : memref<4x12000xi32, #tpu.memory_space<hbm>> -> memref<1x2400xi32, #tpu.memory_space<hbm>>
          %dma_start3A_1428 = tpu.memref_squeeze %dma_start3A_1427 : memref<1x2400xi32, #tpu.memory_space<hbm>> -> memref<2400xi32, #tpu.memory_space<hbm>>
          %dma_start3A_1429 = tpu.memref_slice %arg2[%select_n3A, %mul3A_1412] : memref<4x12000xi32, #tpu.memory_space<hbm>> -> memref<1x2400xi32, #tpu.memory_space<hbm>>
          %dma_start3A_1430 = tpu.memref_squeeze %dma_start3A_1429 : memref<1x2400xi32, #tpu.memory_space<hbm>> -> memref<2400xi32, #tpu.memory_space<hbm>>
          tpu.enqueue_dma source(%dma_start3A_1430 : memref<2400xi32, #tpu.memory_space<hbm>>) target(%arg6 : memref<2400xi32, #tpu.memory_space<vmem>>) target_semaphore(%run_scoped3A : memref<!tpu.dma_semaphore, #tpu.memory_space<semaphore_mem>>)
          %dma_wait3A_1431 = tpu.memref_slice %arg2[%select_n3A, %mul3A_1412] : memref<4x12000xi32, #tpu.memory_space<hbm>> -> memref<1x2400xi32, #tpu.memory_space<hbm>>
          %dma_wait3A_1432 = tpu.memref_squeeze %dma_wait3A_1431 : memref<1x2400xi32, #tpu.memory_space<hbm>> -> memref<2400xi32, #tpu.memory_space<hbm>>
          %dma_wait3A_1433 = tpu.memref_slice %arg2[%select_n3A, %mul3A_1412] : memref<4x12000xi32, #tpu.memory_space<hbm>> -> memref<1x2400xi32, #tpu.memory_space<hbm>>
          %dma_wait3A_1434 = tpu.memref_squeeze %dma_wait3A_1433 : memref<1x2400xi32, #tpu.memory_space<hbm>> -> memref<2400xi32, #tpu.memory_space<hbm>>
          tpu.wait_dma2 semaphore(%run_scoped3A : memref<!tpu.dma_semaphore, #tpu.memory_space<semaphore_mem>>) src(%dma_wait3A_1434 : memref<2400xi32, #tpu.memory_space<hbm>>) dst(%arg6 : memref<2400xi32, #tpu.memory_space<vmem>>)
          tpu.yield
        }) : () -> ()
        "tpu.region"() ({
          %run_scoped3A = tpu.sem_alloc : memref<!tpu.dma_semaphore, #tpu.memory_space<semaphore_mem>>
          %dma_start3A_1427 = tpu.memref_slice %arg3[%select_n3A, %mul3A_1412] : memref<4x12000xi32, #tpu.memory_space<hbm>> -> memref<1x2400xi32, #tpu.memory_space<hbm>>
          %dma_start3A_1428 = tpu.memref_squeeze %dma_start3A_1427 : memref<1x2400xi32, #tpu.memory_space<hbm>> -> memref<2400xi32, #tpu.memory_space<hbm>>
          %dma_start3A_1429 = tpu.memref_slice %arg3[%select_n3A, %mul3A_1412] : memref<4x12000xi32, #tpu.memory_space<hbm>> -> memref<1x2400xi32, #tpu.memory_space<hbm>>
          %dma_start3A_1430 = tpu.memref_squeeze %dma_start3A_1429 : memref<1x2400xi32, #tpu.memory_space<hbm>> -> memref<2400xi32, #tpu.memory_space<hbm>>
          tpu.enqueue_dma source(%dma_start3A_1430 : memref<2400xi32, #tpu.memory_space<hbm>>) target(%arg7 : memref<2400xi32, #tpu.memory_space<vmem>>) target_semaphore(%run_scoped3A : memref<!tpu.dma_semaphore, #tpu.memory_space<semaphore_mem>>)
          %dma_wait3A_1431 = tpu.memref_slice %arg3[%select_n3A, %mul3A_1412] : memref<4x12000xi32, #tpu.memory_space<hbm>> -> memref<1x2400xi32, #tpu.memory_space<hbm>>
          %dma_wait3A_1432 = tpu.memref_squeeze %dma_wait3A_1431 : memref<1x2400xi32, #tpu.memory_space<hbm>> -> memref<2400xi32, #tpu.memory_space<hbm>>
          %dma_wait3A_1433 = tpu.memref_slice %arg3[%select_n3A, %mul3A_1412] : memref<4x12000xi32, #tpu.memory_space<hbm>> -> memref<1x2400xi32, #tpu.memory_space<hbm>>
          %dma_wait3A_1434 = tpu.memref_squeeze %dma_wait3A_1433 : memref<1x2400xi32, #tpu.memory_space<hbm>> -> memref<2400xi32, #tpu.memory_space<hbm>>
          tpu.wait_dma2 semaphore(%run_scoped3A : memref<!tpu.dma_semaphore, #tpu.memory_space<semaphore_mem>>) src(%dma_wait3A_1434 : memref<2400xi32, #tpu.memory_space<hbm>>) dst(%arg7 : memref<2400xi32, #tpu.memory_space<vmem>>)
          tpu.yield
        }) : () -> ()
        %mul3A_1413 = arith.constant 12000 : i32
        %mul3A_1414 = arith.muli %select_n3A, %mul3A_1413 : i32
        %add3A_1415 = arith.addi %mul3A_1414, %mul3A_1412 : i32
        %add3A_1416 = vector.broadcast %add3A_1415 : i32 to vector<16xi32>
        %add3A_1417 = arith.addi %add3A_1416, %iota3A : vector<16xi32>
        %mul3A_1418 = arith.constant 4 : i32
        %mul3A_1419 = vector.broadcast %mul3A_1418 : i32 to vector<16xi32>
        %mul3A_1420 = arith.muli %add3A_1417, %mul3A_1419 : vector<16xi32>
        %scan3A_1421 = arith.constant 0 : i32
        %scan3A_1422 = arith.constant 75 : i32
        %scan3A_1423 = arith.addi %scan3A_1421, %scan3A_1422 : i32
        %scan3A_1424 = arith.constant 1 : i32
        %scan3A_1425 = scf.for %scan3A_1427 = %scan3A_1421 to %scan3A_1423 step %scan3A_1424 iter_args(%scan3A_1428 = %scan3A_1410) -> (vector<16xi32>)  : i32 {
          %mul3A_1429 = arith.constant 32 : i32
          %mul3A_1430 = arith.muli %scan3A_1427, %mul3A_1429 : i32
          %get3A = arith.index_cast %mul3A_1430 : i32 to index
          %get3A_1431 = tpu.vector_load %arg7[%get3A] {strides = array<i32>} : memref<2400xi32, #tpu.memory_space<vmem>>, vector<16xi32>,
          %get3A_1432 = arith.index_cast %mul3A_1430 : i32 to index
          %get3A_1433 = tpu.vector_load %arg6[%get3A_1432] {strides = array<i32>} : memref<2400xi32, #tpu.memory_space<vmem>>, vector<16xi32>,
          %add3A_1434 = arith.constant 16 : i32
          %add3A_1435 = arith.addi %mul3A_1430, %add3A_1434 : i32
          %get3A_1436 = arith.index_cast %add3A_1435 : i32 to index
          %get3A_1437 = tpu.vector_load %arg7[%get3A_1436] {strides = array<i32>} : memref<2400xi32, #tpu.memory_space<vmem>>, vector<16xi32>,
          %add3A_1438 = arith.constant 16 : i32
          %add3A_1439 = arith.addi %mul3A_1430, %add3A_1438 : i32
          %get3A_1440 = arith.index_cast %add3A_1439 : i32 to index
          %get3A_1441 = tpu.vector_load %arg6[%get3A_1440] {strides = array<i32>} : memref<2400xi32, #tpu.memory_space<vmem>>, vector<16xi32>,
          %sub3A_1442 = vector.broadcast %mul3A_57 : i32 to vector<16xi32>
          %sub3A_1443 = arith.subi %get3A_1431, %sub3A_1442 : vector<16xi32>
          %sub3A_1444 = vector.broadcast %mul3A_57 : i32 to vector<16xi32>
          %sub3A_1445 = arith.subi %get3A_1437, %sub3A_1444 : vector<16xi32>
          %lt3A_1446 = arith.constant 9 : i32
          %lt3A_1447 = vector.broadcast %lt3A_1446 : i32 to vector<16xi32>
          %lt3A_1448 = arith.cmpi ult, %sub3A_1443, %lt3A_1447 : vector<16xi32>
          %lt3A_1449 = arith.constant 496 : i32
          %lt3A_1450 = vector.broadcast %lt3A_1449 : i32 to vector<16xi32>
          %lt3A_1451 = arith.cmpi ult, %get3A_1433, %lt3A_1450 : vector<16xi32>
          %and3A_1452 = arith.andi %lt3A_1448, %lt3A_1451 : vector<16xi1>
          %lt3A_1453 = arith.constant 9 : i32
          %lt3A_1454 = vector.broadcast %lt3A_1453 : i32 to vector<16xi32>
          %lt3A_1455 = arith.cmpi ult, %sub3A_1445, %lt3A_1454 : vector<16xi32>
          %lt3A_1456 = arith.constant 496 : i32
          %lt3A_1457 = vector.broadcast %lt3A_1456 : i32 to vector<16xi32>
          %lt3A_1458 = arith.cmpi ult, %get3A_1441, %lt3A_1457 : vector<16xi32>
          %and3A_1459 = arith.andi %lt3A_1455, %lt3A_1458 : vector<16xi1>
          %convert_element_type3A_1460 = arith.extui %and3A_1452 : vector<16xi1> to vector<16xi32>
          %broadcast_in_dim3A_1461 = arith.constant true
          %broadcast_in_dim3A_1462 = vector.broadcast %broadcast_in_dim3A_1461 : i1 to vector<16xi1>
          %masked_cumsum3A = tpu.scan <sum>, %convert_element_type3A_1460 masked %broadcast_in_dim3A_1462 : vector<16xi32>, vector<16xi1> -> vector<16xi32>
          %convert_element_type3A_1463 = arith.extui %and3A_1459 : vector<16xi1> to vector<16xi32>
          %broadcast_in_dim3A_1464 = arith.constant true
          %broadcast_in_dim3A_1465 = vector.broadcast %broadcast_in_dim3A_1464 : i1 to vector<16xi1>
          %masked_cumsum3A_1466 = tpu.scan <sum>, %convert_element_type3A_1463 masked %broadcast_in_dim3A_1465 : vector<16xi32>, vector<16xi1> -> vector<16xi32>
          %all_reduce_population_count3A = tpu.all_reduce %and3A_1452 {dim = 0 : i64, kind = #tpu.reduction_kind<sum>} : vector<16xi1> -> vector<16xi32>
          %all_reduce_population_count3A_1467 = tpu.all_reduce %and3A_1459 {dim = 0 : i64, kind = #tpu.reduction_kind<sum>} : vector<16xi1> -> vector<16xi32>
          %add3A_1468 = arith.addi %scan3A_1428, %masked_cumsum3A : vector<16xi32>
          %sub3A_1469 = arith.constant 1 : i32
          %sub3A_1470 = vector.broadcast %sub3A_1469 : i32 to vector<16xi32>
          %sub3A_1471 = arith.subi %add3A_1468, %sub3A_1470 : vector<16xi32>
          %add3A_1472 = arith.addi %scan3A_1428, %all_reduce_population_count3A : vector<16xi32>
          %add3A_1473 = arith.addi %add3A_1472, %masked_cumsum3A_1466 : vector<16xi32>
          %sub3A_1474 = arith.constant 1 : i32
          %sub3A_1475 = vector.broadcast %sub3A_1474 : i32 to vector<16xi32>
          %sub3A_1476 = arith.subi %add3A_1473, %sub3A_1475 : vector<16xi32>
          %mul3A_1477 = arith.constant 496 : i32
          %mul3A_1478 = vector.broadcast %mul3A_1477 : i32 to vector<16xi32>
          %mul3A_1479 = arith.muli %sub3A_1443, %mul3A_1478 : vector<16xi32>
          %add3A_1480 = arith.addi %mul3A_1479, %get3A_1433 : vector<16xi32>
          tpu.vector_store_idx %arg8[%sub3A_1471], %add3A_1480 masked %and3A_1452 : memref<12016xi32, #tpu.memory_space<vmem>>[vector<16xi32>], vector<16xi32>, vector<16xi1>
          %mul3A_1481 = arith.constant 4 : i32
          %mul3A_1482 = arith.muli %mul3A_1430, %mul3A_1481 : i32
          %add3A_1483 = vector.broadcast %mul3A_1482 : i32 to vector<16xi32>
          %add3A_1484 = arith.addi %mul3A_1420, %add3A_1483 : vector<16xi32>
          tpu.vector_store_idx %arg9[%sub3A_1471], %add3A_1484 masked %and3A_1452 : memref<12016xi32, #tpu.memory_space<vmem>>[vector<16xi32>], vector<16xi32>, vector<16xi1>
          %mul3A_1485 = arith.constant 496 : i32
          %mul3A_1486 = vector.broadcast %mul3A_1485 : i32 to vector<16xi32>
          %mul3A_1487 = arith.muli %sub3A_1445, %mul3A_1486 : vector<16xi32>
          %add3A_1488 = arith.addi %mul3A_1487, %get3A_1441 : vector<16xi32>
          tpu.vector_store_idx %arg8[%sub3A_1476], %add3A_1488 masked %and3A_1459 : memref<12016xi32, #tpu.memory_space<vmem>>[vector<16xi32>], vector<16xi32>, vector<16xi1>
          %add3A_1489 = arith.constant 16 : i32
          %add3A_1490 = arith.addi %mul3A_1430, %add3A_1489 : i32
          %mul3A_1491 = arith.constant 4 : i32
          %mul3A_1492 = arith.muli %add3A_1490, %mul3A_1491 : i32
          %add3A_1493 = vector.broadcast %mul3A_1492 : i32 to vector<16xi32>
          %add3A_1494 = arith.addi %mul3A_1420, %add3A_1493 : vector<16xi32>
          tpu.vector_store_idx %arg9[%sub3A_1476], %add3A_1494 masked %and3A_1459 : memref<12016xi32, #tpu.memory_space<vmem>>[vector<16xi32>], vector<16xi32>, vector<16xi1>
          %add3A_1495 = arith.addi %add3A_1472, %all_reduce_population_count3A_1467 : vector<16xi32>
          scf.yield %add3A_1495 : vector<16xi32>
        }
        %scan3A_1426 = arith.constant 75 : i32
        scf.yield %scan3A_1425 : vector<16xi32>
      }
      %scan3A_65 = arith.constant 5 : i32
      %reduce_max3A = arith.constant true
      %reduce_max3A_66 = vector.broadcast %reduce_max3A : i1 to vector<16xi1>
      %reduce_max3A_67 = arith.constant -2147483648 : i32
      %reduce_max3A_68 = vector.broadcast %reduce_max3A_67 : i32 to vector<16xi32>
      %reduce_max3A_69 = arith.xori %scan3A_64, %reduce_max3A_68 : vector<16xi32>
      %reduce_max3A_70 = tpu.scan <max>, %reduce_max3A_69 masked %reduce_max3A_66 : vector<16xi32>, vector<16xi1> -> vector<16xi32>
      %reduce_max3A_71 = arith.xori %reduce_max3A_70, %reduce_max3A_68 : vector<16xi32>
      %reduce_max3A_72 = vector.extract %reduce_max3A_71[15] : i32 from vector<16xi32>
      %scan3A_73 = arith.constant 0 : i32
      %scan3A_74 = arith.constant 0 : i32
      %scan3A_75 = arith.constant 279 : i32
      %scan3A_76 = arith.addi %scan3A_74, %scan3A_75 : i32
      %scan3A_77 = arith.constant 1 : i32
      %scan3A_78 = scf.for %scan3A_1409 = %scan3A_74 to %scan3A_76 step %scan3A_77 iter_args(%scan3A_1410 = %scan3A_73) -> (i32)  : i32 {
        %broadcast_in_dim3A_1411 = arith.constant -1 : i32
        %broadcast_in_dim3A_1412 = vector.broadcast %broadcast_in_dim3A_1411 : i32 to vector<16xi32>
        %mul3A_1413 = arith.constant 16 : i32
        %mul3A_1414 = arith.muli %scan3A_1409, %mul3A_1413 : i32
        %swap3A = arith.index_cast %mul3A_1414 : i32 to index
        %swap3A_1415 = tpu.vector_load %arg10[%swap3A] {strides = array<i32>} : memref<4464xi32, #tpu.memory_space<vmem>>, vector<16xi32>,
        tpu.vector_store %arg10[%swap3A], %broadcast_in_dim3A_1412 {strides = array<i32>} : memref<4464xi32, #tpu.memory_space<vmem>>, vector<16xi32>,
        %scan3A_1416 = arith.constant 0 : i32
        scf.yield %scan3A_1416 : i32
      }
      %scan3A_79 = arith.constant 279 : i32
      %add3A_80 = arith.constant 16 : i32
      %add3A_81 = arith.addi %reduce_max3A_72, %add3A_80 : i32
      %sub3A_82 = arith.constant 1 : i32
      %sub3A_83 = arith.subi %add3A_81, %sub3A_82 : i32
      %jit3A_84 = arith.constant 16 : i32
      %div3A_85 = arith.divsi %sub3A_83, %jit3A_84 : i32
      %sign3A_86 = arith.constant 0 : i32
      %sign3A_87 = arith.cmpi sgt, %sub3A_83, %sign3A_86 : i32
      %sign3A_88 = arith.extui %sign3A_87 : i1 to i32
      %sign3A_89 = arith.constant 0 : i32
      %sign3A_90 = arith.cmpi slt, %sub3A_83, %sign3A_89 : i32
      %sign3A_91 = arith.extui %sign3A_90 : i1 to i32
      %sign3A_92 = arith.subi %sign3A_88, %sign3A_91 : i32
      %sign3A_93 = arith.constant 0 : i32
      %sign3A_94 = arith.cmpi sgt, %jit3A_84, %sign3A_93 : i32
      %sign3A_95 = arith.extui %sign3A_94 : i1 to i32
      %sign3A_96 = arith.constant 0 : i32
      %sign3A_97 = arith.cmpi slt, %jit3A_84, %sign3A_96 : i32
      %sign3A_98 = arith.extui %sign3A_97 : i1 to i32
      %sign3A_99 = arith.subi %sign3A_95, %sign3A_98 : i32
      %ne3A_100 = arith.cmpi ne, %sign3A_92, %sign3A_99 : i32
      %rem3A_101 = arith.remsi %sub3A_83, %jit3A_84 : i32
      %ne3A_102 = arith.constant 0 : i32
      %ne3A_103 = arith.cmpi ne, %rem3A_101, %ne3A_102 : i32
      %and3A_104 = arith.andi %ne3A_100, %ne3A_103 : i1
      %sub3A_105 = arith.constant 1 : i32
      %sub3A_106 = arith.subi %div3A_85, %sub3A_105 : i32
      %select_n3A_107 = arith.select %and3A_104, %sub3A_106, %div3A_85 : i32
      %while3A = arith.constant 0 : i32
      %while3A_108 = arith.constant 0 : i32
      %while3A_109 = arith.subi %select_n3A_107, %while3A : i32
      %while3A_110 = arith.addi %while3A, %while3A_109 : i32
      %while3A_111 = arith.constant 1 : i32
      %while3A_112 = arith.divsi %while3A_109, %while3A_111 : i32
      %while3A_113 = arith.muli %while3A_112, %while3A_111 : i32
      %while3A_114 = arith.addi %while3A, %while3A_113 : i32
      %while3A_115 = arith.constant 1 : i32
      %while3A_116 = scf.for %while3A_1409 = %while3A to %while3A_114 step %while3A_115 iter_args(%while3A_1410 = %while3A_108) -> (i32)  : i32 {
        %mul3A_1411 = arith.constant 16 : i32
        %mul3A_1412 = arith.muli %while3A_1409, %mul3A_1411 : i32
        %get3A = arith.index_cast %mul3A_1412 : i32 to index
        %get3A_1413 = tpu.vector_load %arg8[%get3A] {strides = array<i32>} : memref<12016xi32, #tpu.memory_space<vmem>>, vector<16xi32>,
        %add3A_1414 = vector.broadcast %mul3A_1412 : i32 to vector<16xi32>
        %add3A_1415 = arith.addi %add3A_1414, %iota3A : vector<16xi32>
        %lt3A_1416 = vector.broadcast %reduce_max3A_72 : i32 to vector<16xi32>
        %lt3A_1417 = arith.cmpi slt, %add3A_1415, %lt3A_1416 : vector<16xi32>
        %convert_element_type3A_1418 = arith.extui %lt3A_1417 : vector<16xi1> to vector<16xi32>
        %while3A_1419 = scf.while (%while3A_1421 = %convert_element_type3A_1418) : (vector<16xi32>) -> vector<16xi32> {
          %reduce_max3A_1422 = arith.constant true
          %reduce_max3A_1423 = vector.broadcast %reduce_max3A_1422 : i1 to vector<16xi1>
          %reduce_max3A_1424 = arith.constant -2147483648 : i32
          %reduce_max3A_1425 = vector.broadcast %reduce_max3A_1424 : i32 to vector<16xi32>
          %reduce_max3A_1426 = arith.xori %while3A_1421, %reduce_max3A_1425 : vector<16xi32>
          %reduce_max3A_1427 = tpu.scan <max>, %reduce_max3A_1426 masked %reduce_max3A_1423 : vector<16xi32>, vector<16xi1> -> vector<16xi32>
          %reduce_max3A_1428 = arith.xori %reduce_max3A_1427, %reduce_max3A_1425 : vector<16xi32>
          %reduce_max3A_1429 = vector.extract %reduce_max3A_1428[15] : i32 from vector<16xi32>
          %gt3A_1430 = arith.constant 0 : i32
          %gt3A_1431 = arith.cmpi sgt, %reduce_max3A_1429, %gt3A_1430 : i32
          scf.condition(%gt3A_1431) %while3A_1421 : vector<16xi32>
        } do {
        ^bb0(%while3A_1421: vector<16xi32>):
          %gt3A_1422 = arith.constant 0 : i32
          %gt3A_1423 = vector.broadcast %gt3A_1422 : i32 to vector<16xi32>
          %gt3A_1424 = arith.cmpi sgt, %while3A_1421, %gt3A_1423 : vector<16xi32>
          tpu.vector_store_idx %arg10[%get3A_1413], %add3A_1415 masked %gt3A_1424 : memref<4464xi32, #tpu.memory_space<vmem>>[vector<16xi32>], vector<16xi32>, vector<16xi1>
          %gather3A = tpu.vector_load_idx %arg10[%get3A_1413] masked %gt3A_1424 : memref<4464xi32, #tpu.memory_space<vmem>>[vector<16xi32>], vector<16xi32>, vector<16xi1>
          %lt3A_1425 = arith.cmpi slt, %gather3A, %add3A_1415 : vector<16xi32>
          %and3A_1426 = arith.andi %gt3A_1424, %lt3A_1425 : vector<16xi1>
          %convert_element_type3A_1427 = arith.extui %and3A_1426 : vector<16xi1> to vector<16xi32>
          scf.yield %convert_element_type3A_1427 : vector<16xi32>
        }
        %while3A_1420 = arith.constant 0 : i32
        scf.yield %while3A_1420 : i32
      }
      %while3A_117 = arith.constant 1 : i32
      %while3A_118 = scf.for %while3A_1409 = %while3A_114 to %while3A_110 step %while3A_117 iter_args(%while3A_1410 = %while3A_116) -> (i32)  : i32 {
        %mul3A_1411 = arith.constant 16 : i32
        %mul3A_1412 = arith.muli %while3A_1409, %mul3A_1411 : i32
        %get3A = arith.index_cast %mul3A_1412 : i32 to index
        %get3A_1413 = tpu.vector_load %arg8[%get3A] {strides = array<i32>} : memref<12016xi32, #tpu.memory_space<vmem>>, vector<16xi32>,
        %add3A_1414 = vector.broadcast %mul3A_1412 : i32 to vector<16xi32>
        %add3A_1415 = arith.addi %add3A_1414, %iota3A : vector<16xi32>
        %lt3A_1416 = vector.broadcast %reduce_max3A_72 : i32 to vector<16xi32>
        %lt3A_1417 = arith.cmpi slt, %add3A_1415, %lt3A_1416 : vector<16xi32>
        %convert_element_type3A_1418 = arith.extui %lt3A_1417 : vector<16xi1> to vector<16xi32>
        %while3A_1419 = scf.while (%while3A_1421 = %convert_element_type3A_1418) : (vector<16xi32>) -> vector<16xi32> {
          %reduce_max3A_1422 = arith.constant true
          %reduce_max3A_1423 = vector.broadcast %reduce_max3A_1422 : i1 to vector<16xi1>
          %reduce_max3A_1424 = arith.constant -2147483648 : i32
          %reduce_max3A_1425 = vector.broadcast %reduce_max3A_1424 : i32 to vector<16xi32>
          %reduce_max3A_1426 = arith.xori %while3A_1421, %reduce_max3A_1425 : vector<16xi32>
          %reduce_max3A_1427 = tpu.scan <max>, %reduce_max3A_1426 masked %reduce_max3A_1423 : vector<16xi32>, vector<16xi1> -> vector<16xi32>
          %reduce_max3A_1428 = arith.xori %reduce_max3A_1427, %reduce_max3A_1425 : vector<16xi32>
          %reduce_max3A_1429 = vector.extract %reduce_max3A_1428[15] : i32 from vector<16xi32>
          %gt3A_1430 = arith.constant 0 : i32
          %gt3A_1431 = arith.cmpi sgt, %reduce_max3A_1429, %gt3A_1430 : i32
          scf.condition(%gt3A_1431) %while3A_1421 : vector<16xi32>
        } do {
        ^bb0(%while3A_1421: vector<16xi32>):
          %gt3A_1422 = arith.constant 0 : i32
          %gt3A_1423 = vector.broadcast %gt3A_1422 : i32 to vector<16xi32>
          %gt3A_1424 = arith.cmpi sgt, %while3A_1421, %gt3A_1423 : vector<16xi32>
          tpu.vector_store_idx %arg10[%get3A_1413], %add3A_1415 masked %gt3A_1424 : memref<4464xi32, #tpu.memory_space<vmem>>[vector<16xi32>], vector<16xi32>, vector<16xi1>
          %gather3A = tpu.vector_load_idx %arg10[%get3A_1413] masked %gt3A_1424 : memref<4464xi32, #tpu.memory_space<vmem>>[vector<16xi32>], vector<16xi32>, vector<16xi1>
          %lt3A_1425 = arith.cmpi slt, %gather3A, %add3A_1415 : vector<16xi32>
          %and3A_1426 = arith.andi %gt3A_1424, %lt3A_1425 : vector<16xi1>
          %convert_element_type3A_1427 = arith.extui %and3A_1426 : vector<16xi1> to vector<16xi32>
          scf.yield %convert_element_type3A_1427 : vector<16xi32>
        }
        %while3A_1420 = arith.constant 0 : i32
        scf.yield %while3A_1420 : i32
      }
      %broadcast_in_dim3A_119 = arith.constant 0 : i32
      %broadcast_in_dim3A_120 = vector.broadcast %broadcast_in_dim3A_119 : i32 to vector<16xi32>
      %while3A_121 = arith.constant 0 : i32
      %while3A_122 = arith.subi %select_n3A_107, %while3A_121 : i32
      %while3A_123 = arith.addi %while3A_121, %while3A_122 : i32
      %while3A_124 = arith.constant 1 : i32
      %while3A_125 = arith.divsi %while3A_122, %while3A_124 : i32
      %while3A_126 = arith.muli %while3A_125, %while3A_124 : i32
      %while3A_127 = arith.addi %while3A_121, %while3A_126 : i32
      %while3A_128 = arith.constant 1 : i32
      %while3A_129 = scf.for %while3A_1409 = %while3A_121 to %while3A_127 step %while3A_128 iter_args(%while3A_1410 = %broadcast_in_dim3A_120) -> (vector<16xi32>)  : i32 {
        %mul3A_1411 = arith.constant 16 : i32
        %mul3A_1412 = arith.muli %while3A_1409, %mul3A_1411 : i32
        %get3A = arith.index_cast %mul3A_1412 : i32 to index
        %get3A_1413 = tpu.vector_load %arg8[%get3A] {strides = array<i32>} : memref<12016xi32, #tpu.memory_space<vmem>>, vector<16xi32>,
        %get3A_1414 = arith.index_cast %mul3A_1412 : i32 to index
        %get3A_1415 = tpu.vector_load %arg9[%get3A_1414] {strides = array<i32>} : memref<12016xi32, #tpu.memory_space<vmem>>, vector<16xi32>,
        %add3A_1416 = vector.broadcast %mul3A_1412 : i32 to vector<16xi32>
        %add3A_1417 = arith.addi %add3A_1416, %iota3A : vector<16xi32>
        %lt3A_1418 = vector.broadcast %reduce_max3A_72 : i32 to vector<16xi32>
        %lt3A_1419 = arith.cmpi slt, %add3A_1417, %lt3A_1418 : vector<16xi32>
        %gather3A = tpu.vector_load_idx %arg10[%get3A_1413] masked %lt3A_1419 : memref<4464xi32, #tpu.memory_space<vmem>>[vector<16xi32>], vector<16xi32>, vector<16xi1>
        %eq3A_1420 = arith.cmpi eq, %gather3A, %add3A_1417 : vector<16xi32>
        %and3A_1421 = arith.andi %lt3A_1419, %eq3A_1420 : vector<16xi1>
        %convert_element_type3A_1422 = arith.extui %and3A_1421 : vector<16xi1> to vector<16xi32>
        %broadcast_in_dim3A_1423 = arith.constant true
        %broadcast_in_dim3A_1424 = vector.broadcast %broadcast_in_dim3A_1423 : i1 to vector<16xi1>
        %masked_cumsum3A = tpu.scan <sum>, %convert_element_type3A_1422 masked %broadcast_in_dim3A_1424 : vector<16xi32>, vector<16xi1> -> vector<16xi32>
        %add3A_1425 = arith.addi %while3A_1410, %masked_cumsum3A : vector<16xi32>
        %sub3A_1426 = arith.constant 1 : i32
        %sub3A_1427 = vector.broadcast %sub3A_1426 : i32 to vector<16xi32>
        %sub3A_1428 = arith.subi %add3A_1425, %sub3A_1427 : vector<16xi32>
        tpu.vector_store_idx %arg8[%sub3A_1428], %get3A_1413 masked %and3A_1421 : memref<12016xi32, #tpu.memory_space<vmem>>[vector<16xi32>], vector<16xi32>, vector<16xi1>
        tpu.vector_store_idx %arg9[%sub3A_1428], %get3A_1415 masked %and3A_1421 : memref<12016xi32, #tpu.memory_space<vmem>>[vector<16xi32>], vector<16xi32>, vector<16xi1>
        %all_reduce_population_count3A = tpu.all_reduce %and3A_1421 {dim = 0 : i64, kind = #tpu.reduction_kind<sum>} : vector<16xi1> -> vector<16xi32>
        %add3A_1429 = arith.addi %while3A_1410, %all_reduce_population_count3A : vector<16xi32>
        scf.yield %add3A_1429 : vector<16xi32>
      }
      %while3A_130 = arith.constant 1 : i32
      %while3A_131 = scf.for %while3A_1409 = %while3A_127 to %while3A_123 step %while3A_130 iter_args(%while3A_1410 = %while3A_129) -> (vector<16xi32>)  : i32 {
        %mul3A_1411 = arith.constant 16 : i32
        %mul3A_1412 = arith.muli %while3A_1409, %mul3A_1411 : i32
        %get3A = arith.index_cast %mul3A_1412 : i32 to index
        %get3A_1413 = tpu.vector_load %arg8[%get3A] {strides = array<i32>} : memref<12016xi32, #tpu.memory_space<vmem>>, vector<16xi32>,
        %get3A_1414 = arith.index_cast %mul3A_1412 : i32 to index
        %get3A_1415 = tpu.vector_load %arg9[%get3A_1414] {strides = array<i32>} : memref<12016xi32, #tpu.memory_space<vmem>>, vector<16xi32>,
        %add3A_1416 = vector.broadcast %mul3A_1412 : i32 to vector<16xi32>
        %add3A_1417 = arith.addi %add3A_1416, %iota3A : vector<16xi32>
        %lt3A_1418 = vector.broadcast %reduce_max3A_72 : i32 to vector<16xi32>
        %lt3A_1419 = arith.cmpi slt, %add3A_1417, %lt3A_1418 : vector<16xi32>
        %gather3A = tpu.vector_load_idx %arg10[%get3A_1413] masked %lt3A_1419 : memref<4464xi32, #tpu.memory_space<vmem>>[vector<16xi32>], vector<16xi32>, vector<16xi1>
        %eq3A_1420 = arith.cmpi eq, %gather3A, %add3A_1417 : vector<16xi32>
        %and3A_1421 = arith.andi %lt3A_1419, %eq3A_1420 : vector<16xi1>
        %convert_element_type3A_1422 = arith.extui %and3A_1421 : vector<16xi1> to vector<16xi32>
        %broadcast_in_dim3A_1423 = arith.constant true
        %broadcast_in_dim3A_1424 = vector.broadcast %broadcast_in_dim3A_1423 : i1 to vector<16xi1>
        %masked_cumsum3A = tpu.scan <sum>, %convert_element_type3A_1422 masked %broadcast_in_dim3A_1424 : vector<16xi32>, vector<16xi1> -> vector<16xi32>
        %add3A_1425 = arith.addi %while3A_1410, %masked_cumsum3A : vector<16xi32>
        %sub3A_1426 = arith.constant 1 : i32
        %sub3A_1427 = vector.broadcast %sub3A_1426 : i32 to vector<16xi32>
        %sub3A_1428 = arith.subi %add3A_1425, %sub3A_1427 : vector<16xi32>
        tpu.vector_store_idx %arg8[%sub3A_1428], %get3A_1413 masked %and3A_1421 : memref<12016xi32, #tpu.memory_space<vmem>>[vector<16xi32>], vector<16xi32>, vector<16xi1>
        tpu.vector_store_idx %arg9[%sub3A_1428], %get3A_1415 masked %and3A_1421 : memref<12016xi32, #tpu.memory_space<vmem>>[vector<16xi32>], vector<16xi32>, vector<16xi1>
        %all_reduce_population_count3A = tpu.all_reduce %and3A_1421 {dim = 0 : i64, kind = #tpu.reduction_kind<sum>} : vector<16xi1> -> vector<16xi32>
        %add3A_1429 = arith.addi %while3A_1410, %all_reduce_population_count3A : vector<16xi32>
        scf.yield %add3A_1429 : vector<16xi32>
      }
      %reduce_max3A_132 = arith.constant true
      %reduce_max3A_133 = vector.broadcast %reduce_max3A_132 : i1 to vector<16xi1>
      %reduce_max3A_134 = arith.constant -2147483648 : i32
      %reduce_max3A_135 = vector.broadcast %reduce_max3A_134 : i32 to vector<16xi32>
      %reduce_max3A_136 = arith.xori %while3A_131, %reduce_max3A_135 : vector<16xi32>
      %reduce_max3A_137 = tpu.scan <max>, %reduce_max3A_136 masked %reduce_max3A_133 : vector<16xi32>, vector<16xi1> -> vector<16xi32>
      %reduce_max3A_138 = arith.xori %reduce_max3A_137, %reduce_max3A_135 : vector<16xi32>
      %reduce_max3A_139 = vector.extract %reduce_max3A_138[15] : i32 from vector<16xi32>
      %add3A_140 = arith.constant 128 : i32
      %add3A_141 = arith.addi %reduce_max3A_139, %add3A_140 : i32
      %sub3A_142 = arith.constant 1 : i32
      %sub3A_143 = arith.subi %add3A_141, %sub3A_142 : i32
      %jit3A_144 = arith.constant 128 : i32
      %div3A_145 = arith.divsi %sub3A_143, %jit3A_144 : i32
      %sign3A_146 = arith.constant 0 : i32
      %sign3A_147 = arith.cmpi sgt, %sub3A_143, %sign3A_146 : i32
      %sign3A_148 = arith.extui %sign3A_147 : i1 to i32
      %sign3A_149 = arith.constant 0 : i32
      %sign3A_150 = arith.cmpi slt, %sub3A_143, %sign3A_149 : i32
      %sign3A_151 = arith.extui %sign3A_150 : i1 to i32
      %sign3A_152 = arith.subi %sign3A_148, %sign3A_151 : i32
      %sign3A_153 = arith.constant 0 : i32
      %sign3A_154 = arith.cmpi sgt, %jit3A_144, %sign3A_153 : i32
      %sign3A_155 = arith.extui %sign3A_154 : i1 to i32
      %sign3A_156 = arith.constant 0 : i32
      %sign3A_157 = arith.cmpi slt, %jit3A_144, %sign3A_156 : i32
      %sign3A_158 = arith.extui %sign3A_157 : i1 to i32
      %sign3A_159 = arith.subi %sign3A_155, %sign3A_158 : i32
      %ne3A_160 = arith.cmpi ne, %sign3A_152, %sign3A_159 : i32
      %rem3A_161 = arith.remsi %sub3A_143, %jit3A_144 : i32
      %ne3A_162 = arith.constant 0 : i32
      %ne3A_163 = arith.cmpi ne, %rem3A_161, %ne3A_162 : i32
      %and3A_164 = arith.andi %ne3A_160, %ne3A_163 : i1
      %sub3A_165 = arith.constant 1 : i32
      %sub3A_166 = arith.subi %div3A_145, %sub3A_165 : i32
      %select_n3A_167 = arith.select %and3A_164, %sub3A_166, %div3A_145 : i32
      %gt3A = arith.constant 0 : i32
      %gt3A_168 = arith.cmpi sgt, %select_n3A_167, %gt3A : i32
      %convert_element_type3A = arith.extui %gt3A_168 : i1 to i32
      %cond3A = arith.constant 0 : i32
      %cond3A_169 = arith.cmpi ne, %convert_element_type3A, %cond3A : i32
      scf.if %cond3A_169 {
        %scan3A_1409 = arith.constant 0 : i32
        %scan3A_1410 = arith.constant 0 : i32
        %scan3A_1411 = arith.constant 8 : i32
        %scan3A_1412 = arith.addi %scan3A_1410, %scan3A_1411 : i32
        %scan3A_1413 = arith.constant 1 : i32
        %scan3A_1414 = scf.for %scan3A_1426 = %scan3A_1410 to %scan3A_1412 step %scan3A_1413 iter_args(%scan3A_1427 = %scan3A_1409) -> (i32)  : i32 {
          %mul3A_1428 = arith.constant 16 : i32
          %mul3A_1429 = arith.muli %scan3A_1426, %mul3A_1428 : i32
          %add3A_1430 = arith.constant 0 : i32
          %add3A_1431 = arith.addi %add3A_1430, %mul3A_1429 : i32
          %get3A = arith.index_cast %add3A_1431 : i32 to index
          %get3A_1432 = tpu.vector_load %arg9[%get3A] {strides = array<i32>} : memref<12016xi32, #tpu.memory_space<vmem>>, vector<16xi32>,
          %add3A_1433 = vector.broadcast %add3A_1431 : i32 to vector<16xi32>
          %add3A_1434 = arith.addi %add3A_1433, %iota3A : vector<16xi32>
          %lt3A_1435 = vector.broadcast %reduce_max3A_139 : i32 to vector<16xi32>
          %lt3A_1436 = arith.cmpi slt, %add3A_1434, %lt3A_1435 : vector<16xi32>
          %add3A_1437 = arith.constant 0 : i32
          %add3A_1438 = vector.broadcast %add3A_1437 : i32 to vector<16xi32>
          %add3A_1439 = arith.addi %get3A_1432, %add3A_1438 : vector<16xi32>
          %jit3A_1440 = arith.constant 0 : i32
          %broadcast_in_dim3A_1441 = vector.broadcast %jit3A_1440 : i32 to vector<16xi32>
          %select_n3A_1442 = arith.select %lt3A_1436, %add3A_1439, %broadcast_in_dim3A_1441 : vector<16xi1>, vector<16xi32>
          %mul3A_1443 = arith.constant 16 : i32
          %mul3A_1444 = arith.muli %scan3A_1426, %mul3A_1443 : i32
          %add3A_1445 = arith.constant 0 : i32
          %add3A_1446 = arith.addi %add3A_1445, %mul3A_1444 : i32
          %swap3A = arith.index_cast %add3A_1446 : i32 to index
          %swap3A_1447 = tpu.vector_load %arg12[%swap3A] {strides = array<i32>} : memref<1024xi32, #tpu.memory_space<vmem>>, vector<16xi32>,
          tpu.vector_store %arg12[%swap3A], %select_n3A_1442 {strides = array<i32>} : memref<1024xi32, #tpu.memory_space<vmem>>, vector<16xi32>,
          %scan3A_1448 = arith.constant 0 : i32
          scf.yield %scan3A_1448 : i32
        }
        %scan3A_1415 = arith.constant 8 : i32
        %dma_start3A_1416 = arith.constant 0 : i32
        %dma_start3A_1417 = arith.constant 0 : i32
        %dma_start3A_1418 = arith.constant 0 : i32
        %dma_start3A_1419 = tpu.memref_slice %arg13[%dma_start3A_1416, %dma_start3A_1417, %dma_start3A_1418] : memref<8x128x16xf32, #tpu.memory_space<vmem>> -> memref<1x128x16xf32, #tpu.memory_space<vmem>>
        %dma_start3A_1420 = tpu.memref_squeeze %dma_start3A_1419 : memref<1x128x16xf32, #tpu.memory_space<vmem>> -> memref<128x16xf32, #tpu.memory_space<vmem>>
        %dma_start3A_1421 = arith.constant 0 : i32
        %dma_start3A_1422 = tpu.memref_slice %arg12[%dma_start3A_1421] : memref<1024xi32, #tpu.memory_space<vmem>> -> memref<128xi32, #tpu.memory_space<vmem>>
        %dma_start3A_1423 = arith.constant 0 : i32
        %dma_start3A_1424 = arith.constant 0 : i32
        %dma_start3A_1425 = tpu.memref_slice %arg4[%dma_start3A_1423, %dma_start3A_1424] : memref<192000x16xf32, #tpu.memory_space<hbm>> -> memref<192000x16xf32, #tpu.memory_space<hbm>>
        tpu.enqueue_indirect_dma source(%dma_start3A_1425 : memref<192000x16xf32, #tpu.memory_space<hbm>>) target(%dma_start3A_1420 : memref<128x16xf32, #tpu.memory_space<vmem>>) offsets(%dma_start3A_1422 : memref<128xi32, #tpu.memory_space<vmem>>) semaphore(%arg15 : memref<!tpu.dma_semaphore, #tpu.memory_space<semaphore_mem>>)
      } else {
      }
      %gt3A_170 = arith.constant 1 : i32
      %gt3A_171 = arith.cmpi sgt, %select_n3A_167, %gt3A_170 : i32
      %convert_element_type3A_172 = arith.extui %gt3A_171 : i1 to i32
      %cond3A_173 = arith.constant 0 : i32
      %cond3A_174 = arith.cmpi ne, %convert_element_type3A_172, %cond3A_173 : i32
      scf.if %cond3A_174 {
        %scan3A_1409 = arith.constant 0 : i32
        %scan3A_1410 = arith.constant 0 : i32
        %scan3A_1411 = arith.constant 8 : i32
        %scan3A_1412 = arith.addi %scan3A_1410, %scan3A_1411 : i32
        %scan3A_1413 = arith.constant 1 : i32
        %scan3A_1414 = scf.for %scan3A_1426 = %scan3A_1410 to %scan3A_1412 step %scan3A_1413 iter_args(%scan3A_1427 = %scan3A_1409) -> (i32)  : i32 {
          %mul3A_1428 = arith.constant 16 : i32
          %mul3A_1429 = arith.muli %scan3A_1426, %mul3A_1428 : i32
          %add3A_1430 = arith.constant 128 : i32
          %add3A_1431 = arith.addi %add3A_1430, %mul3A_1429 : i32
          %get3A = arith.index_cast %add3A_1431 : i32 to index
          %get3A_1432 = tpu.vector_load %arg9[%get3A] {strides = array<i32>} : memref<12016xi32, #tpu.memory_space<vmem>>, vector<16xi32>,
          %add3A_1433 = vector.broadcast %add3A_1431 : i32 to vector<16xi32>
          %add3A_1434 = arith.addi %add3A_1433, %iota3A : vector<16xi32>
          %lt3A_1435 = vector.broadcast %reduce_max3A_139 : i32 to vector<16xi32>
          %lt3A_1436 = arith.cmpi slt, %add3A_1434, %lt3A_1435 : vector<16xi32>
          %add3A_1437 = arith.constant 0 : i32
          %add3A_1438 = vector.broadcast %add3A_1437 : i32 to vector<16xi32>
          %add3A_1439 = arith.addi %get3A_1432, %add3A_1438 : vector<16xi32>
          %jit3A_1440 = arith.constant 0 : i32
          %broadcast_in_dim3A_1441 = vector.broadcast %jit3A_1440 : i32 to vector<16xi32>
          %select_n3A_1442 = arith.select %lt3A_1436, %add3A_1439, %broadcast_in_dim3A_1441 : vector<16xi1>, vector<16xi32>
          %mul3A_1443 = arith.constant 16 : i32
          %mul3A_1444 = arith.muli %scan3A_1426, %mul3A_1443 : i32
          %add3A_1445 = arith.constant 128 : i32
          %add3A_1446 = arith.addi %add3A_1445, %mul3A_1444 : i32
          %swap3A = arith.index_cast %add3A_1446 : i32 to index
          %swap3A_1447 = tpu.vector_load %arg12[%swap3A] {strides = array<i32>} : memref<1024xi32, #tpu.memory_space<vmem>>, vector<16xi32>,
          tpu.vector_store %arg12[%swap3A], %select_n3A_1442 {strides = array<i32>} : memref<1024xi32, #tpu.memory_space<vmem>>, vector<16xi32>,
          %scan3A_1448 = arith.constant 0 : i32
          scf.yield %scan3A_1448 : i32
        }
        %scan3A_1415 = arith.constant 8 : i32
        %dma_start3A_1416 = arith.constant 1 : i32
        %dma_start3A_1417 = arith.constant 0 : i32
        %dma_start3A_1418 = arith.constant 0 : i32
        %dma_start3A_1419 = tpu.memref_slice %arg13[%dma_start3A_1416, %dma_start3A_1417, %dma_start3A_1418] : memref<8x128x16xf32, #tpu.memory_space<vmem>> -> memref<1x128x16xf32, #tpu.memory_space<vmem>>
        %dma_start3A_1420 = tpu.memref_squeeze %dma_start3A_1419 : memref<1x128x16xf32, #tpu.memory_space<vmem>> -> memref<128x16xf32, #tpu.memory_space<vmem>>
        %dma_start3A_1421 = arith.constant 128 : i32
        %dma_start3A_1422 = tpu.memref_slice %arg12[%dma_start3A_1421] : memref<1024xi32, #tpu.memory_space<vmem>> -> memref<128xi32, #tpu.memory_space<vmem>>
        %dma_start3A_1423 = arith.constant 0 : i32
        %dma_start3A_1424 = arith.constant 0 : i32
        %dma_start3A_1425 = tpu.memref_slice %arg4[%dma_start3A_1423, %dma_start3A_1424] : memref<192000x16xf32, #tpu.memory_space<hbm>> -> memref<192000x16xf32, #tpu.memory_space<hbm>>
        tpu.enqueue_indirect_dma source(%dma_start3A_1425 : memref<192000x16xf32, #tpu.memory_space<hbm>>) target(%dma_start3A_1420 : memref<128x16xf32, #tpu.memory_space<vmem>>) offsets(%dma_start3A_1422 : memref<128xi32, #tpu.memory_space<vmem>>) semaphore(%arg16 : memref<!tpu.dma_semaphore, #tpu.memory_space<semaphore_mem>>)
      } else {
      }
      %gt3A_175 = arith.constant 0 : i32
      %gt3A_176 = arith.cmpi sgt, %select_n3A_167, %gt3A_175 : i32
      %convert_element_type3A_177 = arith.extui %gt3A_176 : i1 to i32
      %cond3A_178 = arith.constant 0 : i32
      %cond3A_179 = arith.cmpi ne, %convert_element_type3A_177, %cond3A_178 : i32
      scf.if %cond3A_179 {
        %scan3A_1409 = arith.constant 0 : i32
        %scan3A_1410 = arith.constant 0 : i32
        %scan3A_1411 = arith.constant 8 : i32
        %scan3A_1412 = arith.addi %scan3A_1410, %scan3A_1411 : i32
        %scan3A_1413 = arith.constant 1 : i32
        %scan3A_1414 = scf.for %scan3A_1426 = %scan3A_1410 to %scan3A_1412 step %scan3A_1413 iter_args(%scan3A_1427 = %scan3A_1409) -> (i32)  : i32 {
          %mul3A_1428 = arith.constant 16 : i32
          %mul3A_1429 = arith.muli %scan3A_1426, %mul3A_1428 : i32
          %add3A_1430 = arith.constant 0 : i32
          %add3A_1431 = arith.addi %add3A_1430, %mul3A_1429 : i32
          %get3A = arith.index_cast %add3A_1431 : i32 to index
          %get3A_1432 = tpu.vector_load %arg9[%get3A] {strides = array<i32>} : memref<12016xi32, #tpu.memory_space<vmem>>, vector<16xi32>,
          %add3A_1433 = vector.broadcast %add3A_1431 : i32 to vector<16xi32>
          %add3A_1434 = arith.addi %add3A_1433, %iota3A : vector<16xi32>
          %lt3A_1435 = vector.broadcast %reduce_max3A_139 : i32 to vector<16xi32>
          %lt3A_1436 = arith.cmpi slt, %add3A_1434, %lt3A_1435 : vector<16xi32>
          %add3A_1437 = arith.constant 1 : i32
          %add3A_1438 = vector.broadcast %add3A_1437 : i32 to vector<16xi32>
          %add3A_1439 = arith.addi %get3A_1432, %add3A_1438 : vector<16xi32>
          %jit3A_1440 = arith.constant 0 : i32
          %broadcast_in_dim3A_1441 = vector.broadcast %jit3A_1440 : i32 to vector<16xi32>
          %select_n3A_1442 = arith.select %lt3A_1436, %add3A_1439, %broadcast_in_dim3A_1441 : vector<16xi1>, vector<16xi32>
          %mul3A_1443 = arith.constant 16 : i32
          %mul3A_1444 = arith.muli %scan3A_1426, %mul3A_1443 : i32
          %add3A_1445 = arith.constant 256 : i32
          %add3A_1446 = arith.addi %add3A_1445, %mul3A_1444 : i32
          %swap3A = arith.index_cast %add3A_1446 : i32 to index
          %swap3A_1447 = tpu.vector_load %arg12[%swap3A] {strides = array<i32>} : memref<1024xi32, #tpu.memory_space<vmem>>, vector<16xi32>,
          tpu.vector_store %arg12[%swap3A], %select_n3A_1442 {strides = array<i32>} : memref<1024xi32, #tpu.memory_space<vmem>>, vector<16xi32>,
          %scan3A_1448 = arith.constant 0 : i32
          scf.yield %scan3A_1448 : i32
        }
        %scan3A_1415 = arith.constant 8 : i32
        %dma_start3A_1416 = arith.constant 2 : i32
        %dma_start3A_1417 = arith.constant 0 : i32
        %dma_start3A_1418 = arith.constant 0 : i32
        %dma_start3A_1419 = tpu.memref_slice %arg13[%dma_start3A_1416, %dma_start3A_1417, %dma_start3A_1418] : memref<8x128x16xf32, #tpu.memory_space<vmem>> -> memref<1x128x16xf32, #tpu.memory_space<vmem>>
        %dma_start3A_1420 = tpu.memref_squeeze %dma_start3A_1419 : memref<1x128x16xf32, #tpu.memory_space<vmem>> -> memref<128x16xf32, #tpu.memory_space<vmem>>
        %dma_start3A_1421 = arith.constant 256 : i32
        %dma_start3A_1422 = tpu.memref_slice %arg12[%dma_start3A_1421] : memref<1024xi32, #tpu.memory_space<vmem>> -> memref<128xi32, #tpu.memory_space<vmem>>
        %dma_start3A_1423 = arith.constant 0 : i32
        %dma_start3A_1424 = arith.constant 0 : i32
        %dma_start3A_1425 = tpu.memref_slice %arg4[%dma_start3A_1423, %dma_start3A_1424] : memref<192000x16xf32, #tpu.memory_space<hbm>> -> memref<192000x16xf32, #tpu.memory_space<hbm>>
        tpu.enqueue_indirect_dma source(%dma_start3A_1425 : memref<192000x16xf32, #tpu.memory_space<hbm>>) target(%dma_start3A_1420 : memref<128x16xf32, #tpu.memory_space<vmem>>) offsets(%dma_start3A_1422 : memref<128xi32, #tpu.memory_space<vmem>>) semaphore(%arg17 : memref<!tpu.dma_semaphore, #tpu.memory_space<semaphore_mem>>)
      } else {
      }
      %gt3A_180 = arith.constant 1 : i32
      %gt3A_181 = arith.cmpi sgt, %select_n3A_167, %gt3A_180 : i32
      %convert_element_type3A_182 = arith.extui %gt3A_181 : i1 to i32
      %cond3A_183 = arith.constant 0 : i32
      %cond3A_184 = arith.cmpi ne, %convert_element_type3A_182, %cond3A_183 : i32
      scf.if %cond3A_184 {
        %scan3A_1409 = arith.constant 0 : i32
        %scan3A_1410 = arith.constant 0 : i32
        %scan3A_1411 = arith.constant 8 : i32
        %scan3A_1412 = arith.addi %scan3A_1410, %scan3A_1411 : i32
        %scan3A_1413 = arith.constant 1 : i32
        %scan3A_1414 = scf.for %scan3A_1426 = %scan3A_1410 to %scan3A_1412 step %scan3A_1413 iter_args(%scan3A_1427 = %scan3A_1409) -> (i32)  : i32 {
          %mul3A_1428 = arith.constant 16 : i32
          %mul3A_1429 = arith.muli %scan3A_1426, %mul3A_1428 : i32
          %add3A_1430 = arith.constant 128 : i32
          %add3A_1431 = arith.addi %add3A_1430, %mul3A_1429 : i32
          %get3A = arith.index_cast %add3A_1431 : i32 to index
          %get3A_1432 = tpu.vector_load %arg9[%get3A] {strides = array<i32>} : memref<12016xi32, #tpu.memory_space<vmem>>, vector<16xi32>,
          %add3A_1433 = vector.broadcast %add3A_1431 : i32 to vector<16xi32>
          %add3A_1434 = arith.addi %add3A_1433, %iota3A : vector<16xi32>
          %lt3A_1435 = vector.broadcast %reduce_max3A_139 : i32 to vector<16xi32>
          %lt3A_1436 = arith.cmpi slt, %add3A_1434, %lt3A_1435 : vector<16xi32>
          %add3A_1437 = arith.constant 1 : i32
          %add3A_1438 = vector.broadcast %add3A_1437 : i32 to vector<16xi32>
          %add3A_1439 = arith.addi %get3A_1432, %add3A_1438 : vector<16xi32>
          %jit3A_1440 = arith.constant 0 : i32
          %broadcast_in_dim3A_1441 = vector.broadcast %jit3A_1440 : i32 to vector<16xi32>
          %select_n3A_1442 = arith.select %lt3A_1436, %add3A_1439, %broadcast_in_dim3A_1441 : vector<16xi1>, vector<16xi32>
          %mul3A_1443 = arith.constant 16 : i32
          %mul3A_1444 = arith.muli %scan3A_1426, %mul3A_1443 : i32
          %add3A_1445 = arith.constant 384 : i32
          %add3A_1446 = arith.addi %add3A_1445, %mul3A_1444 : i32
          %swap3A = arith.index_cast %add3A_1446 : i32 to index
          %swap3A_1447 = tpu.vector_load %arg12[%swap3A] {strides = array<i32>} : memref<1024xi32, #tpu.memory_space<vmem>>, vector<16xi32>,
          tpu.vector_store %arg12[%swap3A], %select_n3A_1442 {strides = array<i32>} : memref<1024xi32, #tpu.memory_space<vmem>>, vector<16xi32>,
          %scan3A_1448 = arith.constant 0 : i32
          scf.yield %scan3A_1448 : i32
        }
        %scan3A_1415 = arith.constant 8 : i32
        %dma_start3A_1416 = arith.constant 3 : i32
        %dma_start3A_1417 = arith.constant 0 : i32
        %dma_start3A_1418 = arith.constant 0 : i32
        %dma_start3A_1419 = tpu.memref_slice %arg13[%dma_start3A_1416, %dma_start3A_1417, %dma_start3A_1418] : memref<8x128x16xf32, #tpu.memory_space<vmem>> -> memref<1x128x16xf32, #tpu.memory_space<vmem>>
        %dma_start3A_1420 = tpu.memref_squeeze %dma_start3A_1419 : memref<1x128x16xf32, #tpu.memory_space<vmem>> -> memref<128x16xf32, #tpu.memory_space<vmem>>
        %dma_start3A_1421 = arith.constant 384 : i32
        %dma_start3A_1422 = tpu.memref_slice %arg12[%dma_start3A_1421] : memref<1024xi32, #tpu.memory_space<vmem>> -> memref<128xi32, #tpu.memory_space<vmem>>
        %dma_start3A_1423 = arith.constant 0 : i32
        %dma_start3A_1424 = arith.constant 0 : i32
        %dma_start3A_1425 = tpu.memref_slice %arg4[%dma_start3A_1423, %dma_start3A_1424] : memref<192000x16xf32, #tpu.memory_space<hbm>> -> memref<192000x16xf32, #tpu.memory_space<hbm>>
        tpu.enqueue_indirect_dma source(%dma_start3A_1425 : memref<192000x16xf32, #tpu.memory_space<hbm>>) target(%dma_start3A_1420 : memref<128x16xf32, #tpu.memory_space<vmem>>) offsets(%dma_start3A_1422 : memref<128xi32, #tpu.memory_space<vmem>>) semaphore(%arg18 : memref<!tpu.dma_semaphore, #tpu.memory_space<semaphore_mem>>)
      } else {
      }
      %gt3A_185 = arith.constant 0 : i32
      %gt3A_186 = arith.cmpi sgt, %select_n3A_167, %gt3A_185 : i32
      %convert_element_type3A_187 = arith.extui %gt3A_186 : i1 to i32
      %cond3A_188 = arith.constant 0 : i32
      %cond3A_189 = arith.cmpi ne, %convert_element_type3A_187, %cond3A_188 : i32
      scf.if %cond3A_189 {
        %scan3A_1409 = arith.constant 0 : i32
        %scan3A_1410 = arith.constant 0 : i32
        %scan3A_1411 = arith.constant 8 : i32
        %scan3A_1412 = arith.addi %scan3A_1410, %scan3A_1411 : i32
        %scan3A_1413 = arith.constant 1 : i32
        %scan3A_1414 = scf.for %scan3A_1426 = %scan3A_1410 to %scan3A_1412 step %scan3A_1413 iter_args(%scan3A_1427 = %scan3A_1409) -> (i32)  : i32 {
          %mul3A_1428 = arith.constant 16 : i32
          %mul3A_1429 = arith.muli %scan3A_1426, %mul3A_1428 : i32
          %add3A_1430 = arith.constant 0 : i32
          %add3A_1431 = arith.addi %add3A_1430, %mul3A_1429 : i32
          %get3A = arith.index_cast %add3A_1431 : i32 to index
          %get3A_1432 = tpu.vector_load %arg9[%get3A] {strides = array<i32>} : memref<12016xi32, #tpu.memory_space<vmem>>, vector<16xi32>,
          %add3A_1433 = vector.broadcast %add3A_1431 : i32 to vector<16xi32>
          %add3A_1434 = arith.addi %add3A_1433, %iota3A : vector<16xi32>
          %lt3A_1435 = vector.broadcast %reduce_max3A_139 : i32 to vector<16xi32>
          %lt3A_1436 = arith.cmpi slt, %add3A_1434, %lt3A_1435 : vector<16xi32>
          %add3A_1437 = arith.constant 2 : i32
          %add3A_1438 = vector.broadcast %add3A_1437 : i32 to vector<16xi32>
          %add3A_1439 = arith.addi %get3A_1432, %add3A_1438 : vector<16xi32>
          %jit3A_1440 = arith.constant 0 : i32
          %broadcast_in_dim3A_1441 = vector.broadcast %jit3A_1440 : i32 to vector<16xi32>
          %select_n3A_1442 = arith.select %lt3A_1436, %add3A_1439, %broadcast_in_dim3A_1441 : vector<16xi1>, vector<16xi32>
          %mul3A_1443 = arith.constant 16 : i32
          %mul3A_1444 = arith.muli %scan3A_1426, %mul3A_1443 : i32
          %add3A_1445 = arith.constant 512 : i32
          %add3A_1446 = arith.addi %add3A_1445, %mul3A_1444 : i32
          %swap3A = arith.index_cast %add3A_1446 : i32 to index
          %swap3A_1447 = tpu.vector_load %arg12[%swap3A] {strides = array<i32>} : memref<1024xi32, #tpu.memory_space<vmem>>, vector<16xi32>,
          tpu.vector_store %arg12[%swap3A], %select_n3A_1442 {strides = array<i32>} : memref<1024xi32, #tpu.memory_space<vmem>>, vector<16xi32>,
          %scan3A_1448 = arith.constant 0 : i32
          scf.yield %scan3A_1448 : i32
        }
        %scan3A_1415 = arith.constant 8 : i32
        %dma_start3A_1416 = arith.constant 4 : i32
        %dma_start3A_1417 = arith.constant 0 : i32
        %dma_start3A_1418 = arith.constant 0 : i32
        %dma_start3A_1419 = tpu.memref_slice %arg13[%dma_start3A_1416, %dma_start3A_1417, %dma_start3A_1418] : memref<8x128x16xf32, #tpu.memory_space<vmem>> -> memref<1x128x16xf32, #tpu.memory_space<vmem>>
        %dma_start3A_1420 = tpu.memref_squeeze %dma_start3A_1419 : memref<1x128x16xf32, #tpu.memory_space<vmem>> -> memref<128x16xf32, #tpu.memory_space<vmem>>
        %dma_start3A_1421 = arith.constant 512 : i32
        %dma_start3A_1422 = tpu.memref_slice %arg12[%dma_start3A_1421] : memref<1024xi32, #tpu.memory_space<vmem>> -> memref<128xi32, #tpu.memory_space<vmem>>
        %dma_start3A_1423 = arith.constant 0 : i32
        %dma_start3A_1424 = arith.constant 0 : i32
        %dma_start3A_1425 = tpu.memref_slice %arg4[%dma_start3A_1423, %dma_start3A_1424] : memref<192000x16xf32, #tpu.memory_space<hbm>> -> memref<192000x16xf32, #tpu.memory_space<hbm>>
        tpu.enqueue_indirect_dma source(%dma_start3A_1425 : memref<192000x16xf32, #tpu.memory_space<hbm>>) target(%dma_start3A_1420 : memref<128x16xf32, #tpu.memory_space<vmem>>) offsets(%dma_start3A_1422 : memref<128xi32, #tpu.memory_space<vmem>>) semaphore(%arg19 : memref<!tpu.dma_semaphore, #tpu.memory_space<semaphore_mem>>)
      } else {
      }
      %gt3A_190 = arith.constant 1 : i32
      %gt3A_191 = arith.cmpi sgt, %select_n3A_167, %gt3A_190 : i32
      %convert_element_type3A_192 = arith.extui %gt3A_191 : i1 to i32
      %cond3A_193 = arith.constant 0 : i32
      %cond3A_194 = arith.cmpi ne, %convert_element_type3A_192, %cond3A_193 : i32
      scf.if %cond3A_194 {
        %scan3A_1409 = arith.constant 0 : i32
        %scan3A_1410 = arith.constant 0 : i32
        %scan3A_1411 = arith.constant 8 : i32
        %scan3A_1412 = arith.addi %scan3A_1410, %scan3A_1411 : i32
        %scan3A_1413 = arith.constant 1 : i32
        %scan3A_1414 = scf.for %scan3A_1426 = %scan3A_1410 to %scan3A_1412 step %scan3A_1413 iter_args(%scan3A_1427 = %scan3A_1409) -> (i32)  : i32 {
          %mul3A_1428 = arith.constant 16 : i32
          %mul3A_1429 = arith.muli %scan3A_1426, %mul3A_1428 : i32
          %add3A_1430 = arith.constant 128 : i32
          %add3A_1431 = arith.addi %add3A_1430, %mul3A_1429 : i32
          %get3A = arith.index_cast %add3A_1431 : i32 to index
          %get3A_1432 = tpu.vector_load %arg9[%get3A] {strides = array<i32>} : memref<12016xi32, #tpu.memory_space<vmem>>, vector<16xi32>,
          %add3A_1433 = vector.broadcast %add3A_1431 : i32 to vector<16xi32>
          %add3A_1434 = arith.addi %add3A_1433, %iota3A : vector<16xi32>
          %lt3A_1435 = vector.broadcast %reduce_max3A_139 : i32 to vector<16xi32>
          %lt3A_1436 = arith.cmpi slt, %add3A_1434, %lt3A_1435 : vector<16xi32>
          %add3A_1437 = arith.constant 2 : i32
          %add3A_1438 = vector.broadcast %add3A_1437 : i32 to vector<16xi32>
          %add3A_1439 = arith.addi %get3A_1432, %add3A_1438 : vector<16xi32>
          %jit3A_1440 = arith.constant 0 : i32
          %broadcast_in_dim3A_1441 = vector.broadcast %jit3A_1440 : i32 to vector<16xi32>
          %select_n3A_1442 = arith.select %lt3A_1436, %add3A_1439, %broadcast_in_dim3A_1441 : vector<16xi1>, vector<16xi32>
          %mul3A_1443 = arith.constant 16 : i32
          %mul3A_1444 = arith.muli %scan3A_1426, %mul3A_1443 : i32
          %add3A_1445 = arith.constant 640 : i32
          %add3A_1446 = arith.addi %add3A_1445, %mul3A_1444 : i32
          %swap3A = arith.index_cast %add3A_1446 : i32 to index
          %swap3A_1447 = tpu.vector_load %arg12[%swap3A] {strides = array<i32>} : memref<1024xi32, #tpu.memory_space<vmem>>, vector<16xi32>,
          tpu.vector_store %arg12[%swap3A], %select_n3A_1442 {strides = array<i32>} : memref<1024xi32, #tpu.memory_space<vmem>>, vector<16xi32>,
          %scan3A_1448 = arith.constant 0 : i32
          scf.yield %scan3A_1448 : i32
        }
        %scan3A_1415 = arith.constant 8 : i32
        %dma_start3A_1416 = arith.constant 5 : i32
        %dma_start3A_1417 = arith.constant 0 : i32
        %dma_start3A_1418 = arith.constant 0 : i32
        %dma_start3A_1419 = tpu.memref_slice %arg13[%dma_start3A_1416, %dma_start3A_1417, %dma_start3A_1418] : memref<8x128x16xf32, #tpu.memory_space<vmem>> -> memref<1x128x16xf32, #tpu.memory_space<vmem>>
        %dma_start3A_1420 = tpu.memref_squeeze %dma_start3A_1419 : memref<1x128x16xf32, #tpu.memory_space<vmem>> -> memref<128x16xf32, #tpu.memory_space<vmem>>
        %dma_start3A_1421 = arith.constant 640 : i32
        %dma_start3A_1422 = tpu.memref_slice %arg12[%dma_start3A_1421] : memref<1024xi32, #tpu.memory_space<vmem>> -> memref<128xi32, #tpu.memory_space<vmem>>
        %dma_start3A_1423 = arith.constant 0 : i32
        %dma_start3A_1424 = arith.constant 0 : i32
        %dma_start3A_1425 = tpu.memref_slice %arg4[%dma_start3A_1423, %dma_start3A_1424] : memref<192000x16xf32, #tpu.memory_space<hbm>> -> memref<192000x16xf32, #tpu.memory_space<hbm>>
        tpu.enqueue_indirect_dma source(%dma_start3A_1425 : memref<192000x16xf32, #tpu.memory_space<hbm>>) target(%dma_start3A_1420 : memref<128x16xf32, #tpu.memory_space<vmem>>) offsets(%dma_start3A_1422 : memref<128xi32, #tpu.memory_space<vmem>>) semaphore(%arg20 : memref<!tpu.dma_semaphore, #tpu.memory_space<semaphore_mem>>)
      } else {
      }
      %gt3A_195 = arith.constant 0 : i32
      %gt3A_196 = arith.cmpi sgt, %select_n3A_167, %gt3A_195 : i32
      %convert_element_type3A_197 = arith.extui %gt3A_196 : i1 to i32
      %cond3A_198 = arith.constant 0 : i32
      %cond3A_199 = arith.cmpi ne, %convert_element_type3A_197, %cond3A_198 : i32
      scf.if %cond3A_199 {
        %scan3A_1409 = arith.constant 0 : i32
        %scan3A_1410 = arith.constant 0 : i32
        %scan3A_1411 = arith.constant 8 : i32
        %scan3A_1412 = arith.addi %scan3A_1410, %scan3A_1411 : i32
        %scan3A_1413 = arith.constant 1 : i32
        %scan3A_1414 = scf.for %scan3A_1426 = %scan3A_1410 to %scan3A_1412 step %scan3A_1413 iter_args(%scan3A_1427 = %scan3A_1409) -> (i32)  : i32 {
          %mul3A_1428 = arith.constant 16 : i32
          %mul3A_1429 = arith.muli %scan3A_1426, %mul3A_1428 : i32
          %add3A_1430 = arith.constant 0 : i32
          %add3A_1431 = arith.addi %add3A_1430, %mul3A_1429 : i32
          %get3A = arith.index_cast %add3A_1431 : i32 to index
          %get3A_1432 = tpu.vector_load %arg9[%get3A] {strides = array<i32>} : memref<12016xi32, #tpu.memory_space<vmem>>, vector<16xi32>,
          %add3A_1433 = vector.broadcast %add3A_1431 : i32 to vector<16xi32>
          %add3A_1434 = arith.addi %add3A_1433, %iota3A : vector<16xi32>
          %lt3A_1435 = vector.broadcast %reduce_max3A_139 : i32 to vector<16xi32>
          %lt3A_1436 = arith.cmpi slt, %add3A_1434, %lt3A_1435 : vector<16xi32>
          %add3A_1437 = arith.constant 3 : i32
          %add3A_1438 = vector.broadcast %add3A_1437 : i32 to vector<16xi32>
          %add3A_1439 = arith.addi %get3A_1432, %add3A_1438 : vector<16xi32>
          %jit3A_1440 = arith.constant 0 : i32
          %broadcast_in_dim3A_1441 = vector.broadcast %jit3A_1440 : i32 to vector<16xi32>
          %select_n3A_1442 = arith.select %lt3A_1436, %add3A_1439, %broadcast_in_dim3A_1441 : vector<16xi1>, vector<16xi32>
          %mul3A_1443 = arith.constant 16 : i32
          %mul3A_1444 = arith.muli %scan3A_1426, %mul3A_1443 : i32
          %add3A_1445 = arith.constant 768 : i32
          %add3A_1446 = arith.addi %add3A_1445, %mul3A_1444 : i32
          %swap3A = arith.index_cast %add3A_1446 : i32 to index
          %swap3A_1447 = tpu.vector_load %arg12[%swap3A] {strides = array<i32>} : memref<1024xi32, #tpu.memory_space<vmem>>, vector<16xi32>,
          tpu.vector_store %arg12[%swap3A], %select_n3A_1442 {strides = array<i32>} : memref<1024xi32, #tpu.memory_space<vmem>>, vector<16xi32>,
          %scan3A_1448 = arith.constant 0 : i32
          scf.yield %scan3A_1448 : i32
        }
        %scan3A_1415 = arith.constant 8 : i32
        %dma_start3A_1416 = arith.constant 6 : i32
        %dma_start3A_1417 = arith.constant 0 : i32
        %dma_start3A_1418 = arith.constant 0 : i32
        %dma_start3A_1419 = tpu.memref_slice %arg13[%dma_start3A_1416, %dma_start3A_1417, %dma_start3A_1418] : memref<8x128x16xf32, #tpu.memory_space<vmem>> -> memref<1x128x16xf32, #tpu.memory_space<vmem>>
        %dma_start3A_1420 = tpu.memref_squeeze %dma_start3A_1419 : memref<1x128x16xf32, #tpu.memory_space<vmem>> -> memref<128x16xf32, #tpu.memory_space<vmem>>
        %dma_start3A_1421 = arith.constant 768 : i32
        %dma_start3A_1422 = tpu.memref_slice %arg12[%dma_start3A_1421] : memref<1024xi32, #tpu.memory_space<vmem>> -> memref<128xi32, #tpu.memory_space<vmem>>
        %dma_start3A_1423 = arith.constant 0 : i32
        %dma_start3A_1424 = arith.constant 0 : i32
        %dma_start3A_1425 = tpu.memref_slice %arg4[%dma_start3A_1423, %dma_start3A_1424] : memref<192000x16xf32, #tpu.memory_space<hbm>> -> memref<192000x16xf32, #tpu.memory_space<hbm>>
        tpu.enqueue_indirect_dma source(%dma_start3A_1425 : memref<192000x16xf32, #tpu.memory_space<hbm>>) target(%dma_start3A_1420 : memref<128x16xf32, #tpu.memory_space<vmem>>) offsets(%dma_start3A_1422 : memref<128xi32, #tpu.memory_space<vmem>>) semaphore(%arg21 : memref<!tpu.dma_semaphore, #tpu.memory_space<semaphore_mem>>)
      } else {
      }
      %gt3A_200 = arith.constant 1 : i32
      %gt3A_201 = arith.cmpi sgt, %select_n3A_167, %gt3A_200 : i32
      %convert_element_type3A_202 = arith.extui %gt3A_201 : i1 to i32
      %cond3A_203 = arith.constant 0 : i32
      %cond3A_204 = arith.cmpi ne, %convert_element_type3A_202, %cond3A_203 : i32
      scf.if %cond3A_204 {
        %scan3A_1409 = arith.constant 0 : i32
        %scan3A_1410 = arith.constant 0 : i32
        %scan3A_1411 = arith.constant 8 : i32
        %scan3A_1412 = arith.addi %scan3A_1410, %scan3A_1411 : i32
        %scan3A_1413 = arith.constant 1 : i32
        %scan3A_1414 = scf.for %scan3A_1426 = %scan3A_1410 to %scan3A_1412 step %scan3A_1413 iter_args(%scan3A_1427 = %scan3A_1409) -> (i32)  : i32 {
          %mul3A_1428 = arith.constant 16 : i32
          %mul3A_1429 = arith.muli %scan3A_1426, %mul3A_1428 : i32
          %add3A_1430 = arith.constant 128 : i32
          %add3A_1431 = arith.addi %add3A_1430, %mul3A_1429 : i32
          %get3A = arith.index_cast %add3A_1431 : i32 to index
          %get3A_1432 = tpu.vector_load %arg9[%get3A] {strides = array<i32>} : memref<12016xi32, #tpu.memory_space<vmem>>, vector<16xi32>,
          %add3A_1433 = vector.broadcast %add3A_1431 : i32 to vector<16xi32>
          %add3A_1434 = arith.addi %add3A_1433, %iota3A : vector<16xi32>
          %lt3A_1435 = vector.broadcast %reduce_max3A_139 : i32 to vector<16xi32>
          %lt3A_1436 = arith.cmpi slt, %add3A_1434, %lt3A_1435 : vector<16xi32>
          %add3A_1437 = arith.constant 3 : i32
          %add3A_1438 = vector.broadcast %add3A_1437 : i32 to vector<16xi32>
          %add3A_1439 = arith.addi %get3A_1432, %add3A_1438 : vector<16xi32>
          %jit3A_1440 = arith.constant 0 : i32
          %broadcast_in_dim3A_1441 = vector.broadcast %jit3A_1440 : i32 to vector<16xi32>
          %select_n3A_1442 = arith.select %lt3A_1436, %add3A_1439, %broadcast_in_dim3A_1441 : vector<16xi1>, vector<16xi32>
          %mul3A_1443 = arith.constant 16 : i32
          %mul3A_1444 = arith.muli %scan3A_1426, %mul3A_1443 : i32
          %add3A_1445 = arith.constant 896 : i32
          %add3A_1446 = arith.addi %add3A_1445, %mul3A_1444 : i32
          %swap3A = arith.index_cast %add3A_1446 : i32 to index
          %swap3A_1447 = tpu.vector_load %arg12[%swap3A] {strides = array<i32>} : memref<1024xi32, #tpu.memory_space<vmem>>, vector<16xi32>,
          tpu.vector_store %arg12[%swap3A], %select_n3A_1442 {strides = array<i32>} : memref<1024xi32, #tpu.memory_space<vmem>>, vector<16xi32>,
          %scan3A_1448 = arith.constant 0 : i32
          scf.yield %scan3A_1448 : i32
        }
        %scan3A_1415 = arith.constant 8 : i32
        %dma_start3A_1416 = arith.constant 7 : i32
        %dma_start3A_1417 = arith.constant 0 : i32
        %dma_start3A_1418 = arith.constant 0 : i32
        %dma_start3A_1419 = tpu.memref_slice %arg13[%dma_start3A_1416, %dma_start3A_1417, %dma_start3A_1418] : memref<8x128x16xf32, #tpu.memory_space<vmem>> -> memref<1x128x16xf32, #tpu.memory_space<vmem>>
        %dma_start3A_1420 = tpu.memref_squeeze %dma_start3A_1419 : memref<1x128x16xf32, #tpu.memory_space<vmem>> -> memref<128x16xf32, #tpu.memory_space<vmem>>
        %dma_start3A_1421 = arith.constant 896 : i32
        %dma_start3A_1422 = tpu.memref_slice %arg12[%dma_start3A_1421] : memref<1024xi32, #tpu.memory_space<vmem>> -> memref<128xi32, #tpu.memory_space<vmem>>
        %dma_start3A_1423 = arith.constant 0 : i32
        %dma_start3A_1424 = arith.constant 0 : i32
        %dma_start3A_1425 = tpu.memref_slice %arg4[%dma_start3A_1423, %dma_start3A_1424] : memref<192000x16xf32, #tpu.memory_space<hbm>> -> memref<192000x16xf32, #tpu.memory_space<hbm>>
        tpu.enqueue_indirect_dma source(%dma_start3A_1425 : memref<192000x16xf32, #tpu.memory_space<hbm>>) target(%dma_start3A_1420 : memref<128x16xf32, #tpu.memory_space<vmem>>) offsets(%dma_start3A_1422 : memref<128xi32, #tpu.memory_space<vmem>>) semaphore(%arg22 : memref<!tpu.dma_semaphore, #tpu.memory_space<semaphore_mem>>)
      } else {
      }
      %gt3A_205 = arith.constant 0 : i32
      %gt3A_206 = arith.cmpi sgt, %scan3A_21, %gt3A_205 : i32
      %convert_element_type3A_207 = arith.extui %gt3A_206 : i1 to i32
      %cond3A_208 = arith.constant 0 : i32
      %cond3A_209 = arith.cmpi ne, %convert_element_type3A_207, %cond3A_208 : i32
      scf.if %cond3A_209 {
        %dma_wait3A_1409 = arith.constant 0 : i32
        %dma_wait3A_1410 = tpu.memref_slice %arg5[%dma_wait3A_1409] : memref<54853632xf32, #tpu.memory_space<hbm>> -> memref<71424xf32, #tpu.memory_space<hbm>>
        %dma_wait3A_1411 = arith.constant 0 : i32
        %dma_wait3A_1412 = tpu.memref_slice %arg5[%dma_wait3A_1411] : memref<54853632xf32, #tpu.memory_space<hbm>> -> memref<71424xf32, #tpu.memory_space<hbm>>
        tpu.wait_dma2 semaphore(%arg23 : memref<!tpu.dma_semaphore, #tpu.memory_space<semaphore_mem>>) src(%arg11 : memref<71424xf32, #tpu.memory_space<vmem>>) dst(%dma_wait3A_1412 : memref<71424xf32, #tpu.memory_space<hbm>>)
      } else {
      }
      %while3A_210 = arith.constant 0 : i32
      %while3A_211 = arith.constant 0 : i32
      %while3A_212 = arith.subi %scan3A_22, %while3A_210 : i32
      %while3A_213 = arith.addi %while3A_210, %while3A_212 : i32
      %while3A_214 = arith.constant 1 : i32
      %while3A_215 = arith.divsi %while3A_212, %while3A_214 : i32
      %while3A_216 = arith.muli %while3A_215, %while3A_214 : i32
      %while3A_217 = arith.addi %while3A_210, %while3A_216 : i32
      %while3A_218 = arith.constant 1 : i32
      %while3A_219 = scf.for %while3A_1409 = %while3A_210 to %while3A_217 step %while3A_218 iter_args(%while3A_1410 = %while3A_211) -> (i32)  : i32 {
        %broadcast_in_dim3A_1411 = vector.broadcast %while3A_1409 : i32 to vector<16xi32>
        %gather3A = tpu.vector_load_idx %arg14[%broadcast_in_dim3A_1411] : memref<4464xi32, #tpu.memory_space<vmem>>[vector<16xi32>], vector<16xi32>,
        %add3A_1412 = arith.addi %gather3A, %mul3A_3 : vector<16xi32>
        tpu.vector_store_idx %arg11[%add3A_1412], %broadcast_in_dim3A_4 : memref<71424xf32, #tpu.memory_space<vmem>>[vector<16xi32>], vector<16xf32>,
        %while3A_1413 = arith.constant 0 : i32
        scf.yield %while3A_1413 : i32
      }
      %while3A_220 = arith.constant 1 : i32
      %while3A_221 = scf.for %while3A_1409 = %while3A_217 to %while3A_213 step %while3A_220 iter_args(%while3A_1410 = %while3A_219) -> (i32)  : i32 {
        %broadcast_in_dim3A_1411 = vector.broadcast %while3A_1409 : i32 to vector<16xi32>
        %gather3A = tpu.vector_load_idx %arg14[%broadcast_in_dim3A_1411] : memref<4464xi32, #tpu.memory_space<vmem>>[vector<16xi32>], vector<16xi32>,
        %add3A_1412 = arith.addi %gather3A, %mul3A_3 : vector<16xi32>
        tpu.vector_store_idx %arg11[%add3A_1412], %broadcast_in_dim3A_4 : memref<71424xf32, #tpu.memory_space<vmem>>[vector<16xi32>], vector<16xf32>,
        %while3A_1413 = arith.constant 0 : i32
        scf.yield %while3A_1413 : i32
      }
      %while3A_222 = arith.constant 0 : i32
      %while3A_223 = arith.constant 0 : i32
      %while3A_224 = arith.subi %select_n3A_167, %while3A_222 : i32
      %while3A_225 = arith.addi %while3A_222, %while3A_224 : i32
      %while3A_226 = arith.constant 1 : i32
      %while3A_227 = arith.divsi %while3A_224, %while3A_226 : i32
      %while3A_228 = arith.muli %while3A_227, %while3A_226 : i32
      %while3A_229 = arith.addi %while3A_222, %while3A_228 : i32
      %while3A_230 = arith.constant 1 : i32
      %while3A_231 = scf.for %while3A_1409 = %while3A_222 to %while3A_229 step %while3A_230 iter_args(%while3A_1410 = %while3A_223) -> (i32)  : i32 {
        %and3A_1411 = arith.constant 1 : i32
        %and3A_1412 = arith.andi %while3A_1409, %and3A_1411 : i32
        %ge3A = arith.constant 2 : i32
        %ge3A_1413 = arith.cmpi sge, %while3A_1409, %ge3A : i32
        %eq3A_1414 = arith.constant 0 : i32
        %eq3A_1415 = arith.cmpi eq, %and3A_1412, %eq3A_1414 : i32
        %and3A_1416 = arith.andi %ge3A_1413, %eq3A_1415 : i1
        %convert_element_type3A_1417 = arith.extui %and3A_1416 : i1 to i32
        %cond3A_1418 = arith.constant 0 : i32
        %cond3A_1419 = arith.cmpi ne, %convert_element_type3A_1417, %cond3A_1418 : i32
        scf.if %cond3A_1419 {
          %mul3A_1461 = arith.constant 128 : i32
          %mul3A_1462 = arith.muli %while3A_1409, %mul3A_1461 : i32
          %scan3A_1463 = arith.constant 0 : i32
          %scan3A_1464 = arith.constant 0 : i32
          %scan3A_1465 = arith.constant 8 : i32
          %scan3A_1466 = arith.addi %scan3A_1464, %scan3A_1465 : i32
          %scan3A_1467 = arith.constant 1 : i32
          %scan3A_1468 = scf.for %scan3A_1490 = %scan3A_1464 to %scan3A_1466 step %scan3A_1467 iter_args(%scan3A_1491 = %scan3A_1463) -> (i32)  : i32 {
            %mul3A_1492 = arith.constant 16 : i32
            %mul3A_1493 = arith.muli %scan3A_1490, %mul3A_1492 : i32
            %add3A_1494 = arith.addi %mul3A_1462, %mul3A_1493 : i32
            %get3A = arith.index_cast %add3A_1494 : i32 to index
            %get3A_1495 = tpu.vector_load %arg9[%get3A] {strides = array<i32>} : memref<12016xi32, #tpu.memory_space<vmem>>, vector<16xi32>,
            %add3A_1496 = vector.broadcast %add3A_1494 : i32 to vector<16xi32>
            %add3A_1497 = arith.addi %add3A_1496, %iota3A : vector<16xi32>
            %lt3A_1498 = vector.broadcast %reduce_max3A_139 : i32 to vector<16xi32>
            %lt3A_1499 = arith.cmpi slt, %add3A_1497, %lt3A_1498 : vector<16xi32>
            %add3A_1500 = arith.constant 0 : i32
            %add3A_1501 = vector.broadcast %add3A_1500 : i32 to vector<16xi32>
            %add3A_1502 = arith.addi %get3A_1495, %add3A_1501 : vector<16xi32>
            %jit3A_1503 = arith.constant 0 : i32
            %broadcast_in_dim3A_1504 = vector.broadcast %jit3A_1503 : i32 to vector<16xi32>
            %select_n3A_1505 = arith.select %lt3A_1499, %add3A_1502, %broadcast_in_dim3A_1504 : vector<16xi1>, vector<16xi32>
            %mul3A_1506 = arith.constant 16 : i32
            %mul3A_1507 = arith.muli %scan3A_1490, %mul3A_1506 : i32
            %add3A_1508 = arith.constant 0 : i32
            %add3A_1509 = arith.addi %add3A_1508, %mul3A_1507 : i32
            %swap3A = arith.index_cast %add3A_1509 : i32 to index
            %swap3A_1510 = tpu.vector_load %arg12[%swap3A] {strides = array<i32>} : memref<1024xi32, #tpu.memory_space<vmem>>, vector<16xi32>,
            tpu.vector_store %arg12[%swap3A], %select_n3A_1505 {strides = array<i32>} : memref<1024xi32, #tpu.memory_space<vmem>>, vector<16xi32>,
            %scan3A_1511 = arith.constant 0 : i32
            scf.yield %scan3A_1511 : i32
          }
          %scan3A_1469 = arith.constant 8 : i32
          %dma_start3A_1470 = arith.constant 0 : i32
          %dma_start3A_1471 = arith.constant 0 : i32
          %dma_start3A_1472 = arith.constant 0 : i32
          %dma_start3A_1473 = tpu.memref_slice %arg13[%dma_start3A_1470, %dma_start3A_1471, %dma_start3A_1472] : memref<8x128x16xf32, #tpu.memory_space<vmem>> -> memref<1x128x16xf32, #tpu.memory_space<vmem>>
          %dma_start3A_1474 = tpu.memref_squeeze %dma_start3A_1473 : memref<1x128x16xf32, #tpu.memory_space<vmem>> -> memref<128x16xf32, #tpu.memory_space<vmem>>
          %dma_start3A_1475 = arith.constant 0 : i32
          %dma_start3A_1476 = tpu.memref_slice %arg12[%dma_start3A_1475] : memref<1024xi32, #tpu.memory_space<vmem>> -> memref<128xi32, #tpu.memory_space<vmem>>
          %dma_start3A_1477 = arith.constant 0 : i32
          %dma_start3A_1478 = arith.constant 0 : i32
          %dma_start3A_1479 = tpu.memref_slice %arg4[%dma_start3A_1477, %dma_start3A_1478] : memref<192000x16xf32, #tpu.memory_space<hbm>> -> memref<192000x16xf32, #tpu.memory_space<hbm>>
          tpu.enqueue_indirect_dma source(%dma_start3A_1479 : memref<192000x16xf32, #tpu.memory_space<hbm>>) target(%dma_start3A_1474 : memref<128x16xf32, #tpu.memory_space<vmem>>) offsets(%dma_start3A_1476 : memref<128xi32, #tpu.memory_space<vmem>>) semaphore(%arg15 : memref<!tpu.dma_semaphore, #tpu.memory_space<semaphore_mem>>)
          %dma_wait3A_1480 = arith.constant 0 : i32
          %dma_wait3A_1481 = arith.constant 0 : i32
          %dma_wait3A_1482 = arith.constant 0 : i32
          %dma_wait3A_1483 = tpu.memref_slice %arg13[%dma_wait3A_1480, %dma_wait3A_1481, %dma_wait3A_1482] : memref<8x128x16xf32, #tpu.memory_space<vmem>> -> memref<1x128x16xf32, #tpu.memory_space<vmem>>
          %dma_wait3A_1484 = tpu.memref_squeeze %dma_wait3A_1483 : memref<1x128x16xf32, #tpu.memory_space<vmem>> -> memref<128x16xf32, #tpu.memory_space<vmem>>
          %dma_wait3A_1485 = arith.constant 0 : i32
          %dma_wait3A_1486 = tpu.memref_slice %arg12[%dma_wait3A_1485] : memref<1024xi32, #tpu.memory_space<vmem>> -> memref<128xi32, #tpu.memory_space<vmem>>
          %dma_wait3A_1487 = arith.constant 0 : i32
          %dma_wait3A_1488 = arith.constant 0 : i32
          %dma_wait3A_1489 = tpu.memref_slice %arg4[%dma_wait3A_1487, %dma_wait3A_1488] : memref<192000x16xf32, #tpu.memory_space<hbm>> -> memref<192000x16xf32, #tpu.memory_space<hbm>>
          tpu.wait_indirect_dma semaphore(%arg15 : memref<!tpu.dma_semaphore, #tpu.memory_space<semaphore_mem>>) src(%dma_wait3A_1489 : memref<192000x16xf32, #tpu.memory_space<hbm>>) dst(%dma_wait3A_1484 : memref<128x16xf32, #tpu.memory_space<vmem>>)
        } else {
        }
        %not3A = arith.constant true
        %not3A_1420 = arith.xori %ge3A_1413, %not3A : i1
        %eq3A_1421 = arith.constant 0 : i32
        %eq3A_1422 = arith.cmpi eq, %and3A_1412, %eq3A_1421 : i32
        %and3A_1423 = arith.andi %not3A_1420, %eq3A_1422 : i1
        %convert_element_type3A_1424 = arith.extui %and3A_1423 : i1 to i32
        %cond3A_1425 = arith.constant 0 : i32
        %cond3A_1426 = arith.cmpi ne, %convert_element_type3A_1424, %cond3A_1425 : i32
        scf.if %cond3A_1426 {
          %dma_wait3A_1461 = arith.constant 0 : i32
          %dma_wait3A_1462 = arith.constant 0 : i32
          %dma_wait3A_1463 = arith.constant 0 : i32
          %dma_wait3A_1464 = tpu.memref_slice %arg13[%dma_wait3A_1461, %dma_wait3A_1462, %dma_wait3A_1463] : memref<8x128x16xf32, #tpu.memory_space<vmem>> -> memref<1x128x16xf32, #tpu.memory_space<vmem>>
          %dma_wait3A_1465 = tpu.memref_squeeze %dma_wait3A_1464 : memref<1x128x16xf32, #tpu.memory_space<vmem>> -> memref<128x16xf32, #tpu.memory_space<vmem>>
          %dma_wait3A_1466 = arith.constant 0 : i32
          %dma_wait3A_1467 = tpu.memref_slice %arg12[%dma_wait3A_1466] : memref<1024xi32, #tpu.memory_space<vmem>> -> memref<128xi32, #tpu.memory_space<vmem>>
          %dma_wait3A_1468 = arith.constant 0 : i32
          %dma_wait3A_1469 = arith.constant 0 : i32
          %dma_wait3A_1470 = tpu.memref_slice %arg4[%dma_wait3A_1468, %dma_wait3A_1469] : memref<192000x16xf32, #tpu.memory_space<hbm>> -> memref<192000x16xf32, #tpu.memory_space<hbm>>
          tpu.wait_indirect_dma semaphore(%arg15 : memref<!tpu.dma_semaphore, #tpu.memory_space<semaphore_mem>>) src(%dma_wait3A_1470 : memref<192000x16xf32, #tpu.memory_space<hbm>>) dst(%dma_wait3A_1465 : memref<128x16xf32, #tpu.memory_space<vmem>>)
        } else {
        }
        %eq3A_1427 = arith.constant 1 : i32
        %eq3A_1428 = arith.cmpi eq, %and3A_1412, %eq3A_1427 : i32
        %and3A_1429 = arith.andi %ge3A_1413, %eq3A_1428 : i1
        %convert_element_type3A_1430 = arith.extui %and3A_1429 : i1 to i32
        %cond3A_1431 = arith.constant 0 : i32
        %cond3A_1432 = arith.cmpi ne, %convert_element_type3A_1430, %cond3A_1431 : i32
        scf.if %cond3A_1432 {
          %mul3A_1461 = arith.constant 128 : i32
          %mul3A_1462 = arith.muli %while3A_1409, %mul3A_1461 : i32
          %scan3A_1463 = arith.constant 0 : i32
          %scan3A_1464 = arith.constant 0 : i32
          %scan3A_1465 = arith.constant 8 : i32
          %scan3A_1466 = arith.addi %scan3A_1464, %scan3A_1465 : i32
          %scan3A_1467 = arith.constant 1 : i32
          %scan3A_1468 = scf.for %scan3A_1490 = %scan3A_1464 to %scan3A_1466 step %scan3A_1467 iter_args(%scan3A_1491 = %scan3A_1463) -> (i32)  : i32 {
            %mul3A_1492 = arith.constant 16 : i32
            %mul3A_1493 = arith.muli %scan3A_1490, %mul3A_1492 : i32
            %add3A_1494 = arith.addi %mul3A_1462, %mul3A_1493 : i32
            %get3A = arith.index_cast %add3A_1494 : i32 to index
            %get3A_1495 = tpu.vector_load %arg9[%get3A] {strides = array<i32>} : memref<12016xi32, #tpu.memory_space<vmem>>, vector<16xi32>,
            %add3A_1496 = vector.broadcast %add3A_1494 : i32 to vector<16xi32>
            %add3A_1497 = arith.addi %add3A_1496, %iota3A : vector<16xi32>
            %lt3A_1498 = vector.broadcast %reduce_max3A_139 : i32 to vector<16xi32>
            %lt3A_1499 = arith.cmpi slt, %add3A_1497, %lt3A_1498 : vector<16xi32>
            %add3A_1500 = arith.constant 0 : i32
            %add3A_1501 = vector.broadcast %add3A_1500 : i32 to vector<16xi32>
            %add3A_1502 = arith.addi %get3A_1495, %add3A_1501 : vector<16xi32>
            %jit3A_1503 = arith.constant 0 : i32
            %broadcast_in_dim3A_1504 = vector.broadcast %jit3A_1503 : i32 to vector<16xi32>
            %select_n3A_1505 = arith.select %lt3A_1499, %add3A_1502, %broadcast_in_dim3A_1504 : vector<16xi1>, vector<16xi32>
            %mul3A_1506 = arith.constant 16 : i32
            %mul3A_1507 = arith.muli %scan3A_1490, %mul3A_1506 : i32
            %add3A_1508 = arith.constant 128 : i32
            %add3A_1509 = arith.addi %add3A_1508, %mul3A_1507 : i32
            %swap3A = arith.index_cast %add3A_1509 : i32 to index
            %swap3A_1510 = tpu.vector_load %arg12[%swap3A] {strides = array<i32>} : memref<1024xi32, #tpu.memory_space<vmem>>, vector<16xi32>,
            tpu.vector_store %arg12[%swap3A], %select_n3A_1505 {strides = array<i32>} : memref<1024xi32, #tpu.memory_space<vmem>>, vector<16xi32>,
            %scan3A_1511 = arith.constant 0 : i32
            scf.yield %scan3A_1511 : i32
          }
          %scan3A_1469 = arith.constant 8 : i32
          %dma_start3A_1470 = arith.constant 1 : i32
          %dma_start3A_1471 = arith.constant 0 : i32
          %dma_start3A_1472 = arith.constant 0 : i32
          %dma_start3A_1473 = tpu.memref_slice %arg13[%dma_start3A_1470, %dma_start3A_1471, %dma_start3A_1472] : memref<8x128x16xf32, #tpu.memory_space<vmem>> -> memref<1x128x16xf32, #tpu.memory_space<vmem>>
          %dma_start3A_1474 = tpu.memref_squeeze %dma_start3A_1473 : memref<1x128x16xf32, #tpu.memory_space<vmem>> -> memref<128x16xf32, #tpu.memory_space<vmem>>
          %dma_start3A_1475 = arith.constant 128 : i32
          %dma_start3A_1476 = tpu.memref_slice %arg12[%dma_start3A_1475] : memref<1024xi32, #tpu.memory_space<vmem>> -> memref<128xi32, #tpu.memory_space<vmem>>
          %dma_start3A_1477 = arith.constant 0 : i32
          %dma_start3A_1478 = arith.constant 0 : i32
          %dma_start3A_1479 = tpu.memref_slice %arg4[%dma_start3A_1477, %dma_start3A_1478] : memref<192000x16xf32, #tpu.memory_space<hbm>> -> memref<192000x16xf32, #tpu.memory_space<hbm>>
          tpu.enqueue_indirect_dma source(%dma_start3A_1479 : memref<192000x16xf32, #tpu.memory_space<hbm>>) target(%dma_start3A_1474 : memref<128x16xf32, #tpu.memory_space<vmem>>) offsets(%dma_start3A_1476 : memref<128xi32, #tpu.memory_space<vmem>>) semaphore(%arg16 : memref<!tpu.dma_semaphore, #tpu.memory_space<semaphore_mem>>)
          %dma_wait3A_1480 = arith.constant 1 : i32
          %dma_wait3A_1481 = arith.constant 0 : i32
          %dma_wait3A_1482 = arith.constant 0 : i32
          %dma_wait3A_1483 = tpu.memref_slice %arg13[%dma_wait3A_1480, %dma_wait3A_1481, %dma_wait3A_1482] : memref<8x128x16xf32, #tpu.memory_space<vmem>> -> memref<1x128x16xf32, #tpu.memory_space<vmem>>
          %dma_wait3A_1484 = tpu.memref_squeeze %dma_wait3A_1483 : memref<1x128x16xf32, #tpu.memory_space<vmem>> -> memref<128x16xf32, #tpu.memory_space<vmem>>
          %dma_wait3A_1485 = arith.constant 128 : i32
          %dma_wait3A_1486 = tpu.memref_slice %arg12[%dma_wait3A_1485] : memref<1024xi32, #tpu.memory_space<vmem>> -> memref<128xi32, #tpu.memory_space<vmem>>
          %dma_wait3A_1487 = arith.constant 0 : i32
          %dma_wait3A_1488 = arith.constant 0 : i32
          %dma_wait3A_1489 = tpu.memref_slice %arg4[%dma_wait3A_1487, %dma_wait3A_1488] : memref<192000x16xf32, #tpu.memory_space<hbm>> -> memref<192000x16xf32, #tpu.memory_space<hbm>>
          tpu.wait_indirect_dma semaphore(%arg16 : memref<!tpu.dma_semaphore, #tpu.memory_space<semaphore_mem>>) src(%dma_wait3A_1489 : memref<192000x16xf32, #tpu.memory_space<hbm>>) dst(%dma_wait3A_1484 : memref<128x16xf32, #tpu.memory_space<vmem>>)
        } else {
        }
        %not3A_1433 = arith.constant true
        %not3A_1434 = arith.xori %ge3A_1413, %not3A_1433 : i1
        %eq3A_1435 = arith.constant 1 : i32
        %eq3A_1436 = arith.cmpi eq, %and3A_1412, %eq3A_1435 : i32
        %and3A_1437 = arith.andi %not3A_1434, %eq3A_1436 : i1
        %convert_element_type3A_1438 = arith.extui %and3A_1437 : i1 to i32
        %cond3A_1439 = arith.constant 0 : i32
        %cond3A_1440 = arith.cmpi ne, %convert_element_type3A_1438, %cond3A_1439 : i32
        scf.if %cond3A_1440 {
          %dma_wait3A_1461 = arith.constant 1 : i32
          %dma_wait3A_1462 = arith.constant 0 : i32
          %dma_wait3A_1463 = arith.constant 0 : i32
          %dma_wait3A_1464 = tpu.memref_slice %arg13[%dma_wait3A_1461, %dma_wait3A_1462, %dma_wait3A_1463] : memref<8x128x16xf32, #tpu.memory_space<vmem>> -> memref<1x128x16xf32, #tpu.memory_space<vmem>>
          %dma_wait3A_1465 = tpu.memref_squeeze %dma_wait3A_1464 : memref<1x128x16xf32, #tpu.memory_space<vmem>> -> memref<128x16xf32, #tpu.memory_space<vmem>>
          %dma_wait3A_1466 = arith.constant 128 : i32
          %dma_wait3A_1467 = tpu.memref_slice %arg12[%dma_wait3A_1466] : memref<1024xi32, #tpu.memory_space<vmem>> -> memref<128xi32, #tpu.memory_space<vmem>>
          %dma_wait3A_1468 = arith.constant 0 : i32
          %dma_wait3A_1469 = arith.constant 0 : i32
          %dma_wait3A_1470 = tpu.memref_slice %arg4[%dma_wait3A_1468, %dma_wait3A_1469] : memref<192000x16xf32, #tpu.memory_space<hbm>> -> memref<192000x16xf32, #tpu.memory_space<hbm>>
          tpu.wait_indirect_dma semaphore(%arg16 : memref<!tpu.dma_semaphore, #tpu.memory_space<semaphore_mem>>) src(%dma_wait3A_1470 : memref<192000x16xf32, #tpu.memory_space<hbm>>) dst(%dma_wait3A_1465 : memref<128x16xf32, #tpu.memory_space<vmem>>)
        } else {
        }
        %add3A_1441 = arith.constant 0 : i32
        %add3A_1442 = arith.addi %add3A_1441, %and3A_1412 : i32
        %mul3A_1443 = arith.constant 128 : i32
        %mul3A_1444 = arith.muli %while3A_1409, %mul3A_1443 : i32
        %sub3A_1445 = arith.subi %reduce_max3A_139, %mul3A_1444 : i32
        %min3A = arith.constant 128 : i32
        %min3A_1446 = arith.minsi %min3A, %sub3A_1445 : i32
        %broadcast_in_dim3A_1447 = vector.broadcast %add3A_1442 : i32 to vector<16xi32>
        %while3A_1448 = arith.constant 0 : i32
        %while3A_1449 = arith.constant 0 : i32
        %while3A_1450 = arith.subi %min3A_1446, %while3A_1448 : i32
        %while3A_1451 = arith.addi %while3A_1448, %while3A_1450 : i32
        %while3A_1452 = arith.constant 1 : i32
        %while3A_1453 = arith.divsi %while3A_1450, %while3A_1452 : i32
        %while3A_1454 = arith.muli %while3A_1453, %while3A_1452 : i32
        %while3A_1455 = arith.addi %while3A_1448, %while3A_1454 : i32
        %while3A_1456 = arith.constant 1 : i32
        %while3A_1457 = scf.for %while3A_1461 = %while3A_1448 to %while3A_1455 step %while3A_1456 iter_args(%while3A_1462 = %while3A_1449) -> (i32)  : i32 {
          %mul3A_1463 = arith.constant 128 : i32
          %mul3A_1464 = arith.muli %while3A_1409, %mul3A_1463 : i32
          %add3A_1465 = arith.addi %mul3A_1464, %while3A_1461 : i32
          %broadcast_in_dim3A_1466 = vector.broadcast %add3A_1465 : i32 to vector<16xi32>
          %gather3A = tpu.vector_load_idx %arg8[%broadcast_in_dim3A_1466] : memref<12016xi32, #tpu.memory_space<vmem>>[vector<16xi32>], vector<16xi32>,
          %broadcast_in_dim3A_1467 = vector.broadcast %while3A_1461 : i32 to vector<16xi32>
          %gather3A_1468 = tpu.vector_load_idx %arg13[%broadcast_in_dim3A_1447, %broadcast_in_dim3A_1467, %iota3A] : memref<8x128x16xf32, #tpu.memory_space<vmem>>[vector<16xi32>, vector<16xi32>, vector<16xi32>], vector<16xf32>,
          %add3A_1469 = arith.addi %gather3A, %mul3A_3 : vector<16xi32>
          tpu.vector_store_idx %arg11[%add3A_1469], %gather3A_1468 : memref<71424xf32, #tpu.memory_space<vmem>>[vector<16xi32>], vector<16xf32>,
          %while3A_1470 = arith.constant 0 : i32
          scf.yield %while3A_1470 : i32
        }
        %while3A_1458 = arith.constant 1 : i32
        %while3A_1459 = scf.for %while3A_1461 = %while3A_1455 to %while3A_1451 step %while3A_1458 iter_args(%while3A_1462 = %while3A_1457) -> (i32)  : i32 {
          %mul3A_1463 = arith.constant 128 : i32
          %mul3A_1464 = arith.muli %while3A_1409, %mul3A_1463 : i32
          %add3A_1465 = arith.addi %mul3A_1464, %while3A_1461 : i32
          %broadcast_in_dim3A_1466 = vector.broadcast %add3A_1465 : i32 to vector<16xi32>
          %gather3A = tpu.vector_load_idx %arg8[%broadcast_in_dim3A_1466] : memref<12016xi32, #tpu.memory_space<vmem>>[vector<16xi32>], vector<16xi32>,
          %broadcast_in_dim3A_1467 = vector.broadcast %while3A_1461 : i32 to vector<16xi32>
          %gather3A_1468 = tpu.vector_load_idx %arg13[%broadcast_in_dim3A_1447, %broadcast_in_dim3A_1467, %iota3A] : memref<8x128x16xf32, #tpu.memory_space<vmem>>[vector<16xi32>, vector<16xi32>, vector<16xi32>], vector<16xf32>,
          %add3A_1469 = arith.addi %gather3A, %mul3A_3 : vector<16xi32>
          tpu.vector_store_idx %arg11[%add3A_1469], %gather3A_1468 : memref<71424xf32, #tpu.memory_space<vmem>>[vector<16xi32>], vector<16xf32>,
          %while3A_1470 = arith.constant 0 : i32
          scf.yield %while3A_1470 : i32
        }
        %while3A_1460 = arith.constant 0 : i32
        scf.yield %while3A_1460 : i32
      }
      %while3A_232 = arith.constant 1 : i32
      %while3A_233 = scf.for %while3A_1409 = %while3A_229 to %while3A_225 step %while3A_232 iter_args(%while3A_1410 = %while3A_231) -> (i32)  : i32 {
        %and3A_1411 = arith.constant 1 : i32
        %and3A_1412 = arith.andi %while3A_1409, %and3A_1411 : i32
        %ge3A = arith.constant 2 : i32
        %ge3A_1413 = arith.cmpi sge, %while3A_1409, %ge3A : i32
        %eq3A_1414 = arith.constant 0 : i32
        %eq3A_1415 = arith.cmpi eq, %and3A_1412, %eq3A_1414 : i32
        %and3A_1416 = arith.andi %ge3A_1413, %eq3A_1415 : i1
        %convert_element_type3A_1417 = arith.extui %and3A_1416 : i1 to i32
        %cond3A_1418 = arith.constant 0 : i32
        %cond3A_1419 = arith.cmpi ne, %convert_element_type3A_1417, %cond3A_1418 : i32
        scf.if %cond3A_1419 {
          %mul3A_1461 = arith.constant 128 : i32
          %mul3A_1462 = arith.muli %while3A_1409, %mul3A_1461 : i32
          %scan3A_1463 = arith.constant 0 : i32
          %scan3A_1464 = arith.constant 0 : i32
          %scan3A_1465 = arith.constant 8 : i32
          %scan3A_1466 = arith.addi %scan3A_1464, %scan3A_1465 : i32
          %scan3A_1467 = arith.constant 1 : i32
          %scan3A_1468 = scf.for %scan3A_1490 = %scan3A_1464 to %scan3A_1466 step %scan3A_1467 iter_args(%scan3A_1491 = %scan3A_1463) -> (i32)  : i32 {
            %mul3A_1492 = arith.constant 16 : i32
            %mul3A_1493 = arith.muli %scan3A_1490, %mul3A_1492 : i32
            %add3A_1494 = arith.addi %mul3A_1462, %mul3A_1493 : i32
            %get3A = arith.index_cast %add3A_1494 : i32 to index
            %get3A_1495 = tpu.vector_load %arg9[%get3A] {strides = array<i32>} : memref<12016xi32, #tpu.memory_space<vmem>>, vector<16xi32>,
            %add3A_1496 = vector.broadcast %add3A_1494 : i32 to vector<16xi32>
            %add3A_1497 = arith.addi %add3A_1496, %iota3A : vector<16xi32>
            %lt3A_1498 = vector.broadcast %reduce_max3A_139 : i32 to vector<16xi32>
            %lt3A_1499 = arith.cmpi slt, %add3A_1497, %lt3A_1498 : vector<16xi32>
            %add3A_1500 = arith.constant 0 : i32
            %add3A_1501 = vector.broadcast %add3A_1500 : i32 to vector<16xi32>
            %add3A_1502 = arith.addi %get3A_1495, %add3A_1501 : vector<16xi32>
            %jit3A_1503 = arith.constant 0 : i32
            %broadcast_in_dim3A_1504 = vector.broadcast %jit3A_1503 : i32 to vector<16xi32>
            %select_n3A_1505 = arith.select %lt3A_1499, %add3A_1502, %broadcast_in_dim3A_1504 : vector<16xi1>, vector<16xi32>
            %mul3A_1506 = arith.constant 16 : i32
            %mul3A_1507 = arith.muli %scan3A_1490, %mul3A_1506 : i32
            %add3A_1508 = arith.constant 0 : i32
            %add3A_1509 = arith.addi %add3A_1508, %mul3A_1507 : i32
            %swap3A = arith.index_cast %add3A_1509 : i32 to index
            %swap3A_1510 = tpu.vector_load %arg12[%swap3A] {strides = array<i32>} : memref<1024xi32, #tpu.memory_space<vmem>>, vector<16xi32>,
            tpu.vector_store %arg12[%swap3A], %select_n3A_1505 {strides = array<i32>} : memref<1024xi32, #tpu.memory_space<vmem>>, vector<16xi32>,
            %scan3A_1511 = arith.constant 0 : i32
            scf.yield %scan3A_1511 : i32
          }
          %scan3A_1469 = arith.constant 8 : i32
          %dma_start3A_1470 = arith.constant 0 : i32
          %dma_start3A_1471 = arith.constant 0 : i32
          %dma_start3A_1472 = arith.constant 0 : i32
          %dma_start3A_1473 = tpu.memref_slice %arg13[%dma_start3A_1470, %dma_start3A_1471, %dma_start3A_1472] : memref<8x128x16xf32, #tpu.memory_space<vmem>> -> memref<1x128x16xf32, #tpu.memory_space<vmem>>
          %dma_start3A_1474 = tpu.memref_squeeze %dma_start3A_1473 : memref<1x128x16xf32, #tpu.memory_space<vmem>> -> memref<128x16xf32, #tpu.memory_space<vmem>>
          %dma_start3A_1475 = arith.constant 0 : i32
          %dma_start3A_1476 = tpu.memref_slice %arg12[%dma_start3A_1475] : memref<1024xi32, #tpu.memory_space<vmem>> -> memref<128xi32, #tpu.memory_space<vmem>>
          %dma_start3A_1477 = arith.constant 0 : i32
          %dma_start3A_1478 = arith.constant 0 : i32
          %dma_start3A_1479 = tpu.memref_slice %arg4[%dma_start3A_1477, %dma_start3A_1478] : memref<192000x16xf32, #tpu.memory_space<hbm>> -> memref<192000x16xf32, #tpu.memory_space<hbm>>
          tpu.enqueue_indirect_dma source(%dma_start3A_1479 : memref<192000x16xf32, #tpu.memory_space<hbm>>) target(%dma_start3A_1474 : memref<128x16xf32, #tpu.memory_space<vmem>>) offsets(%dma_start3A_1476 : memref<128xi32, #tpu.memory_space<vmem>>) semaphore(%arg15 : memref<!tpu.dma_semaphore, #tpu.memory_space<semaphore_mem>>)
          %dma_wait3A_1480 = arith.constant 0 : i32
          %dma_wait3A_1481 = arith.constant 0 : i32
          %dma_wait3A_1482 = arith.constant 0 : i32
          %dma_wait3A_1483 = tpu.memref_slice %arg13[%dma_wait3A_1480, %dma_wait3A_1481, %dma_wait3A_1482] : memref<8x128x16xf32, #tpu.memory_space<vmem>> -> memref<1x128x16xf32, #tpu.memory_space<vmem>>
          %dma_wait3A_1484 = tpu.memref_squeeze %dma_wait3A_1483 : memref<1x128x16xf32, #tpu.memory_space<vmem>> -> memref<128x16xf32, #tpu.memory_space<vmem>>
          %dma_wait3A_1485 = arith.constant 0 : i32
          %dma_wait3A_1486 = tpu.memref_slice %arg12[%dma_wait3A_1485] : memref<1024xi32, #tpu.memory_space<vmem>> -> memref<128xi32, #tpu.memory_space<vmem>>
          %dma_wait3A_1487 = arith.constant 0 : i32
          %dma_wait3A_1488 = arith.constant 0 : i32
          %dma_wait3A_1489 = tpu.memref_slice %arg4[%dma_wait3A_1487, %dma_wait3A_1488] : memref<192000x16xf32, #tpu.memory_space<hbm>> -> memref<192000x16xf32, #tpu.memory_space<hbm>>
          tpu.wait_indirect_dma semaphore(%arg15 : memref<!tpu.dma_semaphore, #tpu.memory_space<semaphore_mem>>) src(%dma_wait3A_1489 : memref<192000x16xf32, #tpu.memory_space<hbm>>) dst(%dma_wait3A_1484 : memref<128x16xf32, #tpu.memory_space<vmem>>)
        } else {
        }
        %not3A = arith.constant true
        %not3A_1420 = arith.xori %ge3A_1413, %not3A : i1
        %eq3A_1421 = arith.constant 0 : i32
        %eq3A_1422 = arith.cmpi eq, %and3A_1412, %eq3A_1421 : i32
        %and3A_1423 = arith.andi %not3A_1420, %eq3A_1422 : i1
        %convert_element_type3A_1424 = arith.extui %and3A_1423 : i1 to i32
        %cond3A_1425 = arith.constant 0 : i32
        %cond3A_1426 = arith.cmpi ne, %convert_element_type3A_1424, %cond3A_1425 : i32
        scf.if %cond3A_1426 {
          %dma_wait3A_1461 = arith.constant 0 : i32
          %dma_wait3A_1462 = arith.constant 0 : i32
          %dma_wait3A_1463 = arith.constant 0 : i32
          %dma_wait3A_1464 = tpu.memref_slice %arg13[%dma_wait3A_1461, %dma_wait3A_1462, %dma_wait3A_1463] : memref<8x128x16xf32, #tpu.memory_space<vmem>> -> memref<1x128x16xf32, #tpu.memory_space<vmem>>
          %dma_wait3A_1465 = tpu.memref_squeeze %dma_wait3A_1464 : memref<1x128x16xf32, #tpu.memory_space<vmem>> -> memref<128x16xf32, #tpu.memory_space<vmem>>
          %dma_wait3A_1466 = arith.constant 0 : i32
          %dma_wait3A_1467 = tpu.memref_slice %arg12[%dma_wait3A_1466] : memref<1024xi32, #tpu.memory_space<vmem>> -> memref<128xi32, #tpu.memory_space<vmem>>
          %dma_wait3A_1468 = arith.constant 0 : i32
          %dma_wait3A_1469 = arith.constant 0 : i32
          %dma_wait3A_1470 = tpu.memref_slice %arg4[%dma_wait3A_1468, %dma_wait3A_1469] : memref<192000x16xf32, #tpu.memory_space<hbm>> -> memref<192000x16xf32, #tpu.memory_space<hbm>>
          tpu.wait_indirect_dma semaphore(%arg15 : memref<!tpu.dma_semaphore, #tpu.memory_space<semaphore_mem>>) src(%dma_wait3A_1470 : memref<192000x16xf32, #tpu.memory_space<hbm>>) dst(%dma_wait3A_1465 : memref<128x16xf32, #tpu.memory_space<vmem>>)
        } else {
        }
        %eq3A_1427 = arith.constant 1 : i32
        %eq3A_1428 = arith.cmpi eq, %and3A_1412, %eq3A_1427 : i32
        %and3A_1429 = arith.andi %ge3A_1413, %eq3A_1428 : i1
        %convert_element_type3A_1430 = arith.extui %and3A_1429 : i1 to i32
        %cond3A_1431 = arith.constant 0 : i32
        %cond3A_1432 = arith.cmpi ne, %convert_element_type3A_1430, %cond3A_1431 : i32
        scf.if %cond3A_1432 {
          %mul3A_1461 = arith.constant 128 : i32
          %mul3A_1462 = arith.muli %while3A_1409, %mul3A_1461 : i32
          %scan3A_1463 = arith.constant 0 : i32
          %scan3A_1464 = arith.constant 0 : i32
          %scan3A_1465 = arith.constant 8 : i32
          %scan3A_1466 = arith.addi %scan3A_1464, %scan3A_1465 : i32
          %scan3A_1467 = arith.constant 1 : i32
          %scan3A_1468 = scf.for %scan3A_1490 = %scan3A_1464 to %scan3A_1466 step %scan3A_1467 iter_args(%scan3A_1491 = %scan3A_1463) -> (i32)  : i32 {
            %mul3A_1492 = arith.constant 16 : i32
            %mul3A_1493 = arith.muli %scan3A_1490, %mul3A_1492 : i32
            %add3A_1494 = arith.addi %mul3A_1462, %mul3A_1493 : i32
            %get3A = arith.index_cast %add3A_1494 : i32 to index
            %get3A_1495 = tpu.vector_load %arg9[%get3A] {strides = array<i32>} : memref<12016xi32, #tpu.memory_space<vmem>>, vector<16xi32>,
            %add3A_1496 = vector.broadcast %add3A_1494 : i32 to vector<16xi32>
            %add3A_1497 = arith.addi %add3A_1496, %iota3A : vector<16xi32>
            %lt3A_1498 = vector.broadcast %reduce_max3A_139 : i32 to vector<16xi32>
            %lt3A_1499 = arith.cmpi slt, %add3A_1497, %lt3A_1498 : vector<16xi32>
            %add3A_1500 = arith.constant 0 : i32
            %add3A_1501 = vector.broadcast %add3A_1500 : i32 to vector<16xi32>
            %add3A_1502 = arith.addi %get3A_1495, %add3A_1501 : vector<16xi32>
            %jit3A_1503 = arith.constant 0 : i32
            %broadcast_in_dim3A_1504 = vector.broadcast %jit3A_1503 : i32 to vector<16xi32>
            %select_n3A_1505 = arith.select %lt3A_1499, %add3A_1502, %broadcast_in_dim3A_1504 : vector<16xi1>, vector<16xi32>
            %mul3A_1506 = arith.constant 16 : i32
            %mul3A_1507 = arith.muli %scan3A_1490, %mul3A_1506 : i32
            %add3A_1508 = arith.constant 128 : i32
            %add3A_1509 = arith.addi %add3A_1508, %mul3A_1507 : i32
            %swap3A = arith.index_cast %add3A_1509 : i32 to index
            %swap3A_1510 = tpu.vector_load %arg12[%swap3A] {strides = array<i32>} : memref<1024xi32, #tpu.memory_space<vmem>>, vector<16xi32>,
            tpu.vector_store %arg12[%swap3A], %select_n3A_1505 {strides = array<i32>} : memref<1024xi32, #tpu.memory_space<vmem>>, vector<16xi32>,
            %scan3A_1511 = arith.constant 0 : i32
            scf.yield %scan3A_1511 : i32
          }
          %scan3A_1469 = arith.constant 8 : i32
          %dma_start3A_1470 = arith.constant 1 : i32
          %dma_start3A_1471 = arith.constant 0 : i32
          %dma_start3A_1472 = arith.constant 0 : i32
          %dma_start3A_1473 = tpu.memref_slice %arg13[%dma_start3A_1470, %dma_start3A_1471, %dma_start3A_1472] : memref<8x128x16xf32, #tpu.memory_space<vmem>> -> memref<1x128x16xf32, #tpu.memory_space<vmem>>
          %dma_start3A_1474 = tpu.memref_squeeze %dma_start3A_1473 : memref<1x128x16xf32, #tpu.memory_space<vmem>> -> memref<128x16xf32, #tpu.memory_space<vmem>>
          %dma_start3A_1475 = arith.constant 128 : i32
          %dma_start3A_1476 = tpu.memref_slice %arg12[%dma_start3A_1475] : memref<1024xi32, #tpu.memory_space<vmem>> -> memref<128xi32, #tpu.memory_space<vmem>>
          %dma_start3A_1477 = arith.constant 0 : i32
          %dma_start3A_1478 = arith.constant 0 : i32
          %dma_start3A_1479 = tpu.memref_slice %arg4[%dma_start3A_1477, %dma_start3A_1478] : memref<192000x16xf32, #tpu.memory_space<hbm>> -> memref<192000x16xf32, #tpu.memory_space<hbm>>
          tpu.enqueue_indirect_dma source(%dma_start3A_1479 : memref<192000x16xf32, #tpu.memory_space<hbm>>) target(%dma_start3A_1474 : memref<128x16xf32, #tpu.memory_space<vmem>>) offsets(%dma_start3A_1476 : memref<128xi32, #tpu.memory_space<vmem>>) semaphore(%arg16 : memref<!tpu.dma_semaphore, #tpu.memory_space<semaphore_mem>>)
          %dma_wait3A_1480 = arith.constant 1 : i32
          %dma_wait3A_1481 = arith.constant 0 : i32
          %dma_wait3A_1482 = arith.constant 0 : i32
          %dma_wait3A_1483 = tpu.memref_slice %arg13[%dma_wait3A_1480, %dma_wait3A_1481, %dma_wait3A_1482] : memref<8x128x16xf32, #tpu.memory_space<vmem>> -> memref<1x128x16xf32, #tpu.memory_space<vmem>>
          %dma_wait3A_1484 = tpu.memref_squeeze %dma_wait3A_1483 : memref<1x128x16xf32, #tpu.memory_space<vmem>> -> memref<128x16xf32, #tpu.memory_space<vmem>>
          %dma_wait3A_1485 = arith.constant 128 : i32
          %dma_wait3A_1486 = tpu.memref_slice %arg12[%dma_wait3A_1485] : memref<1024xi32, #tpu.memory_space<vmem>> -> memref<128xi32, #tpu.memory_space<vmem>>
          %dma_wait3A_1487 = arith.constant 0 : i32
          %dma_wait3A_1488 = arith.constant 0 : i32
          %dma_wait3A_1489 = tpu.memref_slice %arg4[%dma_wait3A_1487, %dma_wait3A_1488] : memref<192000x16xf32, #tpu.memory_space<hbm>> -> memref<192000x16xf32, #tpu.memory_space<hbm>>
          tpu.wait_indirect_dma semaphore(%arg16 : memref<!tpu.dma_semaphore, #tpu.memory_space<semaphore_mem>>) src(%dma_wait3A_1489 : memref<192000x16xf32, #tpu.memory_space<hbm>>) dst(%dma_wait3A_1484 : memref<128x16xf32, #tpu.memory_space<vmem>>)
        } else {
        }
        %not3A_1433 = arith.constant true
        %not3A_1434 = arith.xori %ge3A_1413, %not3A_1433 : i1
        %eq3A_1435 = arith.constant 1 : i32
        %eq3A_1436 = arith.cmpi eq, %and3A_1412, %eq3A_1435 : i32
        %and3A_1437 = arith.andi %not3A_1434, %eq3A_1436 : i1
        %convert_element_type3A_1438 = arith.extui %and3A_1437 : i1 to i32
        %cond3A_1439 = arith.constant 0 : i32
        %cond3A_1440 = arith.cmpi ne, %convert_element_type3A_1438, %cond3A_1439 : i32
        scf.if %cond3A_1440 {
          %dma_wait3A_1461 = arith.constant 1 : i32
          %dma_wait3A_1462 = arith.constant 0 : i32
          %dma_wait3A_1463 = arith.constant 0 : i32
          %dma_wait3A_1464 = tpu.memref_slice %arg13[%dma_wait3A_1461, %dma_wait3A_1462, %dma_wait3A_1463] : memref<8x128x16xf32, #tpu.memory_space<vmem>> -> memref<1x128x16xf32, #tpu.memory_space<vmem>>
          %dma_wait3A_1465 = tpu.memref_squeeze %dma_wait3A_1464 : memref<1x128x16xf32, #tpu.memory_space<vmem>> -> memref<128x16xf32, #tpu.memory_space<vmem>>
          %dma_wait3A_1466 = arith.constant 128 : i32
          %dma_wait3A_1467 = tpu.memref_slice %arg12[%dma_wait3A_1466] : memref<1024xi32, #tpu.memory_space<vmem>> -> memref<128xi32, #tpu.memory_space<vmem>>
          %dma_wait3A_1468 = arith.constant 0 : i32
          %dma_wait3A_1469 = arith.constant 0 : i32
          %dma_wait3A_1470 = tpu.memref_slice %arg4[%dma_wait3A_1468, %dma_wait3A_1469] : memref<192000x16xf32, #tpu.memory_space<hbm>> -> memref<192000x16xf32, #tpu.memory_space<hbm>>
          tpu.wait_indirect_dma semaphore(%arg16 : memref<!tpu.dma_semaphore, #tpu.memory_space<semaphore_mem>>) src(%dma_wait3A_1470 : memref<192000x16xf32, #tpu.memory_space<hbm>>) dst(%dma_wait3A_1465 : memref<128x16xf32, #tpu.memory_space<vmem>>)
        } else {
        }
        %add3A_1441 = arith.constant 0 : i32
        %add3A_1442 = arith.addi %add3A_1441, %and3A_1412 : i32
        %mul3A_1443 = arith.constant 128 : i32
        %mul3A_1444 = arith.muli %while3A_1409, %mul3A_1443 : i32
        %sub3A_1445 = arith.subi %reduce_max3A_139, %mul3A_1444 : i32
        %min3A = arith.constant 128 : i32
        %min3A_1446 = arith.minsi %min3A, %sub3A_1445 : i32
        %broadcast_in_dim3A_1447 = vector.broadcast %add3A_1442 : i32 to vector<16xi32>
        %while3A_1448 = arith.constant 0 : i32
        %while3A_1449 = arith.constant 0 : i32
        %while3A_1450 = arith.subi %min3A_1446, %while3A_1448 : i32
        %while3A_1451 = arith.addi %while3A_1448, %while3A_1450 : i32
        %while3A_1452 = arith.constant 1 : i32
        %while3A_1453 = arith.divsi %while3A_1450, %while3A_1452 : i32
        %while3A_1454 = arith.muli %while3A_1453, %while3A_1452 : i32
        %while3A_1455 = arith.addi %while3A_1448, %while3A_1454 : i32
        %while3A_1456 = arith.constant 1 : i32
        %while3A_1457 = scf.for %while3A_1461 = %while3A_1448 to %while3A_1455 step %while3A_1456 iter_args(%while3A_1462 = %while3A_1449) -> (i32)  : i32 {
          %mul3A_1463 = arith.constant 128 : i32
          %mul3A_1464 = arith.muli %while3A_1409, %mul3A_1463 : i32
          %add3A_1465 = arith.addi %mul3A_1464, %while3A_1461 : i32
          %broadcast_in_dim3A_1466 = vector.broadcast %add3A_1465 : i32 to vector<16xi32>
          %gather3A = tpu.vector_load_idx %arg8[%broadcast_in_dim3A_1466] : memref<12016xi32, #tpu.memory_space<vmem>>[vector<16xi32>], vector<16xi32>,
          %broadcast_in_dim3A_1467 = vector.broadcast %while3A_1461 : i32 to vector<16xi32>
          %gather3A_1468 = tpu.vector_load_idx %arg13[%broadcast_in_dim3A_1447, %broadcast_in_dim3A_1467, %iota3A] : memref<8x128x16xf32, #tpu.memory_space<vmem>>[vector<16xi32>, vector<16xi32>, vector<16xi32>], vector<16xf32>,
          %add3A_1469 = arith.addi %gather3A, %mul3A_3 : vector<16xi32>
          tpu.vector_store_idx %arg11[%add3A_1469], %gather3A_1468 : memref<71424xf32, #tpu.memory_space<vmem>>[vector<16xi32>], vector<16xf32>,
          %while3A_1470 = arith.constant 0 : i32
          scf.yield %while3A_1470 : i32
        }
        %while3A_1458 = arith.constant 1 : i32
        %while3A_1459 = scf.for %while3A_1461 = %while3A_1455 to %while3A_1451 step %while3A_1458 iter_args(%while3A_1462 = %while3A_1457) -> (i32)  : i32 {
          %mul3A_1463 = arith.constant 128 : i32
          %mul3A_1464 = arith.muli %while3A_1409, %mul3A_1463 : i32
          %add3A_1465 = arith.addi %mul3A_1464, %while3A_1461 : i32
          %broadcast_in_dim3A_1466 = vector.broadcast %add3A_1465 : i32 to vector<16xi32>
          %gather3A = tpu.vector_load_idx %arg8[%broadcast_in_dim3A_1466] : memref<12016xi32, #tpu.memory_space<vmem>>[vector<16xi32>], vector<16xi32>,
          %broadcast_in_dim3A_1467 = vector.broadcast %while3A_1461 : i32 to vector<16xi32>
          %gather3A_1468 = tpu.vector_load_idx %arg13[%broadcast_in_dim3A_1447, %broadcast_in_dim3A_1467, %iota3A] : memref<8x128x16xf32, #tpu.memory_space<vmem>>[vector<16xi32>, vector<16xi32>, vector<16xi32>], vector<16xf32>,
          %add3A_1469 = arith.addi %gather3A, %mul3A_3 : vector<16xi32>
          tpu.vector_store_idx %arg11[%add3A_1469], %gather3A_1468 : memref<71424xf32, #tpu.memory_space<vmem>>[vector<16xi32>], vector<16xf32>,
          %while3A_1470 = arith.constant 0 : i32
          scf.yield %while3A_1470 : i32
        }
        %while3A_1460 = arith.constant 0 : i32
        scf.yield %while3A_1460 : i32
      }
      %mul3A_234 = arith.constant 64 : i32
      %mul3A_235 = arith.muli %select_n3A, %mul3A_234 : i32
      %add3A_236 = arith.constant 0 : i32
      %add3A_237 = arith.addi %mul3A_235, %add3A_236 : i32
      %add3A_238 = arith.constant 0 : i32
      %add3A_239 = arith.addi %add3A_237, %add3A_238 : i32
      %mul3A_240 = arith.constant 432 : i32
      %mul3A_241 = arith.muli %add3A_239, %mul3A_240 : i32
      %add3A_242 = arith.addi %mul3A_241, %mul3A_57 : i32
      %mul3A_243 = arith.constant 496 : i32
      %mul3A_244 = arith.muli %add3A_242, %mul3A_243 : i32
      %dma_start3A = arith.constant 0 : i32
      %dma_start3A_245 = tpu.memref_slice %arg11[%dma_start3A] : memref<71424xf32, #tpu.memory_space<vmem>> -> memref<4464xf32, #tpu.memory_space<vmem>>
      %dma_start3A_246 = tpu.memref_slice %arg5[%mul3A_244] : memref<54853632xf32, #tpu.memory_space<hbm>> -> memref<4464xf32, #tpu.memory_space<hbm>>
      %dma_start3A_247 = tpu.memref_slice %arg5[%mul3A_244] : memref<54853632xf32, #tpu.memory_space<hbm>> -> memref<4464xf32, #tpu.memory_space<hbm>>
      %dma_start3A_248 = arith.constant 0 : i32
      %dma_start3A_249 = tpu.memref_slice %arg11[%dma_start3A_248] : memref<71424xf32, #tpu.memory_space<vmem>> -> memref<4464xf32, #tpu.memory_space<vmem>>
      tpu.enqueue_dma source(%dma_start3A_249 : memref<4464xf32, #tpu.memory_space<vmem>>) target(%dma_start3A_247 : memref<4464xf32, #tpu.memory_space<hbm>>) target_semaphore(%arg23 : memref<!tpu.dma_semaphore, #tpu.memory_space<semaphore_mem>>)
      %mul3A_250 = arith.constant 64 : i32
      %mul3A_251 = arith.muli %select_n3A, %mul3A_250 : i32
      %add3A_252 = arith.constant 0 : i32
      %add3A_253 = arith.addi %mul3A_251, %add3A_252 : i32
      %add3A_254 = arith.constant 1 : i32
      %add3A_255 = arith.addi %add3A_253, %add3A_254 : i32
      %mul3A_256 = arith.constant 432 : i32
      %mul3A_257 = arith.muli %add3A_255, %mul3A_256 : i32
      %add3A_258 = arith.addi %mul3A_257, %mul3A_57 : i32
      %mul3A_259 = arith.constant 496 : i32
      %mul3A_260 = arith.muli %add3A_258, %mul3A_259 : i32
      %dma_start3A_261 = arith.constant 4464 : i32
      %dma_start3A_262 = tpu.memref_slice %arg11[%dma_start3A_261] : memref<71424xf32, #tpu.memory_space<vmem>> -> memref<4464xf32, #tpu.memory_space<vmem>>
      %dma_start3A_263 = tpu.memref_slice %arg5[%mul3A_260] : memref<54853632xf32, #tpu.memory_space<hbm>> -> memref<4464xf32, #tpu.memory_space<hbm>>
      %dma_start3A_264 = tpu.memref_slice %arg5[%mul3A_260] : memref<54853632xf32, #tpu.memory_space<hbm>> -> memref<4464xf32, #tpu.memory_space<hbm>>
      %dma_start3A_265 = arith.constant 4464 : i32
      %dma_start3A_266 = tpu.memref_slice %arg11[%dma_start3A_265] : memref<71424xf32, #tpu.memory_space<vmem>> -> memref<4464xf32, #tpu.memory_space<vmem>>
      tpu.enqueue_dma source(%dma_start3A_266 : memref<4464xf32, #tpu.memory_space<vmem>>) target(%dma_start3A_264 : memref<4464xf32, #tpu.memory_space<hbm>>) target_semaphore(%arg23 : memref<!tpu.dma_semaphore, #tpu.memory_space<semaphore_mem>>)
      %mul3A_267 = arith.constant 64 : i32
      %mul3A_268 = arith.muli %select_n3A, %mul3A_267 : i32
      %add3A_269 = arith.constant 0 : i32
      %add3A_270 = arith.addi %mul3A_268, %add3A_269 : i32
      %add3A_271 = arith.constant 2 : i32
      %add3A_272 = arith.addi %add3A_270, %add3A_271 : i32
      %mul3A_273 = arith.constant 432 : i32
      %mul3A_274 = arith.muli %add3A_272, %mul3A_273 : i32
      %add3A_275 = arith.addi %mul3A_274, %mul3A_57 : i32
      %mul3A_276 = arith.constant 496 : i32
      %mul3A_277 = arith.muli %add3A_275, %mul3A_276 : i32
      %dma_start3A_278 = arith.constant 8928 : i32
      %dma_start3A_279 = tpu.memref_slice %arg11[%dma_start3A_278] : memref<71424xf32, #tpu.memory_space<vmem>> -> memref<4464xf32, #tpu.memory_space<vmem>>
      %dma_start3A_280 = tpu.memref_slice %arg5[%mul3A_277] : memref<54853632xf32, #tpu.memory_space<hbm>> -> memref<4464xf32, #tpu.memory_space<hbm>>
      %dma_start3A_281 = tpu.memref_slice %arg5[%mul3A_277] : memref<54853632xf32, #tpu.memory_space<hbm>> -> memref<4464xf32, #tpu.memory_space<hbm>>
      %dma_start3A_282 = arith.constant 8928 : i32
      %dma_start3A_283 = tpu.memref_slice %arg11[%dma_start3A_282] : memref<71424xf32, #tpu.memory_space<vmem>> -> memref<4464xf32, #tpu.memory_space<vmem>>
      tpu.enqueue_dma source(%dma_start3A_283 : memref<4464xf32, #tpu.memory_space<vmem>>) target(%dma_start3A_281 : memref<4464xf32, #tpu.memory_space<hbm>>) target_semaphore(%arg23 : memref<!tpu.dma_semaphore, #tpu.memory_space<semaphore_mem>>)
      %mul3A_284 = arith.constant 64 : i32
      %mul3A_285 = arith.muli %select_n3A, %mul3A_284 : i32
      %add3A_286 = arith.constant 0 : i32
      %add3A_287 = arith.addi %mul3A_285, %add3A_286 : i32
      %add3A_288 = arith.constant 3 : i32
      %add3A_289 = arith.addi %add3A_287, %add3A_288 : i32
      %mul3A_290 = arith.constant 432 : i32
      %mul3A_291 = arith.muli %add3A_289, %mul3A_290 : i32
      %add3A_292 = arith.addi %mul3A_291, %mul3A_57 : i32
      %mul3A_293 = arith.constant 496 : i32
      %mul3A_294 = arith.muli %add3A_292, %mul3A_293 : i32
      %dma_start3A_295 = arith.constant 13392 : i32
      %dma_start3A_296 = tpu.memref_slice %arg11[%dma_start3A_295] : memref<71424xf32, #tpu.memory_space<vmem>> -> memref<4464xf32, #tpu.memory_space<vmem>>
      %dma_start3A_297 = tpu.memref_slice %arg5[%mul3A_294] : memref<54853632xf32, #tpu.memory_space<hbm>> -> memref<4464xf32, #tpu.memory_space<hbm>>
      %dma_start3A_298 = tpu.memref_slice %arg5[%mul3A_294] : memref<54853632xf32, #tpu.memory_space<hbm>> -> memref<4464xf32, #tpu.memory_space<hbm>>
      %dma_start3A_299 = arith.constant 13392 : i32
      %dma_start3A_300 = tpu.memref_slice %arg11[%dma_start3A_299] : memref<71424xf32, #tpu.memory_space<vmem>> -> memref<4464xf32, #tpu.memory_space<vmem>>
      tpu.enqueue_dma source(%dma_start3A_300 : memref<4464xf32, #tpu.memory_space<vmem>>) target(%dma_start3A_298 : memref<4464xf32, #tpu.memory_space<hbm>>) target_semaphore(%arg23 : memref<!tpu.dma_semaphore, #tpu.memory_space<semaphore_mem>>)
      %mul3A_301 = arith.constant 64 : i32
      %mul3A_302 = arith.muli %select_n3A, %mul3A_301 : i32
      %add3A_303 = arith.constant 0 : i32
      %add3A_304 = arith.addi %mul3A_302, %add3A_303 : i32
      %add3A_305 = arith.constant 4 : i32
      %add3A_306 = arith.addi %add3A_304, %add3A_305 : i32
      %mul3A_307 = arith.constant 432 : i32
      %mul3A_308 = arith.muli %add3A_306, %mul3A_307 : i32
      %add3A_309 = arith.addi %mul3A_308, %mul3A_57 : i32
      %mul3A_310 = arith.constant 496 : i32
      %mul3A_311 = arith.muli %add3A_309, %mul3A_310 : i32
      %dma_start3A_312 = arith.constant 17856 : i32
      %dma_start3A_313 = tpu.memref_slice %arg11[%dma_start3A_312] : memref<71424xf32, #tpu.memory_space<vmem>> -> memref<4464xf32, #tpu.memory_space<vmem>>
      %dma_start3A_314 = tpu.memref_slice %arg5[%mul3A_311] : memref<54853632xf32, #tpu.memory_space<hbm>> -> memref<4464xf32, #tpu.memory_space<hbm>>
      %dma_start3A_315 = tpu.memref_slice %arg5[%mul3A_311] : memref<54853632xf32, #tpu.memory_space<hbm>> -> memref<4464xf32, #tpu.memory_space<hbm>>
      %dma_start3A_316 = arith.constant 17856 : i32
      %dma_start3A_317 = tpu.memref_slice %arg11[%dma_start3A_316] : memref<71424xf32, #tpu.memory_space<vmem>> -> memref<4464xf32, #tpu.memory_space<vmem>>
      tpu.enqueue_dma source(%dma_start3A_317 : memref<4464xf32, #tpu.memory_space<vmem>>) target(%dma_start3A_315 : memref<4464xf32, #tpu.memory_space<hbm>>) target_semaphore(%arg23 : memref<!tpu.dma_semaphore, #tpu.memory_space<semaphore_mem>>)
      %mul3A_318 = arith.constant 64 : i32
      %mul3A_319 = arith.muli %select_n3A, %mul3A_318 : i32
      %add3A_320 = arith.constant 0 : i32
      %add3A_321 = arith.addi %mul3A_319, %add3A_320 : i32
      %add3A_322 = arith.constant 5 : i32
      %add3A_323 = arith.addi %add3A_321, %add3A_322 : i32
      %mul3A_324 = arith.constant 432 : i32
      %mul3A_325 = arith.muli %add3A_323, %mul3A_324 : i32
      %add3A_326 = arith.addi %mul3A_325, %mul3A_57 : i32
      %mul3A_327 = arith.constant 496 : i32
      %mul3A_328 = arith.muli %add3A_326, %mul3A_327 : i32
      %dma_start3A_329 = arith.constant 22320 : i32
      %dma_start3A_330 = tpu.memref_slice %arg11[%dma_start3A_329] : memref<71424xf32, #tpu.memory_space<vmem>> -> memref<4464xf32, #tpu.memory_space<vmem>>
      %dma_start3A_331 = tpu.memref_slice %arg5[%mul3A_328] : memref<54853632xf32, #tpu.memory_space<hbm>> -> memref<4464xf32, #tpu.memory_space<hbm>>
      %dma_start3A_332 = tpu.memref_slice %arg5[%mul3A_328] : memref<54853632xf32, #tpu.memory_space<hbm>> -> memref<4464xf32, #tpu.memory_space<hbm>>
      %dma_start3A_333 = arith.constant 22320 : i32
      %dma_start3A_334 = tpu.memref_slice %arg11[%dma_start3A_333] : memref<71424xf32, #tpu.memory_space<vmem>> -> memref<4464xf32, #tpu.memory_space<vmem>>
      tpu.enqueue_dma source(%dma_start3A_334 : memref<4464xf32, #tpu.memory_space<vmem>>) target(%dma_start3A_332 : memref<4464xf32, #tpu.memory_space<hbm>>) target_semaphore(%arg23 : memref<!tpu.dma_semaphore, #tpu.memory_space<semaphore_mem>>)
      %mul3A_335 = arith.constant 64 : i32
      %mul3A_336 = arith.muli %select_n3A, %mul3A_335 : i32
      %add3A_337 = arith.constant 0 : i32
      %add3A_338 = arith.addi %mul3A_336, %add3A_337 : i32
      %add3A_339 = arith.constant 6 : i32
      %add3A_340 = arith.addi %add3A_338, %add3A_339 : i32
      %mul3A_341 = arith.constant 432 : i32
      %mul3A_342 = arith.muli %add3A_340, %mul3A_341 : i32
      %add3A_343 = arith.addi %mul3A_342, %mul3A_57 : i32
      %mul3A_344 = arith.constant 496 : i32
      %mul3A_345 = arith.muli %add3A_343, %mul3A_344 : i32
      %dma_start3A_346 = arith.constant 26784 : i32
      %dma_start3A_347 = tpu.memref_slice %arg11[%dma_start3A_346] : memref<71424xf32, #tpu.memory_space<vmem>> -> memref<4464xf32, #tpu.memory_space<vmem>>
      %dma_start3A_348 = tpu.memref_slice %arg5[%mul3A_345] : memref<54853632xf32, #tpu.memory_space<hbm>> -> memref<4464xf32, #tpu.memory_space<hbm>>
      %dma_start3A_349 = tpu.memref_slice %arg5[%mul3A_345] : memref<54853632xf32, #tpu.memory_space<hbm>> -> memref<4464xf32, #tpu.memory_space<hbm>>
      %dma_start3A_350 = arith.constant 26784 : i32
      %dma_start3A_351 = tpu.memref_slice %arg11[%dma_start3A_350] : memref<71424xf32, #tpu.memory_space<vmem>> -> memref<4464xf32, #tpu.memory_space<vmem>>
      tpu.enqueue_dma source(%dma_start3A_351 : memref<4464xf32, #tpu.memory_space<vmem>>) target(%dma_start3A_349 : memref<4464xf32, #tpu.memory_space<hbm>>) target_semaphore(%arg23 : memref<!tpu.dma_semaphore, #tpu.memory_space<semaphore_mem>>)
      %mul3A_352 = arith.constant 64 : i32
      %mul3A_353 = arith.muli %select_n3A, %mul3A_352 : i32
      %add3A_354 = arith.constant 0 : i32
      %add3A_355 = arith.addi %mul3A_353, %add3A_354 : i32
      %add3A_356 = arith.constant 7 : i32
      %add3A_357 = arith.addi %add3A_355, %add3A_356 : i32
      %mul3A_358 = arith.constant 432 : i32
      %mul3A_359 = arith.muli %add3A_357, %mul3A_358 : i32
      %add3A_360 = arith.addi %mul3A_359, %mul3A_57 : i32
      %mul3A_361 = arith.constant 496 : i32
      %mul3A_362 = arith.muli %add3A_360, %mul3A_361 : i32
      %dma_start3A_363 = arith.constant 31248 : i32
      %dma_start3A_364 = tpu.memref_slice %arg11[%dma_start3A_363] : memref<71424xf32, #tpu.memory_space<vmem>> -> memref<4464xf32, #tpu.memory_space<vmem>>
      %dma_start3A_365 = tpu.memref_slice %arg5[%mul3A_362] : memref<54853632xf32, #tpu.memory_space<hbm>> -> memref<4464xf32, #tpu.memory_space<hbm>>
      %dma_start3A_366 = tpu.memref_slice %arg5[%mul3A_362] : memref<54853632xf32, #tpu.memory_space<hbm>> -> memref<4464xf32, #tpu.memory_space<hbm>>
      %dma_start3A_367 = arith.constant 31248 : i32
      %dma_start3A_368 = tpu.memref_slice %arg11[%dma_start3A_367] : memref<71424xf32, #tpu.memory_space<vmem>> -> memref<4464xf32, #tpu.memory_space<vmem>>
      tpu.enqueue_dma source(%dma_start3A_368 : memref<4464xf32, #tpu.memory_space<vmem>>) target(%dma_start3A_366 : memref<4464xf32, #tpu.memory_space<hbm>>) target_semaphore(%arg23 : memref<!tpu.dma_semaphore, #tpu.memory_space<semaphore_mem>>)
      %mul3A_369 = arith.constant 64 : i32
      %mul3A_370 = arith.muli %select_n3A, %mul3A_369 : i32
      %add3A_371 = arith.constant 0 : i32
      %add3A_372 = arith.addi %mul3A_370, %add3A_371 : i32
      %add3A_373 = arith.constant 8 : i32
      %add3A_374 = arith.addi %add3A_372, %add3A_373 : i32
      %mul3A_375 = arith.constant 432 : i32
      %mul3A_376 = arith.muli %add3A_374, %mul3A_375 : i32
      %add3A_377 = arith.addi %mul3A_376, %mul3A_57 : i32
      %mul3A_378 = arith.constant 496 : i32
      %mul3A_379 = arith.muli %add3A_377, %mul3A_378 : i32
      %dma_start3A_380 = arith.constant 35712 : i32
      %dma_start3A_381 = tpu.memref_slice %arg11[%dma_start3A_380] : memref<71424xf32, #tpu.memory_space<vmem>> -> memref<4464xf32, #tpu.memory_space<vmem>>
      %dma_start3A_382 = tpu.memref_slice %arg5[%mul3A_379] : memref<54853632xf32, #tpu.memory_space<hbm>> -> memref<4464xf32, #tpu.memory_space<hbm>>
      %dma_start3A_383 = tpu.memref_slice %arg5[%mul3A_379] : memref<54853632xf32, #tpu.memory_space<hbm>> -> memref<4464xf32, #tpu.memory_space<hbm>>
      %dma_start3A_384 = arith.constant 35712 : i32
      %dma_start3A_385 = tpu.memref_slice %arg11[%dma_start3A_384] : memref<71424xf32, #tpu.memory_space<vmem>> -> memref<4464xf32, #tpu.memory_space<vmem>>
      tpu.enqueue_dma source(%dma_start3A_385 : memref<4464xf32, #tpu.memory_space<vmem>>) target(%dma_start3A_383 : memref<4464xf32, #tpu.memory_space<hbm>>) target_semaphore(%arg23 : memref<!tpu.dma_semaphore, #tpu.memory_space<semaphore_mem>>)
      %mul3A_386 = arith.constant 64 : i32
      %mul3A_387 = arith.muli %select_n3A, %mul3A_386 : i32
      %add3A_388 = arith.constant 0 : i32
      %add3A_389 = arith.addi %mul3A_387, %add3A_388 : i32
      %add3A_390 = arith.constant 9 : i32
      %add3A_391 = arith.addi %add3A_389, %add3A_390 : i32
      %mul3A_392 = arith.constant 432 : i32
      %mul3A_393 = arith.muli %add3A_391, %mul3A_392 : i32
      %add3A_394 = arith.addi %mul3A_393, %mul3A_57 : i32
      %mul3A_395 = arith.constant 496 : i32
      %mul3A_396 = arith.muli %add3A_394, %mul3A_395 : i32
      %dma_start3A_397 = arith.constant 40176 : i32
      %dma_start3A_398 = tpu.memref_slice %arg11[%dma_start3A_397] : memref<71424xf32, #tpu.memory_space<vmem>> -> memref<4464xf32, #tpu.memory_space<vmem>>
      %dma_start3A_399 = tpu.memref_slice %arg5[%mul3A_396] : memref<54853632xf32, #tpu.memory_space<hbm>> -> memref<4464xf32, #tpu.memory_space<hbm>>
      %dma_start3A_400 = tpu.memref_slice %arg5[%mul3A_396] : memref<54853632xf32, #tpu.memory_space<hbm>> -> memref<4464xf32, #tpu.memory_space<hbm>>
      %dma_start3A_401 = arith.constant 40176 : i32
      %dma_start3A_402 = tpu.memref_slice %arg11[%dma_start3A_401] : memref<71424xf32, #tpu.memory_space<vmem>> -> memref<4464xf32, #tpu.memory_space<vmem>>
      tpu.enqueue_dma source(%dma_start3A_402 : memref<4464xf32, #tpu.memory_space<vmem>>) target(%dma_start3A_400 : memref<4464xf32, #tpu.memory_space<hbm>>) target_semaphore(%arg23 : memref<!tpu.dma_semaphore, #tpu.memory_space<semaphore_mem>>)
      %mul3A_403 = arith.constant 64 : i32
      %mul3A_404 = arith.muli %select_n3A, %mul3A_403 : i32
      %add3A_405 = arith.constant 0 : i32
      %add3A_406 = arith.addi %mul3A_404, %add3A_405 : i32
      %add3A_407 = arith.constant 10 : i32
      %add3A_408 = arith.addi %add3A_406, %add3A_407 : i32
      %mul3A_409 = arith.constant 432 : i32
      %mul3A_410 = arith.muli %add3A_408, %mul3A_409 : i32
      %add3A_411 = arith.addi %mul3A_410, %mul3A_57 : i32
      %mul3A_412 = arith.constant 496 : i32
      %mul3A_413 = arith.muli %add3A_411, %mul3A_412 : i32
      %dma_start3A_414 = arith.constant 44640 : i32
      %dma_start3A_415 = tpu.memref_slice %arg11[%dma_start3A_414] : memref<71424xf32, #tpu.memory_space<vmem>> -> memref<4464xf32, #tpu.memory_space<vmem>>
      %dma_start3A_416 = tpu.memref_slice %arg5[%mul3A_413] : memref<54853632xf32, #tpu.memory_space<hbm>> -> memref<4464xf32, #tpu.memory_space<hbm>>
      %dma_start3A_417 = tpu.memref_slice %arg5[%mul3A_413] : memref<54853632xf32, #tpu.memory_space<hbm>> -> memref<4464xf32, #tpu.memory_space<hbm>>
      %dma_start3A_418 = arith.constant 44640 : i32
      %dma_start3A_419 = tpu.memref_slice %arg11[%dma_start3A_418] : memref<71424xf32, #tpu.memory_space<vmem>> -> memref<4464xf32, #tpu.memory_space<vmem>>
      tpu.enqueue_dma source(%dma_start3A_419 : memref<4464xf32, #tpu.memory_space<vmem>>) target(%dma_start3A_417 : memref<4464xf32, #tpu.memory_space<hbm>>) target_semaphore(%arg23 : memref<!tpu.dma_semaphore, #tpu.memory_space<semaphore_mem>>)
      %mul3A_420 = arith.constant 64 : i32
      %mul3A_421 = arith.muli %select_n3A, %mul3A_420 : i32
      %add3A_422 = arith.constant 0 : i32
      %add3A_423 = arith.addi %mul3A_421, %add3A_422 : i32
      %add3A_424 = arith.constant 11 : i32
      %add3A_425 = arith.addi %add3A_423, %add3A_424 : i32
      %mul3A_426 = arith.constant 432 : i32
      %mul3A_427 = arith.muli %add3A_425, %mul3A_426 : i32
      %add3A_428 = arith.addi %mul3A_427, %mul3A_57 : i32
      %mul3A_429 = arith.constant 496 : i32
      %mul3A_430 = arith.muli %add3A_428, %mul3A_429 : i32
      %dma_start3A_431 = arith.constant 49104 : i32
      %dma_start3A_432 = tpu.memref_slice %arg11[%dma_start3A_431] : memref<71424xf32, #tpu.memory_space<vmem>> -> memref<4464xf32, #tpu.memory_space<vmem>>
      %dma_start3A_433 = tpu.memref_slice %arg5[%mul3A_430] : memref<54853632xf32, #tpu.memory_space<hbm>> -> memref<4464xf32, #tpu.memory_space<hbm>>
      %dma_start3A_434 = tpu.memref_slice %arg5[%mul3A_430] : memref<54853632xf32, #tpu.memory_space<hbm>> -> memref<4464xf32, #tpu.memory_space<hbm>>
      %dma_start3A_435 = arith.constant 49104 : i32
      %dma_start3A_436 = tpu.memref_slice %arg11[%dma_start3A_435] : memref<71424xf32, #tpu.memory_space<vmem>> -> memref<4464xf32, #tpu.memory_space<vmem>>
      tpu.enqueue_dma source(%dma_start3A_436 : memref<4464xf32, #tpu.memory_space<vmem>>) target(%dma_start3A_434 : memref<4464xf32, #tpu.memory_space<hbm>>) target_semaphore(%arg23 : memref<!tpu.dma_semaphore, #tpu.memory_space<semaphore_mem>>)
      %mul3A_437 = arith.constant 64 : i32
      %mul3A_438 = arith.muli %select_n3A, %mul3A_437 : i32
      %add3A_439 = arith.constant 0 : i32
      %add3A_440 = arith.addi %mul3A_438, %add3A_439 : i32
      %add3A_441 = arith.constant 12 : i32
      %add3A_442 = arith.addi %add3A_440, %add3A_441 : i32
      %mul3A_443 = arith.constant 432 : i32
      %mul3A_444 = arith.muli %add3A_442, %mul3A_443 : i32
      %add3A_445 = arith.addi %mul3A_444, %mul3A_57 : i32
      %mul3A_446 = arith.constant 496 : i32
      %mul3A_447 = arith.muli %add3A_445, %mul3A_446 : i32
      %dma_start3A_448 = arith.constant 53568 : i32
      %dma_start3A_449 = tpu.memref_slice %arg11[%dma_start3A_448] : memref<71424xf32, #tpu.memory_space<vmem>> -> memref<4464xf32, #tpu.memory_space<vmem>>
      %dma_start3A_450 = tpu.memref_slice %arg5[%mul3A_447] : memref<54853632xf32, #tpu.memory_space<hbm>> -> memref<4464xf32, #tpu.memory_space<hbm>>
      %dma_start3A_451 = tpu.memref_slice %arg5[%mul3A_447] : memref<54853632xf32, #tpu.memory_space<hbm>> -> memref<4464xf32, #tpu.memory_space<hbm>>
      %dma_start3A_452 = arith.constant 53568 : i32
      %dma_start3A_453 = tpu.memref_slice %arg11[%dma_start3A_452] : memref<71424xf32, #tpu.memory_space<vmem>> -> memref<4464xf32, #tpu.memory_space<vmem>>
      tpu.enqueue_dma source(%dma_start3A_453 : memref<4464xf32, #tpu.memory_space<vmem>>) target(%dma_start3A_451 : memref<4464xf32, #tpu.memory_space<hbm>>) target_semaphore(%arg23 : memref<!tpu.dma_semaphore, #tpu.memory_space<semaphore_mem>>)
      %mul3A_454 = arith.constant 64 : i32
      %mul3A_455 = arith.muli %select_n3A, %mul3A_454 : i32
      %add3A_456 = arith.constant 0 : i32
      %add3A_457 = arith.addi %mul3A_455, %add3A_456 : i32
      %add3A_458 = arith.constant 13 : i32
      %add3A_459 = arith.addi %add3A_457, %add3A_458 : i32
      %mul3A_460 = arith.constant 432 : i32
      %mul3A_461 = arith.muli %add3A_459, %mul3A_460 : i32
      %add3A_462 = arith.addi %mul3A_461, %mul3A_57 : i32
      %mul3A_463 = arith.constant 496 : i32
      %mul3A_464 = arith.muli %add3A_462, %mul3A_463 : i32
      %dma_start3A_465 = arith.constant 58032 : i32
      %dma_start3A_466 = tpu.memref_slice %arg11[%dma_start3A_465] : memref<71424xf32, #tpu.memory_space<vmem>> -> memref<4464xf32, #tpu.memory_space<vmem>>
      %dma_start3A_467 = tpu.memref_slice %arg5[%mul3A_464] : memref<54853632xf32, #tpu.memory_space<hbm>> -> memref<4464xf32, #tpu.memory_space<hbm>>
      %dma_start3A_468 = tpu.memref_slice %arg5[%mul3A_464] : memref<54853632xf32, #tpu.memory_space<hbm>> -> memref<4464xf32, #tpu.memory_space<hbm>>
      %dma_start3A_469 = arith.constant 58032 : i32
      %dma_start3A_470 = tpu.memref_slice %arg11[%dma_start3A_469] : memref<71424xf32, #tpu.memory_space<vmem>> -> memref<4464xf32, #tpu.memory_space<vmem>>
      tpu.enqueue_dma source(%dma_start3A_470 : memref<4464xf32, #tpu.memory_space<vmem>>) target(%dma_start3A_468 : memref<4464xf32, #tpu.memory_space<hbm>>) target_semaphore(%arg23 : memref<!tpu.dma_semaphore, #tpu.memory_space<semaphore_mem>>)
      %mul3A_471 = arith.constant 64 : i32
      %mul3A_472 = arith.muli %select_n3A, %mul3A_471 : i32
      %add3A_473 = arith.constant 0 : i32
      %add3A_474 = arith.addi %mul3A_472, %add3A_473 : i32
      %add3A_475 = arith.constant 14 : i32
      %add3A_476 = arith.addi %add3A_474, %add3A_475 : i32
      %mul3A_477 = arith.constant 432 : i32
      %mul3A_478 = arith.muli %add3A_476, %mul3A_477 : i32
      %add3A_479 = arith.addi %mul3A_478, %mul3A_57 : i32
      %mul3A_480 = arith.constant 496 : i32
      %mul3A_481 = arith.muli %add3A_479, %mul3A_480 : i32
      %dma_start3A_482 = arith.constant 62496 : i32
      %dma_start3A_483 = tpu.memref_slice %arg11[%dma_start3A_482] : memref<71424xf32, #tpu.memory_space<vmem>> -> memref<4464xf32, #tpu.memory_space<vmem>>
      %dma_start3A_484 = tpu.memref_slice %arg5[%mul3A_481] : memref<54853632xf32, #tpu.memory_space<hbm>> -> memref<4464xf32, #tpu.memory_space<hbm>>
      %dma_start3A_485 = tpu.memref_slice %arg5[%mul3A_481] : memref<54853632xf32, #tpu.memory_space<hbm>> -> memref<4464xf32, #tpu.memory_space<hbm>>
      %dma_start3A_486 = arith.constant 62496 : i32
      %dma_start3A_487 = tpu.memref_slice %arg11[%dma_start3A_486] : memref<71424xf32, #tpu.memory_space<vmem>> -> memref<4464xf32, #tpu.memory_space<vmem>>
      tpu.enqueue_dma source(%dma_start3A_487 : memref<4464xf32, #tpu.memory_space<vmem>>) target(%dma_start3A_485 : memref<4464xf32, #tpu.memory_space<hbm>>) target_semaphore(%arg23 : memref<!tpu.dma_semaphore, #tpu.memory_space<semaphore_mem>>)
      %mul3A_488 = arith.constant 64 : i32
      %mul3A_489 = arith.muli %select_n3A, %mul3A_488 : i32
      %add3A_490 = arith.constant 0 : i32
      %add3A_491 = arith.addi %mul3A_489, %add3A_490 : i32
      %add3A_492 = arith.constant 15 : i32
      %add3A_493 = arith.addi %add3A_491, %add3A_492 : i32
      %mul3A_494 = arith.constant 432 : i32
      %mul3A_495 = arith.muli %add3A_493, %mul3A_494 : i32
      %add3A_496 = arith.addi %mul3A_495, %mul3A_57 : i32
      %mul3A_497 = arith.constant 496 : i32
      %mul3A_498 = arith.muli %add3A_496, %mul3A_497 : i32
      %dma_start3A_499 = arith.constant 66960 : i32
      %dma_start3A_500 = tpu.memref_slice %arg11[%dma_start3A_499] : memref<71424xf32, #tpu.memory_space<vmem>> -> memref<4464xf32, #tpu.memory_space<vmem>>
      %dma_start3A_501 = tpu.memref_slice %arg5[%mul3A_498] : memref<54853632xf32, #tpu.memory_space<hbm>> -> memref<4464xf32, #tpu.memory_space<hbm>>
      %dma_start3A_502 = tpu.memref_slice %arg5[%mul3A_498] : memref<54853632xf32, #tpu.memory_space<hbm>> -> memref<4464xf32, #tpu.memory_space<hbm>>
      %dma_start3A_503 = arith.constant 66960 : i32
      %dma_start3A_504 = tpu.memref_slice %arg11[%dma_start3A_503] : memref<71424xf32, #tpu.memory_space<vmem>> -> memref<4464xf32, #tpu.memory_space<vmem>>
      tpu.enqueue_dma source(%dma_start3A_504 : memref<4464xf32, #tpu.memory_space<vmem>>) target(%dma_start3A_502 : memref<4464xf32, #tpu.memory_space<hbm>>) target_semaphore(%arg23 : memref<!tpu.dma_semaphore, #tpu.memory_space<semaphore_mem>>)
      %dma_wait3A_505 = arith.constant 0 : i32
      %dma_wait3A_506 = tpu.memref_slice %arg5[%dma_wait3A_505] : memref<54853632xf32, #tpu.memory_space<hbm>> -> memref<71424xf32, #tpu.memory_space<hbm>>
      %dma_wait3A_507 = arith.constant 0 : i32
      %dma_wait3A_508 = tpu.memref_slice %arg5[%dma_wait3A_507] : memref<54853632xf32, #tpu.memory_space<hbm>> -> memref<71424xf32, #tpu.memory_space<hbm>>
      tpu.wait_dma2 semaphore(%arg23 : memref<!tpu.dma_semaphore, #tpu.memory_space<semaphore_mem>>) src(%arg11 : memref<71424xf32, #tpu.memory_space<vmem>>) dst(%dma_wait3A_508 : memref<71424xf32, #tpu.memory_space<hbm>>)
      %while3A_509 = arith.constant 0 : i32
      %while3A_510 = arith.constant 0 : i32
      %while3A_511 = arith.subi %select_n3A_167, %while3A_509 : i32
      %while3A_512 = arith.addi %while3A_509, %while3A_511 : i32
      %while3A_513 = arith.constant 1 : i32
      %while3A_514 = arith.divsi %while3A_511, %while3A_513 : i32
      %while3A_515 = arith.muli %while3A_514, %while3A_513 : i32
      %while3A_516 = arith.addi %while3A_509, %while3A_515 : i32
      %while3A_517 = arith.constant 1 : i32
      %while3A_518 = scf.for %while3A_1409 = %while3A_509 to %while3A_516 step %while3A_517 iter_args(%while3A_1410 = %while3A_510) -> (i32)  : i32 {
        %and3A_1411 = arith.constant 1 : i32
        %and3A_1412 = arith.andi %while3A_1409, %and3A_1411 : i32
        %ge3A = arith.constant 2 : i32
        %ge3A_1413 = arith.cmpi sge, %while3A_1409, %ge3A : i32
        %eq3A_1414 = arith.constant 0 : i32
        %eq3A_1415 = arith.cmpi eq, %and3A_1412, %eq3A_1414 : i32
        %and3A_1416 = arith.andi %ge3A_1413, %eq3A_1415 : i1
        %convert_element_type3A_1417 = arith.extui %and3A_1416 : i1 to i32
        %cond3A_1418 = arith.constant 0 : i32
        %cond3A_1419 = arith.cmpi ne, %convert_element_type3A_1417, %cond3A_1418 : i32
        scf.if %cond3A_1419 {
          %mul3A_1461 = arith.constant 128 : i32
          %mul3A_1462 = arith.muli %while3A_1409, %mul3A_1461 : i32
          %scan3A_1463 = arith.constant 0 : i32
          %scan3A_1464 = arith.constant 0 : i32
          %scan3A_1465 = arith.constant 8 : i32
          %scan3A_1466 = arith.addi %scan3A_1464, %scan3A_1465 : i32
          %scan3A_1467 = arith.constant 1 : i32
          %scan3A_1468 = scf.for %scan3A_1490 = %scan3A_1464 to %scan3A_1466 step %scan3A_1467 iter_args(%scan3A_1491 = %scan3A_1463) -> (i32)  : i32 {
            %mul3A_1492 = arith.constant 16 : i32
            %mul3A_1493 = arith.muli %scan3A_1490, %mul3A_1492 : i32
            %add3A_1494 = arith.addi %mul3A_1462, %mul3A_1493 : i32
            %get3A = arith.index_cast %add3A_1494 : i32 to index
            %get3A_1495 = tpu.vector_load %arg9[%get3A] {strides = array<i32>} : memref<12016xi32, #tpu.memory_space<vmem>>, vector<16xi32>,
            %add3A_1496 = vector.broadcast %add3A_1494 : i32 to vector<16xi32>
            %add3A_1497 = arith.addi %add3A_1496, %iota3A : vector<16xi32>
            %lt3A_1498 = vector.broadcast %reduce_max3A_139 : i32 to vector<16xi32>
            %lt3A_1499 = arith.cmpi slt, %add3A_1497, %lt3A_1498 : vector<16xi32>
            %add3A_1500 = arith.constant 1 : i32
            %add3A_1501 = vector.broadcast %add3A_1500 : i32 to vector<16xi32>
            %add3A_1502 = arith.addi %get3A_1495, %add3A_1501 : vector<16xi32>
            %jit3A_1503 = arith.constant 0 : i32
            %broadcast_in_dim3A_1504 = vector.broadcast %jit3A_1503 : i32 to vector<16xi32>
            %select_n3A_1505 = arith.select %lt3A_1499, %add3A_1502, %broadcast_in_dim3A_1504 : vector<16xi1>, vector<16xi32>
            %mul3A_1506 = arith.constant 16 : i32
            %mul3A_1507 = arith.muli %scan3A_1490, %mul3A_1506 : i32
            %add3A_1508 = arith.constant 256 : i32
            %add3A_1509 = arith.addi %add3A_1508, %mul3A_1507 : i32
            %swap3A = arith.index_cast %add3A_1509 : i32 to index
            %swap3A_1510 = tpu.vector_load %arg12[%swap3A] {strides = array<i32>} : memref<1024xi32, #tpu.memory_space<vmem>>, vector<16xi32>,
            tpu.vector_store %arg12[%swap3A], %select_n3A_1505 {strides = array<i32>} : memref<1024xi32, #tpu.memory_space<vmem>>, vector<16xi32>,
            %scan3A_1511 = arith.constant 0 : i32
            scf.yield %scan3A_1511 : i32
          }
          %scan3A_1469 = arith.constant 8 : i32
          %dma_start3A_1470 = arith.constant 2 : i32
          %dma_start3A_1471 = arith.constant 0 : i32
          %dma_start3A_1472 = arith.constant 0 : i32
          %dma_start3A_1473 = tpu.memref_slice %arg13[%dma_start3A_1470, %dma_start3A_1471, %dma_start3A_1472] : memref<8x128x16xf32, #tpu.memory_space<vmem>> -> memref<1x128x16xf32, #tpu.memory_space<vmem>>
          %dma_start3A_1474 = tpu.memref_squeeze %dma_start3A_1473 : memref<1x128x16xf32, #tpu.memory_space<vmem>> -> memref<128x16xf32, #tpu.memory_space<vmem>>
          %dma_start3A_1475 = arith.constant 256 : i32
          %dma_start3A_1476 = tpu.memref_slice %arg12[%dma_start3A_1475] : memref<1024xi32, #tpu.memory_space<vmem>> -> memref<128xi32, #tpu.memory_space<vmem>>
          %dma_start3A_1477 = arith.constant 0 : i32
          %dma_start3A_1478 = arith.constant 0 : i32
          %dma_start3A_1479 = tpu.memref_slice %arg4[%dma_start3A_1477, %dma_start3A_1478] : memref<192000x16xf32, #tpu.memory_space<hbm>> -> memref<192000x16xf32, #tpu.memory_space<hbm>>
          tpu.enqueue_indirect_dma source(%dma_start3A_1479 : memref<192000x16xf32, #tpu.memory_space<hbm>>) target(%dma_start3A_1474 : memref<128x16xf32, #tpu.memory_space<vmem>>) offsets(%dma_start3A_1476 : memref<128xi32, #tpu.memory_space<vmem>>) semaphore(%arg17 : memref<!tpu.dma_semaphore, #tpu.memory_space<semaphore_mem>>)
          %dma_wait3A_1480 = arith.constant 2 : i32
          %dma_wait3A_1481 = arith.constant 0 : i32
          %dma_wait3A_1482 = arith.constant 0 : i32
          %dma_wait3A_1483 = tpu.memref_slice %arg13[%dma_wait3A_1480, %dma_wait3A_1481, %dma_wait3A_1482] : memref<8x128x16xf32, #tpu.memory_space<vmem>> -> memref<1x128x16xf32, #tpu.memory_space<vmem>>
          %dma_wait3A_1484 = tpu.memref_squeeze %dma_wait3A_1483 : memref<1x128x16xf32, #tpu.memory_space<vmem>> -> memref<128x16xf32, #tpu.memory_space<vmem>>
          %dma_wait3A_1485 = arith.constant 256 : i32
          %dma_wait3A_1486 = tpu.memref_slice %arg12[%dma_wait3A_1485] : memref<1024xi32, #tpu.memory_space<vmem>> -> memref<128xi32, #tpu.memory_space<vmem>>
          %dma_wait3A_1487 = arith.constant 0 : i32
          %dma_wait3A_1488 = arith.constant 0 : i32
          %dma_wait3A_1489 = tpu.memref_slice %arg4[%dma_wait3A_1487, %dma_wait3A_1488] : memref<192000x16xf32, #tpu.memory_space<hbm>> -> memref<192000x16xf32, #tpu.memory_space<hbm>>
          tpu.wait_indirect_dma semaphore(%arg17 : memref<!tpu.dma_semaphore, #tpu.memory_space<semaphore_mem>>) src(%dma_wait3A_1489 : memref<192000x16xf32, #tpu.memory_space<hbm>>) dst(%dma_wait3A_1484 : memref<128x16xf32, #tpu.memory_space<vmem>>)
        } else {
        }
        %not3A = arith.constant true
        %not3A_1420 = arith.xori %ge3A_1413, %not3A : i1
        %eq3A_1421 = arith.constant 0 : i32
        %eq3A_1422 = arith.cmpi eq, %and3A_1412, %eq3A_1421 : i32
        %and3A_1423 = arith.andi %not3A_1420, %eq3A_1422 : i1
        %convert_element_type3A_1424 = arith.extui %and3A_1423 : i1 to i32
        %cond3A_1425 = arith.constant 0 : i32
        %cond3A_1426 = arith.cmpi ne, %convert_element_type3A_1424, %cond3A_1425 : i32
        scf.if %cond3A_1426 {
          %dma_wait3A_1461 = arith.constant 2 : i32
          %dma_wait3A_1462 = arith.constant 0 : i32
          %dma_wait3A_1463 = arith.constant 0 : i32
          %dma_wait3A_1464 = tpu.memref_slice %arg13[%dma_wait3A_1461, %dma_wait3A_1462, %dma_wait3A_1463] : memref<8x128x16xf32, #tpu.memory_space<vmem>> -> memref<1x128x16xf32, #tpu.memory_space<vmem>>
          %dma_wait3A_1465 = tpu.memref_squeeze %dma_wait3A_1464 : memref<1x128x16xf32, #tpu.memory_space<vmem>> -> memref<128x16xf32, #tpu.memory_space<vmem>>
          %dma_wait3A_1466 = arith.constant 256 : i32
          %dma_wait3A_1467 = tpu.memref_slice %arg12[%dma_wait3A_1466] : memref<1024xi32, #tpu.memory_space<vmem>> -> memref<128xi32, #tpu.memory_space<vmem>>
          %dma_wait3A_1468 = arith.constant 0 : i32
          %dma_wait3A_1469 = arith.constant 0 : i32
          %dma_wait3A_1470 = tpu.memref_slice %arg4[%dma_wait3A_1468, %dma_wait3A_1469] : memref<192000x16xf32, #tpu.memory_space<hbm>> -> memref<192000x16xf32, #tpu.memory_space<hbm>>
          tpu.wait_indirect_dma semaphore(%arg17 : memref<!tpu.dma_semaphore, #tpu.memory_space<semaphore_mem>>) src(%dma_wait3A_1470 : memref<192000x16xf32, #tpu.memory_space<hbm>>) dst(%dma_wait3A_1465 : memref<128x16xf32, #tpu.memory_space<vmem>>)
        } else {
        }
        %eq3A_1427 = arith.constant 1 : i32
        %eq3A_1428 = arith.cmpi eq, %and3A_1412, %eq3A_1427 : i32
        %and3A_1429 = arith.andi %ge3A_1413, %eq3A_1428 : i1
        %convert_element_type3A_1430 = arith.extui %and3A_1429 : i1 to i32
        %cond3A_1431 = arith.constant 0 : i32
        %cond3A_1432 = arith.cmpi ne, %convert_element_type3A_1430, %cond3A_1431 : i32
        scf.if %cond3A_1432 {
          %mul3A_1461 = arith.constant 128 : i32
          %mul3A_1462 = arith.muli %while3A_1409, %mul3A_1461 : i32
          %scan3A_1463 = arith.constant 0 : i32
          %scan3A_1464 = arith.constant 0 : i32
          %scan3A_1465 = arith.constant 8 : i32
          %scan3A_1466 = arith.addi %scan3A_1464, %scan3A_1465 : i32
          %scan3A_1467 = arith.constant 1 : i32
          %scan3A_1468 = scf.for %scan3A_1490 = %scan3A_1464 to %scan3A_1466 step %scan3A_1467 iter_args(%scan3A_1491 = %scan3A_1463) -> (i32)  : i32 {
            %mul3A_1492 = arith.constant 16 : i32
            %mul3A_1493 = arith.muli %scan3A_1490, %mul3A_1492 : i32
            %add3A_1494 = arith.addi %mul3A_1462, %mul3A_1493 : i32
            %get3A = arith.index_cast %add3A_1494 : i32 to index
            %get3A_1495 = tpu.vector_load %arg9[%get3A] {strides = array<i32>} : memref<12016xi32, #tpu.memory_space<vmem>>, vector<16xi32>,
            %add3A_1496 = vector.broadcast %add3A_1494 : i32 to vector<16xi32>
            %add3A_1497 = arith.addi %add3A_1496, %iota3A : vector<16xi32>
            %lt3A_1498 = vector.broadcast %reduce_max3A_139 : i32 to vector<16xi32>
            %lt3A_1499 = arith.cmpi slt, %add3A_1497, %lt3A_1498 : vector<16xi32>
            %add3A_1500 = arith.constant 1 : i32
            %add3A_1501 = vector.broadcast %add3A_1500 : i32 to vector<16xi32>
            %add3A_1502 = arith.addi %get3A_1495, %add3A_1501 : vector<16xi32>
            %jit3A_1503 = arith.constant 0 : i32
            %broadcast_in_dim3A_1504 = vector.broadcast %jit3A_1503 : i32 to vector<16xi32>
            %select_n3A_1505 = arith.select %lt3A_1499, %add3A_1502, %broadcast_in_dim3A_1504 : vector<16xi1>, vector<16xi32>
            %mul3A_1506 = arith.constant 16 : i32
            %mul3A_1507 = arith.muli %scan3A_1490, %mul3A_1506 : i32
            %add3A_1508 = arith.constant 384 : i32
            %add3A_1509 = arith.addi %add3A_1508, %mul3A_1507 : i32
            %swap3A = arith.index_cast %add3A_1509 : i32 to index
            %swap3A_1510 = tpu.vector_load %arg12[%swap3A] {strides = array<i32>} : memref<1024xi32, #tpu.memory_space<vmem>>, vector<16xi32>,
            tpu.vector_store %arg12[%swap3A], %select_n3A_1505 {strides = array<i32>} : memref<1024xi32, #tpu.memory_space<vmem>>, vector<16xi32>,
            %scan3A_1511 = arith.constant 0 : i32
            scf.yield %scan3A_1511 : i32
          }
          %scan3A_1469 = arith.constant 8 : i32
          %dma_start3A_1470 = arith.constant 3 : i32
          %dma_start3A_1471 = arith.constant 0 : i32
          %dma_start3A_1472 = arith.constant 0 : i32
          %dma_start3A_1473 = tpu.memref_slice %arg13[%dma_start3A_1470, %dma_start3A_1471, %dma_start3A_1472] : memref<8x128x16xf32, #tpu.memory_space<vmem>> -> memref<1x128x16xf32, #tpu.memory_space<vmem>>
          %dma_start3A_1474 = tpu.memref_squeeze %dma_start3A_1473 : memref<1x128x16xf32, #tpu.memory_space<vmem>> -> memref<128x16xf32, #tpu.memory_space<vmem>>
          %dma_start3A_1475 = arith.constant 384 : i32
          %dma_start3A_1476 = tpu.memref_slice %arg12[%dma_start3A_1475] : memref<1024xi32, #tpu.memory_space<vmem>> -> memref<128xi32, #tpu.memory_space<vmem>>
          %dma_start3A_1477 = arith.constant 0 : i32
          %dma_start3A_1478 = arith.constant 0 : i32
          %dma_start3A_1479 = tpu.memref_slice %arg4[%dma_start3A_1477, %dma_start3A_1478] : memref<192000x16xf32, #tpu.memory_space<hbm>> -> memref<192000x16xf32, #tpu.memory_space<hbm>>
          tpu.enqueue_indirect_dma source(%dma_start3A_1479 : memref<192000x16xf32, #tpu.memory_space<hbm>>) target(%dma_start3A_1474 : memref<128x16xf32, #tpu.memory_space<vmem>>) offsets(%dma_start3A_1476 : memref<128xi32, #tpu.memory_space<vmem>>) semaphore(%arg18 : memref<!tpu.dma_semaphore, #tpu.memory_space<semaphore_mem>>)
          %dma_wait3A_1480 = arith.constant 3 : i32
          %dma_wait3A_1481 = arith.constant 0 : i32
          %dma_wait3A_1482 = arith.constant 0 : i32
          %dma_wait3A_1483 = tpu.memref_slice %arg13[%dma_wait3A_1480, %dma_wait3A_1481, %dma_wait3A_1482] : memref<8x128x16xf32, #tpu.memory_space<vmem>> -> memref<1x128x16xf32, #tpu.memory_space<vmem>>
          %dma_wait3A_1484 = tpu.memref_squeeze %dma_wait3A_1483 : memref<1x128x16xf32, #tpu.memory_space<vmem>> -> memref<128x16xf32, #tpu.memory_space<vmem>>
          %dma_wait3A_1485 = arith.constant 384 : i32
          %dma_wait3A_1486 = tpu.memref_slice %arg12[%dma_wait3A_1485] : memref<1024xi32, #tpu.memory_space<vmem>> -> memref<128xi32, #tpu.memory_space<vmem>>
          %dma_wait3A_1487 = arith.constant 0 : i32
          %dma_wait3A_1488 = arith.constant 0 : i32
          %dma_wait3A_1489 = tpu.memref_slice %arg4[%dma_wait3A_1487, %dma_wait3A_1488] : memref<192000x16xf32, #tpu.memory_space<hbm>> -> memref<192000x16xf32, #tpu.memory_space<hbm>>
          tpu.wait_indirect_dma semaphore(%arg18 : memref<!tpu.dma_semaphore, #tpu.memory_space<semaphore_mem>>) src(%dma_wait3A_1489 : memref<192000x16xf32, #tpu.memory_space<hbm>>) dst(%dma_wait3A_1484 : memref<128x16xf32, #tpu.memory_space<vmem>>)
        } else {
        }
        %not3A_1433 = arith.constant true
        %not3A_1434 = arith.xori %ge3A_1413, %not3A_1433 : i1
        %eq3A_1435 = arith.constant 1 : i32
        %eq3A_1436 = arith.cmpi eq, %and3A_1412, %eq3A_1435 : i32
        %and3A_1437 = arith.andi %not3A_1434, %eq3A_1436 : i1
        %convert_element_type3A_1438 = arith.extui %and3A_1437 : i1 to i32
        %cond3A_1439 = arith.constant 0 : i32
        %cond3A_1440 = arith.cmpi ne, %convert_element_type3A_1438, %cond3A_1439 : i32
        scf.if %cond3A_1440 {
          %dma_wait3A_1461 = arith.constant 3 : i32
          %dma_wait3A_1462 = arith.constant 0 : i32
          %dma_wait3A_1463 = arith.constant 0 : i32
          %dma_wait3A_1464 = tpu.memref_slice %arg13[%dma_wait3A_1461, %dma_wait3A_1462, %dma_wait3A_1463] : memref<8x128x16xf32, #tpu.memory_space<vmem>> -> memref<1x128x16xf32, #tpu.memory_space<vmem>>
          %dma_wait3A_1465 = tpu.memref_squeeze %dma_wait3A_1464 : memref<1x128x16xf32, #tpu.memory_space<vmem>> -> memref<128x16xf32, #tpu.memory_space<vmem>>
          %dma_wait3A_1466 = arith.constant 384 : i32
          %dma_wait3A_1467 = tpu.memref_slice %arg12[%dma_wait3A_1466] : memref<1024xi32, #tpu.memory_space<vmem>> -> memref<128xi32, #tpu.memory_space<vmem>>
          %dma_wait3A_1468 = arith.constant 0 : i32
          %dma_wait3A_1469 = arith.constant 0 : i32
          %dma_wait3A_1470 = tpu.memref_slice %arg4[%dma_wait3A_1468, %dma_wait3A_1469] : memref<192000x16xf32, #tpu.memory_space<hbm>> -> memref<192000x16xf32, #tpu.memory_space<hbm>>
          tpu.wait_indirect_dma semaphore(%arg18 : memref<!tpu.dma_semaphore, #tpu.memory_space<semaphore_mem>>) src(%dma_wait3A_1470 : memref<192000x16xf32, #tpu.memory_space<hbm>>) dst(%dma_wait3A_1465 : memref<128x16xf32, #tpu.memory_space<vmem>>)
        } else {
        }
        %add3A_1441 = arith.constant 2 : i32
        %add3A_1442 = arith.addi %add3A_1441, %and3A_1412 : i32
        %mul3A_1443 = arith.constant 128 : i32
        %mul3A_1444 = arith.muli %while3A_1409, %mul3A_1443 : i32
        %sub3A_1445 = arith.subi %reduce_max3A_139, %mul3A_1444 : i32
        %min3A = arith.constant 128 : i32
        %min3A_1446 = arith.minsi %min3A, %sub3A_1445 : i32
        %broadcast_in_dim3A_1447 = vector.broadcast %add3A_1442 : i32 to vector<16xi32>
        %while3A_1448 = arith.constant 0 : i32
        %while3A_1449 = arith.constant 0 : i32
        %while3A_1450 = arith.subi %min3A_1446, %while3A_1448 : i32
        %while3A_1451 = arith.addi %while3A_1448, %while3A_1450 : i32
        %while3A_1452 = arith.constant 1 : i32
        %while3A_1453 = arith.divsi %while3A_1450, %while3A_1452 : i32
        %while3A_1454 = arith.muli %while3A_1453, %while3A_1452 : i32
        %while3A_1455 = arith.addi %while3A_1448, %while3A_1454 : i32
        %while3A_1456 = arith.constant 1 : i32
        %while3A_1457 = scf.for %while3A_1461 = %while3A_1448 to %while3A_1455 step %while3A_1456 iter_args(%while3A_1462 = %while3A_1449) -> (i32)  : i32 {
          %mul3A_1463 = arith.constant 128 : i32
          %mul3A_1464 = arith.muli %while3A_1409, %mul3A_1463 : i32
          %add3A_1465 = arith.addi %mul3A_1464, %while3A_1461 : i32
          %broadcast_in_dim3A_1466 = vector.broadcast %add3A_1465 : i32 to vector<16xi32>
          %gather3A = tpu.vector_load_idx %arg8[%broadcast_in_dim3A_1466] : memref<12016xi32, #tpu.memory_space<vmem>>[vector<16xi32>], vector<16xi32>,
          %broadcast_in_dim3A_1467 = vector.broadcast %while3A_1461 : i32 to vector<16xi32>
          %gather3A_1468 = tpu.vector_load_idx %arg13[%broadcast_in_dim3A_1447, %broadcast_in_dim3A_1467, %iota3A] : memref<8x128x16xf32, #tpu.memory_space<vmem>>[vector<16xi32>, vector<16xi32>, vector<16xi32>], vector<16xf32>,
          %add3A_1469 = arith.addi %gather3A, %mul3A_3 : vector<16xi32>
          tpu.vector_store_idx %arg11[%add3A_1469], %gather3A_1468 : memref<71424xf32, #tpu.memory_space<vmem>>[vector<16xi32>], vector<16xf32>,
          %while3A_1470 = arith.constant 0 : i32
          scf.yield %while3A_1470 : i32
        }
        %while3A_1458 = arith.constant 1 : i32
        %while3A_1459 = scf.for %while3A_1461 = %while3A_1455 to %while3A_1451 step %while3A_1458 iter_args(%while3A_1462 = %while3A_1457) -> (i32)  : i32 {
          %mul3A_1463 = arith.constant 128 : i32
          %mul3A_1464 = arith.muli %while3A_1409, %mul3A_1463 : i32
          %add3A_1465 = arith.addi %mul3A_1464, %while3A_1461 : i32
          %broadcast_in_dim3A_1466 = vector.broadcast %add3A_1465 : i32 to vector<16xi32>
          %gather3A = tpu.vector_load_idx %arg8[%broadcast_in_dim3A_1466] : memref<12016xi32, #tpu.memory_space<vmem>>[vector<16xi32>], vector<16xi32>,
          %broadcast_in_dim3A_1467 = vector.broadcast %while3A_1461 : i32 to vector<16xi32>
          %gather3A_1468 = tpu.vector_load_idx %arg13[%broadcast_in_dim3A_1447, %broadcast_in_dim3A_1467, %iota3A] : memref<8x128x16xf32, #tpu.memory_space<vmem>>[vector<16xi32>, vector<16xi32>, vector<16xi32>], vector<16xf32>,
          %add3A_1469 = arith.addi %gather3A, %mul3A_3 : vector<16xi32>
          tpu.vector_store_idx %arg11[%add3A_1469], %gather3A_1468 : memref<71424xf32, #tpu.memory_space<vmem>>[vector<16xi32>], vector<16xf32>,
          %while3A_1470 = arith.constant 0 : i32
          scf.yield %while3A_1470 : i32
        }
        %while3A_1460 = arith.constant 0 : i32
        scf.yield %while3A_1460 : i32
      }
      %while3A_519 = arith.constant 1 : i32
      %while3A_520 = scf.for %while3A_1409 = %while3A_516 to %while3A_512 step %while3A_519 iter_args(%while3A_1410 = %while3A_518) -> (i32)  : i32 {
        %and3A_1411 = arith.constant 1 : i32
        %and3A_1412 = arith.andi %while3A_1409, %and3A_1411 : i32
        %ge3A = arith.constant 2 : i32
        %ge3A_1413 = arith.cmpi sge, %while3A_1409, %ge3A : i32
        %eq3A_1414 = arith.constant 0 : i32
        %eq3A_1415 = arith.cmpi eq, %and3A_1412, %eq3A_1414 : i32
        %and3A_1416 = arith.andi %ge3A_1413, %eq3A_1415 : i1
        %convert_element_type3A_1417 = arith.extui %and3A_1416 : i1 to i32
        %cond3A_1418 = arith.constant 0 : i32
        %cond3A_1419 = arith.cmpi ne, %convert_element_type3A_1417, %cond3A_1418 : i32
        scf.if %cond3A_1419 {
          %mul3A_1461 = arith.constant 128 : i32
          %mul3A_1462 = arith.muli %while3A_1409, %mul3A_1461 : i32
          %scan3A_1463 = arith.constant 0 : i32
          %scan3A_1464 = arith.constant 0 : i32
          %scan3A_1465 = arith.constant 8 : i32
          %scan3A_1466 = arith.addi %scan3A_1464, %scan3A_1465 : i32
          %scan3A_1467 = arith.constant 1 : i32
          %scan3A_1468 = scf.for %scan3A_1490 = %scan3A_1464 to %scan3A_1466 step %scan3A_1467 iter_args(%scan3A_1491 = %scan3A_1463) -> (i32)  : i32 {
            %mul3A_1492 = arith.constant 16 : i32
            %mul3A_1493 = arith.muli %scan3A_1490, %mul3A_1492 : i32
            %add3A_1494 = arith.addi %mul3A_1462, %mul3A_1493 : i32
            %get3A = arith.index_cast %add3A_1494 : i32 to index
            %get3A_1495 = tpu.vector_load %arg9[%get3A] {strides = array<i32>} : memref<12016xi32, #tpu.memory_space<vmem>>, vector<16xi32>,
            %add3A_1496 = vector.broadcast %add3A_1494 : i32 to vector<16xi32>
            %add3A_1497 = arith.addi %add3A_1496, %iota3A : vector<16xi32>
            %lt3A_1498 = vector.broadcast %reduce_max3A_139 : i32 to vector<16xi32>
            %lt3A_1499 = arith.cmpi slt, %add3A_1497, %lt3A_1498 : vector<16xi32>
            %add3A_1500 = arith.constant 1 : i32
            %add3A_1501 = vector.broadcast %add3A_1500 : i32 to vector<16xi32>
            %add3A_1502 = arith.addi %get3A_1495, %add3A_1501 : vector<16xi32>
            %jit3A_1503 = arith.constant 0 : i32
            %broadcast_in_dim3A_1504 = vector.broadcast %jit3A_1503 : i32 to vector<16xi32>
            %select_n3A_1505 = arith.select %lt3A_1499, %add3A_1502, %broadcast_in_dim3A_1504 : vector<16xi1>, vector<16xi32>
            %mul3A_1506 = arith.constant 16 : i32
            %mul3A_1507 = arith.muli %scan3A_1490, %mul3A_1506 : i32
            %add3A_1508 = arith.constant 256 : i32
            %add3A_1509 = arith.addi %add3A_1508, %mul3A_1507 : i32
            %swap3A = arith.index_cast %add3A_1509 : i32 to index
            %swap3A_1510 = tpu.vector_load %arg12[%swap3A] {strides = array<i32>} : memref<1024xi32, #tpu.memory_space<vmem>>, vector<16xi32>,
            tpu.vector_store %arg12[%swap3A], %select_n3A_1505 {strides = array<i32>} : memref<1024xi32, #tpu.memory_space<vmem>>, vector<16xi32>,
            %scan3A_1511 = arith.constant 0 : i32
            scf.yield %scan3A_1511 : i32
          }
          %scan3A_1469 = arith.constant 8 : i32
          %dma_start3A_1470 = arith.constant 2 : i32
          %dma_start3A_1471 = arith.constant 0 : i32
          %dma_start3A_1472 = arith.constant 0 : i32
          %dma_start3A_1473 = tpu.memref_slice %arg13[%dma_start3A_1470, %dma_start3A_1471, %dma_start3A_1472] : memref<8x128x16xf32, #tpu.memory_space<vmem>> -> memref<1x128x16xf32, #tpu.memory_space<vmem>>
          %dma_start3A_1474 = tpu.memref_squeeze %dma_start3A_1473 : memref<1x128x16xf32, #tpu.memory_space<vmem>> -> memref<128x16xf32, #tpu.memory_space<vmem>>
          %dma_start3A_1475 = arith.constant 256 : i32
          %dma_start3A_1476 = tpu.memref_slice %arg12[%dma_start3A_1475] : memref<1024xi32, #tpu.memory_space<vmem>> -> memref<128xi32, #tpu.memory_space<vmem>>
          %dma_start3A_1477 = arith.constant 0 : i32
          %dma_start3A_1478 = arith.constant 0 : i32
          %dma_start3A_1479 = tpu.memref_slice %arg4[%dma_start3A_1477, %dma_start3A_1478] : memref<192000x16xf32, #tpu.memory_space<hbm>> -> memref<192000x16xf32, #tpu.memory_space<hbm>>
          tpu.enqueue_indirect_dma source(%dma_start3A_1479 : memref<192000x16xf32, #tpu.memory_space<hbm>>) target(%dma_start3A_1474 : memref<128x16xf32, #tpu.memory_space<vmem>>) offsets(%dma_start3A_1476 : memref<128xi32, #tpu.memory_space<vmem>>) semaphore(%arg17 : memref<!tpu.dma_semaphore, #tpu.memory_space<semaphore_mem>>)
          %dma_wait3A_1480 = arith.constant 2 : i32
          %dma_wait3A_1481 = arith.constant 0 : i32
          %dma_wait3A_1482 = arith.constant 0 : i32
          %dma_wait3A_1483 = tpu.memref_slice %arg13[%dma_wait3A_1480, %dma_wait3A_1481, %dma_wait3A_1482] : memref<8x128x16xf32, #tpu.memory_space<vmem>> -> memref<1x128x16xf32, #tpu.memory_space<vmem>>
          %dma_wait3A_1484 = tpu.memref_squeeze %dma_wait3A_1483 : memref<1x128x16xf32, #tpu.memory_space<vmem>> -> memref<128x16xf32, #tpu.memory_space<vmem>>
          %dma_wait3A_1485 = arith.constant 256 : i32
          %dma_wait3A_1486 = tpu.memref_slice %arg12[%dma_wait3A_1485] : memref<1024xi32, #tpu.memory_space<vmem>> -> memref<128xi32, #tpu.memory_space<vmem>>
          %dma_wait3A_1487 = arith.constant 0 : i32
          %dma_wait3A_1488 = arith.constant 0 : i32
          %dma_wait3A_1489 = tpu.memref_slice %arg4[%dma_wait3A_1487, %dma_wait3A_1488] : memref<192000x16xf32, #tpu.memory_space<hbm>> -> memref<192000x16xf32, #tpu.memory_space<hbm>>
          tpu.wait_indirect_dma semaphore(%arg17 : memref<!tpu.dma_semaphore, #tpu.memory_space<semaphore_mem>>) src(%dma_wait3A_1489 : memref<192000x16xf32, #tpu.memory_space<hbm>>) dst(%dma_wait3A_1484 : memref<128x16xf32, #tpu.memory_space<vmem>>)
        } else {
        }
        %not3A = arith.constant true
        %not3A_1420 = arith.xori %ge3A_1413, %not3A : i1
        %eq3A_1421 = arith.constant 0 : i32
        %eq3A_1422 = arith.cmpi eq, %and3A_1412, %eq3A_1421 : i32
        %and3A_1423 = arith.andi %not3A_1420, %eq3A_1422 : i1
        %convert_element_type3A_1424 = arith.extui %and3A_1423 : i1 to i32
        %cond3A_1425 = arith.constant 0 : i32
        %cond3A_1426 = arith.cmpi ne, %convert_element_type3A_1424, %cond3A_1425 : i32
        scf.if %cond3A_1426 {
          %dma_wait3A_1461 = arith.constant 2 : i32
          %dma_wait3A_1462 = arith.constant 0 : i32
          %dma_wait3A_1463 = arith.constant 0 : i32
          %dma_wait3A_1464 = tpu.memref_slice %arg13[%dma_wait3A_1461, %dma_wait3A_1462, %dma_wait3A_1463] : memref<8x128x16xf32, #tpu.memory_space<vmem>> -> memref<1x128x16xf32, #tpu.memory_space<vmem>>
          %dma_wait3A_1465 = tpu.memref_squeeze %dma_wait3A_1464 : memref<1x128x16xf32, #tpu.memory_space<vmem>> -> memref<128x16xf32, #tpu.memory_space<vmem>>
          %dma_wait3A_1466 = arith.constant 256 : i32
          %dma_wait3A_1467 = tpu.memref_slice %arg12[%dma_wait3A_1466] : memref<1024xi32, #tpu.memory_space<vmem>> -> memref<128xi32, #tpu.memory_space<vmem>>
          %dma_wait3A_1468 = arith.constant 0 : i32
          %dma_wait3A_1469 = arith.constant 0 : i32
          %dma_wait3A_1470 = tpu.memref_slice %arg4[%dma_wait3A_1468, %dma_wait3A_1469] : memref<192000x16xf32, #tpu.memory_space<hbm>> -> memref<192000x16xf32, #tpu.memory_space<hbm>>
          tpu.wait_indirect_dma semaphore(%arg17 : memref<!tpu.dma_semaphore, #tpu.memory_space<semaphore_mem>>) src(%dma_wait3A_1470 : memref<192000x16xf32, #tpu.memory_space<hbm>>) dst(%dma_wait3A_1465 : memref<128x16xf32, #tpu.memory_space<vmem>>)
        } else {
        }
        %eq3A_1427 = arith.constant 1 : i32
        %eq3A_1428 = arith.cmpi eq, %and3A_1412, %eq3A_1427 : i32
        %and3A_1429 = arith.andi %ge3A_1413, %eq3A_1428 : i1
        %convert_element_type3A_1430 = arith.extui %and3A_1429 : i1 to i32
        %cond3A_1431 = arith.constant 0 : i32
        %cond3A_1432 = arith.cmpi ne, %convert_element_type3A_1430, %cond3A_1431 : i32
        scf.if %cond3A_1432 {
          %mul3A_1461 = arith.constant 128 : i32
          %mul3A_1462 = arith.muli %while3A_1409, %mul3A_1461 : i32
          %scan3A_1463 = arith.constant 0 : i32
          %scan3A_1464 = arith.constant 0 : i32
          %scan3A_1465 = arith.constant 8 : i32
          %scan3A_1466 = arith.addi %scan3A_1464, %scan3A_1465 : i32
          %scan3A_1467 = arith.constant 1 : i32
          %scan3A_1468 = scf.for %scan3A_1490 = %scan3A_1464 to %scan3A_1466 step %scan3A_1467 iter_args(%scan3A_1491 = %scan3A_1463) -> (i32)  : i32 {
            %mul3A_1492 = arith.constant 16 : i32
            %mul3A_1493 = arith.muli %scan3A_1490, %mul3A_1492 : i32
            %add3A_1494 = arith.addi %mul3A_1462, %mul3A_1493 : i32
            %get3A = arith.index_cast %add3A_1494 : i32 to index
            %get3A_1495 = tpu.vector_load %arg9[%get3A] {strides = array<i32>} : memref<12016xi32, #tpu.memory_space<vmem>>, vector<16xi32>,
            %add3A_1496 = vector.broadcast %add3A_1494 : i32 to vector<16xi32>
            %add3A_1497 = arith.addi %add3A_1496, %iota3A : vector<16xi32>
            %lt3A_1498 = vector.broadcast %reduce_max3A_139 : i32 to vector<16xi32>
            %lt3A_1499 = arith.cmpi slt, %add3A_1497, %lt3A_1498 : vector<16xi32>
            %add3A_1500 = arith.constant 1 : i32
            %add3A_1501 = vector.broadcast %add3A_1500 : i32 to vector<16xi32>
            %add3A_1502 = arith.addi %get3A_1495, %add3A_1501 : vector<16xi32>
            %jit3A_1503 = arith.constant 0 : i32
            %broadcast_in_dim3A_1504 = vector.broadcast %jit3A_1503 : i32 to vector<16xi32>
            %select_n3A_1505 = arith.select %lt3A_1499, %add3A_1502, %broadcast_in_dim3A_1504 : vector<16xi1>, vector<16xi32>
            %mul3A_1506 = arith.constant 16 : i32
            %mul3A_1507 = arith.muli %scan3A_1490, %mul3A_1506 : i32
            %add3A_1508 = arith.constant 384 : i32
            %add3A_1509 = arith.addi %add3A_1508, %mul3A_1507 : i32
            %swap3A = arith.index_cast %add3A_1509 : i32 to index
            %swap3A_1510 = tpu.vector_load %arg12[%swap3A] {strides = array<i32>} : memref<1024xi32, #tpu.memory_space<vmem>>, vector<16xi32>,
            tpu.vector_store %arg12[%swap3A], %select_n3A_1505 {strides = array<i32>} : memref<1024xi32, #tpu.memory_space<vmem>>, vector<16xi32>,
            %scan3A_1511 = arith.constant 0 : i32
            scf.yield %scan3A_1511 : i32
          }
          %scan3A_1469 = arith.constant 8 : i32
          %dma_start3A_1470 = arith.constant 3 : i32
          %dma_start3A_1471 = arith.constant 0 : i32
          %dma_start3A_1472 = arith.constant 0 : i32
          %dma_start3A_1473 = tpu.memref_slice %arg13[%dma_start3A_1470, %dma_start3A_1471, %dma_start3A_1472] : memref<8x128x16xf32, #tpu.memory_space<vmem>> -> memref<1x128x16xf32, #tpu.memory_space<vmem>>
          %dma_start3A_1474 = tpu.memref_squeeze %dma_start3A_1473 : memref<1x128x16xf32, #tpu.memory_space<vmem>> -> memref<128x16xf32, #tpu.memory_space<vmem>>
          %dma_start3A_1475 = arith.constant 384 : i32
          %dma_start3A_1476 = tpu.memref_slice %arg12[%dma_start3A_1475] : memref<1024xi32, #tpu.memory_space<vmem>> -> memref<128xi32, #tpu.memory_space<vmem>>
          %dma_start3A_1477 = arith.constant 0 : i32
          %dma_start3A_1478 = arith.constant 0 : i32
          %dma_start3A_1479 = tpu.memref_slice %arg4[%dma_start3A_1477, %dma_start3A_1478] : memref<192000x16xf32, #tpu.memory_space<hbm>> -> memref<192000x16xf32, #tpu.memory_space<hbm>>
          tpu.enqueue_indirect_dma source(%dma_start3A_1479 : memref<192000x16xf32, #tpu.memory_space<hbm>>) target(%dma_start3A_1474 : memref<128x16xf32, #tpu.memory_space<vmem>>) offsets(%dma_start3A_1476 : memref<128xi32, #tpu.memory_space<vmem>>) semaphore(%arg18 : memref<!tpu.dma_semaphore, #tpu.memory_space<semaphore_mem>>)
          %dma_wait3A_1480 = arith.constant 3 : i32
          %dma_wait3A_1481 = arith.constant 0 : i32
          %dma_wait3A_1482 = arith.constant 0 : i32
          %dma_wait3A_1483 = tpu.memref_slice %arg13[%dma_wait3A_1480, %dma_wait3A_1481, %dma_wait3A_1482] : memref<8x128x16xf32, #tpu.memory_space<vmem>> -> memref<1x128x16xf32, #tpu.memory_space<vmem>>
          %dma_wait3A_1484 = tpu.memref_squeeze %dma_wait3A_1483 : memref<1x128x16xf32, #tpu.memory_space<vmem>> -> memref<128x16xf32, #tpu.memory_space<vmem>>
          %dma_wait3A_1485 = arith.constant 384 : i32
          %dma_wait3A_1486 = tpu.memref_slice %arg12[%dma_wait3A_1485] : memref<1024xi32, #tpu.memory_space<vmem>> -> memref<128xi32, #tpu.memory_space<vmem>>
          %dma_wait3A_1487 = arith.constant 0 : i32
          %dma_wait3A_1488 = arith.constant 0 : i32
          %dma_wait3A_1489 = tpu.memref_slice %arg4[%dma_wait3A_1487, %dma_wait3A_1488] : memref<192000x16xf32, #tpu.memory_space<hbm>> -> memref<192000x16xf32, #tpu.memory_space<hbm>>
          tpu.wait_indirect_dma semaphore(%arg18 : memref<!tpu.dma_semaphore, #tpu.memory_space<semaphore_mem>>) src(%dma_wait3A_1489 : memref<192000x16xf32, #tpu.memory_space<hbm>>) dst(%dma_wait3A_1484 : memref<128x16xf32, #tpu.memory_space<vmem>>)
        } else {
        }
        %not3A_1433 = arith.constant true
        %not3A_1434 = arith.xori %ge3A_1413, %not3A_1433 : i1
        %eq3A_1435 = arith.constant 1 : i32
        %eq3A_1436 = arith.cmpi eq, %and3A_1412, %eq3A_1435 : i32
        %and3A_1437 = arith.andi %not3A_1434, %eq3A_1436 : i1
        %convert_element_type3A_1438 = arith.extui %and3A_1437 : i1 to i32
        %cond3A_1439 = arith.constant 0 : i32
        %cond3A_1440 = arith.cmpi ne, %convert_element_type3A_1438, %cond3A_1439 : i32
        scf.if %cond3A_1440 {
          %dma_wait3A_1461 = arith.constant 3 : i32
          %dma_wait3A_1462 = arith.constant 0 : i32
          %dma_wait3A_1463 = arith.constant 0 : i32
          %dma_wait3A_1464 = tpu.memref_slice %arg13[%dma_wait3A_1461, %dma_wait3A_1462, %dma_wait3A_1463] : memref<8x128x16xf32, #tpu.memory_space<vmem>> -> memref<1x128x16xf32, #tpu.memory_space<vmem>>
          %dma_wait3A_1465 = tpu.memref_squeeze %dma_wait3A_1464 : memref<1x128x16xf32, #tpu.memory_space<vmem>> -> memref<128x16xf32, #tpu.memory_space<vmem>>
          %dma_wait3A_1466 = arith.constant 384 : i32
          %dma_wait3A_1467 = tpu.memref_slice %arg12[%dma_wait3A_1466] : memref<1024xi32, #tpu.memory_space<vmem>> -> memref<128xi32, #tpu.memory_space<vmem>>
          %dma_wait3A_1468 = arith.constant 0 : i32
          %dma_wait3A_1469 = arith.constant 0 : i32
          %dma_wait3A_1470 = tpu.memref_slice %arg4[%dma_wait3A_1468, %dma_wait3A_1469] : memref<192000x16xf32, #tpu.memory_space<hbm>> -> memref<192000x16xf32, #tpu.memory_space<hbm>>
          tpu.wait_indirect_dma semaphore(%arg18 : memref<!tpu.dma_semaphore, #tpu.memory_space<semaphore_mem>>) src(%dma_wait3A_1470 : memref<192000x16xf32, #tpu.memory_space<hbm>>) dst(%dma_wait3A_1465 : memref<128x16xf32, #tpu.memory_space<vmem>>)
        } else {
        }
        %add3A_1441 = arith.constant 2 : i32
        %add3A_1442 = arith.addi %add3A_1441, %and3A_1412 : i32
        %mul3A_1443 = arith.constant 128 : i32
        %mul3A_1444 = arith.muli %while3A_1409, %mul3A_1443 : i32
        %sub3A_1445 = arith.subi %reduce_max3A_139, %mul3A_1444 : i32
        %min3A = arith.constant 128 : i32
        %min3A_1446 = arith.minsi %min3A, %sub3A_1445 : i32
        %broadcast_in_dim3A_1447 = vector.broadcast %add3A_1442 : i32 to vector<16xi32>
        %while3A_1448 = arith.constant 0 : i32
        %while3A_1449 = arith.constant 0 : i32
        %while3A_1450 = arith.subi %min3A_1446, %while3A_1448 : i32
        %while3A_1451 = arith.addi %while3A_1448, %while3A_1450 : i32
        %while3A_1452 = arith.constant 1 : i32
        %while3A_1453 = arith.divsi %while3A_1450, %while3A_1452 : i32
        %while3A_1454 = arith.muli %while3A_1453, %while3A_1452 : i32
        %while3A_1455 = arith.addi %while3A_1448, %while3A_1454 : i32
        %while3A_1456 = arith.constant 1 : i32
        %while3A_1457 = scf.for %while3A_1461 = %while3A_1448 to %while3A_1455 step %while3A_1456 iter_args(%while3A_1462 = %while3A_1449) -> (i32)  : i32 {
          %mul3A_1463 = arith.constant 128 : i32
          %mul3A_1464 = arith.muli %while3A_1409, %mul3A_1463 : i32
          %add3A_1465 = arith.addi %mul3A_1464, %while3A_1461 : i32
          %broadcast_in_dim3A_1466 = vector.broadcast %add3A_1465 : i32 to vector<16xi32>
          %gather3A = tpu.vector_load_idx %arg8[%broadcast_in_dim3A_1466] : memref<12016xi32, #tpu.memory_space<vmem>>[vector<16xi32>], vector<16xi32>,
          %broadcast_in_dim3A_1467 = vector.broadcast %while3A_1461 : i32 to vector<16xi32>
          %gather3A_1468 = tpu.vector_load_idx %arg13[%broadcast_in_dim3A_1447, %broadcast_in_dim3A_1467, %iota3A] : memref<8x128x16xf32, #tpu.memory_space<vmem>>[vector<16xi32>, vector<16xi32>, vector<16xi32>], vector<16xf32>,
          %add3A_1469 = arith.addi %gather3A, %mul3A_3 : vector<16xi32>
          tpu.vector_store_idx %arg11[%add3A_1469], %gather3A_1468 : memref<71424xf32, #tpu.memory_space<vmem>>[vector<16xi32>], vector<16xf32>,
          %while3A_1470 = arith.constant 0 : i32
          scf.yield %while3A_1470 : i32
        }
        %while3A_1458 = arith.constant 1 : i32
        %while3A_1459 = scf.for %while3A_1461 = %while3A_1455 to %while3A_1451 step %while3A_1458 iter_args(%while3A_1462 = %while3A_1457) -> (i32)  : i32 {
          %mul3A_1463 = arith.constant 128 : i32
          %mul3A_1464 = arith.muli %while3A_1409, %mul3A_1463 : i32
          %add3A_1465 = arith.addi %mul3A_1464, %while3A_1461 : i32
          %broadcast_in_dim3A_1466 = vector.broadcast %add3A_1465 : i32 to vector<16xi32>
          %gather3A = tpu.vector_load_idx %arg8[%broadcast_in_dim3A_1466] : memref<12016xi32, #tpu.memory_space<vmem>>[vector<16xi32>], vector<16xi32>,
          %broadcast_in_dim3A_1467 = vector.broadcast %while3A_1461 : i32 to vector<16xi32>
          %gather3A_1468 = tpu.vector_load_idx %arg13[%broadcast_in_dim3A_1447, %broadcast_in_dim3A_1467, %iota3A] : memref<8x128x16xf32, #tpu.memory_space<vmem>>[vector<16xi32>, vector<16xi32>, vector<16xi32>], vector<16xf32>,
          %add3A_1469 = arith.addi %gather3A, %mul3A_3 : vector<16xi32>
          tpu.vector_store_idx %arg11[%add3A_1469], %gather3A_1468 : memref<71424xf32, #tpu.memory_space<vmem>>[vector<16xi32>], vector<16xf32>,
          %while3A_1470 = arith.constant 0 : i32
          scf.yield %while3A_1470 : i32
        }
        %while3A_1460 = arith.constant 0 : i32
        scf.yield %while3A_1460 : i32
      }
      %mul3A_521 = arith.constant 64 : i32
      %mul3A_522 = arith.muli %select_n3A, %mul3A_521 : i32
      %add3A_523 = arith.constant 16 : i32
      %add3A_524 = arith.addi %mul3A_522, %add3A_523 : i32
      %add3A_525 = arith.constant 0 : i32
      %add3A_526 = arith.addi %add3A_524, %add3A_525 : i32
      %mul3A_527 = arith.constant 432 : i32
      %mul3A_528 = arith.muli %add3A_526, %mul3A_527 : i32
      %add3A_529 = arith.addi %mul3A_528, %mul3A_57 : i32
      %mul3A_530 = arith.constant 496 : i32
      %mul3A_531 = arith.muli %add3A_529, %mul3A_530 : i32
      %dma_start3A_532 = arith.constant 0 : i32
      %dma_start3A_533 = tpu.memref_slice %arg11[%dma_start3A_532] : memref<71424xf32, #tpu.memory_space<vmem>> -> memref<4464xf32, #tpu.memory_space<vmem>>
      %dma_start3A_534 = tpu.memref_slice %arg5[%mul3A_531] : memref<54853632xf32, #tpu.memory_space<hbm>> -> memref<4464xf32, #tpu.memory_space<hbm>>
      %dma_start3A_535 = tpu.memref_slice %arg5[%mul3A_531] : memref<54853632xf32, #tpu.memory_space<hbm>> -> memref<4464xf32, #tpu.memory_space<hbm>>
      %dma_start3A_536 = arith.constant 0 : i32
      %dma_start3A_537 = tpu.memref_slice %arg11[%dma_start3A_536] : memref<71424xf32, #tpu.memory_space<vmem>> -> memref<4464xf32, #tpu.memory_space<vmem>>
      tpu.enqueue_dma source(%dma_start3A_537 : memref<4464xf32, #tpu.memory_space<vmem>>) target(%dma_start3A_535 : memref<4464xf32, #tpu.memory_space<hbm>>) target_semaphore(%arg23 : memref<!tpu.dma_semaphore, #tpu.memory_space<semaphore_mem>>)
      %mul3A_538 = arith.constant 64 : i32
      %mul3A_539 = arith.muli %select_n3A, %mul3A_538 : i32
      %add3A_540 = arith.constant 16 : i32
      %add3A_541 = arith.addi %mul3A_539, %add3A_540 : i32
      %add3A_542 = arith.constant 1 : i32
      %add3A_543 = arith.addi %add3A_541, %add3A_542 : i32
      %mul3A_544 = arith.constant 432 : i32
      %mul3A_545 = arith.muli %add3A_543, %mul3A_544 : i32
      %add3A_546 = arith.addi %mul3A_545, %mul3A_57 : i32
      %mul3A_547 = arith.constant 496 : i32
      %mul3A_548 = arith.muli %add3A_546, %mul3A_547 : i32
      %dma_start3A_549 = arith.constant 4464 : i32
      %dma_start3A_550 = tpu.memref_slice %arg11[%dma_start3A_549] : memref<71424xf32, #tpu.memory_space<vmem>> -> memref<4464xf32, #tpu.memory_space<vmem>>
      %dma_start3A_551 = tpu.memref_slice %arg5[%mul3A_548] : memref<54853632xf32, #tpu.memory_space<hbm>> -> memref<4464xf32, #tpu.memory_space<hbm>>
      %dma_start3A_552 = tpu.memref_slice %arg5[%mul3A_548] : memref<54853632xf32, #tpu.memory_space<hbm>> -> memref<4464xf32, #tpu.memory_space<hbm>>
      %dma_start3A_553 = arith.constant 4464 : i32
      %dma_start3A_554 = tpu.memref_slice %arg11[%dma_start3A_553] : memref<71424xf32, #tpu.memory_space<vmem>> -> memref<4464xf32, #tpu.memory_space<vmem>>
      tpu.enqueue_dma source(%dma_start3A_554 : memref<4464xf32, #tpu.memory_space<vmem>>) target(%dma_start3A_552 : memref<4464xf32, #tpu.memory_space<hbm>>) target_semaphore(%arg23 : memref<!tpu.dma_semaphore, #tpu.memory_space<semaphore_mem>>)
      %mul3A_555 = arith.constant 64 : i32
      %mul3A_556 = arith.muli %select_n3A, %mul3A_555 : i32
      %add3A_557 = arith.constant 16 : i32
      %add3A_558 = arith.addi %mul3A_556, %add3A_557 : i32
      %add3A_559 = arith.constant 2 : i32
      %add3A_560 = arith.addi %add3A_558, %add3A_559 : i32
      %mul3A_561 = arith.constant 432 : i32
      %mul3A_562 = arith.muli %add3A_560, %mul3A_561 : i32
      %add3A_563 = arith.addi %mul3A_562, %mul3A_57 : i32
      %mul3A_564 = arith.constant 496 : i32
      %mul3A_565 = arith.muli %add3A_563, %mul3A_564 : i32
      %dma_start3A_566 = arith.constant 8928 : i32
      %dma_start3A_567 = tpu.memref_slice %arg11[%dma_start3A_566] : memref<71424xf32, #tpu.memory_space<vmem>> -> memref<4464xf32, #tpu.memory_space<vmem>>
      %dma_start3A_568 = tpu.memref_slice %arg5[%mul3A_565] : memref<54853632xf32, #tpu.memory_space<hbm>> -> memref<4464xf32, #tpu.memory_space<hbm>>
      %dma_start3A_569 = tpu.memref_slice %arg5[%mul3A_565] : memref<54853632xf32, #tpu.memory_space<hbm>> -> memref<4464xf32, #tpu.memory_space<hbm>>
      %dma_start3A_570 = arith.constant 8928 : i32
      %dma_start3A_571 = tpu.memref_slice %arg11[%dma_start3A_570] : memref<71424xf32, #tpu.memory_space<vmem>> -> memref<4464xf32, #tpu.memory_space<vmem>>
      tpu.enqueue_dma source(%dma_start3A_571 : memref<4464xf32, #tpu.memory_space<vmem>>) target(%dma_start3A_569 : memref<4464xf32, #tpu.memory_space<hbm>>) target_semaphore(%arg23 : memref<!tpu.dma_semaphore, #tpu.memory_space<semaphore_mem>>)
      %mul3A_572 = arith.constant 64 : i32
      %mul3A_573 = arith.muli %select_n3A, %mul3A_572 : i32
      %add3A_574 = arith.constant 16 : i32
      %add3A_575 = arith.addi %mul3A_573, %add3A_574 : i32
      %add3A_576 = arith.constant 3 : i32
      %add3A_577 = arith.addi %add3A_575, %add3A_576 : i32
      %mul3A_578 = arith.constant 432 : i32
      %mul3A_579 = arith.muli %add3A_577, %mul3A_578 : i32
      %add3A_580 = arith.addi %mul3A_579, %mul3A_57 : i32
      %mul3A_581 = arith.constant 496 : i32
      %mul3A_582 = arith.muli %add3A_580, %mul3A_581 : i32
      %dma_start3A_583 = arith.constant 13392 : i32
      %dma_start3A_584 = tpu.memref_slice %arg11[%dma_start3A_583] : memref<71424xf32, #tpu.memory_space<vmem>> -> memref<4464xf32, #tpu.memory_space<vmem>>
      %dma_start3A_585 = tpu.memref_slice %arg5[%mul3A_582] : memref<54853632xf32, #tpu.memory_space<hbm>> -> memref<4464xf32, #tpu.memory_space<hbm>>
      %dma_start3A_586 = tpu.memref_slice %arg5[%mul3A_582] : memref<54853632xf32, #tpu.memory_space<hbm>> -> memref<4464xf32, #tpu.memory_space<hbm>>
      %dma_start3A_587 = arith.constant 13392 : i32
      %dma_start3A_588 = tpu.memref_slice %arg11[%dma_start3A_587] : memref<71424xf32, #tpu.memory_space<vmem>> -> memref<4464xf32, #tpu.memory_space<vmem>>
      tpu.enqueue_dma source(%dma_start3A_588 : memref<4464xf32, #tpu.memory_space<vmem>>) target(%dma_start3A_586 : memref<4464xf32, #tpu.memory_space<hbm>>) target_semaphore(%arg23 : memref<!tpu.dma_semaphore, #tpu.memory_space<semaphore_mem>>)
      %mul3A_589 = arith.constant 64 : i32
      %mul3A_590 = arith.muli %select_n3A, %mul3A_589 : i32
      %add3A_591 = arith.constant 16 : i32
      %add3A_592 = arith.addi %mul3A_590, %add3A_591 : i32
      %add3A_593 = arith.constant 4 : i32
      %add3A_594 = arith.addi %add3A_592, %add3A_593 : i32
      %mul3A_595 = arith.constant 432 : i32
      %mul3A_596 = arith.muli %add3A_594, %mul3A_595 : i32
      %add3A_597 = arith.addi %mul3A_596, %mul3A_57 : i32
      %mul3A_598 = arith.constant 496 : i32
      %mul3A_599 = arith.muli %add3A_597, %mul3A_598 : i32
      %dma_start3A_600 = arith.constant 17856 : i32
      %dma_start3A_601 = tpu.memref_slice %arg11[%dma_start3A_600] : memref<71424xf32, #tpu.memory_space<vmem>> -> memref<4464xf32, #tpu.memory_space<vmem>>
      %dma_start3A_602 = tpu.memref_slice %arg5[%mul3A_599] : memref<54853632xf32, #tpu.memory_space<hbm>> -> memref<4464xf32, #tpu.memory_space<hbm>>
      %dma_start3A_603 = tpu.memref_slice %arg5[%mul3A_599] : memref<54853632xf32, #tpu.memory_space<hbm>> -> memref<4464xf32, #tpu.memory_space<hbm>>
      %dma_start3A_604 = arith.constant 17856 : i32
      %dma_start3A_605 = tpu.memref_slice %arg11[%dma_start3A_604] : memref<71424xf32, #tpu.memory_space<vmem>> -> memref<4464xf32, #tpu.memory_space<vmem>>
      tpu.enqueue_dma source(%dma_start3A_605 : memref<4464xf32, #tpu.memory_space<vmem>>) target(%dma_start3A_603 : memref<4464xf32, #tpu.memory_space<hbm>>) target_semaphore(%arg23 : memref<!tpu.dma_semaphore, #tpu.memory_space<semaphore_mem>>)
      %mul3A_606 = arith.constant 64 : i32
      %mul3A_607 = arith.muli %select_n3A, %mul3A_606 : i32
      %add3A_608 = arith.constant 16 : i32
      %add3A_609 = arith.addi %mul3A_607, %add3A_608 : i32
      %add3A_610 = arith.constant 5 : i32
      %add3A_611 = arith.addi %add3A_609, %add3A_610 : i32
      %mul3A_612 = arith.constant 432 : i32
      %mul3A_613 = arith.muli %add3A_611, %mul3A_612 : i32
      %add3A_614 = arith.addi %mul3A_613, %mul3A_57 : i32
      %mul3A_615 = arith.constant 496 : i32
      %mul3A_616 = arith.muli %add3A_614, %mul3A_615 : i32
      %dma_start3A_617 = arith.constant 22320 : i32
      %dma_start3A_618 = tpu.memref_slice %arg11[%dma_start3A_617] : memref<71424xf32, #tpu.memory_space<vmem>> -> memref<4464xf32, #tpu.memory_space<vmem>>
      %dma_start3A_619 = tpu.memref_slice %arg5[%mul3A_616] : memref<54853632xf32, #tpu.memory_space<hbm>> -> memref<4464xf32, #tpu.memory_space<hbm>>
      %dma_start3A_620 = tpu.memref_slice %arg5[%mul3A_616] : memref<54853632xf32, #tpu.memory_space<hbm>> -> memref<4464xf32, #tpu.memory_space<hbm>>
      %dma_start3A_621 = arith.constant 22320 : i32
      %dma_start3A_622 = tpu.memref_slice %arg11[%dma_start3A_621] : memref<71424xf32, #tpu.memory_space<vmem>> -> memref<4464xf32, #tpu.memory_space<vmem>>
      tpu.enqueue_dma source(%dma_start3A_622 : memref<4464xf32, #tpu.memory_space<vmem>>) target(%dma_start3A_620 : memref<4464xf32, #tpu.memory_space<hbm>>) target_semaphore(%arg23 : memref<!tpu.dma_semaphore, #tpu.memory_space<semaphore_mem>>)
      %mul3A_623 = arith.constant 64 : i32
      %mul3A_624 = arith.muli %select_n3A, %mul3A_623 : i32
      %add3A_625 = arith.constant 16 : i32
      %add3A_626 = arith.addi %mul3A_624, %add3A_625 : i32
      %add3A_627 = arith.constant 6 : i32
      %add3A_628 = arith.addi %add3A_626, %add3A_627 : i32
      %mul3A_629 = arith.constant 432 : i32
      %mul3A_630 = arith.muli %add3A_628, %mul3A_629 : i32
      %add3A_631 = arith.addi %mul3A_630, %mul3A_57 : i32
      %mul3A_632 = arith.constant 496 : i32
      %mul3A_633 = arith.muli %add3A_631, %mul3A_632 : i32
      %dma_start3A_634 = arith.constant 26784 : i32
      %dma_start3A_635 = tpu.memref_slice %arg11[%dma_start3A_634] : memref<71424xf32, #tpu.memory_space<vmem>> -> memref<4464xf32, #tpu.memory_space<vmem>>
      %dma_start3A_636 = tpu.memref_slice %arg5[%mul3A_633] : memref<54853632xf32, #tpu.memory_space<hbm>> -> memref<4464xf32, #tpu.memory_space<hbm>>
      %dma_start3A_637 = tpu.memref_slice %arg5[%mul3A_633] : memref<54853632xf32, #tpu.memory_space<hbm>> -> memref<4464xf32, #tpu.memory_space<hbm>>
      %dma_start3A_638 = arith.constant 26784 : i32
      %dma_start3A_639 = tpu.memref_slice %arg11[%dma_start3A_638] : memref<71424xf32, #tpu.memory_space<vmem>> -> memref<4464xf32, #tpu.memory_space<vmem>>
      tpu.enqueue_dma source(%dma_start3A_639 : memref<4464xf32, #tpu.memory_space<vmem>>) target(%dma_start3A_637 : memref<4464xf32, #tpu.memory_space<hbm>>) target_semaphore(%arg23 : memref<!tpu.dma_semaphore, #tpu.memory_space<semaphore_mem>>)
      %mul3A_640 = arith.constant 64 : i32
      %mul3A_641 = arith.muli %select_n3A, %mul3A_640 : i32
      %add3A_642 = arith.constant 16 : i32
      %add3A_643 = arith.addi %mul3A_641, %add3A_642 : i32
      %add3A_644 = arith.constant 7 : i32
      %add3A_645 = arith.addi %add3A_643, %add3A_644 : i32
      %mul3A_646 = arith.constant 432 : i32
      %mul3A_647 = arith.muli %add3A_645, %mul3A_646 : i32
      %add3A_648 = arith.addi %mul3A_647, %mul3A_57 : i32
      %mul3A_649 = arith.constant 496 : i32
      %mul3A_650 = arith.muli %add3A_648, %mul3A_649 : i32
      %dma_start3A_651 = arith.constant 31248 : i32
      %dma_start3A_652 = tpu.memref_slice %arg11[%dma_start3A_651] : memref<71424xf32, #tpu.memory_space<vmem>> -> memref<4464xf32, #tpu.memory_space<vmem>>
      %dma_start3A_653 = tpu.memref_slice %arg5[%mul3A_650] : memref<54853632xf32, #tpu.memory_space<hbm>> -> memref<4464xf32, #tpu.memory_space<hbm>>
      %dma_start3A_654 = tpu.memref_slice %arg5[%mul3A_650] : memref<54853632xf32, #tpu.memory_space<hbm>> -> memref<4464xf32, #tpu.memory_space<hbm>>
      %dma_start3A_655 = arith.constant 31248 : i32
      %dma_start3A_656 = tpu.memref_slice %arg11[%dma_start3A_655] : memref<71424xf32, #tpu.memory_space<vmem>> -> memref<4464xf32, #tpu.memory_space<vmem>>
      tpu.enqueue_dma source(%dma_start3A_656 : memref<4464xf32, #tpu.memory_space<vmem>>) target(%dma_start3A_654 : memref<4464xf32, #tpu.memory_space<hbm>>) target_semaphore(%arg23 : memref<!tpu.dma_semaphore, #tpu.memory_space<semaphore_mem>>)
      %mul3A_657 = arith.constant 64 : i32
      %mul3A_658 = arith.muli %select_n3A, %mul3A_657 : i32
      %add3A_659 = arith.constant 16 : i32
      %add3A_660 = arith.addi %mul3A_658, %add3A_659 : i32
      %add3A_661 = arith.constant 8 : i32
      %add3A_662 = arith.addi %add3A_660, %add3A_661 : i32
      %mul3A_663 = arith.constant 432 : i32
      %mul3A_664 = arith.muli %add3A_662, %mul3A_663 : i32
      %add3A_665 = arith.addi %mul3A_664, %mul3A_57 : i32
      %mul3A_666 = arith.constant 496 : i32
      %mul3A_667 = arith.muli %add3A_665, %mul3A_666 : i32
      %dma_start3A_668 = arith.constant 35712 : i32
      %dma_start3A_669 = tpu.memref_slice %arg11[%dma_start3A_668] : memref<71424xf32, #tpu.memory_space<vmem>> -> memref<4464xf32, #tpu.memory_space<vmem>>
      %dma_start3A_670 = tpu.memref_slice %arg5[%mul3A_667] : memref<54853632xf32, #tpu.memory_space<hbm>> -> memref<4464xf32, #tpu.memory_space<hbm>>
      %dma_start3A_671 = tpu.memref_slice %arg5[%mul3A_667] : memref<54853632xf32, #tpu.memory_space<hbm>> -> memref<4464xf32, #tpu.memory_space<hbm>>
      %dma_start3A_672 = arith.constant 35712 : i32
      %dma_start3A_673 = tpu.memref_slice %arg11[%dma_start3A_672] : memref<71424xf32, #tpu.memory_space<vmem>> -> memref<4464xf32, #tpu.memory_space<vmem>>
      tpu.enqueue_dma source(%dma_start3A_673 : memref<4464xf32, #tpu.memory_space<vmem>>) target(%dma_start3A_671 : memref<4464xf32, #tpu.memory_space<hbm>>) target_semaphore(%arg23 : memref<!tpu.dma_semaphore, #tpu.memory_space<semaphore_mem>>)
      %mul3A_674 = arith.constant 64 : i32
      %mul3A_675 = arith.muli %select_n3A, %mul3A_674 : i32
      %add3A_676 = arith.constant 16 : i32
      %add3A_677 = arith.addi %mul3A_675, %add3A_676 : i32
      %add3A_678 = arith.constant 9 : i32
      %add3A_679 = arith.addi %add3A_677, %add3A_678 : i32
      %mul3A_680 = arith.constant 432 : i32
      %mul3A_681 = arith.muli %add3A_679, %mul3A_680 : i32
      %add3A_682 = arith.addi %mul3A_681, %mul3A_57 : i32
      %mul3A_683 = arith.constant 496 : i32
      %mul3A_684 = arith.muli %add3A_682, %mul3A_683 : i32
      %dma_start3A_685 = arith.constant 40176 : i32
      %dma_start3A_686 = tpu.memref_slice %arg11[%dma_start3A_685] : memref<71424xf32, #tpu.memory_space<vmem>> -> memref<4464xf32, #tpu.memory_space<vmem>>
      %dma_start3A_687 = tpu.memref_slice %arg5[%mul3A_684] : memref<54853632xf32, #tpu.memory_space<hbm>> -> memref<4464xf32, #tpu.memory_space<hbm>>
      %dma_start3A_688 = tpu.memref_slice %arg5[%mul3A_684] : memref<54853632xf32, #tpu.memory_space<hbm>> -> memref<4464xf32, #tpu.memory_space<hbm>>
      %dma_start3A_689 = arith.constant 40176 : i32
      %dma_start3A_690 = tpu.memref_slice %arg11[%dma_start3A_689] : memref<71424xf32, #tpu.memory_space<vmem>> -> memref<4464xf32, #tpu.memory_space<vmem>>
      tpu.enqueue_dma source(%dma_start3A_690 : memref<4464xf32, #tpu.memory_space<vmem>>) target(%dma_start3A_688 : memref<4464xf32, #tpu.memory_space<hbm>>) target_semaphore(%arg23 : memref<!tpu.dma_semaphore, #tpu.memory_space<semaphore_mem>>)
      %mul3A_691 = arith.constant 64 : i32
      %mul3A_692 = arith.muli %select_n3A, %mul3A_691 : i32
      %add3A_693 = arith.constant 16 : i32
      %add3A_694 = arith.addi %mul3A_692, %add3A_693 : i32
      %add3A_695 = arith.constant 10 : i32
      %add3A_696 = arith.addi %add3A_694, %add3A_695 : i32
      %mul3A_697 = arith.constant 432 : i32
      %mul3A_698 = arith.muli %add3A_696, %mul3A_697 : i32
      %add3A_699 = arith.addi %mul3A_698, %mul3A_57 : i32
      %mul3A_700 = arith.constant 496 : i32
      %mul3A_701 = arith.muli %add3A_699, %mul3A_700 : i32
      %dma_start3A_702 = arith.constant 44640 : i32
      %dma_start3A_703 = tpu.memref_slice %arg11[%dma_start3A_702] : memref<71424xf32, #tpu.memory_space<vmem>> -> memref<4464xf32, #tpu.memory_space<vmem>>
      %dma_start3A_704 = tpu.memref_slice %arg5[%mul3A_701] : memref<54853632xf32, #tpu.memory_space<hbm>> -> memref<4464xf32, #tpu.memory_space<hbm>>
      %dma_start3A_705 = tpu.memref_slice %arg5[%mul3A_701] : memref<54853632xf32, #tpu.memory_space<hbm>> -> memref<4464xf32, #tpu.memory_space<hbm>>
      %dma_start3A_706 = arith.constant 44640 : i32
      %dma_start3A_707 = tpu.memref_slice %arg11[%dma_start3A_706] : memref<71424xf32, #tpu.memory_space<vmem>> -> memref<4464xf32, #tpu.memory_space<vmem>>
      tpu.enqueue_dma source(%dma_start3A_707 : memref<4464xf32, #tpu.memory_space<vmem>>) target(%dma_start3A_705 : memref<4464xf32, #tpu.memory_space<hbm>>) target_semaphore(%arg23 : memref<!tpu.dma_semaphore, #tpu.memory_space<semaphore_mem>>)
      %mul3A_708 = arith.constant 64 : i32
      %mul3A_709 = arith.muli %select_n3A, %mul3A_708 : i32
      %add3A_710 = arith.constant 16 : i32
      %add3A_711 = arith.addi %mul3A_709, %add3A_710 : i32
      %add3A_712 = arith.constant 11 : i32
      %add3A_713 = arith.addi %add3A_711, %add3A_712 : i32
      %mul3A_714 = arith.constant 432 : i32
      %mul3A_715 = arith.muli %add3A_713, %mul3A_714 : i32
      %add3A_716 = arith.addi %mul3A_715, %mul3A_57 : i32
      %mul3A_717 = arith.constant 496 : i32
      %mul3A_718 = arith.muli %add3A_716, %mul3A_717 : i32
      %dma_start3A_719 = arith.constant 49104 : i32
      %dma_start3A_720 = tpu.memref_slice %arg11[%dma_start3A_719] : memref<71424xf32, #tpu.memory_space<vmem>> -> memref<4464xf32, #tpu.memory_space<vmem>>
      %dma_start3A_721 = tpu.memref_slice %arg5[%mul3A_718] : memref<54853632xf32, #tpu.memory_space<hbm>> -> memref<4464xf32, #tpu.memory_space<hbm>>
      %dma_start3A_722 = tpu.memref_slice %arg5[%mul3A_718] : memref<54853632xf32, #tpu.memory_space<hbm>> -> memref<4464xf32, #tpu.memory_space<hbm>>
      %dma_start3A_723 = arith.constant 49104 : i32
      %dma_start3A_724 = tpu.memref_slice %arg11[%dma_start3A_723] : memref<71424xf32, #tpu.memory_space<vmem>> -> memref<4464xf32, #tpu.memory_space<vmem>>
      tpu.enqueue_dma source(%dma_start3A_724 : memref<4464xf32, #tpu.memory_space<vmem>>) target(%dma_start3A_722 : memref<4464xf32, #tpu.memory_space<hbm>>) target_semaphore(%arg23 : memref<!tpu.dma_semaphore, #tpu.memory_space<semaphore_mem>>)
      %mul3A_725 = arith.constant 64 : i32
      %mul3A_726 = arith.muli %select_n3A, %mul3A_725 : i32
      %add3A_727 = arith.constant 16 : i32
      %add3A_728 = arith.addi %mul3A_726, %add3A_727 : i32
      %add3A_729 = arith.constant 12 : i32
      %add3A_730 = arith.addi %add3A_728, %add3A_729 : i32
      %mul3A_731 = arith.constant 432 : i32
      %mul3A_732 = arith.muli %add3A_730, %mul3A_731 : i32
      %add3A_733 = arith.addi %mul3A_732, %mul3A_57 : i32
      %mul3A_734 = arith.constant 496 : i32
      %mul3A_735 = arith.muli %add3A_733, %mul3A_734 : i32
      %dma_start3A_736 = arith.constant 53568 : i32
      %dma_start3A_737 = tpu.memref_slice %arg11[%dma_start3A_736] : memref<71424xf32, #tpu.memory_space<vmem>> -> memref<4464xf32, #tpu.memory_space<vmem>>
      %dma_start3A_738 = tpu.memref_slice %arg5[%mul3A_735] : memref<54853632xf32, #tpu.memory_space<hbm>> -> memref<4464xf32, #tpu.memory_space<hbm>>
      %dma_start3A_739 = tpu.memref_slice %arg5[%mul3A_735] : memref<54853632xf32, #tpu.memory_space<hbm>> -> memref<4464xf32, #tpu.memory_space<hbm>>
      %dma_start3A_740 = arith.constant 53568 : i32
      %dma_start3A_741 = tpu.memref_slice %arg11[%dma_start3A_740] : memref<71424xf32, #tpu.memory_space<vmem>> -> memref<4464xf32, #tpu.memory_space<vmem>>
      tpu.enqueue_dma source(%dma_start3A_741 : memref<4464xf32, #tpu.memory_space<vmem>>) target(%dma_start3A_739 : memref<4464xf32, #tpu.memory_space<hbm>>) target_semaphore(%arg23 : memref<!tpu.dma_semaphore, #tpu.memory_space<semaphore_mem>>)
      %mul3A_742 = arith.constant 64 : i32
      %mul3A_743 = arith.muli %select_n3A, %mul3A_742 : i32
      %add3A_744 = arith.constant 16 : i32
      %add3A_745 = arith.addi %mul3A_743, %add3A_744 : i32
      %add3A_746 = arith.constant 13 : i32
      %add3A_747 = arith.addi %add3A_745, %add3A_746 : i32
      %mul3A_748 = arith.constant 432 : i32
      %mul3A_749 = arith.muli %add3A_747, %mul3A_748 : i32
      %add3A_750 = arith.addi %mul3A_749, %mul3A_57 : i32
      %mul3A_751 = arith.constant 496 : i32
      %mul3A_752 = arith.muli %add3A_750, %mul3A_751 : i32
      %dma_start3A_753 = arith.constant 58032 : i32
      %dma_start3A_754 = tpu.memref_slice %arg11[%dma_start3A_753] : memref<71424xf32, #tpu.memory_space<vmem>> -> memref<4464xf32, #tpu.memory_space<vmem>>
      %dma_start3A_755 = tpu.memref_slice %arg5[%mul3A_752] : memref<54853632xf32, #tpu.memory_space<hbm>> -> memref<4464xf32, #tpu.memory_space<hbm>>
      %dma_start3A_756 = tpu.memref_slice %arg5[%mul3A_752] : memref<54853632xf32, #tpu.memory_space<hbm>> -> memref<4464xf32, #tpu.memory_space<hbm>>
      %dma_start3A_757 = arith.constant 58032 : i32
      %dma_start3A_758 = tpu.memref_slice %arg11[%dma_start3A_757] : memref<71424xf32, #tpu.memory_space<vmem>> -> memref<4464xf32, #tpu.memory_space<vmem>>
      tpu.enqueue_dma source(%dma_start3A_758 : memref<4464xf32, #tpu.memory_space<vmem>>) target(%dma_start3A_756 : memref<4464xf32, #tpu.memory_space<hbm>>) target_semaphore(%arg23 : memref<!tpu.dma_semaphore, #tpu.memory_space<semaphore_mem>>)
      %mul3A_759 = arith.constant 64 : i32
      %mul3A_760 = arith.muli %select_n3A, %mul3A_759 : i32
      %add3A_761 = arith.constant 16 : i32
      %add3A_762 = arith.addi %mul3A_760, %add3A_761 : i32
      %add3A_763 = arith.constant 14 : i32
      %add3A_764 = arith.addi %add3A_762, %add3A_763 : i32
      %mul3A_765 = arith.constant 432 : i32
      %mul3A_766 = arith.muli %add3A_764, %mul3A_765 : i32
      %add3A_767 = arith.addi %mul3A_766, %mul3A_57 : i32
      %mul3A_768 = arith.constant 496 : i32
      %mul3A_769 = arith.muli %add3A_767, %mul3A_768 : i32
      %dma_start3A_770 = arith.constant 62496 : i32
      %dma_start3A_771 = tpu.memref_slice %arg11[%dma_start3A_770] : memref<71424xf32, #tpu.memory_space<vmem>> -> memref<4464xf32, #tpu.memory_space<vmem>>
      %dma_start3A_772 = tpu.memref_slice %arg5[%mul3A_769] : memref<54853632xf32, #tpu.memory_space<hbm>> -> memref<4464xf32, #tpu.memory_space<hbm>>
      %dma_start3A_773 = tpu.memref_slice %arg5[%mul3A_769] : memref<54853632xf32, #tpu.memory_space<hbm>> -> memref<4464xf32, #tpu.memory_space<hbm>>
      %dma_start3A_774 = arith.constant 62496 : i32
      %dma_start3A_775 = tpu.memref_slice %arg11[%dma_start3A_774] : memref<71424xf32, #tpu.memory_space<vmem>> -> memref<4464xf32, #tpu.memory_space<vmem>>
      tpu.enqueue_dma source(%dma_start3A_775 : memref<4464xf32, #tpu.memory_space<vmem>>) target(%dma_start3A_773 : memref<4464xf32, #tpu.memory_space<hbm>>) target_semaphore(%arg23 : memref<!tpu.dma_semaphore, #tpu.memory_space<semaphore_mem>>)
      %mul3A_776 = arith.constant 64 : i32
      %mul3A_777 = arith.muli %select_n3A, %mul3A_776 : i32
      %add3A_778 = arith.constant 16 : i32
      %add3A_779 = arith.addi %mul3A_777, %add3A_778 : i32
      %add3A_780 = arith.constant 15 : i32
      %add3A_781 = arith.addi %add3A_779, %add3A_780 : i32
      %mul3A_782 = arith.constant 432 : i32
      %mul3A_783 = arith.muli %add3A_781, %mul3A_782 : i32
      %add3A_784 = arith.addi %mul3A_783, %mul3A_57 : i32
      %mul3A_785 = arith.constant 496 : i32
      %mul3A_786 = arith.muli %add3A_784, %mul3A_785 : i32
      %dma_start3A_787 = arith.constant 66960 : i32
      %dma_start3A_788 = tpu.memref_slice %arg11[%dma_start3A_787] : memref<71424xf32, #tpu.memory_space<vmem>> -> memref<4464xf32, #tpu.memory_space<vmem>>
      %dma_start3A_789 = tpu.memref_slice %arg5[%mul3A_786] : memref<54853632xf32, #tpu.memory_space<hbm>> -> memref<4464xf32, #tpu.memory_space<hbm>>
      %dma_start3A_790 = tpu.memref_slice %arg5[%mul3A_786] : memref<54853632xf32, #tpu.memory_space<hbm>> -> memref<4464xf32, #tpu.memory_space<hbm>>
      %dma_start3A_791 = arith.constant 66960 : i32
      %dma_start3A_792 = tpu.memref_slice %arg11[%dma_start3A_791] : memref<71424xf32, #tpu.memory_space<vmem>> -> memref<4464xf32, #tpu.memory_space<vmem>>
      tpu.enqueue_dma source(%dma_start3A_792 : memref<4464xf32, #tpu.memory_space<vmem>>) target(%dma_start3A_790 : memref<4464xf32, #tpu.memory_space<hbm>>) target_semaphore(%arg23 : memref<!tpu.dma_semaphore, #tpu.memory_space<semaphore_mem>>)
      %dma_wait3A_793 = arith.constant 0 : i32
      %dma_wait3A_794 = tpu.memref_slice %arg5[%dma_wait3A_793] : memref<54853632xf32, #tpu.memory_space<hbm>> -> memref<71424xf32, #tpu.memory_space<hbm>>
      %dma_wait3A_795 = arith.constant 0 : i32
      %dma_wait3A_796 = tpu.memref_slice %arg5[%dma_wait3A_795] : memref<54853632xf32, #tpu.memory_space<hbm>> -> memref<71424xf32, #tpu.memory_space<hbm>>
      tpu.wait_dma2 semaphore(%arg23 : memref<!tpu.dma_semaphore, #tpu.memory_space<semaphore_mem>>) src(%arg11 : memref<71424xf32, #tpu.memory_space<vmem>>) dst(%dma_wait3A_796 : memref<71424xf32, #tpu.memory_space<hbm>>)
      %while3A_797 = arith.constant 0 : i32
      %while3A_798 = arith.constant 0 : i32
      %while3A_799 = arith.subi %select_n3A_167, %while3A_797 : i32
      %while3A_800 = arith.addi %while3A_797, %while3A_799 : i32
      %while3A_801 = arith.constant 1 : i32
      %while3A_802 = arith.divsi %while3A_799, %while3A_801 : i32
      %while3A_803 = arith.muli %while3A_802, %while3A_801 : i32
      %while3A_804 = arith.addi %while3A_797, %while3A_803 : i32
      %while3A_805 = arith.constant 1 : i32
      %while3A_806 = scf.for %while3A_1409 = %while3A_797 to %while3A_804 step %while3A_805 iter_args(%while3A_1410 = %while3A_798) -> (i32)  : i32 {
        %and3A_1411 = arith.constant 1 : i32
        %and3A_1412 = arith.andi %while3A_1409, %and3A_1411 : i32
        %ge3A = arith.constant 2 : i32
        %ge3A_1413 = arith.cmpi sge, %while3A_1409, %ge3A : i32
        %eq3A_1414 = arith.constant 0 : i32
        %eq3A_1415 = arith.cmpi eq, %and3A_1412, %eq3A_1414 : i32
        %and3A_1416 = arith.andi %ge3A_1413, %eq3A_1415 : i1
        %convert_element_type3A_1417 = arith.extui %and3A_1416 : i1 to i32
        %cond3A_1418 = arith.constant 0 : i32
        %cond3A_1419 = arith.cmpi ne, %convert_element_type3A_1417, %cond3A_1418 : i32
        scf.if %cond3A_1419 {
          %mul3A_1461 = arith.constant 128 : i32
          %mul3A_1462 = arith.muli %while3A_1409, %mul3A_1461 : i32
          %scan3A_1463 = arith.constant 0 : i32
          %scan3A_1464 = arith.constant 0 : i32
          %scan3A_1465 = arith.constant 8 : i32
          %scan3A_1466 = arith.addi %scan3A_1464, %scan3A_1465 : i32
          %scan3A_1467 = arith.constant 1 : i32
          %scan3A_1468 = scf.for %scan3A_1490 = %scan3A_1464 to %scan3A_1466 step %scan3A_1467 iter_args(%scan3A_1491 = %scan3A_1463) -> (i32)  : i32 {
            %mul3A_1492 = arith.constant 16 : i32
            %mul3A_1493 = arith.muli %scan3A_1490, %mul3A_1492 : i32
            %add3A_1494 = arith.addi %mul3A_1462, %mul3A_1493 : i32
            %get3A = arith.index_cast %add3A_1494 : i32 to index
            %get3A_1495 = tpu.vector_load %arg9[%get3A] {strides = array<i32>} : memref<12016xi32, #tpu.memory_space<vmem>>, vector<16xi32>,
            %add3A_1496 = vector.broadcast %add3A_1494 : i32 to vector<16xi32>
            %add3A_1497 = arith.addi %add3A_1496, %iota3A : vector<16xi32>
            %lt3A_1498 = vector.broadcast %reduce_max3A_139 : i32 to vector<16xi32>
            %lt3A_1499 = arith.cmpi slt, %add3A_1497, %lt3A_1498 : vector<16xi32>
            %add3A_1500 = arith.constant 2 : i32
            %add3A_1501 = vector.broadcast %add3A_1500 : i32 to vector<16xi32>
            %add3A_1502 = arith.addi %get3A_1495, %add3A_1501 : vector<16xi32>
            %jit3A_1503 = arith.constant 0 : i32
            %broadcast_in_dim3A_1504 = vector.broadcast %jit3A_1503 : i32 to vector<16xi32>
            %select_n3A_1505 = arith.select %lt3A_1499, %add3A_1502, %broadcast_in_dim3A_1504 : vector<16xi1>, vector<16xi32>
            %mul3A_1506 = arith.constant 16 : i32
            %mul3A_1507 = arith.muli %scan3A_1490, %mul3A_1506 : i32
            %add3A_1508 = arith.constant 512 : i32
            %add3A_1509 = arith.addi %add3A_1508, %mul3A_1507 : i32
            %swap3A = arith.index_cast %add3A_1509 : i32 to index
            %swap3A_1510 = tpu.vector_load %arg12[%swap3A] {strides = array<i32>} : memref<1024xi32, #tpu.memory_space<vmem>>, vector<16xi32>,
            tpu.vector_store %arg12[%swap3A], %select_n3A_1505 {strides = array<i32>} : memref<1024xi32, #tpu.memory_space<vmem>>, vector<16xi32>,
            %scan3A_1511 = arith.constant 0 : i32
            scf.yield %scan3A_1511 : i32
          }
          %scan3A_1469 = arith.constant 8 : i32
          %dma_start3A_1470 = arith.constant 4 : i32
          %dma_start3A_1471 = arith.constant 0 : i32
          %dma_start3A_1472 = arith.constant 0 : i32
          %dma_start3A_1473 = tpu.memref_slice %arg13[%dma_start3A_1470, %dma_start3A_1471, %dma_start3A_1472] : memref<8x128x16xf32, #tpu.memory_space<vmem>> -> memref<1x128x16xf32, #tpu.memory_space<vmem>>
          %dma_start3A_1474 = tpu.memref_squeeze %dma_start3A_1473 : memref<1x128x16xf32, #tpu.memory_space<vmem>> -> memref<128x16xf32, #tpu.memory_space<vmem>>
          %dma_start3A_1475 = arith.constant 512 : i32
          %dma_start3A_1476 = tpu.memref_slice %arg12[%dma_start3A_1475] : memref<1024xi32, #tpu.memory_space<vmem>> -> memref<128xi32, #tpu.memory_space<vmem>>
          %dma_start3A_1477 = arith.constant 0 : i32
          %dma_start3A_1478 = arith.constant 0 : i32
          %dma_start3A_1479 = tpu.memref_slice %arg4[%dma_start3A_1477, %dma_start3A_1478] : memref<192000x16xf32, #tpu.memory_space<hbm>> -> memref<192000x16xf32, #tpu.memory_space<hbm>>
          tpu.enqueue_indirect_dma source(%dma_start3A_1479 : memref<192000x16xf32, #tpu.memory_space<hbm>>) target(%dma_start3A_1474 : memref<128x16xf32, #tpu.memory_space<vmem>>) offsets(%dma_start3A_1476 : memref<128xi32, #tpu.memory_space<vmem>>) semaphore(%arg19 : memref<!tpu.dma_semaphore, #tpu.memory_space<semaphore_mem>>)
          %dma_wait3A_1480 = arith.constant 4 : i32
          %dma_wait3A_1481 = arith.constant 0 : i32
          %dma_wait3A_1482 = arith.constant 0 : i32
          %dma_wait3A_1483 = tpu.memref_slice %arg13[%dma_wait3A_1480, %dma_wait3A_1481, %dma_wait3A_1482] : memref<8x128x16xf32, #tpu.memory_space<vmem>> -> memref<1x128x16xf32, #tpu.memory_space<vmem>>
          %dma_wait3A_1484 = tpu.memref_squeeze %dma_wait3A_1483 : memref<1x128x16xf32, #tpu.memory_space<vmem>> -> memref<128x16xf32, #tpu.memory_space<vmem>>
          %dma_wait3A_1485 = arith.constant 512 : i32
          %dma_wait3A_1486 = tpu.memref_slice %arg12[%dma_wait3A_1485] : memref<1024xi32, #tpu.memory_space<vmem>> -> memref<128xi32, #tpu.memory_space<vmem>>
          %dma_wait3A_1487 = arith.constant 0 : i32
          %dma_wait3A_1488 = arith.constant 0 : i32
          %dma_wait3A_1489 = tpu.memref_slice %arg4[%dma_wait3A_1487, %dma_wait3A_1488] : memref<192000x16xf32, #tpu.memory_space<hbm>> -> memref<192000x16xf32, #tpu.memory_space<hbm>>
          tpu.wait_indirect_dma semaphore(%arg19 : memref<!tpu.dma_semaphore, #tpu.memory_space<semaphore_mem>>) src(%dma_wait3A_1489 : memref<192000x16xf32, #tpu.memory_space<hbm>>) dst(%dma_wait3A_1484 : memref<128x16xf32, #tpu.memory_space<vmem>>)
        } else {
        }
        %not3A = arith.constant true
        %not3A_1420 = arith.xori %ge3A_1413, %not3A : i1
        %eq3A_1421 = arith.constant 0 : i32
        %eq3A_1422 = arith.cmpi eq, %and3A_1412, %eq3A_1421 : i32
        %and3A_1423 = arith.andi %not3A_1420, %eq3A_1422 : i1
        %convert_element_type3A_1424 = arith.extui %and3A_1423 : i1 to i32
        %cond3A_1425 = arith.constant 0 : i32
        %cond3A_1426 = arith.cmpi ne, %convert_element_type3A_1424, %cond3A_1425 : i32
        scf.if %cond3A_1426 {
          %dma_wait3A_1461 = arith.constant 4 : i32
          %dma_wait3A_1462 = arith.constant 0 : i32
          %dma_wait3A_1463 = arith.constant 0 : i32
          %dma_wait3A_1464 = tpu.memref_slice %arg13[%dma_wait3A_1461, %dma_wait3A_1462, %dma_wait3A_1463] : memref<8x128x16xf32, #tpu.memory_space<vmem>> -> memref<1x128x16xf32, #tpu.memory_space<vmem>>
          %dma_wait3A_1465 = tpu.memref_squeeze %dma_wait3A_1464 : memref<1x128x16xf32, #tpu.memory_space<vmem>> -> memref<128x16xf32, #tpu.memory_space<vmem>>
          %dma_wait3A_1466 = arith.constant 512 : i32
          %dma_wait3A_1467 = tpu.memref_slice %arg12[%dma_wait3A_1466] : memref<1024xi32, #tpu.memory_space<vmem>> -> memref<128xi32, #tpu.memory_space<vmem>>
          %dma_wait3A_1468 = arith.constant 0 : i32
          %dma_wait3A_1469 = arith.constant 0 : i32
          %dma_wait3A_1470 = tpu.memref_slice %arg4[%dma_wait3A_1468, %dma_wait3A_1469] : memref<192000x16xf32, #tpu.memory_space<hbm>> -> memref<192000x16xf32, #tpu.memory_space<hbm>>
          tpu.wait_indirect_dma semaphore(%arg19 : memref<!tpu.dma_semaphore, #tpu.memory_space<semaphore_mem>>) src(%dma_wait3A_1470 : memref<192000x16xf32, #tpu.memory_space<hbm>>) dst(%dma_wait3A_1465 : memref<128x16xf32, #tpu.memory_space<vmem>>)
        } else {
        }
        %eq3A_1427 = arith.constant 1 : i32
        %eq3A_1428 = arith.cmpi eq, %and3A_1412, %eq3A_1427 : i32
        %and3A_1429 = arith.andi %ge3A_1413, %eq3A_1428 : i1
        %convert_element_type3A_1430 = arith.extui %and3A_1429 : i1 to i32
        %cond3A_1431 = arith.constant 0 : i32
        %cond3A_1432 = arith.cmpi ne, %convert_element_type3A_1430, %cond3A_1431 : i32
        scf.if %cond3A_1432 {
          %mul3A_1461 = arith.constant 128 : i32
          %mul3A_1462 = arith.muli %while3A_1409, %mul3A_1461 : i32
          %scan3A_1463 = arith.constant 0 : i32
          %scan3A_1464 = arith.constant 0 : i32
          %scan3A_1465 = arith.constant 8 : i32
          %scan3A_1466 = arith.addi %scan3A_1464, %scan3A_1465 : i32
          %scan3A_1467 = arith.constant 1 : i32
          %scan3A_1468 = scf.for %scan3A_1490 = %scan3A_1464 to %scan3A_1466 step %scan3A_1467 iter_args(%scan3A_1491 = %scan3A_1463) -> (i32)  : i32 {
            %mul3A_1492 = arith.constant 16 : i32
            %mul3A_1493 = arith.muli %scan3A_1490, %mul3A_1492 : i32
            %add3A_1494 = arith.addi %mul3A_1462, %mul3A_1493 : i32
            %get3A = arith.index_cast %add3A_1494 : i32 to index
            %get3A_1495 = tpu.vector_load %arg9[%get3A] {strides = array<i32>} : memref<12016xi32, #tpu.memory_space<vmem>>, vector<16xi32>,
            %add3A_1496 = vector.broadcast %add3A_1494 : i32 to vector<16xi32>
            %add3A_1497 = arith.addi %add3A_1496, %iota3A : vector<16xi32>
            %lt3A_1498 = vector.broadcast %reduce_max3A_139 : i32 to vector<16xi32>
            %lt3A_1499 = arith.cmpi slt, %add3A_1497, %lt3A_1498 : vector<16xi32>
            %add3A_1500 = arith.constant 2 : i32
            %add3A_1501 = vector.broadcast %add3A_1500 : i32 to vector<16xi32>
            %add3A_1502 = arith.addi %get3A_1495, %add3A_1501 : vector<16xi32>
            %jit3A_1503 = arith.constant 0 : i32
            %broadcast_in_dim3A_1504 = vector.broadcast %jit3A_1503 : i32 to vector<16xi32>
            %select_n3A_1505 = arith.select %lt3A_1499, %add3A_1502, %broadcast_in_dim3A_1504 : vector<16xi1>, vector<16xi32>
            %mul3A_1506 = arith.constant 16 : i32
            %mul3A_1507 = arith.muli %scan3A_1490, %mul3A_1506 : i32
            %add3A_1508 = arith.constant 640 : i32
            %add3A_1509 = arith.addi %add3A_1508, %mul3A_1507 : i32
            %swap3A = arith.index_cast %add3A_1509 : i32 to index
            %swap3A_1510 = tpu.vector_load %arg12[%swap3A] {strides = array<i32>} : memref<1024xi32, #tpu.memory_space<vmem>>, vector<16xi32>,
            tpu.vector_store %arg12[%swap3A], %select_n3A_1505 {strides = array<i32>} : memref<1024xi32, #tpu.memory_space<vmem>>, vector<16xi32>,
            %scan3A_1511 = arith.constant 0 : i32
            scf.yield %scan3A_1511 : i32
          }
          %scan3A_1469 = arith.constant 8 : i32
          %dma_start3A_1470 = arith.constant 5 : i32
          %dma_start3A_1471 = arith.constant 0 : i32
          %dma_start3A_1472 = arith.constant 0 : i32
          %dma_start3A_1473 = tpu.memref_slice %arg13[%dma_start3A_1470, %dma_start3A_1471, %dma_start3A_1472] : memref<8x128x16xf32, #tpu.memory_space<vmem>> -> memref<1x128x16xf32, #tpu.memory_space<vmem>>
          %dma_start3A_1474 = tpu.memref_squeeze %dma_start3A_1473 : memref<1x128x16xf32, #tpu.memory_space<vmem>> -> memref<128x16xf32, #tpu.memory_space<vmem>>
          %dma_start3A_1475 = arith.constant 640 : i32
          %dma_start3A_1476 = tpu.memref_slice %arg12[%dma_start3A_1475] : memref<1024xi32, #tpu.memory_space<vmem>> -> memref<128xi32, #tpu.memory_space<vmem>>
          %dma_start3A_1477 = arith.constant 0 : i32
          %dma_start3A_1478 = arith.constant 0 : i32
          %dma_start3A_1479 = tpu.memref_slice %arg4[%dma_start3A_1477, %dma_start3A_1478] : memref<192000x16xf32, #tpu.memory_space<hbm>> -> memref<192000x16xf32, #tpu.memory_space<hbm>>
          tpu.enqueue_indirect_dma source(%dma_start3A_1479 : memref<192000x16xf32, #tpu.memory_space<hbm>>) target(%dma_start3A_1474 : memref<128x16xf32, #tpu.memory_space<vmem>>) offsets(%dma_start3A_1476 : memref<128xi32, #tpu.memory_space<vmem>>) semaphore(%arg20 : memref<!tpu.dma_semaphore, #tpu.memory_space<semaphore_mem>>)
          %dma_wait3A_1480 = arith.constant 5 : i32
          %dma_wait3A_1481 = arith.constant 0 : i32
          %dma_wait3A_1482 = arith.constant 0 : i32
          %dma_wait3A_1483 = tpu.memref_slice %arg13[%dma_wait3A_1480, %dma_wait3A_1481, %dma_wait3A_1482] : memref<8x128x16xf32, #tpu.memory_space<vmem>> -> memref<1x128x16xf32, #tpu.memory_space<vmem>>
          %dma_wait3A_1484 = tpu.memref_squeeze %dma_wait3A_1483 : memref<1x128x16xf32, #tpu.memory_space<vmem>> -> memref<128x16xf32, #tpu.memory_space<vmem>>
          %dma_wait3A_1485 = arith.constant 640 : i32
          %dma_wait3A_1486 = tpu.memref_slice %arg12[%dma_wait3A_1485] : memref<1024xi32, #tpu.memory_space<vmem>> -> memref<128xi32, #tpu.memory_space<vmem>>
          %dma_wait3A_1487 = arith.constant 0 : i32
          %dma_wait3A_1488 = arith.constant 0 : i32
          %dma_wait3A_1489 = tpu.memref_slice %arg4[%dma_wait3A_1487, %dma_wait3A_1488] : memref<192000x16xf32, #tpu.memory_space<hbm>> -> memref<192000x16xf32, #tpu.memory_space<hbm>>
          tpu.wait_indirect_dma semaphore(%arg20 : memref<!tpu.dma_semaphore, #tpu.memory_space<semaphore_mem>>) src(%dma_wait3A_1489 : memref<192000x16xf32, #tpu.memory_space<hbm>>) dst(%dma_wait3A_1484 : memref<128x16xf32, #tpu.memory_space<vmem>>)
        } else {
        }
        %not3A_1433 = arith.constant true
        %not3A_1434 = arith.xori %ge3A_1413, %not3A_1433 : i1
        %eq3A_1435 = arith.constant 1 : i32
        %eq3A_1436 = arith.cmpi eq, %and3A_1412, %eq3A_1435 : i32
        %and3A_1437 = arith.andi %not3A_1434, %eq3A_1436 : i1
        %convert_element_type3A_1438 = arith.extui %and3A_1437 : i1 to i32
        %cond3A_1439 = arith.constant 0 : i32
        %cond3A_1440 = arith.cmpi ne, %convert_element_type3A_1438, %cond3A_1439 : i32
        scf.if %cond3A_1440 {
          %dma_wait3A_1461 = arith.constant 5 : i32
          %dma_wait3A_1462 = arith.constant 0 : i32
          %dma_wait3A_1463 = arith.constant 0 : i32
          %dma_wait3A_1464 = tpu.memref_slice %arg13[%dma_wait3A_1461, %dma_wait3A_1462, %dma_wait3A_1463] : memref<8x128x16xf32, #tpu.memory_space<vmem>> -> memref<1x128x16xf32, #tpu.memory_space<vmem>>
          %dma_wait3A_1465 = tpu.memref_squeeze %dma_wait3A_1464 : memref<1x128x16xf32, #tpu.memory_space<vmem>> -> memref<128x16xf32, #tpu.memory_space<vmem>>
          %dma_wait3A_1466 = arith.constant 640 : i32
          %dma_wait3A_1467 = tpu.memref_slice %arg12[%dma_wait3A_1466] : memref<1024xi32, #tpu.memory_space<vmem>> -> memref<128xi32, #tpu.memory_space<vmem>>
          %dma_wait3A_1468 = arith.constant 0 : i32
          %dma_wait3A_1469 = arith.constant 0 : i32
          %dma_wait3A_1470 = tpu.memref_slice %arg4[%dma_wait3A_1468, %dma_wait3A_1469] : memref<192000x16xf32, #tpu.memory_space<hbm>> -> memref<192000x16xf32, #tpu.memory_space<hbm>>
          tpu.wait_indirect_dma semaphore(%arg20 : memref<!tpu.dma_semaphore, #tpu.memory_space<semaphore_mem>>) src(%dma_wait3A_1470 : memref<192000x16xf32, #tpu.memory_space<hbm>>) dst(%dma_wait3A_1465 : memref<128x16xf32, #tpu.memory_space<vmem>>)
        } else {
        }
        %add3A_1441 = arith.constant 4 : i32
        %add3A_1442 = arith.addi %add3A_1441, %and3A_1412 : i32
        %mul3A_1443 = arith.constant 128 : i32
        %mul3A_1444 = arith.muli %while3A_1409, %mul3A_1443 : i32
        %sub3A_1445 = arith.subi %reduce_max3A_139, %mul3A_1444 : i32
        %min3A = arith.constant 128 : i32
        %min3A_1446 = arith.minsi %min3A, %sub3A_1445 : i32
        %broadcast_in_dim3A_1447 = vector.broadcast %add3A_1442 : i32 to vector<16xi32>
        %while3A_1448 = arith.constant 0 : i32
        %while3A_1449 = arith.constant 0 : i32
        %while3A_1450 = arith.subi %min3A_1446, %while3A_1448 : i32
        %while3A_1451 = arith.addi %while3A_1448, %while3A_1450 : i32
        %while3A_1452 = arith.constant 1 : i32
        %while3A_1453 = arith.divsi %while3A_1450, %while3A_1452 : i32
        %while3A_1454 = arith.muli %while3A_1453, %while3A_1452 : i32
        %while3A_1455 = arith.addi %while3A_1448, %while3A_1454 : i32
        %while3A_1456 = arith.constant 1 : i32
        %while3A_1457 = scf.for %while3A_1461 = %while3A_1448 to %while3A_1455 step %while3A_1456 iter_args(%while3A_1462 = %while3A_1449) -> (i32)  : i32 {
          %mul3A_1463 = arith.constant 128 : i32
          %mul3A_1464 = arith.muli %while3A_1409, %mul3A_1463 : i32
          %add3A_1465 = arith.addi %mul3A_1464, %while3A_1461 : i32
          %broadcast_in_dim3A_1466 = vector.broadcast %add3A_1465 : i32 to vector<16xi32>
          %gather3A = tpu.vector_load_idx %arg8[%broadcast_in_dim3A_1466] : memref<12016xi32, #tpu.memory_space<vmem>>[vector<16xi32>], vector<16xi32>,
          %broadcast_in_dim3A_1467 = vector.broadcast %while3A_1461 : i32 to vector<16xi32>
          %gather3A_1468 = tpu.vector_load_idx %arg13[%broadcast_in_dim3A_1447, %broadcast_in_dim3A_1467, %iota3A] : memref<8x128x16xf32, #tpu.memory_space<vmem>>[vector<16xi32>, vector<16xi32>, vector<16xi32>], vector<16xf32>,
          %add3A_1469 = arith.addi %gather3A, %mul3A_3 : vector<16xi32>
          tpu.vector_store_idx %arg11[%add3A_1469], %gather3A_1468 : memref<71424xf32, #tpu.memory_space<vmem>>[vector<16xi32>], vector<16xf32>,
          %while3A_1470 = arith.constant 0 : i32
          scf.yield %while3A_1470 : i32
        }
        %while3A_1458 = arith.constant 1 : i32
        %while3A_1459 = scf.for %while3A_1461 = %while3A_1455 to %while3A_1451 step %while3A_1458 iter_args(%while3A_1462 = %while3A_1457) -> (i32)  : i32 {
          %mul3A_1463 = arith.constant 128 : i32
          %mul3A_1464 = arith.muli %while3A_1409, %mul3A_1463 : i32
          %add3A_1465 = arith.addi %mul3A_1464, %while3A_1461 : i32
          %broadcast_in_dim3A_1466 = vector.broadcast %add3A_1465 : i32 to vector<16xi32>
          %gather3A = tpu.vector_load_idx %arg8[%broadcast_in_dim3A_1466] : memref<12016xi32, #tpu.memory_space<vmem>>[vector<16xi32>], vector<16xi32>,
          %broadcast_in_dim3A_1467 = vector.broadcast %while3A_1461 : i32 to vector<16xi32>
          %gather3A_1468 = tpu.vector_load_idx %arg13[%broadcast_in_dim3A_1447, %broadcast_in_dim3A_1467, %iota3A] : memref<8x128x16xf32, #tpu.memory_space<vmem>>[vector<16xi32>, vector<16xi32>, vector<16xi32>], vector<16xf32>,
          %add3A_1469 = arith.addi %gather3A, %mul3A_3 : vector<16xi32>
          tpu.vector_store_idx %arg11[%add3A_1469], %gather3A_1468 : memref<71424xf32, #tpu.memory_space<vmem>>[vector<16xi32>], vector<16xf32>,
          %while3A_1470 = arith.constant 0 : i32
          scf.yield %while3A_1470 : i32
        }
        %while3A_1460 = arith.constant 0 : i32
        scf.yield %while3A_1460 : i32
      }
      %while3A_807 = arith.constant 1 : i32
      %while3A_808 = scf.for %while3A_1409 = %while3A_804 to %while3A_800 step %while3A_807 iter_args(%while3A_1410 = %while3A_806) -> (i32)  : i32 {
        %and3A_1411 = arith.constant 1 : i32
        %and3A_1412 = arith.andi %while3A_1409, %and3A_1411 : i32
        %ge3A = arith.constant 2 : i32
        %ge3A_1413 = arith.cmpi sge, %while3A_1409, %ge3A : i32
        %eq3A_1414 = arith.constant 0 : i32
        %eq3A_1415 = arith.cmpi eq, %and3A_1412, %eq3A_1414 : i32
        %and3A_1416 = arith.andi %ge3A_1413, %eq3A_1415 : i1
        %convert_element_type3A_1417 = arith.extui %and3A_1416 : i1 to i32
        %cond3A_1418 = arith.constant 0 : i32
        %cond3A_1419 = arith.cmpi ne, %convert_element_type3A_1417, %cond3A_1418 : i32
        scf.if %cond3A_1419 {
          %mul3A_1461 = arith.constant 128 : i32
          %mul3A_1462 = arith.muli %while3A_1409, %mul3A_1461 : i32
          %scan3A_1463 = arith.constant 0 : i32
          %scan3A_1464 = arith.constant 0 : i32
          %scan3A_1465 = arith.constant 8 : i32
          %scan3A_1466 = arith.addi %scan3A_1464, %scan3A_1465 : i32
          %scan3A_1467 = arith.constant 1 : i32
          %scan3A_1468 = scf.for %scan3A_1490 = %scan3A_1464 to %scan3A_1466 step %scan3A_1467 iter_args(%scan3A_1491 = %scan3A_1463) -> (i32)  : i32 {
            %mul3A_1492 = arith.constant 16 : i32
            %mul3A_1493 = arith.muli %scan3A_1490, %mul3A_1492 : i32
            %add3A_1494 = arith.addi %mul3A_1462, %mul3A_1493 : i32
            %get3A = arith.index_cast %add3A_1494 : i32 to index
            %get3A_1495 = tpu.vector_load %arg9[%get3A] {strides = array<i32>} : memref<12016xi32, #tpu.memory_space<vmem>>, vector<16xi32>,
            %add3A_1496 = vector.broadcast %add3A_1494 : i32 to vector<16xi32>
            %add3A_1497 = arith.addi %add3A_1496, %iota3A : vector<16xi32>
            %lt3A_1498 = vector.broadcast %reduce_max3A_139 : i32 to vector<16xi32>
            %lt3A_1499 = arith.cmpi slt, %add3A_1497, %lt3A_1498 : vector<16xi32>
            %add3A_1500 = arith.constant 2 : i32
            %add3A_1501 = vector.broadcast %add3A_1500 : i32 to vector<16xi32>
            %add3A_1502 = arith.addi %get3A_1495, %add3A_1501 : vector<16xi32>
            %jit3A_1503 = arith.constant 0 : i32
            %broadcast_in_dim3A_1504 = vector.broadcast %jit3A_1503 : i32 to vector<16xi32>
            %select_n3A_1505 = arith.select %lt3A_1499, %add3A_1502, %broadcast_in_dim3A_1504 : vector<16xi1>, vector<16xi32>
            %mul3A_1506 = arith.constant 16 : i32
            %mul3A_1507 = arith.muli %scan3A_1490, %mul3A_1506 : i32
            %add3A_1508 = arith.constant 512 : i32
            %add3A_1509 = arith.addi %add3A_1508, %mul3A_1507 : i32
            %swap3A = arith.index_cast %add3A_1509 : i32 to index
            %swap3A_1510 = tpu.vector_load %arg12[%swap3A] {strides = array<i32>} : memref<1024xi32, #tpu.memory_space<vmem>>, vector<16xi32>,
            tpu.vector_store %arg12[%swap3A], %select_n3A_1505 {strides = array<i32>} : memref<1024xi32, #tpu.memory_space<vmem>>, vector<16xi32>,
            %scan3A_1511 = arith.constant 0 : i32
            scf.yield %scan3A_1511 : i32
          }
          %scan3A_1469 = arith.constant 8 : i32
          %dma_start3A_1470 = arith.constant 4 : i32
          %dma_start3A_1471 = arith.constant 0 : i32
          %dma_start3A_1472 = arith.constant 0 : i32
          %dma_start3A_1473 = tpu.memref_slice %arg13[%dma_start3A_1470, %dma_start3A_1471, %dma_start3A_1472] : memref<8x128x16xf32, #tpu.memory_space<vmem>> -> memref<1x128x16xf32, #tpu.memory_space<vmem>>
          %dma_start3A_1474 = tpu.memref_squeeze %dma_start3A_1473 : memref<1x128x16xf32, #tpu.memory_space<vmem>> -> memref<128x16xf32, #tpu.memory_space<vmem>>
          %dma_start3A_1475 = arith.constant 512 : i32
          %dma_start3A_1476 = tpu.memref_slice %arg12[%dma_start3A_1475] : memref<1024xi32, #tpu.memory_space<vmem>> -> memref<128xi32, #tpu.memory_space<vmem>>
          %dma_start3A_1477 = arith.constant 0 : i32
          %dma_start3A_1478 = arith.constant 0 : i32
          %dma_start3A_1479 = tpu.memref_slice %arg4[%dma_start3A_1477, %dma_start3A_1478] : memref<192000x16xf32, #tpu.memory_space<hbm>> -> memref<192000x16xf32, #tpu.memory_space<hbm>>
          tpu.enqueue_indirect_dma source(%dma_start3A_1479 : memref<192000x16xf32, #tpu.memory_space<hbm>>) target(%dma_start3A_1474 : memref<128x16xf32, #tpu.memory_space<vmem>>) offsets(%dma_start3A_1476 : memref<128xi32, #tpu.memory_space<vmem>>) semaphore(%arg19 : memref<!tpu.dma_semaphore, #tpu.memory_space<semaphore_mem>>)
          %dma_wait3A_1480 = arith.constant 4 : i32
          %dma_wait3A_1481 = arith.constant 0 : i32
          %dma_wait3A_1482 = arith.constant 0 : i32
          %dma_wait3A_1483 = tpu.memref_slice %arg13[%dma_wait3A_1480, %dma_wait3A_1481, %dma_wait3A_1482] : memref<8x128x16xf32, #tpu.memory_space<vmem>> -> memref<1x128x16xf32, #tpu.memory_space<vmem>>
          %dma_wait3A_1484 = tpu.memref_squeeze %dma_wait3A_1483 : memref<1x128x16xf32, #tpu.memory_space<vmem>> -> memref<128x16xf32, #tpu.memory_space<vmem>>
          %dma_wait3A_1485 = arith.constant 512 : i32
          %dma_wait3A_1486 = tpu.memref_slice %arg12[%dma_wait3A_1485] : memref<1024xi32, #tpu.memory_space<vmem>> -> memref<128xi32, #tpu.memory_space<vmem>>
          %dma_wait3A_1487 = arith.constant 0 : i32
          %dma_wait3A_1488 = arith.constant 0 : i32
          %dma_wait3A_1489 = tpu.memref_slice %arg4[%dma_wait3A_1487, %dma_wait3A_1488] : memref<192000x16xf32, #tpu.memory_space<hbm>> -> memref<192000x16xf32, #tpu.memory_space<hbm>>
          tpu.wait_indirect_dma semaphore(%arg19 : memref<!tpu.dma_semaphore, #tpu.memory_space<semaphore_mem>>) src(%dma_wait3A_1489 : memref<192000x16xf32, #tpu.memory_space<hbm>>) dst(%dma_wait3A_1484 : memref<128x16xf32, #tpu.memory_space<vmem>>)
        } else {
        }
        %not3A = arith.constant true
        %not3A_1420 = arith.xori %ge3A_1413, %not3A : i1
        %eq3A_1421 = arith.constant 0 : i32
        %eq3A_1422 = arith.cmpi eq, %and3A_1412, %eq3A_1421 : i32
        %and3A_1423 = arith.andi %not3A_1420, %eq3A_1422 : i1
        %convert_element_type3A_1424 = arith.extui %and3A_1423 : i1 to i32
        %cond3A_1425 = arith.constant 0 : i32
        %cond3A_1426 = arith.cmpi ne, %convert_element_type3A_1424, %cond3A_1425 : i32
        scf.if %cond3A_1426 {
          %dma_wait3A_1461 = arith.constant 4 : i32
          %dma_wait3A_1462 = arith.constant 0 : i32
          %dma_wait3A_1463 = arith.constant 0 : i32
          %dma_wait3A_1464 = tpu.memref_slice %arg13[%dma_wait3A_1461, %dma_wait3A_1462, %dma_wait3A_1463] : memref<8x128x16xf32, #tpu.memory_space<vmem>> -> memref<1x128x16xf32, #tpu.memory_space<vmem>>
          %dma_wait3A_1465 = tpu.memref_squeeze %dma_wait3A_1464 : memref<1x128x16xf32, #tpu.memory_space<vmem>> -> memref<128x16xf32, #tpu.memory_space<vmem>>
          %dma_wait3A_1466 = arith.constant 512 : i32
          %dma_wait3A_1467 = tpu.memref_slice %arg12[%dma_wait3A_1466] : memref<1024xi32, #tpu.memory_space<vmem>> -> memref<128xi32, #tpu.memory_space<vmem>>
          %dma_wait3A_1468 = arith.constant 0 : i32
          %dma_wait3A_1469 = arith.constant 0 : i32
          %dma_wait3A_1470 = tpu.memref_slice %arg4[%dma_wait3A_1468, %dma_wait3A_1469] : memref<192000x16xf32, #tpu.memory_space<hbm>> -> memref<192000x16xf32, #tpu.memory_space<hbm>>
          tpu.wait_indirect_dma semaphore(%arg19 : memref<!tpu.dma_semaphore, #tpu.memory_space<semaphore_mem>>) src(%dma_wait3A_1470 : memref<192000x16xf32, #tpu.memory_space<hbm>>) dst(%dma_wait3A_1465 : memref<128x16xf32, #tpu.memory_space<vmem>>)
        } else {
        }
        %eq3A_1427 = arith.constant 1 : i32
        %eq3A_1428 = arith.cmpi eq, %and3A_1412, %eq3A_1427 : i32
        %and3A_1429 = arith.andi %ge3A_1413, %eq3A_1428 : i1
        %convert_element_type3A_1430 = arith.extui %and3A_1429 : i1 to i32
        %cond3A_1431 = arith.constant 0 : i32
        %cond3A_1432 = arith.cmpi ne, %convert_element_type3A_1430, %cond3A_1431 : i32
        scf.if %cond3A_1432 {
          %mul3A_1461 = arith.constant 128 : i32
          %mul3A_1462 = arith.muli %while3A_1409, %mul3A_1461 : i32
          %scan3A_1463 = arith.constant 0 : i32
          %scan3A_1464 = arith.constant 0 : i32
          %scan3A_1465 = arith.constant 8 : i32
          %scan3A_1466 = arith.addi %scan3A_1464, %scan3A_1465 : i32
          %scan3A_1467 = arith.constant 1 : i32
          %scan3A_1468 = scf.for %scan3A_1490 = %scan3A_1464 to %scan3A_1466 step %scan3A_1467 iter_args(%scan3A_1491 = %scan3A_1463) -> (i32)  : i32 {
            %mul3A_1492 = arith.constant 16 : i32
            %mul3A_1493 = arith.muli %scan3A_1490, %mul3A_1492 : i32
            %add3A_1494 = arith.addi %mul3A_1462, %mul3A_1493 : i32
            %get3A = arith.index_cast %add3A_1494 : i32 to index
            %get3A_1495 = tpu.vector_load %arg9[%get3A] {strides = array<i32>} : memref<12016xi32, #tpu.memory_space<vmem>>, vector<16xi32>,
            %add3A_1496 = vector.broadcast %add3A_1494 : i32 to vector<16xi32>
            %add3A_1497 = arith.addi %add3A_1496, %iota3A : vector<16xi32>
            %lt3A_1498 = vector.broadcast %reduce_max3A_139 : i32 to vector<16xi32>
            %lt3A_1499 = arith.cmpi slt, %add3A_1497, %lt3A_1498 : vector<16xi32>
            %add3A_1500 = arith.constant 2 : i32
            %add3A_1501 = vector.broadcast %add3A_1500 : i32 to vector<16xi32>
            %add3A_1502 = arith.addi %get3A_1495, %add3A_1501 : vector<16xi32>
            %jit3A_1503 = arith.constant 0 : i32
            %broadcast_in_dim3A_1504 = vector.broadcast %jit3A_1503 : i32 to vector<16xi32>
            %select_n3A_1505 = arith.select %lt3A_1499, %add3A_1502, %broadcast_in_dim3A_1504 : vector<16xi1>, vector<16xi32>
            %mul3A_1506 = arith.constant 16 : i32
            %mul3A_1507 = arith.muli %scan3A_1490, %mul3A_1506 : i32
            %add3A_1508 = arith.constant 640 : i32
            %add3A_1509 = arith.addi %add3A_1508, %mul3A_1507 : i32
            %swap3A = arith.index_cast %add3A_1509 : i32 to index
            %swap3A_1510 = tpu.vector_load %arg12[%swap3A] {strides = array<i32>} : memref<1024xi32, #tpu.memory_space<vmem>>, vector<16xi32>,
            tpu.vector_store %arg12[%swap3A], %select_n3A_1505 {strides = array<i32>} : memref<1024xi32, #tpu.memory_space<vmem>>, vector<16xi32>,
            %scan3A_1511 = arith.constant 0 : i32
            scf.yield %scan3A_1511 : i32
          }
          %scan3A_1469 = arith.constant 8 : i32
          %dma_start3A_1470 = arith.constant 5 : i32
          %dma_start3A_1471 = arith.constant 0 : i32
          %dma_start3A_1472 = arith.constant 0 : i32
          %dma_start3A_1473 = tpu.memref_slice %arg13[%dma_start3A_1470, %dma_start3A_1471, %dma_start3A_1472] : memref<8x128x16xf32, #tpu.memory_space<vmem>> -> memref<1x128x16xf32, #tpu.memory_space<vmem>>
          %dma_start3A_1474 = tpu.memref_squeeze %dma_start3A_1473 : memref<1x128x16xf32, #tpu.memory_space<vmem>> -> memref<128x16xf32, #tpu.memory_space<vmem>>
          %dma_start3A_1475 = arith.constant 640 : i32
          %dma_start3A_1476 = tpu.memref_slice %arg12[%dma_start3A_1475] : memref<1024xi32, #tpu.memory_space<vmem>> -> memref<128xi32, #tpu.memory_space<vmem>>
          %dma_start3A_1477 = arith.constant 0 : i32
          %dma_start3A_1478 = arith.constant 0 : i32
          %dma_start3A_1479 = tpu.memref_slice %arg4[%dma_start3A_1477, %dma_start3A_1478] : memref<192000x16xf32, #tpu.memory_space<hbm>> -> memref<192000x16xf32, #tpu.memory_space<hbm>>
          tpu.enqueue_indirect_dma source(%dma_start3A_1479 : memref<192000x16xf32, #tpu.memory_space<hbm>>) target(%dma_start3A_1474 : memref<128x16xf32, #tpu.memory_space<vmem>>) offsets(%dma_start3A_1476 : memref<128xi32, #tpu.memory_space<vmem>>) semaphore(%arg20 : memref<!tpu.dma_semaphore, #tpu.memory_space<semaphore_mem>>)
          %dma_wait3A_1480 = arith.constant 5 : i32
          %dma_wait3A_1481 = arith.constant 0 : i32
          %dma_wait3A_1482 = arith.constant 0 : i32
          %dma_wait3A_1483 = tpu.memref_slice %arg13[%dma_wait3A_1480, %dma_wait3A_1481, %dma_wait3A_1482] : memref<8x128x16xf32, #tpu.memory_space<vmem>> -> memref<1x128x16xf32, #tpu.memory_space<vmem>>
          %dma_wait3A_1484 = tpu.memref_squeeze %dma_wait3A_1483 : memref<1x128x16xf32, #tpu.memory_space<vmem>> -> memref<128x16xf32, #tpu.memory_space<vmem>>
          %dma_wait3A_1485 = arith.constant 640 : i32
          %dma_wait3A_1486 = tpu.memref_slice %arg12[%dma_wait3A_1485] : memref<1024xi32, #tpu.memory_space<vmem>> -> memref<128xi32, #tpu.memory_space<vmem>>
          %dma_wait3A_1487 = arith.constant 0 : i32
          %dma_wait3A_1488 = arith.constant 0 : i32
          %dma_wait3A_1489 = tpu.memref_slice %arg4[%dma_wait3A_1487, %dma_wait3A_1488] : memref<192000x16xf32, #tpu.memory_space<hbm>> -> memref<192000x16xf32, #tpu.memory_space<hbm>>
          tpu.wait_indirect_dma semaphore(%arg20 : memref<!tpu.dma_semaphore, #tpu.memory_space<semaphore_mem>>) src(%dma_wait3A_1489 : memref<192000x16xf32, #tpu.memory_space<hbm>>) dst(%dma_wait3A_1484 : memref<128x16xf32, #tpu.memory_space<vmem>>)
        } else {
        }
        %not3A_1433 = arith.constant true
        %not3A_1434 = arith.xori %ge3A_1413, %not3A_1433 : i1
        %eq3A_1435 = arith.constant 1 : i32
        %eq3A_1436 = arith.cmpi eq, %and3A_1412, %eq3A_1435 : i32
        %and3A_1437 = arith.andi %not3A_1434, %eq3A_1436 : i1
        %convert_element_type3A_1438 = arith.extui %and3A_1437 : i1 to i32
        %cond3A_1439 = arith.constant 0 : i32
        %cond3A_1440 = arith.cmpi ne, %convert_element_type3A_1438, %cond3A_1439 : i32
        scf.if %cond3A_1440 {
          %dma_wait3A_1461 = arith.constant 5 : i32
          %dma_wait3A_1462 = arith.constant 0 : i32
          %dma_wait3A_1463 = arith.constant 0 : i32
          %dma_wait3A_1464 = tpu.memref_slice %arg13[%dma_wait3A_1461, %dma_wait3A_1462, %dma_wait3A_1463] : memref<8x128x16xf32, #tpu.memory_space<vmem>> -> memref<1x128x16xf32, #tpu.memory_space<vmem>>
          %dma_wait3A_1465 = tpu.memref_squeeze %dma_wait3A_1464 : memref<1x128x16xf32, #tpu.memory_space<vmem>> -> memref<128x16xf32, #tpu.memory_space<vmem>>
          %dma_wait3A_1466 = arith.constant 640 : i32
          %dma_wait3A_1467 = tpu.memref_slice %arg12[%dma_wait3A_1466] : memref<1024xi32, #tpu.memory_space<vmem>> -> memref<128xi32, #tpu.memory_space<vmem>>
          %dma_wait3A_1468 = arith.constant 0 : i32
          %dma_wait3A_1469 = arith.constant 0 : i32
          %dma_wait3A_1470 = tpu.memref_slice %arg4[%dma_wait3A_1468, %dma_wait3A_1469] : memref<192000x16xf32, #tpu.memory_space<hbm>> -> memref<192000x16xf32, #tpu.memory_space<hbm>>
          tpu.wait_indirect_dma semaphore(%arg20 : memref<!tpu.dma_semaphore, #tpu.memory_space<semaphore_mem>>) src(%dma_wait3A_1470 : memref<192000x16xf32, #tpu.memory_space<hbm>>) dst(%dma_wait3A_1465 : memref<128x16xf32, #tpu.memory_space<vmem>>)
        } else {
        }
        %add3A_1441 = arith.constant 4 : i32
        %add3A_1442 = arith.addi %add3A_1441, %and3A_1412 : i32
        %mul3A_1443 = arith.constant 128 : i32
        %mul3A_1444 = arith.muli %while3A_1409, %mul3A_1443 : i32
        %sub3A_1445 = arith.subi %reduce_max3A_139, %mul3A_1444 : i32
        %min3A = arith.constant 128 : i32
        %min3A_1446 = arith.minsi %min3A, %sub3A_1445 : i32
        %broadcast_in_dim3A_1447 = vector.broadcast %add3A_1442 : i32 to vector<16xi32>
        %while3A_1448 = arith.constant 0 : i32
        %while3A_1449 = arith.constant 0 : i32
        %while3A_1450 = arith.subi %min3A_1446, %while3A_1448 : i32
        %while3A_1451 = arith.addi %while3A_1448, %while3A_1450 : i32
        %while3A_1452 = arith.constant 1 : i32
        %while3A_1453 = arith.divsi %while3A_1450, %while3A_1452 : i32
        %while3A_1454 = arith.muli %while3A_1453, %while3A_1452 : i32
        %while3A_1455 = arith.addi %while3A_1448, %while3A_1454 : i32
        %while3A_1456 = arith.constant 1 : i32
        %while3A_1457 = scf.for %while3A_1461 = %while3A_1448 to %while3A_1455 step %while3A_1456 iter_args(%while3A_1462 = %while3A_1449) -> (i32)  : i32 {
          %mul3A_1463 = arith.constant 128 : i32
          %mul3A_1464 = arith.muli %while3A_1409, %mul3A_1463 : i32
          %add3A_1465 = arith.addi %mul3A_1464, %while3A_1461 : i32
          %broadcast_in_dim3A_1466 = vector.broadcast %add3A_1465 : i32 to vector<16xi32>
          %gather3A = tpu.vector_load_idx %arg8[%broadcast_in_dim3A_1466] : memref<12016xi32, #tpu.memory_space<vmem>>[vector<16xi32>], vector<16xi32>,
          %broadcast_in_dim3A_1467 = vector.broadcast %while3A_1461 : i32 to vector<16xi32>
          %gather3A_1468 = tpu.vector_load_idx %arg13[%broadcast_in_dim3A_1447, %broadcast_in_dim3A_1467, %iota3A] : memref<8x128x16xf32, #tpu.memory_space<vmem>>[vector<16xi32>, vector<16xi32>, vector<16xi32>], vector<16xf32>,
          %add3A_1469 = arith.addi %gather3A, %mul3A_3 : vector<16xi32>
          tpu.vector_store_idx %arg11[%add3A_1469], %gather3A_1468 : memref<71424xf32, #tpu.memory_space<vmem>>[vector<16xi32>], vector<16xf32>,
          %while3A_1470 = arith.constant 0 : i32
          scf.yield %while3A_1470 : i32
        }
        %while3A_1458 = arith.constant 1 : i32
        %while3A_1459 = scf.for %while3A_1461 = %while3A_1455 to %while3A_1451 step %while3A_1458 iter_args(%while3A_1462 = %while3A_1457) -> (i32)  : i32 {
          %mul3A_1463 = arith.constant 128 : i32
          %mul3A_1464 = arith.muli %while3A_1409, %mul3A_1463 : i32
          %add3A_1465 = arith.addi %mul3A_1464, %while3A_1461 : i32
          %broadcast_in_dim3A_1466 = vector.broadcast %add3A_1465 : i32 to vector<16xi32>
          %gather3A = tpu.vector_load_idx %arg8[%broadcast_in_dim3A_1466] : memref<12016xi32, #tpu.memory_space<vmem>>[vector<16xi32>], vector<16xi32>,
          %broadcast_in_dim3A_1467 = vector.broadcast %while3A_1461 : i32 to vector<16xi32>
          %gather3A_1468 = tpu.vector_load_idx %arg13[%broadcast_in_dim3A_1447, %broadcast_in_dim3A_1467, %iota3A] : memref<8x128x16xf32, #tpu.memory_space<vmem>>[vector<16xi32>, vector<16xi32>, vector<16xi32>], vector<16xf32>,
          %add3A_1469 = arith.addi %gather3A, %mul3A_3 : vector<16xi32>
          tpu.vector_store_idx %arg11[%add3A_1469], %gather3A_1468 : memref<71424xf32, #tpu.memory_space<vmem>>[vector<16xi32>], vector<16xf32>,
          %while3A_1470 = arith.constant 0 : i32
          scf.yield %while3A_1470 : i32
        }
        %while3A_1460 = arith.constant 0 : i32
        scf.yield %while3A_1460 : i32
      }
      %mul3A_809 = arith.constant 64 : i32
      %mul3A_810 = arith.muli %select_n3A, %mul3A_809 : i32
      %add3A_811 = arith.constant 32 : i32
      %add3A_812 = arith.addi %mul3A_810, %add3A_811 : i32
      %add3A_813 = arith.constant 0 : i32
      %add3A_814 = arith.addi %add3A_812, %add3A_813 : i32
      %mul3A_815 = arith.constant 432 : i32
      %mul3A_816 = arith.muli %add3A_814, %mul3A_815 : i32
      %add3A_817 = arith.addi %mul3A_816, %mul3A_57 : i32
      %mul3A_818 = arith.constant 496 : i32
      %mul3A_819 = arith.muli %add3A_817, %mul3A_818 : i32
      %dma_start3A_820 = arith.constant 0 : i32
      %dma_start3A_821 = tpu.memref_slice %arg11[%dma_start3A_820] : memref<71424xf32, #tpu.memory_space<vmem>> -> memref<4464xf32, #tpu.memory_space<vmem>>
      %dma_start3A_822 = tpu.memref_slice %arg5[%mul3A_819] : memref<54853632xf32, #tpu.memory_space<hbm>> -> memref<4464xf32, #tpu.memory_space<hbm>>
      %dma_start3A_823 = tpu.memref_slice %arg5[%mul3A_819] : memref<54853632xf32, #tpu.memory_space<hbm>> -> memref<4464xf32, #tpu.memory_space<hbm>>
      %dma_start3A_824 = arith.constant 0 : i32
      %dma_start3A_825 = tpu.memref_slice %arg11[%dma_start3A_824] : memref<71424xf32, #tpu.memory_space<vmem>> -> memref<4464xf32, #tpu.memory_space<vmem>>
      tpu.enqueue_dma source(%dma_start3A_825 : memref<4464xf32, #tpu.memory_space<vmem>>) target(%dma_start3A_823 : memref<4464xf32, #tpu.memory_space<hbm>>) target_semaphore(%arg23 : memref<!tpu.dma_semaphore, #tpu.memory_space<semaphore_mem>>)
      %mul3A_826 = arith.constant 64 : i32
      %mul3A_827 = arith.muli %select_n3A, %mul3A_826 : i32
      %add3A_828 = arith.constant 32 : i32
      %add3A_829 = arith.addi %mul3A_827, %add3A_828 : i32
      %add3A_830 = arith.constant 1 : i32
      %add3A_831 = arith.addi %add3A_829, %add3A_830 : i32
      %mul3A_832 = arith.constant 432 : i32
      %mul3A_833 = arith.muli %add3A_831, %mul3A_832 : i32
      %add3A_834 = arith.addi %mul3A_833, %mul3A_57 : i32
      %mul3A_835 = arith.constant 496 : i32
      %mul3A_836 = arith.muli %add3A_834, %mul3A_835 : i32
      %dma_start3A_837 = arith.constant 4464 : i32
      %dma_start3A_838 = tpu.memref_slice %arg11[%dma_start3A_837] : memref<71424xf32, #tpu.memory_space<vmem>> -> memref<4464xf32, #tpu.memory_space<vmem>>
      %dma_start3A_839 = tpu.memref_slice %arg5[%mul3A_836] : memref<54853632xf32, #tpu.memory_space<hbm>> -> memref<4464xf32, #tpu.memory_space<hbm>>
      %dma_start3A_840 = tpu.memref_slice %arg5[%mul3A_836] : memref<54853632xf32, #tpu.memory_space<hbm>> -> memref<4464xf32, #tpu.memory_space<hbm>>
      %dma_start3A_841 = arith.constant 4464 : i32
      %dma_start3A_842 = tpu.memref_slice %arg11[%dma_start3A_841] : memref<71424xf32, #tpu.memory_space<vmem>> -> memref<4464xf32, #tpu.memory_space<vmem>>
      tpu.enqueue_dma source(%dma_start3A_842 : memref<4464xf32, #tpu.memory_space<vmem>>) target(%dma_start3A_840 : memref<4464xf32, #tpu.memory_space<hbm>>) target_semaphore(%arg23 : memref<!tpu.dma_semaphore, #tpu.memory_space<semaphore_mem>>)
      %mul3A_843 = arith.constant 64 : i32
      %mul3A_844 = arith.muli %select_n3A, %mul3A_843 : i32
      %add3A_845 = arith.constant 32 : i32
      %add3A_846 = arith.addi %mul3A_844, %add3A_845 : i32
      %add3A_847 = arith.constant 2 : i32
      %add3A_848 = arith.addi %add3A_846, %add3A_847 : i32
      %mul3A_849 = arith.constant 432 : i32
      %mul3A_850 = arith.muli %add3A_848, %mul3A_849 : i32
      %add3A_851 = arith.addi %mul3A_850, %mul3A_57 : i32
      %mul3A_852 = arith.constant 496 : i32
      %mul3A_853 = arith.muli %add3A_851, %mul3A_852 : i32
      %dma_start3A_854 = arith.constant 8928 : i32
      %dma_start3A_855 = tpu.memref_slice %arg11[%dma_start3A_854] : memref<71424xf32, #tpu.memory_space<vmem>> -> memref<4464xf32, #tpu.memory_space<vmem>>
      %dma_start3A_856 = tpu.memref_slice %arg5[%mul3A_853] : memref<54853632xf32, #tpu.memory_space<hbm>> -> memref<4464xf32, #tpu.memory_space<hbm>>
      %dma_start3A_857 = tpu.memref_slice %arg5[%mul3A_853] : memref<54853632xf32, #tpu.memory_space<hbm>> -> memref<4464xf32, #tpu.memory_space<hbm>>
      %dma_start3A_858 = arith.constant 8928 : i32
      %dma_start3A_859 = tpu.memref_slice %arg11[%dma_start3A_858] : memref<71424xf32, #tpu.memory_space<vmem>> -> memref<4464xf32, #tpu.memory_space<vmem>>
      tpu.enqueue_dma source(%dma_start3A_859 : memref<4464xf32, #tpu.memory_space<vmem>>) target(%dma_start3A_857 : memref<4464xf32, #tpu.memory_space<hbm>>) target_semaphore(%arg23 : memref<!tpu.dma_semaphore, #tpu.memory_space<semaphore_mem>>)
      %mul3A_860 = arith.constant 64 : i32
      %mul3A_861 = arith.muli %select_n3A, %mul3A_860 : i32
      %add3A_862 = arith.constant 32 : i32
      %add3A_863 = arith.addi %mul3A_861, %add3A_862 : i32
      %add3A_864 = arith.constant 3 : i32
      %add3A_865 = arith.addi %add3A_863, %add3A_864 : i32
      %mul3A_866 = arith.constant 432 : i32
      %mul3A_867 = arith.muli %add3A_865, %mul3A_866 : i32
      %add3A_868 = arith.addi %mul3A_867, %mul3A_57 : i32
      %mul3A_869 = arith.constant 496 : i32
      %mul3A_870 = arith.muli %add3A_868, %mul3A_869 : i32
      %dma_start3A_871 = arith.constant 13392 : i32
      %dma_start3A_872 = tpu.memref_slice %arg11[%dma_start3A_871] : memref<71424xf32, #tpu.memory_space<vmem>> -> memref<4464xf32, #tpu.memory_space<vmem>>
      %dma_start3A_873 = tpu.memref_slice %arg5[%mul3A_870] : memref<54853632xf32, #tpu.memory_space<hbm>> -> memref<4464xf32, #tpu.memory_space<hbm>>
      %dma_start3A_874 = tpu.memref_slice %arg5[%mul3A_870] : memref<54853632xf32, #tpu.memory_space<hbm>> -> memref<4464xf32, #tpu.memory_space<hbm>>
      %dma_start3A_875 = arith.constant 13392 : i32
      %dma_start3A_876 = tpu.memref_slice %arg11[%dma_start3A_875] : memref<71424xf32, #tpu.memory_space<vmem>> -> memref<4464xf32, #tpu.memory_space<vmem>>
      tpu.enqueue_dma source(%dma_start3A_876 : memref<4464xf32, #tpu.memory_space<vmem>>) target(%dma_start3A_874 : memref<4464xf32, #tpu.memory_space<hbm>>) target_semaphore(%arg23 : memref<!tpu.dma_semaphore, #tpu.memory_space<semaphore_mem>>)
      %mul3A_877 = arith.constant 64 : i32
      %mul3A_878 = arith.muli %select_n3A, %mul3A_877 : i32
      %add3A_879 = arith.constant 32 : i32
      %add3A_880 = arith.addi %mul3A_878, %add3A_879 : i32
      %add3A_881 = arith.constant 4 : i32
      %add3A_882 = arith.addi %add3A_880, %add3A_881 : i32
      %mul3A_883 = arith.constant 432 : i32
      %mul3A_884 = arith.muli %add3A_882, %mul3A_883 : i32
      %add3A_885 = arith.addi %mul3A_884, %mul3A_57 : i32
      %mul3A_886 = arith.constant 496 : i32
      %mul3A_887 = arith.muli %add3A_885, %mul3A_886 : i32
      %dma_start3A_888 = arith.constant 17856 : i32
      %dma_start3A_889 = tpu.memref_slice %arg11[%dma_start3A_888] : memref<71424xf32, #tpu.memory_space<vmem>> -> memref<4464xf32, #tpu.memory_space<vmem>>
      %dma_start3A_890 = tpu.memref_slice %arg5[%mul3A_887] : memref<54853632xf32, #tpu.memory_space<hbm>> -> memref<4464xf32, #tpu.memory_space<hbm>>
      %dma_start3A_891 = tpu.memref_slice %arg5[%mul3A_887] : memref<54853632xf32, #tpu.memory_space<hbm>> -> memref<4464xf32, #tpu.memory_space<hbm>>
      %dma_start3A_892 = arith.constant 17856 : i32
      %dma_start3A_893 = tpu.memref_slice %arg11[%dma_start3A_892] : memref<71424xf32, #tpu.memory_space<vmem>> -> memref<4464xf32, #tpu.memory_space<vmem>>
      tpu.enqueue_dma source(%dma_start3A_893 : memref<4464xf32, #tpu.memory_space<vmem>>) target(%dma_start3A_891 : memref<4464xf32, #tpu.memory_space<hbm>>) target_semaphore(%arg23 : memref<!tpu.dma_semaphore, #tpu.memory_space<semaphore_mem>>)
      %mul3A_894 = arith.constant 64 : i32
      %mul3A_895 = arith.muli %select_n3A, %mul3A_894 : i32
      %add3A_896 = arith.constant 32 : i32
      %add3A_897 = arith.addi %mul3A_895, %add3A_896 : i32
      %add3A_898 = arith.constant 5 : i32
      %add3A_899 = arith.addi %add3A_897, %add3A_898 : i32
      %mul3A_900 = arith.constant 432 : i32
      %mul3A_901 = arith.muli %add3A_899, %mul3A_900 : i32
      %add3A_902 = arith.addi %mul3A_901, %mul3A_57 : i32
      %mul3A_903 = arith.constant 496 : i32
      %mul3A_904 = arith.muli %add3A_902, %mul3A_903 : i32
      %dma_start3A_905 = arith.constant 22320 : i32
      %dma_start3A_906 = tpu.memref_slice %arg11[%dma_start3A_905] : memref<71424xf32, #tpu.memory_space<vmem>> -> memref<4464xf32, #tpu.memory_space<vmem>>
      %dma_start3A_907 = tpu.memref_slice %arg5[%mul3A_904] : memref<54853632xf32, #tpu.memory_space<hbm>> -> memref<4464xf32, #tpu.memory_space<hbm>>
      %dma_start3A_908 = tpu.memref_slice %arg5[%mul3A_904] : memref<54853632xf32, #tpu.memory_space<hbm>> -> memref<4464xf32, #tpu.memory_space<hbm>>
      %dma_start3A_909 = arith.constant 22320 : i32
      %dma_start3A_910 = tpu.memref_slice %arg11[%dma_start3A_909] : memref<71424xf32, #tpu.memory_space<vmem>> -> memref<4464xf32, #tpu.memory_space<vmem>>
      tpu.enqueue_dma source(%dma_start3A_910 : memref<4464xf32, #tpu.memory_space<vmem>>) target(%dma_start3A_908 : memref<4464xf32, #tpu.memory_space<hbm>>) target_semaphore(%arg23 : memref<!tpu.dma_semaphore, #tpu.memory_space<semaphore_mem>>)
      %mul3A_911 = arith.constant 64 : i32
      %mul3A_912 = arith.muli %select_n3A, %mul3A_911 : i32
      %add3A_913 = arith.constant 32 : i32
      %add3A_914 = arith.addi %mul3A_912, %add3A_913 : i32
      %add3A_915 = arith.constant 6 : i32
      %add3A_916 = arith.addi %add3A_914, %add3A_915 : i32
      %mul3A_917 = arith.constant 432 : i32
      %mul3A_918 = arith.muli %add3A_916, %mul3A_917 : i32
      %add3A_919 = arith.addi %mul3A_918, %mul3A_57 : i32
      %mul3A_920 = arith.constant 496 : i32
      %mul3A_921 = arith.muli %add3A_919, %mul3A_920 : i32
      %dma_start3A_922 = arith.constant 26784 : i32
      %dma_start3A_923 = tpu.memref_slice %arg11[%dma_start3A_922] : memref<71424xf32, #tpu.memory_space<vmem>> -> memref<4464xf32, #tpu.memory_space<vmem>>
      %dma_start3A_924 = tpu.memref_slice %arg5[%mul3A_921] : memref<54853632xf32, #tpu.memory_space<hbm>> -> memref<4464xf32, #tpu.memory_space<hbm>>
      %dma_start3A_925 = tpu.memref_slice %arg5[%mul3A_921] : memref<54853632xf32, #tpu.memory_space<hbm>> -> memref<4464xf32, #tpu.memory_space<hbm>>
      %dma_start3A_926 = arith.constant 26784 : i32
      %dma_start3A_927 = tpu.memref_slice %arg11[%dma_start3A_926] : memref<71424xf32, #tpu.memory_space<vmem>> -> memref<4464xf32, #tpu.memory_space<vmem>>
      tpu.enqueue_dma source(%dma_start3A_927 : memref<4464xf32, #tpu.memory_space<vmem>>) target(%dma_start3A_925 : memref<4464xf32, #tpu.memory_space<hbm>>) target_semaphore(%arg23 : memref<!tpu.dma_semaphore, #tpu.memory_space<semaphore_mem>>)
      %mul3A_928 = arith.constant 64 : i32
      %mul3A_929 = arith.muli %select_n3A, %mul3A_928 : i32
      %add3A_930 = arith.constant 32 : i32
      %add3A_931 = arith.addi %mul3A_929, %add3A_930 : i32
      %add3A_932 = arith.constant 7 : i32
      %add3A_933 = arith.addi %add3A_931, %add3A_932 : i32
      %mul3A_934 = arith.constant 432 : i32
      %mul3A_935 = arith.muli %add3A_933, %mul3A_934 : i32
      %add3A_936 = arith.addi %mul3A_935, %mul3A_57 : i32
      %mul3A_937 = arith.constant 496 : i32
      %mul3A_938 = arith.muli %add3A_936, %mul3A_937 : i32
      %dma_start3A_939 = arith.constant 31248 : i32
      %dma_start3A_940 = tpu.memref_slice %arg11[%dma_start3A_939] : memref<71424xf32, #tpu.memory_space<vmem>> -> memref<4464xf32, #tpu.memory_space<vmem>>
      %dma_start3A_941 = tpu.memref_slice %arg5[%mul3A_938] : memref<54853632xf32, #tpu.memory_space<hbm>> -> memref<4464xf32, #tpu.memory_space<hbm>>
      %dma_start3A_942 = tpu.memref_slice %arg5[%mul3A_938] : memref<54853632xf32, #tpu.memory_space<hbm>> -> memref<4464xf32, #tpu.memory_space<hbm>>
      %dma_start3A_943 = arith.constant 31248 : i32
      %dma_start3A_944 = tpu.memref_slice %arg11[%dma_start3A_943] : memref<71424xf32, #tpu.memory_space<vmem>> -> memref<4464xf32, #tpu.memory_space<vmem>>
      tpu.enqueue_dma source(%dma_start3A_944 : memref<4464xf32, #tpu.memory_space<vmem>>) target(%dma_start3A_942 : memref<4464xf32, #tpu.memory_space<hbm>>) target_semaphore(%arg23 : memref<!tpu.dma_semaphore, #tpu.memory_space<semaphore_mem>>)
      %mul3A_945 = arith.constant 64 : i32
      %mul3A_946 = arith.muli %select_n3A, %mul3A_945 : i32
      %add3A_947 = arith.constant 32 : i32
      %add3A_948 = arith.addi %mul3A_946, %add3A_947 : i32
      %add3A_949 = arith.constant 8 : i32
      %add3A_950 = arith.addi %add3A_948, %add3A_949 : i32
      %mul3A_951 = arith.constant 432 : i32
      %mul3A_952 = arith.muli %add3A_950, %mul3A_951 : i32
      %add3A_953 = arith.addi %mul3A_952, %mul3A_57 : i32
      %mul3A_954 = arith.constant 496 : i32
      %mul3A_955 = arith.muli %add3A_953, %mul3A_954 : i32
      %dma_start3A_956 = arith.constant 35712 : i32
      %dma_start3A_957 = tpu.memref_slice %arg11[%dma_start3A_956] : memref<71424xf32, #tpu.memory_space<vmem>> -> memref<4464xf32, #tpu.memory_space<vmem>>
      %dma_start3A_958 = tpu.memref_slice %arg5[%mul3A_955] : memref<54853632xf32, #tpu.memory_space<hbm>> -> memref<4464xf32, #tpu.memory_space<hbm>>
      %dma_start3A_959 = tpu.memref_slice %arg5[%mul3A_955] : memref<54853632xf32, #tpu.memory_space<hbm>> -> memref<4464xf32, #tpu.memory_space<hbm>>
      %dma_start3A_960 = arith.constant 35712 : i32
      %dma_start3A_961 = tpu.memref_slice %arg11[%dma_start3A_960] : memref<71424xf32, #tpu.memory_space<vmem>> -> memref<4464xf32, #tpu.memory_space<vmem>>
      tpu.enqueue_dma source(%dma_start3A_961 : memref<4464xf32, #tpu.memory_space<vmem>>) target(%dma_start3A_959 : memref<4464xf32, #tpu.memory_space<hbm>>) target_semaphore(%arg23 : memref<!tpu.dma_semaphore, #tpu.memory_space<semaphore_mem>>)
      %mul3A_962 = arith.constant 64 : i32
      %mul3A_963 = arith.muli %select_n3A, %mul3A_962 : i32
      %add3A_964 = arith.constant 32 : i32
      %add3A_965 = arith.addi %mul3A_963, %add3A_964 : i32
      %add3A_966 = arith.constant 9 : i32
      %add3A_967 = arith.addi %add3A_965, %add3A_966 : i32
      %mul3A_968 = arith.constant 432 : i32
      %mul3A_969 = arith.muli %add3A_967, %mul3A_968 : i32
      %add3A_970 = arith.addi %mul3A_969, %mul3A_57 : i32
      %mul3A_971 = arith.constant 496 : i32
      %mul3A_972 = arith.muli %add3A_970, %mul3A_971 : i32
      %dma_start3A_973 = arith.constant 40176 : i32
      %dma_start3A_974 = tpu.memref_slice %arg11[%dma_start3A_973] : memref<71424xf32, #tpu.memory_space<vmem>> -> memref<4464xf32, #tpu.memory_space<vmem>>
      %dma_start3A_975 = tpu.memref_slice %arg5[%mul3A_972] : memref<54853632xf32, #tpu.memory_space<hbm>> -> memref<4464xf32, #tpu.memory_space<hbm>>
      %dma_start3A_976 = tpu.memref_slice %arg5[%mul3A_972] : memref<54853632xf32, #tpu.memory_space<hbm>> -> memref<4464xf32, #tpu.memory_space<hbm>>
      %dma_start3A_977 = arith.constant 40176 : i32
      %dma_start3A_978 = tpu.memref_slice %arg11[%dma_start3A_977] : memref<71424xf32, #tpu.memory_space<vmem>> -> memref<4464xf32, #tpu.memory_space<vmem>>
      tpu.enqueue_dma source(%dma_start3A_978 : memref<4464xf32, #tpu.memory_space<vmem>>) target(%dma_start3A_976 : memref<4464xf32, #tpu.memory_space<hbm>>) target_semaphore(%arg23 : memref<!tpu.dma_semaphore, #tpu.memory_space<semaphore_mem>>)
      %mul3A_979 = arith.constant 64 : i32
      %mul3A_980 = arith.muli %select_n3A, %mul3A_979 : i32
      %add3A_981 = arith.constant 32 : i32
      %add3A_982 = arith.addi %mul3A_980, %add3A_981 : i32
      %add3A_983 = arith.constant 10 : i32
      %add3A_984 = arith.addi %add3A_982, %add3A_983 : i32
      %mul3A_985 = arith.constant 432 : i32
      %mul3A_986 = arith.muli %add3A_984, %mul3A_985 : i32
      %add3A_987 = arith.addi %mul3A_986, %mul3A_57 : i32
      %mul3A_988 = arith.constant 496 : i32
      %mul3A_989 = arith.muli %add3A_987, %mul3A_988 : i32
      %dma_start3A_990 = arith.constant 44640 : i32
      %dma_start3A_991 = tpu.memref_slice %arg11[%dma_start3A_990] : memref<71424xf32, #tpu.memory_space<vmem>> -> memref<4464xf32, #tpu.memory_space<vmem>>
      %dma_start3A_992 = tpu.memref_slice %arg5[%mul3A_989] : memref<54853632xf32, #tpu.memory_space<hbm>> -> memref<4464xf32, #tpu.memory_space<hbm>>
      %dma_start3A_993 = tpu.memref_slice %arg5[%mul3A_989] : memref<54853632xf32, #tpu.memory_space<hbm>> -> memref<4464xf32, #tpu.memory_space<hbm>>
      %dma_start3A_994 = arith.constant 44640 : i32
      %dma_start3A_995 = tpu.memref_slice %arg11[%dma_start3A_994] : memref<71424xf32, #tpu.memory_space<vmem>> -> memref<4464xf32, #tpu.memory_space<vmem>>
      tpu.enqueue_dma source(%dma_start3A_995 : memref<4464xf32, #tpu.memory_space<vmem>>) target(%dma_start3A_993 : memref<4464xf32, #tpu.memory_space<hbm>>) target_semaphore(%arg23 : memref<!tpu.dma_semaphore, #tpu.memory_space<semaphore_mem>>)
      %mul3A_996 = arith.constant 64 : i32
      %mul3A_997 = arith.muli %select_n3A, %mul3A_996 : i32
      %add3A_998 = arith.constant 32 : i32
      %add3A_999 = arith.addi %mul3A_997, %add3A_998 : i32
      %add3A_1000 = arith.constant 11 : i32
      %add3A_1001 = arith.addi %add3A_999, %add3A_1000 : i32
      %mul3A_1002 = arith.constant 432 : i32
      %mul3A_1003 = arith.muli %add3A_1001, %mul3A_1002 : i32
      %add3A_1004 = arith.addi %mul3A_1003, %mul3A_57 : i32
      %mul3A_1005 = arith.constant 496 : i32
      %mul3A_1006 = arith.muli %add3A_1004, %mul3A_1005 : i32
      %dma_start3A_1007 = arith.constant 49104 : i32
      %dma_start3A_1008 = tpu.memref_slice %arg11[%dma_start3A_1007] : memref<71424xf32, #tpu.memory_space<vmem>> -> memref<4464xf32, #tpu.memory_space<vmem>>
      %dma_start3A_1009 = tpu.memref_slice %arg5[%mul3A_1006] : memref<54853632xf32, #tpu.memory_space<hbm>> -> memref<4464xf32, #tpu.memory_space<hbm>>
      %dma_start3A_1010 = tpu.memref_slice %arg5[%mul3A_1006] : memref<54853632xf32, #tpu.memory_space<hbm>> -> memref<4464xf32, #tpu.memory_space<hbm>>
      %dma_start3A_1011 = arith.constant 49104 : i32
      %dma_start3A_1012 = tpu.memref_slice %arg11[%dma_start3A_1011] : memref<71424xf32, #tpu.memory_space<vmem>> -> memref<4464xf32, #tpu.memory_space<vmem>>
      tpu.enqueue_dma source(%dma_start3A_1012 : memref<4464xf32, #tpu.memory_space<vmem>>) target(%dma_start3A_1010 : memref<4464xf32, #tpu.memory_space<hbm>>) target_semaphore(%arg23 : memref<!tpu.dma_semaphore, #tpu.memory_space<semaphore_mem>>)
      %mul3A_1013 = arith.constant 64 : i32
      %mul3A_1014 = arith.muli %select_n3A, %mul3A_1013 : i32
      %add3A_1015 = arith.constant 32 : i32
      %add3A_1016 = arith.addi %mul3A_1014, %add3A_1015 : i32
      %add3A_1017 = arith.constant 12 : i32
      %add3A_1018 = arith.addi %add3A_1016, %add3A_1017 : i32
      %mul3A_1019 = arith.constant 432 : i32
      %mul3A_1020 = arith.muli %add3A_1018, %mul3A_1019 : i32
      %add3A_1021 = arith.addi %mul3A_1020, %mul3A_57 : i32
      %mul3A_1022 = arith.constant 496 : i32
      %mul3A_1023 = arith.muli %add3A_1021, %mul3A_1022 : i32
      %dma_start3A_1024 = arith.constant 53568 : i32
      %dma_start3A_1025 = tpu.memref_slice %arg11[%dma_start3A_1024] : memref<71424xf32, #tpu.memory_space<vmem>> -> memref<4464xf32, #tpu.memory_space<vmem>>
      %dma_start3A_1026 = tpu.memref_slice %arg5[%mul3A_1023] : memref<54853632xf32, #tpu.memory_space<hbm>> -> memref<4464xf32, #tpu.memory_space<hbm>>
      %dma_start3A_1027 = tpu.memref_slice %arg5[%mul3A_1023] : memref<54853632xf32, #tpu.memory_space<hbm>> -> memref<4464xf32, #tpu.memory_space<hbm>>
      %dma_start3A_1028 = arith.constant 53568 : i32
      %dma_start3A_1029 = tpu.memref_slice %arg11[%dma_start3A_1028] : memref<71424xf32, #tpu.memory_space<vmem>> -> memref<4464xf32, #tpu.memory_space<vmem>>
      tpu.enqueue_dma source(%dma_start3A_1029 : memref<4464xf32, #tpu.memory_space<vmem>>) target(%dma_start3A_1027 : memref<4464xf32, #tpu.memory_space<hbm>>) target_semaphore(%arg23 : memref<!tpu.dma_semaphore, #tpu.memory_space<semaphore_mem>>)
      %mul3A_1030 = arith.constant 64 : i32
      %mul3A_1031 = arith.muli %select_n3A, %mul3A_1030 : i32
      %add3A_1032 = arith.constant 32 : i32
      %add3A_1033 = arith.addi %mul3A_1031, %add3A_1032 : i32
      %add3A_1034 = arith.constant 13 : i32
      %add3A_1035 = arith.addi %add3A_1033, %add3A_1034 : i32
      %mul3A_1036 = arith.constant 432 : i32
      %mul3A_1037 = arith.muli %add3A_1035, %mul3A_1036 : i32
      %add3A_1038 = arith.addi %mul3A_1037, %mul3A_57 : i32
      %mul3A_1039 = arith.constant 496 : i32
      %mul3A_1040 = arith.muli %add3A_1038, %mul3A_1039 : i32
      %dma_start3A_1041 = arith.constant 58032 : i32
      %dma_start3A_1042 = tpu.memref_slice %arg11[%dma_start3A_1041] : memref<71424xf32, #tpu.memory_space<vmem>> -> memref<4464xf32, #tpu.memory_space<vmem>>
      %dma_start3A_1043 = tpu.memref_slice %arg5[%mul3A_1040] : memref<54853632xf32, #tpu.memory_space<hbm>> -> memref<4464xf32, #tpu.memory_space<hbm>>
      %dma_start3A_1044 = tpu.memref_slice %arg5[%mul3A_1040] : memref<54853632xf32, #tpu.memory_space<hbm>> -> memref<4464xf32, #tpu.memory_space<hbm>>
      %dma_start3A_1045 = arith.constant 58032 : i32
      %dma_start3A_1046 = tpu.memref_slice %arg11[%dma_start3A_1045] : memref<71424xf32, #tpu.memory_space<vmem>> -> memref<4464xf32, #tpu.memory_space<vmem>>
      tpu.enqueue_dma source(%dma_start3A_1046 : memref<4464xf32, #tpu.memory_space<vmem>>) target(%dma_start3A_1044 : memref<4464xf32, #tpu.memory_space<hbm>>) target_semaphore(%arg23 : memref<!tpu.dma_semaphore, #tpu.memory_space<semaphore_mem>>)
      %mul3A_1047 = arith.constant 64 : i32
      %mul3A_1048 = arith.muli %select_n3A, %mul3A_1047 : i32
      %add3A_1049 = arith.constant 32 : i32
      %add3A_1050 = arith.addi %mul3A_1048, %add3A_1049 : i32
      %add3A_1051 = arith.constant 14 : i32
      %add3A_1052 = arith.addi %add3A_1050, %add3A_1051 : i32
      %mul3A_1053 = arith.constant 432 : i32
      %mul3A_1054 = arith.muli %add3A_1052, %mul3A_1053 : i32
      %add3A_1055 = arith.addi %mul3A_1054, %mul3A_57 : i32
      %mul3A_1056 = arith.constant 496 : i32
      %mul3A_1057 = arith.muli %add3A_1055, %mul3A_1056 : i32
      %dma_start3A_1058 = arith.constant 62496 : i32
      %dma_start3A_1059 = tpu.memref_slice %arg11[%dma_start3A_1058] : memref<71424xf32, #tpu.memory_space<vmem>> -> memref<4464xf32, #tpu.memory_space<vmem>>
      %dma_start3A_1060 = tpu.memref_slice %arg5[%mul3A_1057] : memref<54853632xf32, #tpu.memory_space<hbm>> -> memref<4464xf32, #tpu.memory_space<hbm>>
      %dma_start3A_1061 = tpu.memref_slice %arg5[%mul3A_1057] : memref<54853632xf32, #tpu.memory_space<hbm>> -> memref<4464xf32, #tpu.memory_space<hbm>>
      %dma_start3A_1062 = arith.constant 62496 : i32
      %dma_start3A_1063 = tpu.memref_slice %arg11[%dma_start3A_1062] : memref<71424xf32, #tpu.memory_space<vmem>> -> memref<4464xf32, #tpu.memory_space<vmem>>
      tpu.enqueue_dma source(%dma_start3A_1063 : memref<4464xf32, #tpu.memory_space<vmem>>) target(%dma_start3A_1061 : memref<4464xf32, #tpu.memory_space<hbm>>) target_semaphore(%arg23 : memref<!tpu.dma_semaphore, #tpu.memory_space<semaphore_mem>>)
      %mul3A_1064 = arith.constant 64 : i32
      %mul3A_1065 = arith.muli %select_n3A, %mul3A_1064 : i32
      %add3A_1066 = arith.constant 32 : i32
      %add3A_1067 = arith.addi %mul3A_1065, %add3A_1066 : i32
      %add3A_1068 = arith.constant 15 : i32
      %add3A_1069 = arith.addi %add3A_1067, %add3A_1068 : i32
      %mul3A_1070 = arith.constant 432 : i32
      %mul3A_1071 = arith.muli %add3A_1069, %mul3A_1070 : i32
      %add3A_1072 = arith.addi %mul3A_1071, %mul3A_57 : i32
      %mul3A_1073 = arith.constant 496 : i32
      %mul3A_1074 = arith.muli %add3A_1072, %mul3A_1073 : i32
      %dma_start3A_1075 = arith.constant 66960 : i32
      %dma_start3A_1076 = tpu.memref_slice %arg11[%dma_start3A_1075] : memref<71424xf32, #tpu.memory_space<vmem>> -> memref<4464xf32, #tpu.memory_space<vmem>>
      %dma_start3A_1077 = tpu.memref_slice %arg5[%mul3A_1074] : memref<54853632xf32, #tpu.memory_space<hbm>> -> memref<4464xf32, #tpu.memory_space<hbm>>
      %dma_start3A_1078 = tpu.memref_slice %arg5[%mul3A_1074] : memref<54853632xf32, #tpu.memory_space<hbm>> -> memref<4464xf32, #tpu.memory_space<hbm>>
      %dma_start3A_1079 = arith.constant 66960 : i32
      %dma_start3A_1080 = tpu.memref_slice %arg11[%dma_start3A_1079] : memref<71424xf32, #tpu.memory_space<vmem>> -> memref<4464xf32, #tpu.memory_space<vmem>>
      tpu.enqueue_dma source(%dma_start3A_1080 : memref<4464xf32, #tpu.memory_space<vmem>>) target(%dma_start3A_1078 : memref<4464xf32, #tpu.memory_space<hbm>>) target_semaphore(%arg23 : memref<!tpu.dma_semaphore, #tpu.memory_space<semaphore_mem>>)
      %dma_wait3A_1081 = arith.constant 0 : i32
      %dma_wait3A_1082 = tpu.memref_slice %arg5[%dma_wait3A_1081] : memref<54853632xf32, #tpu.memory_space<hbm>> -> memref<71424xf32, #tpu.memory_space<hbm>>
      %dma_wait3A_1083 = arith.constant 0 : i32
      %dma_wait3A_1084 = tpu.memref_slice %arg5[%dma_wait3A_1083] : memref<54853632xf32, #tpu.memory_space<hbm>> -> memref<71424xf32, #tpu.memory_space<hbm>>
      tpu.wait_dma2 semaphore(%arg23 : memref<!tpu.dma_semaphore, #tpu.memory_space<semaphore_mem>>) src(%arg11 : memref<71424xf32, #tpu.memory_space<vmem>>) dst(%dma_wait3A_1084 : memref<71424xf32, #tpu.memory_space<hbm>>)
      %while3A_1085 = arith.constant 0 : i32
      %while3A_1086 = arith.constant 0 : i32
      %while3A_1087 = arith.subi %select_n3A_167, %while3A_1085 : i32
      %while3A_1088 = arith.addi %while3A_1085, %while3A_1087 : i32
      %while3A_1089 = arith.constant 1 : i32
      %while3A_1090 = arith.divsi %while3A_1087, %while3A_1089 : i32
      %while3A_1091 = arith.muli %while3A_1090, %while3A_1089 : i32
      %while3A_1092 = arith.addi %while3A_1085, %while3A_1091 : i32
      %while3A_1093 = arith.constant 1 : i32
      %while3A_1094 = scf.for %while3A_1409 = %while3A_1085 to %while3A_1092 step %while3A_1093 iter_args(%while3A_1410 = %while3A_1086) -> (i32)  : i32 {
        %and3A_1411 = arith.constant 1 : i32
        %and3A_1412 = arith.andi %while3A_1409, %and3A_1411 : i32
        %ge3A = arith.constant 2 : i32
        %ge3A_1413 = arith.cmpi sge, %while3A_1409, %ge3A : i32
        %eq3A_1414 = arith.constant 0 : i32
        %eq3A_1415 = arith.cmpi eq, %and3A_1412, %eq3A_1414 : i32
        %and3A_1416 = arith.andi %ge3A_1413, %eq3A_1415 : i1
        %convert_element_type3A_1417 = arith.extui %and3A_1416 : i1 to i32
        %cond3A_1418 = arith.constant 0 : i32
        %cond3A_1419 = arith.cmpi ne, %convert_element_type3A_1417, %cond3A_1418 : i32
        scf.if %cond3A_1419 {
          %mul3A_1461 = arith.constant 128 : i32
          %mul3A_1462 = arith.muli %while3A_1409, %mul3A_1461 : i32
          %scan3A_1463 = arith.constant 0 : i32
          %scan3A_1464 = arith.constant 0 : i32
          %scan3A_1465 = arith.constant 8 : i32
          %scan3A_1466 = arith.addi %scan3A_1464, %scan3A_1465 : i32
          %scan3A_1467 = arith.constant 1 : i32
          %scan3A_1468 = scf.for %scan3A_1490 = %scan3A_1464 to %scan3A_1466 step %scan3A_1467 iter_args(%scan3A_1491 = %scan3A_1463) -> (i32)  : i32 {
            %mul3A_1492 = arith.constant 16 : i32
            %mul3A_1493 = arith.muli %scan3A_1490, %mul3A_1492 : i32
            %add3A_1494 = arith.addi %mul3A_1462, %mul3A_1493 : i32
            %get3A = arith.index_cast %add3A_1494 : i32 to index
            %get3A_1495 = tpu.vector_load %arg9[%get3A] {strides = array<i32>} : memref<12016xi32, #tpu.memory_space<vmem>>, vector<16xi32>,
            %add3A_1496 = vector.broadcast %add3A_1494 : i32 to vector<16xi32>
            %add3A_1497 = arith.addi %add3A_1496, %iota3A : vector<16xi32>
            %lt3A_1498 = vector.broadcast %reduce_max3A_139 : i32 to vector<16xi32>
            %lt3A_1499 = arith.cmpi slt, %add3A_1497, %lt3A_1498 : vector<16xi32>
            %add3A_1500 = arith.constant 3 : i32
            %add3A_1501 = vector.broadcast %add3A_1500 : i32 to vector<16xi32>
            %add3A_1502 = arith.addi %get3A_1495, %add3A_1501 : vector<16xi32>
            %jit3A_1503 = arith.constant 0 : i32
            %broadcast_in_dim3A_1504 = vector.broadcast %jit3A_1503 : i32 to vector<16xi32>
            %select_n3A_1505 = arith.select %lt3A_1499, %add3A_1502, %broadcast_in_dim3A_1504 : vector<16xi1>, vector<16xi32>
            %mul3A_1506 = arith.constant 16 : i32
            %mul3A_1507 = arith.muli %scan3A_1490, %mul3A_1506 : i32
            %add3A_1508 = arith.constant 768 : i32
            %add3A_1509 = arith.addi %add3A_1508, %mul3A_1507 : i32
            %swap3A = arith.index_cast %add3A_1509 : i32 to index
            %swap3A_1510 = tpu.vector_load %arg12[%swap3A] {strides = array<i32>} : memref<1024xi32, #tpu.memory_space<vmem>>, vector<16xi32>,
            tpu.vector_store %arg12[%swap3A], %select_n3A_1505 {strides = array<i32>} : memref<1024xi32, #tpu.memory_space<vmem>>, vector<16xi32>,
            %scan3A_1511 = arith.constant 0 : i32
            scf.yield %scan3A_1511 : i32
          }
          %scan3A_1469 = arith.constant 8 : i32
          %dma_start3A_1470 = arith.constant 6 : i32
          %dma_start3A_1471 = arith.constant 0 : i32
          %dma_start3A_1472 = arith.constant 0 : i32
          %dma_start3A_1473 = tpu.memref_slice %arg13[%dma_start3A_1470, %dma_start3A_1471, %dma_start3A_1472] : memref<8x128x16xf32, #tpu.memory_space<vmem>> -> memref<1x128x16xf32, #tpu.memory_space<vmem>>
          %dma_start3A_1474 = tpu.memref_squeeze %dma_start3A_1473 : memref<1x128x16xf32, #tpu.memory_space<vmem>> -> memref<128x16xf32, #tpu.memory_space<vmem>>
          %dma_start3A_1475 = arith.constant 768 : i32
          %dma_start3A_1476 = tpu.memref_slice %arg12[%dma_start3A_1475] : memref<1024xi32, #tpu.memory_space<vmem>> -> memref<128xi32, #tpu.memory_space<vmem>>
          %dma_start3A_1477 = arith.constant 0 : i32
          %dma_start3A_1478 = arith.constant 0 : i32
          %dma_start3A_1479 = tpu.memref_slice %arg4[%dma_start3A_1477, %dma_start3A_1478] : memref<192000x16xf32, #tpu.memory_space<hbm>> -> memref<192000x16xf32, #tpu.memory_space<hbm>>
          tpu.enqueue_indirect_dma source(%dma_start3A_1479 : memref<192000x16xf32, #tpu.memory_space<hbm>>) target(%dma_start3A_1474 : memref<128x16xf32, #tpu.memory_space<vmem>>) offsets(%dma_start3A_1476 : memref<128xi32, #tpu.memory_space<vmem>>) semaphore(%arg21 : memref<!tpu.dma_semaphore, #tpu.memory_space<semaphore_mem>>)
          %dma_wait3A_1480 = arith.constant 6 : i32
          %dma_wait3A_1481 = arith.constant 0 : i32
          %dma_wait3A_1482 = arith.constant 0 : i32
          %dma_wait3A_1483 = tpu.memref_slice %arg13[%dma_wait3A_1480, %dma_wait3A_1481, %dma_wait3A_1482] : memref<8x128x16xf32, #tpu.memory_space<vmem>> -> memref<1x128x16xf32, #tpu.memory_space<vmem>>
          %dma_wait3A_1484 = tpu.memref_squeeze %dma_wait3A_1483 : memref<1x128x16xf32, #tpu.memory_space<vmem>> -> memref<128x16xf32, #tpu.memory_space<vmem>>
          %dma_wait3A_1485 = arith.constant 768 : i32
          %dma_wait3A_1486 = tpu.memref_slice %arg12[%dma_wait3A_1485] : memref<1024xi32, #tpu.memory_space<vmem>> -> memref<128xi32, #tpu.memory_space<vmem>>
          %dma_wait3A_1487 = arith.constant 0 : i32
          %dma_wait3A_1488 = arith.constant 0 : i32
          %dma_wait3A_1489 = tpu.memref_slice %arg4[%dma_wait3A_1487, %dma_wait3A_1488] : memref<192000x16xf32, #tpu.memory_space<hbm>> -> memref<192000x16xf32, #tpu.memory_space<hbm>>
          tpu.wait_indirect_dma semaphore(%arg21 : memref<!tpu.dma_semaphore, #tpu.memory_space<semaphore_mem>>) src(%dma_wait3A_1489 : memref<192000x16xf32, #tpu.memory_space<hbm>>) dst(%dma_wait3A_1484 : memref<128x16xf32, #tpu.memory_space<vmem>>)
        } else {
        }
        %not3A = arith.constant true
        %not3A_1420 = arith.xori %ge3A_1413, %not3A : i1
        %eq3A_1421 = arith.constant 0 : i32
        %eq3A_1422 = arith.cmpi eq, %and3A_1412, %eq3A_1421 : i32
        %and3A_1423 = arith.andi %not3A_1420, %eq3A_1422 : i1
        %convert_element_type3A_1424 = arith.extui %and3A_1423 : i1 to i32
        %cond3A_1425 = arith.constant 0 : i32
        %cond3A_1426 = arith.cmpi ne, %convert_element_type3A_1424, %cond3A_1425 : i32
        scf.if %cond3A_1426 {
          %dma_wait3A_1461 = arith.constant 6 : i32
          %dma_wait3A_1462 = arith.constant 0 : i32
          %dma_wait3A_1463 = arith.constant 0 : i32
          %dma_wait3A_1464 = tpu.memref_slice %arg13[%dma_wait3A_1461, %dma_wait3A_1462, %dma_wait3A_1463] : memref<8x128x16xf32, #tpu.memory_space<vmem>> -> memref<1x128x16xf32, #tpu.memory_space<vmem>>
          %dma_wait3A_1465 = tpu.memref_squeeze %dma_wait3A_1464 : memref<1x128x16xf32, #tpu.memory_space<vmem>> -> memref<128x16xf32, #tpu.memory_space<vmem>>
          %dma_wait3A_1466 = arith.constant 768 : i32
          %dma_wait3A_1467 = tpu.memref_slice %arg12[%dma_wait3A_1466] : memref<1024xi32, #tpu.memory_space<vmem>> -> memref<128xi32, #tpu.memory_space<vmem>>
          %dma_wait3A_1468 = arith.constant 0 : i32
          %dma_wait3A_1469 = arith.constant 0 : i32
          %dma_wait3A_1470 = tpu.memref_slice %arg4[%dma_wait3A_1468, %dma_wait3A_1469] : memref<192000x16xf32, #tpu.memory_space<hbm>> -> memref<192000x16xf32, #tpu.memory_space<hbm>>
          tpu.wait_indirect_dma semaphore(%arg21 : memref<!tpu.dma_semaphore, #tpu.memory_space<semaphore_mem>>) src(%dma_wait3A_1470 : memref<192000x16xf32, #tpu.memory_space<hbm>>) dst(%dma_wait3A_1465 : memref<128x16xf32, #tpu.memory_space<vmem>>)
        } else {
        }
        %eq3A_1427 = arith.constant 1 : i32
        %eq3A_1428 = arith.cmpi eq, %and3A_1412, %eq3A_1427 : i32
        %and3A_1429 = arith.andi %ge3A_1413, %eq3A_1428 : i1
        %convert_element_type3A_1430 = arith.extui %and3A_1429 : i1 to i32
        %cond3A_1431 = arith.constant 0 : i32
        %cond3A_1432 = arith.cmpi ne, %convert_element_type3A_1430, %cond3A_1431 : i32
        scf.if %cond3A_1432 {
          %mul3A_1461 = arith.constant 128 : i32
          %mul3A_1462 = arith.muli %while3A_1409, %mul3A_1461 : i32
          %scan3A_1463 = arith.constant 0 : i32
          %scan3A_1464 = arith.constant 0 : i32
          %scan3A_1465 = arith.constant 8 : i32
          %scan3A_1466 = arith.addi %scan3A_1464, %scan3A_1465 : i32
          %scan3A_1467 = arith.constant 1 : i32
          %scan3A_1468 = scf.for %scan3A_1490 = %scan3A_1464 to %scan3A_1466 step %scan3A_1467 iter_args(%scan3A_1491 = %scan3A_1463) -> (i32)  : i32 {
            %mul3A_1492 = arith.constant 16 : i32
            %mul3A_1493 = arith.muli %scan3A_1490, %mul3A_1492 : i32
            %add3A_1494 = arith.addi %mul3A_1462, %mul3A_1493 : i32
            %get3A = arith.index_cast %add3A_1494 : i32 to index
            %get3A_1495 = tpu.vector_load %arg9[%get3A] {strides = array<i32>} : memref<12016xi32, #tpu.memory_space<vmem>>, vector<16xi32>,
            %add3A_1496 = vector.broadcast %add3A_1494 : i32 to vector<16xi32>
            %add3A_1497 = arith.addi %add3A_1496, %iota3A : vector<16xi32>
            %lt3A_1498 = vector.broadcast %reduce_max3A_139 : i32 to vector<16xi32>
            %lt3A_1499 = arith.cmpi slt, %add3A_1497, %lt3A_1498 : vector<16xi32>
            %add3A_1500 = arith.constant 3 : i32
            %add3A_1501 = vector.broadcast %add3A_1500 : i32 to vector<16xi32>
            %add3A_1502 = arith.addi %get3A_1495, %add3A_1501 : vector<16xi32>
            %jit3A_1503 = arith.constant 0 : i32
            %broadcast_in_dim3A_1504 = vector.broadcast %jit3A_1503 : i32 to vector<16xi32>
            %select_n3A_1505 = arith.select %lt3A_1499, %add3A_1502, %broadcast_in_dim3A_1504 : vector<16xi1>, vector<16xi32>
            %mul3A_1506 = arith.constant 16 : i32
            %mul3A_1507 = arith.muli %scan3A_1490, %mul3A_1506 : i32
            %add3A_1508 = arith.constant 896 : i32
            %add3A_1509 = arith.addi %add3A_1508, %mul3A_1507 : i32
            %swap3A = arith.index_cast %add3A_1509 : i32 to index
            %swap3A_1510 = tpu.vector_load %arg12[%swap3A] {strides = array<i32>} : memref<1024xi32, #tpu.memory_space<vmem>>, vector<16xi32>,
            tpu.vector_store %arg12[%swap3A], %select_n3A_1505 {strides = array<i32>} : memref<1024xi32, #tpu.memory_space<vmem>>, vector<16xi32>,
            %scan3A_1511 = arith.constant 0 : i32
            scf.yield %scan3A_1511 : i32
          }
          %scan3A_1469 = arith.constant 8 : i32
          %dma_start3A_1470 = arith.constant 7 : i32
          %dma_start3A_1471 = arith.constant 0 : i32
          %dma_start3A_1472 = arith.constant 0 : i32
          %dma_start3A_1473 = tpu.memref_slice %arg13[%dma_start3A_1470, %dma_start3A_1471, %dma_start3A_1472] : memref<8x128x16xf32, #tpu.memory_space<vmem>> -> memref<1x128x16xf32, #tpu.memory_space<vmem>>
          %dma_start3A_1474 = tpu.memref_squeeze %dma_start3A_1473 : memref<1x128x16xf32, #tpu.memory_space<vmem>> -> memref<128x16xf32, #tpu.memory_space<vmem>>
          %dma_start3A_1475 = arith.constant 896 : i32
          %dma_start3A_1476 = tpu.memref_slice %arg12[%dma_start3A_1475] : memref<1024xi32, #tpu.memory_space<vmem>> -> memref<128xi32, #tpu.memory_space<vmem>>
          %dma_start3A_1477 = arith.constant 0 : i32
          %dma_start3A_1478 = arith.constant 0 : i32
          %dma_start3A_1479 = tpu.memref_slice %arg4[%dma_start3A_1477, %dma_start3A_1478] : memref<192000x16xf32, #tpu.memory_space<hbm>> -> memref<192000x16xf32, #tpu.memory_space<hbm>>
          tpu.enqueue_indirect_dma source(%dma_start3A_1479 : memref<192000x16xf32, #tpu.memory_space<hbm>>) target(%dma_start3A_1474 : memref<128x16xf32, #tpu.memory_space<vmem>>) offsets(%dma_start3A_1476 : memref<128xi32, #tpu.memory_space<vmem>>) semaphore(%arg22 : memref<!tpu.dma_semaphore, #tpu.memory_space<semaphore_mem>>)
          %dma_wait3A_1480 = arith.constant 7 : i32
          %dma_wait3A_1481 = arith.constant 0 : i32
          %dma_wait3A_1482 = arith.constant 0 : i32
          %dma_wait3A_1483 = tpu.memref_slice %arg13[%dma_wait3A_1480, %dma_wait3A_1481, %dma_wait3A_1482] : memref<8x128x16xf32, #tpu.memory_space<vmem>> -> memref<1x128x16xf32, #tpu.memory_space<vmem>>
          %dma_wait3A_1484 = tpu.memref_squeeze %dma_wait3A_1483 : memref<1x128x16xf32, #tpu.memory_space<vmem>> -> memref<128x16xf32, #tpu.memory_space<vmem>>
          %dma_wait3A_1485 = arith.constant 896 : i32
          %dma_wait3A_1486 = tpu.memref_slice %arg12[%dma_wait3A_1485] : memref<1024xi32, #tpu.memory_space<vmem>> -> memref<128xi32, #tpu.memory_space<vmem>>
          %dma_wait3A_1487 = arith.constant 0 : i32
          %dma_wait3A_1488 = arith.constant 0 : i32
          %dma_wait3A_1489 = tpu.memref_slice %arg4[%dma_wait3A_1487, %dma_wait3A_1488] : memref<192000x16xf32, #tpu.memory_space<hbm>> -> memref<192000x16xf32, #tpu.memory_space<hbm>>
          tpu.wait_indirect_dma semaphore(%arg22 : memref<!tpu.dma_semaphore, #tpu.memory_space<semaphore_mem>>) src(%dma_wait3A_1489 : memref<192000x16xf32, #tpu.memory_space<hbm>>) dst(%dma_wait3A_1484 : memref<128x16xf32, #tpu.memory_space<vmem>>)
        } else {
        }
        %not3A_1433 = arith.constant true
        %not3A_1434 = arith.xori %ge3A_1413, %not3A_1433 : i1
        %eq3A_1435 = arith.constant 1 : i32
        %eq3A_1436 = arith.cmpi eq, %and3A_1412, %eq3A_1435 : i32
        %and3A_1437 = arith.andi %not3A_1434, %eq3A_1436 : i1
        %convert_element_type3A_1438 = arith.extui %and3A_1437 : i1 to i32
        %cond3A_1439 = arith.constant 0 : i32
        %cond3A_1440 = arith.cmpi ne, %convert_element_type3A_1438, %cond3A_1439 : i32
        scf.if %cond3A_1440 {
          %dma_wait3A_1461 = arith.constant 7 : i32
          %dma_wait3A_1462 = arith.constant 0 : i32
          %dma_wait3A_1463 = arith.constant 0 : i32
          %dma_wait3A_1464 = tpu.memref_slice %arg13[%dma_wait3A_1461, %dma_wait3A_1462, %dma_wait3A_1463] : memref<8x128x16xf32, #tpu.memory_space<vmem>> -> memref<1x128x16xf32, #tpu.memory_space<vmem>>
          %dma_wait3A_1465 = tpu.memref_squeeze %dma_wait3A_1464 : memref<1x128x16xf32, #tpu.memory_space<vmem>> -> memref<128x16xf32, #tpu.memory_space<vmem>>
          %dma_wait3A_1466 = arith.constant 896 : i32
          %dma_wait3A_1467 = tpu.memref_slice %arg12[%dma_wait3A_1466] : memref<1024xi32, #tpu.memory_space<vmem>> -> memref<128xi32, #tpu.memory_space<vmem>>
          %dma_wait3A_1468 = arith.constant 0 : i32
          %dma_wait3A_1469 = arith.constant 0 : i32
          %dma_wait3A_1470 = tpu.memref_slice %arg4[%dma_wait3A_1468, %dma_wait3A_1469] : memref<192000x16xf32, #tpu.memory_space<hbm>> -> memref<192000x16xf32, #tpu.memory_space<hbm>>
          tpu.wait_indirect_dma semaphore(%arg22 : memref<!tpu.dma_semaphore, #tpu.memory_space<semaphore_mem>>) src(%dma_wait3A_1470 : memref<192000x16xf32, #tpu.memory_space<hbm>>) dst(%dma_wait3A_1465 : memref<128x16xf32, #tpu.memory_space<vmem>>)
        } else {
        }
        %add3A_1441 = arith.constant 6 : i32
        %add3A_1442 = arith.addi %add3A_1441, %and3A_1412 : i32
        %mul3A_1443 = arith.constant 128 : i32
        %mul3A_1444 = arith.muli %while3A_1409, %mul3A_1443 : i32
        %sub3A_1445 = arith.subi %reduce_max3A_139, %mul3A_1444 : i32
        %min3A = arith.constant 128 : i32
        %min3A_1446 = arith.minsi %min3A, %sub3A_1445 : i32
        %broadcast_in_dim3A_1447 = vector.broadcast %add3A_1442 : i32 to vector<16xi32>
        %while3A_1448 = arith.constant 0 : i32
        %while3A_1449 = arith.constant 0 : i32
        %while3A_1450 = arith.subi %min3A_1446, %while3A_1448 : i32
        %while3A_1451 = arith.addi %while3A_1448, %while3A_1450 : i32
        %while3A_1452 = arith.constant 1 : i32
        %while3A_1453 = arith.divsi %while3A_1450, %while3A_1452 : i32
        %while3A_1454 = arith.muli %while3A_1453, %while3A_1452 : i32
        %while3A_1455 = arith.addi %while3A_1448, %while3A_1454 : i32
        %while3A_1456 = arith.constant 1 : i32
        %while3A_1457 = scf.for %while3A_1461 = %while3A_1448 to %while3A_1455 step %while3A_1456 iter_args(%while3A_1462 = %while3A_1449) -> (i32)  : i32 {
          %mul3A_1463 = arith.constant 128 : i32
          %mul3A_1464 = arith.muli %while3A_1409, %mul3A_1463 : i32
          %add3A_1465 = arith.addi %mul3A_1464, %while3A_1461 : i32
          %broadcast_in_dim3A_1466 = vector.broadcast %add3A_1465 : i32 to vector<16xi32>
          %gather3A = tpu.vector_load_idx %arg8[%broadcast_in_dim3A_1466] : memref<12016xi32, #tpu.memory_space<vmem>>[vector<16xi32>], vector<16xi32>,
          %broadcast_in_dim3A_1467 = vector.broadcast %while3A_1461 : i32 to vector<16xi32>
          %gather3A_1468 = tpu.vector_load_idx %arg13[%broadcast_in_dim3A_1447, %broadcast_in_dim3A_1467, %iota3A] : memref<8x128x16xf32, #tpu.memory_space<vmem>>[vector<16xi32>, vector<16xi32>, vector<16xi32>], vector<16xf32>,
          %add3A_1469 = arith.addi %gather3A, %mul3A_3 : vector<16xi32>
          tpu.vector_store_idx %arg11[%add3A_1469], %gather3A_1468 : memref<71424xf32, #tpu.memory_space<vmem>>[vector<16xi32>], vector<16xf32>,
          %while3A_1470 = arith.constant 0 : i32
          scf.yield %while3A_1470 : i32
        }
        %while3A_1458 = arith.constant 1 : i32
        %while3A_1459 = scf.for %while3A_1461 = %while3A_1455 to %while3A_1451 step %while3A_1458 iter_args(%while3A_1462 = %while3A_1457) -> (i32)  : i32 {
          %mul3A_1463 = arith.constant 128 : i32
          %mul3A_1464 = arith.muli %while3A_1409, %mul3A_1463 : i32
          %add3A_1465 = arith.addi %mul3A_1464, %while3A_1461 : i32
          %broadcast_in_dim3A_1466 = vector.broadcast %add3A_1465 : i32 to vector<16xi32>
          %gather3A = tpu.vector_load_idx %arg8[%broadcast_in_dim3A_1466] : memref<12016xi32, #tpu.memory_space<vmem>>[vector<16xi32>], vector<16xi32>,
          %broadcast_in_dim3A_1467 = vector.broadcast %while3A_1461 : i32 to vector<16xi32>
          %gather3A_1468 = tpu.vector_load_idx %arg13[%broadcast_in_dim3A_1447, %broadcast_in_dim3A_1467, %iota3A] : memref<8x128x16xf32, #tpu.memory_space<vmem>>[vector<16xi32>, vector<16xi32>, vector<16xi32>], vector<16xf32>,
          %add3A_1469 = arith.addi %gather3A, %mul3A_3 : vector<16xi32>
          tpu.vector_store_idx %arg11[%add3A_1469], %gather3A_1468 : memref<71424xf32, #tpu.memory_space<vmem>>[vector<16xi32>], vector<16xf32>,
          %while3A_1470 = arith.constant 0 : i32
          scf.yield %while3A_1470 : i32
        }
        %while3A_1460 = arith.constant 0 : i32
        scf.yield %while3A_1460 : i32
      }
      %while3A_1095 = arith.constant 1 : i32
      %while3A_1096 = scf.for %while3A_1409 = %while3A_1092 to %while3A_1088 step %while3A_1095 iter_args(%while3A_1410 = %while3A_1094) -> (i32)  : i32 {
        %and3A_1411 = arith.constant 1 : i32
        %and3A_1412 = arith.andi %while3A_1409, %and3A_1411 : i32
        %ge3A = arith.constant 2 : i32
        %ge3A_1413 = arith.cmpi sge, %while3A_1409, %ge3A : i32
        %eq3A_1414 = arith.constant 0 : i32
        %eq3A_1415 = arith.cmpi eq, %and3A_1412, %eq3A_1414 : i32
        %and3A_1416 = arith.andi %ge3A_1413, %eq3A_1415 : i1
        %convert_element_type3A_1417 = arith.extui %and3A_1416 : i1 to i32
        %cond3A_1418 = arith.constant 0 : i32
        %cond3A_1419 = arith.cmpi ne, %convert_element_type3A_1417, %cond3A_1418 : i32
        scf.if %cond3A_1419 {
          %mul3A_1461 = arith.constant 128 : i32
          %mul3A_1462 = arith.muli %while3A_1409, %mul3A_1461 : i32
          %scan3A_1463 = arith.constant 0 : i32
          %scan3A_1464 = arith.constant 0 : i32
          %scan3A_1465 = arith.constant 8 : i32
          %scan3A_1466 = arith.addi %scan3A_1464, %scan3A_1465 : i32
          %scan3A_1467 = arith.constant 1 : i32
          %scan3A_1468 = scf.for %scan3A_1490 = %scan3A_1464 to %scan3A_1466 step %scan3A_1467 iter_args(%scan3A_1491 = %scan3A_1463) -> (i32)  : i32 {
            %mul3A_1492 = arith.constant 16 : i32
            %mul3A_1493 = arith.muli %scan3A_1490, %mul3A_1492 : i32
            %add3A_1494 = arith.addi %mul3A_1462, %mul3A_1493 : i32
            %get3A = arith.index_cast %add3A_1494 : i32 to index
            %get3A_1495 = tpu.vector_load %arg9[%get3A] {strides = array<i32>} : memref<12016xi32, #tpu.memory_space<vmem>>, vector<16xi32>,
            %add3A_1496 = vector.broadcast %add3A_1494 : i32 to vector<16xi32>
            %add3A_1497 = arith.addi %add3A_1496, %iota3A : vector<16xi32>
            %lt3A_1498 = vector.broadcast %reduce_max3A_139 : i32 to vector<16xi32>
            %lt3A_1499 = arith.cmpi slt, %add3A_1497, %lt3A_1498 : vector<16xi32>
            %add3A_1500 = arith.constant 3 : i32
            %add3A_1501 = vector.broadcast %add3A_1500 : i32 to vector<16xi32>
            %add3A_1502 = arith.addi %get3A_1495, %add3A_1501 : vector<16xi32>
            %jit3A_1503 = arith.constant 0 : i32
            %broadcast_in_dim3A_1504 = vector.broadcast %jit3A_1503 : i32 to vector<16xi32>
            %select_n3A_1505 = arith.select %lt3A_1499, %add3A_1502, %broadcast_in_dim3A_1504 : vector<16xi1>, vector<16xi32>
            %mul3A_1506 = arith.constant 16 : i32
            %mul3A_1507 = arith.muli %scan3A_1490, %mul3A_1506 : i32
            %add3A_1508 = arith.constant 768 : i32
            %add3A_1509 = arith.addi %add3A_1508, %mul3A_1507 : i32
            %swap3A = arith.index_cast %add3A_1509 : i32 to index
            %swap3A_1510 = tpu.vector_load %arg12[%swap3A] {strides = array<i32>} : memref<1024xi32, #tpu.memory_space<vmem>>, vector<16xi32>,
            tpu.vector_store %arg12[%swap3A], %select_n3A_1505 {strides = array<i32>} : memref<1024xi32, #tpu.memory_space<vmem>>, vector<16xi32>,
            %scan3A_1511 = arith.constant 0 : i32
            scf.yield %scan3A_1511 : i32
          }
          %scan3A_1469 = arith.constant 8 : i32
          %dma_start3A_1470 = arith.constant 6 : i32
          %dma_start3A_1471 = arith.constant 0 : i32
          %dma_start3A_1472 = arith.constant 0 : i32
          %dma_start3A_1473 = tpu.memref_slice %arg13[%dma_start3A_1470, %dma_start3A_1471, %dma_start3A_1472] : memref<8x128x16xf32, #tpu.memory_space<vmem>> -> memref<1x128x16xf32, #tpu.memory_space<vmem>>
          %dma_start3A_1474 = tpu.memref_squeeze %dma_start3A_1473 : memref<1x128x16xf32, #tpu.memory_space<vmem>> -> memref<128x16xf32, #tpu.memory_space<vmem>>
          %dma_start3A_1475 = arith.constant 768 : i32
          %dma_start3A_1476 = tpu.memref_slice %arg12[%dma_start3A_1475] : memref<1024xi32, #tpu.memory_space<vmem>> -> memref<128xi32, #tpu.memory_space<vmem>>
          %dma_start3A_1477 = arith.constant 0 : i32
          %dma_start3A_1478 = arith.constant 0 : i32
          %dma_start3A_1479 = tpu.memref_slice %arg4[%dma_start3A_1477, %dma_start3A_1478] : memref<192000x16xf32, #tpu.memory_space<hbm>> -> memref<192000x16xf32, #tpu.memory_space<hbm>>
          tpu.enqueue_indirect_dma source(%dma_start3A_1479 : memref<192000x16xf32, #tpu.memory_space<hbm>>) target(%dma_start3A_1474 : memref<128x16xf32, #tpu.memory_space<vmem>>) offsets(%dma_start3A_1476 : memref<128xi32, #tpu.memory_space<vmem>>) semaphore(%arg21 : memref<!tpu.dma_semaphore, #tpu.memory_space<semaphore_mem>>)
          %dma_wait3A_1480 = arith.constant 6 : i32
          %dma_wait3A_1481 = arith.constant 0 : i32
          %dma_wait3A_1482 = arith.constant 0 : i32
          %dma_wait3A_1483 = tpu.memref_slice %arg13[%dma_wait3A_1480, %dma_wait3A_1481, %dma_wait3A_1482] : memref<8x128x16xf32, #tpu.memory_space<vmem>> -> memref<1x128x16xf32, #tpu.memory_space<vmem>>
          %dma_wait3A_1484 = tpu.memref_squeeze %dma_wait3A_1483 : memref<1x128x16xf32, #tpu.memory_space<vmem>> -> memref<128x16xf32, #tpu.memory_space<vmem>>
          %dma_wait3A_1485 = arith.constant 768 : i32
          %dma_wait3A_1486 = tpu.memref_slice %arg12[%dma_wait3A_1485] : memref<1024xi32, #tpu.memory_space<vmem>> -> memref<128xi32, #tpu.memory_space<vmem>>
          %dma_wait3A_1487 = arith.constant 0 : i32
          %dma_wait3A_1488 = arith.constant 0 : i32
          %dma_wait3A_1489 = tpu.memref_slice %arg4[%dma_wait3A_1487, %dma_wait3A_1488] : memref<192000x16xf32, #tpu.memory_space<hbm>> -> memref<192000x16xf32, #tpu.memory_space<hbm>>
          tpu.wait_indirect_dma semaphore(%arg21 : memref<!tpu.dma_semaphore, #tpu.memory_space<semaphore_mem>>) src(%dma_wait3A_1489 : memref<192000x16xf32, #tpu.memory_space<hbm>>) dst(%dma_wait3A_1484 : memref<128x16xf32, #tpu.memory_space<vmem>>)
        } else {
        }
        %not3A = arith.constant true
        %not3A_1420 = arith.xori %ge3A_1413, %not3A : i1
        %eq3A_1421 = arith.constant 0 : i32
        %eq3A_1422 = arith.cmpi eq, %and3A_1412, %eq3A_1421 : i32
        %and3A_1423 = arith.andi %not3A_1420, %eq3A_1422 : i1
        %convert_element_type3A_1424 = arith.extui %and3A_1423 : i1 to i32
        %cond3A_1425 = arith.constant 0 : i32
        %cond3A_1426 = arith.cmpi ne, %convert_element_type3A_1424, %cond3A_1425 : i32
        scf.if %cond3A_1426 {
          %dma_wait3A_1461 = arith.constant 6 : i32
          %dma_wait3A_1462 = arith.constant 0 : i32
          %dma_wait3A_1463 = arith.constant 0 : i32
          %dma_wait3A_1464 = tpu.memref_slice %arg13[%dma_wait3A_1461, %dma_wait3A_1462, %dma_wait3A_1463] : memref<8x128x16xf32, #tpu.memory_space<vmem>> -> memref<1x128x16xf32, #tpu.memory_space<vmem>>
          %dma_wait3A_1465 = tpu.memref_squeeze %dma_wait3A_1464 : memref<1x128x16xf32, #tpu.memory_space<vmem>> -> memref<128x16xf32, #tpu.memory_space<vmem>>
          %dma_wait3A_1466 = arith.constant 768 : i32
          %dma_wait3A_1467 = tpu.memref_slice %arg12[%dma_wait3A_1466] : memref<1024xi32, #tpu.memory_space<vmem>> -> memref<128xi32, #tpu.memory_space<vmem>>
          %dma_wait3A_1468 = arith.constant 0 : i32
          %dma_wait3A_1469 = arith.constant 0 : i32
          %dma_wait3A_1470 = tpu.memref_slice %arg4[%dma_wait3A_1468, %dma_wait3A_1469] : memref<192000x16xf32, #tpu.memory_space<hbm>> -> memref<192000x16xf32, #tpu.memory_space<hbm>>
          tpu.wait_indirect_dma semaphore(%arg21 : memref<!tpu.dma_semaphore, #tpu.memory_space<semaphore_mem>>) src(%dma_wait3A_1470 : memref<192000x16xf32, #tpu.memory_space<hbm>>) dst(%dma_wait3A_1465 : memref<128x16xf32, #tpu.memory_space<vmem>>)
        } else {
        }
        %eq3A_1427 = arith.constant 1 : i32
        %eq3A_1428 = arith.cmpi eq, %and3A_1412, %eq3A_1427 : i32
        %and3A_1429 = arith.andi %ge3A_1413, %eq3A_1428 : i1
        %convert_element_type3A_1430 = arith.extui %and3A_1429 : i1 to i32
        %cond3A_1431 = arith.constant 0 : i32
        %cond3A_1432 = arith.cmpi ne, %convert_element_type3A_1430, %cond3A_1431 : i32
        scf.if %cond3A_1432 {
          %mul3A_1461 = arith.constant 128 : i32
          %mul3A_1462 = arith.muli %while3A_1409, %mul3A_1461 : i32
          %scan3A_1463 = arith.constant 0 : i32
          %scan3A_1464 = arith.constant 0 : i32
          %scan3A_1465 = arith.constant 8 : i32
          %scan3A_1466 = arith.addi %scan3A_1464, %scan3A_1465 : i32
          %scan3A_1467 = arith.constant 1 : i32
          %scan3A_1468 = scf.for %scan3A_1490 = %scan3A_1464 to %scan3A_1466 step %scan3A_1467 iter_args(%scan3A_1491 = %scan3A_1463) -> (i32)  : i32 {
            %mul3A_1492 = arith.constant 16 : i32
            %mul3A_1493 = arith.muli %scan3A_1490, %mul3A_1492 : i32
            %add3A_1494 = arith.addi %mul3A_1462, %mul3A_1493 : i32
            %get3A = arith.index_cast %add3A_1494 : i32 to index
            %get3A_1495 = tpu.vector_load %arg9[%get3A] {strides = array<i32>} : memref<12016xi32, #tpu.memory_space<vmem>>, vector<16xi32>,
            %add3A_1496 = vector.broadcast %add3A_1494 : i32 to vector<16xi32>
            %add3A_1497 = arith.addi %add3A_1496, %iota3A : vector<16xi32>
            %lt3A_1498 = vector.broadcast %reduce_max3A_139 : i32 to vector<16xi32>
            %lt3A_1499 = arith.cmpi slt, %add3A_1497, %lt3A_1498 : vector<16xi32>
            %add3A_1500 = arith.constant 3 : i32
            %add3A_1501 = vector.broadcast %add3A_1500 : i32 to vector<16xi32>
            %add3A_1502 = arith.addi %get3A_1495, %add3A_1501 : vector<16xi32>
            %jit3A_1503 = arith.constant 0 : i32
            %broadcast_in_dim3A_1504 = vector.broadcast %jit3A_1503 : i32 to vector<16xi32>
            %select_n3A_1505 = arith.select %lt3A_1499, %add3A_1502, %broadcast_in_dim3A_1504 : vector<16xi1>, vector<16xi32>
            %mul3A_1506 = arith.constant 16 : i32
            %mul3A_1507 = arith.muli %scan3A_1490, %mul3A_1506 : i32
            %add3A_1508 = arith.constant 896 : i32
            %add3A_1509 = arith.addi %add3A_1508, %mul3A_1507 : i32
            %swap3A = arith.index_cast %add3A_1509 : i32 to index
            %swap3A_1510 = tpu.vector_load %arg12[%swap3A] {strides = array<i32>} : memref<1024xi32, #tpu.memory_space<vmem>>, vector<16xi32>,
            tpu.vector_store %arg12[%swap3A], %select_n3A_1505 {strides = array<i32>} : memref<1024xi32, #tpu.memory_space<vmem>>, vector<16xi32>,
            %scan3A_1511 = arith.constant 0 : i32
            scf.yield %scan3A_1511 : i32
          }
          %scan3A_1469 = arith.constant 8 : i32
          %dma_start3A_1470 = arith.constant 7 : i32
          %dma_start3A_1471 = arith.constant 0 : i32
          %dma_start3A_1472 = arith.constant 0 : i32
          %dma_start3A_1473 = tpu.memref_slice %arg13[%dma_start3A_1470, %dma_start3A_1471, %dma_start3A_1472] : memref<8x128x16xf32, #tpu.memory_space<vmem>> -> memref<1x128x16xf32, #tpu.memory_space<vmem>>
          %dma_start3A_1474 = tpu.memref_squeeze %dma_start3A_1473 : memref<1x128x16xf32, #tpu.memory_space<vmem>> -> memref<128x16xf32, #tpu.memory_space<vmem>>
          %dma_start3A_1475 = arith.constant 896 : i32
          %dma_start3A_1476 = tpu.memref_slice %arg12[%dma_start3A_1475] : memref<1024xi32, #tpu.memory_space<vmem>> -> memref<128xi32, #tpu.memory_space<vmem>>
          %dma_start3A_1477 = arith.constant 0 : i32
          %dma_start3A_1478 = arith.constant 0 : i32
          %dma_start3A_1479 = tpu.memref_slice %arg4[%dma_start3A_1477, %dma_start3A_1478] : memref<192000x16xf32, #tpu.memory_space<hbm>> -> memref<192000x16xf32, #tpu.memory_space<hbm>>
          tpu.enqueue_indirect_dma source(%dma_start3A_1479 : memref<192000x16xf32, #tpu.memory_space<hbm>>) target(%dma_start3A_1474 : memref<128x16xf32, #tpu.memory_space<vmem>>) offsets(%dma_start3A_1476 : memref<128xi32, #tpu.memory_space<vmem>>) semaphore(%arg22 : memref<!tpu.dma_semaphore, #tpu.memory_space<semaphore_mem>>)
          %dma_wait3A_1480 = arith.constant 7 : i32
          %dma_wait3A_1481 = arith.constant 0 : i32
          %dma_wait3A_1482 = arith.constant 0 : i32
          %dma_wait3A_1483 = tpu.memref_slice %arg13[%dma_wait3A_1480, %dma_wait3A_1481, %dma_wait3A_1482] : memref<8x128x16xf32, #tpu.memory_space<vmem>> -> memref<1x128x16xf32, #tpu.memory_space<vmem>>
          %dma_wait3A_1484 = tpu.memref_squeeze %dma_wait3A_1483 : memref<1x128x16xf32, #tpu.memory_space<vmem>> -> memref<128x16xf32, #tpu.memory_space<vmem>>
          %dma_wait3A_1485 = arith.constant 896 : i32
          %dma_wait3A_1486 = tpu.memref_slice %arg12[%dma_wait3A_1485] : memref<1024xi32, #tpu.memory_space<vmem>> -> memref<128xi32, #tpu.memory_space<vmem>>
          %dma_wait3A_1487 = arith.constant 0 : i32
          %dma_wait3A_1488 = arith.constant 0 : i32
          %dma_wait3A_1489 = tpu.memref_slice %arg4[%dma_wait3A_1487, %dma_wait3A_1488] : memref<192000x16xf32, #tpu.memory_space<hbm>> -> memref<192000x16xf32, #tpu.memory_space<hbm>>
          tpu.wait_indirect_dma semaphore(%arg22 : memref<!tpu.dma_semaphore, #tpu.memory_space<semaphore_mem>>) src(%dma_wait3A_1489 : memref<192000x16xf32, #tpu.memory_space<hbm>>) dst(%dma_wait3A_1484 : memref<128x16xf32, #tpu.memory_space<vmem>>)
        } else {
        }
        %not3A_1433 = arith.constant true
        %not3A_1434 = arith.xori %ge3A_1413, %not3A_1433 : i1
        %eq3A_1435 = arith.constant 1 : i32
        %eq3A_1436 = arith.cmpi eq, %and3A_1412, %eq3A_1435 : i32
        %and3A_1437 = arith.andi %not3A_1434, %eq3A_1436 : i1
        %convert_element_type3A_1438 = arith.extui %and3A_1437 : i1 to i32
        %cond3A_1439 = arith.constant 0 : i32
        %cond3A_1440 = arith.cmpi ne, %convert_element_type3A_1438, %cond3A_1439 : i32
        scf.if %cond3A_1440 {
          %dma_wait3A_1461 = arith.constant 7 : i32
          %dma_wait3A_1462 = arith.constant 0 : i32
          %dma_wait3A_1463 = arith.constant 0 : i32
          %dma_wait3A_1464 = tpu.memref_slice %arg13[%dma_wait3A_1461, %dma_wait3A_1462, %dma_wait3A_1463] : memref<8x128x16xf32, #tpu.memory_space<vmem>> -> memref<1x128x16xf32, #tpu.memory_space<vmem>>
          %dma_wait3A_1465 = tpu.memref_squeeze %dma_wait3A_1464 : memref<1x128x16xf32, #tpu.memory_space<vmem>> -> memref<128x16xf32, #tpu.memory_space<vmem>>
          %dma_wait3A_1466 = arith.constant 896 : i32
          %dma_wait3A_1467 = tpu.memref_slice %arg12[%dma_wait3A_1466] : memref<1024xi32, #tpu.memory_space<vmem>> -> memref<128xi32, #tpu.memory_space<vmem>>
          %dma_wait3A_1468 = arith.constant 0 : i32
          %dma_wait3A_1469 = arith.constant 0 : i32
          %dma_wait3A_1470 = tpu.memref_slice %arg4[%dma_wait3A_1468, %dma_wait3A_1469] : memref<192000x16xf32, #tpu.memory_space<hbm>> -> memref<192000x16xf32, #tpu.memory_space<hbm>>
          tpu.wait_indirect_dma semaphore(%arg22 : memref<!tpu.dma_semaphore, #tpu.memory_space<semaphore_mem>>) src(%dma_wait3A_1470 : memref<192000x16xf32, #tpu.memory_space<hbm>>) dst(%dma_wait3A_1465 : memref<128x16xf32, #tpu.memory_space<vmem>>)
        } else {
        }
        %add3A_1441 = arith.constant 6 : i32
        %add3A_1442 = arith.addi %add3A_1441, %and3A_1412 : i32
        %mul3A_1443 = arith.constant 128 : i32
        %mul3A_1444 = arith.muli %while3A_1409, %mul3A_1443 : i32
        %sub3A_1445 = arith.subi %reduce_max3A_139, %mul3A_1444 : i32
        %min3A = arith.constant 128 : i32
        %min3A_1446 = arith.minsi %min3A, %sub3A_1445 : i32
        %broadcast_in_dim3A_1447 = vector.broadcast %add3A_1442 : i32 to vector<16xi32>
        %while3A_1448 = arith.constant 0 : i32
        %while3A_1449 = arith.constant 0 : i32
        %while3A_1450 = arith.subi %min3A_1446, %while3A_1448 : i32
        %while3A_1451 = arith.addi %while3A_1448, %while3A_1450 : i32
        %while3A_1452 = arith.constant 1 : i32
        %while3A_1453 = arith.divsi %while3A_1450, %while3A_1452 : i32
        %while3A_1454 = arith.muli %while3A_1453, %while3A_1452 : i32
        %while3A_1455 = arith.addi %while3A_1448, %while3A_1454 : i32
        %while3A_1456 = arith.constant 1 : i32
        %while3A_1457 = scf.for %while3A_1461 = %while3A_1448 to %while3A_1455 step %while3A_1456 iter_args(%while3A_1462 = %while3A_1449) -> (i32)  : i32 {
          %mul3A_1463 = arith.constant 128 : i32
          %mul3A_1464 = arith.muli %while3A_1409, %mul3A_1463 : i32
          %add3A_1465 = arith.addi %mul3A_1464, %while3A_1461 : i32
          %broadcast_in_dim3A_1466 = vector.broadcast %add3A_1465 : i32 to vector<16xi32>
          %gather3A = tpu.vector_load_idx %arg8[%broadcast_in_dim3A_1466] : memref<12016xi32, #tpu.memory_space<vmem>>[vector<16xi32>], vector<16xi32>,
          %broadcast_in_dim3A_1467 = vector.broadcast %while3A_1461 : i32 to vector<16xi32>
          %gather3A_1468 = tpu.vector_load_idx %arg13[%broadcast_in_dim3A_1447, %broadcast_in_dim3A_1467, %iota3A] : memref<8x128x16xf32, #tpu.memory_space<vmem>>[vector<16xi32>, vector<16xi32>, vector<16xi32>], vector<16xf32>,
          %add3A_1469 = arith.addi %gather3A, %mul3A_3 : vector<16xi32>
          tpu.vector_store_idx %arg11[%add3A_1469], %gather3A_1468 : memref<71424xf32, #tpu.memory_space<vmem>>[vector<16xi32>], vector<16xf32>,
          %while3A_1470 = arith.constant 0 : i32
          scf.yield %while3A_1470 : i32
        }
        %while3A_1458 = arith.constant 1 : i32
        %while3A_1459 = scf.for %while3A_1461 = %while3A_1455 to %while3A_1451 step %while3A_1458 iter_args(%while3A_1462 = %while3A_1457) -> (i32)  : i32 {
          %mul3A_1463 = arith.constant 128 : i32
          %mul3A_1464 = arith.muli %while3A_1409, %mul3A_1463 : i32
          %add3A_1465 = arith.addi %mul3A_1464, %while3A_1461 : i32
          %broadcast_in_dim3A_1466 = vector.broadcast %add3A_1465 : i32 to vector<16xi32>
          %gather3A = tpu.vector_load_idx %arg8[%broadcast_in_dim3A_1466] : memref<12016xi32, #tpu.memory_space<vmem>>[vector<16xi32>], vector<16xi32>,
          %broadcast_in_dim3A_1467 = vector.broadcast %while3A_1461 : i32 to vector<16xi32>
          %gather3A_1468 = tpu.vector_load_idx %arg13[%broadcast_in_dim3A_1447, %broadcast_in_dim3A_1467, %iota3A] : memref<8x128x16xf32, #tpu.memory_space<vmem>>[vector<16xi32>, vector<16xi32>, vector<16xi32>], vector<16xf32>,
          %add3A_1469 = arith.addi %gather3A, %mul3A_3 : vector<16xi32>
          tpu.vector_store_idx %arg11[%add3A_1469], %gather3A_1468 : memref<71424xf32, #tpu.memory_space<vmem>>[vector<16xi32>], vector<16xf32>,
          %while3A_1470 = arith.constant 0 : i32
          scf.yield %while3A_1470 : i32
        }
        %while3A_1460 = arith.constant 0 : i32
        scf.yield %while3A_1460 : i32
      }
      %mul3A_1097 = arith.constant 64 : i32
      %mul3A_1098 = arith.muli %select_n3A, %mul3A_1097 : i32
      %add3A_1099 = arith.constant 48 : i32
      %add3A_1100 = arith.addi %mul3A_1098, %add3A_1099 : i32
      %add3A_1101 = arith.constant 0 : i32
      %add3A_1102 = arith.addi %add3A_1100, %add3A_1101 : i32
      %mul3A_1103 = arith.constant 432 : i32
      %mul3A_1104 = arith.muli %add3A_1102, %mul3A_1103 : i32
      %add3A_1105 = arith.addi %mul3A_1104, %mul3A_57 : i32
      %mul3A_1106 = arith.constant 496 : i32
      %mul3A_1107 = arith.muli %add3A_1105, %mul3A_1106 : i32
      %dma_start3A_1108 = arith.constant 0 : i32
      %dma_start3A_1109 = tpu.memref_slice %arg11[%dma_start3A_1108] : memref<71424xf32, #tpu.memory_space<vmem>> -> memref<4464xf32, #tpu.memory_space<vmem>>
      %dma_start3A_1110 = tpu.memref_slice %arg5[%mul3A_1107] : memref<54853632xf32, #tpu.memory_space<hbm>> -> memref<4464xf32, #tpu.memory_space<hbm>>
      %dma_start3A_1111 = tpu.memref_slice %arg5[%mul3A_1107] : memref<54853632xf32, #tpu.memory_space<hbm>> -> memref<4464xf32, #tpu.memory_space<hbm>>
      %dma_start3A_1112 = arith.constant 0 : i32
      %dma_start3A_1113 = tpu.memref_slice %arg11[%dma_start3A_1112] : memref<71424xf32, #tpu.memory_space<vmem>> -> memref<4464xf32, #tpu.memory_space<vmem>>
      tpu.enqueue_dma source(%dma_start3A_1113 : memref<4464xf32, #tpu.memory_space<vmem>>) target(%dma_start3A_1111 : memref<4464xf32, #tpu.memory_space<hbm>>) target_semaphore(%arg23 : memref<!tpu.dma_semaphore, #tpu.memory_space<semaphore_mem>>)
      %mul3A_1114 = arith.constant 64 : i32
      %mul3A_1115 = arith.muli %select_n3A, %mul3A_1114 : i32
      %add3A_1116 = arith.constant 48 : i32
      %add3A_1117 = arith.addi %mul3A_1115, %add3A_1116 : i32
      %add3A_1118 = arith.constant 1 : i32
      %add3A_1119 = arith.addi %add3A_1117, %add3A_1118 : i32
      %mul3A_1120 = arith.constant 432 : i32
      %mul3A_1121 = arith.muli %add3A_1119, %mul3A_1120 : i32
      %add3A_1122 = arith.addi %mul3A_1121, %mul3A_57 : i32
      %mul3A_1123 = arith.constant 496 : i32
      %mul3A_1124 = arith.muli %add3A_1122, %mul3A_1123 : i32
      %dma_start3A_1125 = arith.constant 4464 : i32
      %dma_start3A_1126 = tpu.memref_slice %arg11[%dma_start3A_1125] : memref<71424xf32, #tpu.memory_space<vmem>> -> memref<4464xf32, #tpu.memory_space<vmem>>
      %dma_start3A_1127 = tpu.memref_slice %arg5[%mul3A_1124] : memref<54853632xf32, #tpu.memory_space<hbm>> -> memref<4464xf32, #tpu.memory_space<hbm>>
      %dma_start3A_1128 = tpu.memref_slice %arg5[%mul3A_1124] : memref<54853632xf32, #tpu.memory_space<hbm>> -> memref<4464xf32, #tpu.memory_space<hbm>>
      %dma_start3A_1129 = arith.constant 4464 : i32
      %dma_start3A_1130 = tpu.memref_slice %arg11[%dma_start3A_1129] : memref<71424xf32, #tpu.memory_space<vmem>> -> memref<4464xf32, #tpu.memory_space<vmem>>
      tpu.enqueue_dma source(%dma_start3A_1130 : memref<4464xf32, #tpu.memory_space<vmem>>) target(%dma_start3A_1128 : memref<4464xf32, #tpu.memory_space<hbm>>) target_semaphore(%arg23 : memref<!tpu.dma_semaphore, #tpu.memory_space<semaphore_mem>>)
      %mul3A_1131 = arith.constant 64 : i32
      %mul3A_1132 = arith.muli %select_n3A, %mul3A_1131 : i32
      %add3A_1133 = arith.constant 48 : i32
      %add3A_1134 = arith.addi %mul3A_1132, %add3A_1133 : i32
      %add3A_1135 = arith.constant 2 : i32
      %add3A_1136 = arith.addi %add3A_1134, %add3A_1135 : i32
      %mul3A_1137 = arith.constant 432 : i32
      %mul3A_1138 = arith.muli %add3A_1136, %mul3A_1137 : i32
      %add3A_1139 = arith.addi %mul3A_1138, %mul3A_57 : i32
      %mul3A_1140 = arith.constant 496 : i32
      %mul3A_1141 = arith.muli %add3A_1139, %mul3A_1140 : i32
      %dma_start3A_1142 = arith.constant 8928 : i32
      %dma_start3A_1143 = tpu.memref_slice %arg11[%dma_start3A_1142] : memref<71424xf32, #tpu.memory_space<vmem>> -> memref<4464xf32, #tpu.memory_space<vmem>>
      %dma_start3A_1144 = tpu.memref_slice %arg5[%mul3A_1141] : memref<54853632xf32, #tpu.memory_space<hbm>> -> memref<4464xf32, #tpu.memory_space<hbm>>
      %dma_start3A_1145 = tpu.memref_slice %arg5[%mul3A_1141] : memref<54853632xf32, #tpu.memory_space<hbm>> -> memref<4464xf32, #tpu.memory_space<hbm>>
      %dma_start3A_1146 = arith.constant 8928 : i32
      %dma_start3A_1147 = tpu.memref_slice %arg11[%dma_start3A_1146] : memref<71424xf32, #tpu.memory_space<vmem>> -> memref<4464xf32, #tpu.memory_space<vmem>>
      tpu.enqueue_dma source(%dma_start3A_1147 : memref<4464xf32, #tpu.memory_space<vmem>>) target(%dma_start3A_1145 : memref<4464xf32, #tpu.memory_space<hbm>>) target_semaphore(%arg23 : memref<!tpu.dma_semaphore, #tpu.memory_space<semaphore_mem>>)
      %mul3A_1148 = arith.constant 64 : i32
      %mul3A_1149 = arith.muli %select_n3A, %mul3A_1148 : i32
      %add3A_1150 = arith.constant 48 : i32
      %add3A_1151 = arith.addi %mul3A_1149, %add3A_1150 : i32
      %add3A_1152 = arith.constant 3 : i32
      %add3A_1153 = arith.addi %add3A_1151, %add3A_1152 : i32
      %mul3A_1154 = arith.constant 432 : i32
      %mul3A_1155 = arith.muli %add3A_1153, %mul3A_1154 : i32
      %add3A_1156 = arith.addi %mul3A_1155, %mul3A_57 : i32
      %mul3A_1157 = arith.constant 496 : i32
      %mul3A_1158 = arith.muli %add3A_1156, %mul3A_1157 : i32
      %dma_start3A_1159 = arith.constant 13392 : i32
      %dma_start3A_1160 = tpu.memref_slice %arg11[%dma_start3A_1159] : memref<71424xf32, #tpu.memory_space<vmem>> -> memref<4464xf32, #tpu.memory_space<vmem>>
      %dma_start3A_1161 = tpu.memref_slice %arg5[%mul3A_1158] : memref<54853632xf32, #tpu.memory_space<hbm>> -> memref<4464xf32, #tpu.memory_space<hbm>>
      %dma_start3A_1162 = tpu.memref_slice %arg5[%mul3A_1158] : memref<54853632xf32, #tpu.memory_space<hbm>> -> memref<4464xf32, #tpu.memory_space<hbm>>
      %dma_start3A_1163 = arith.constant 13392 : i32
      %dma_start3A_1164 = tpu.memref_slice %arg11[%dma_start3A_1163] : memref<71424xf32, #tpu.memory_space<vmem>> -> memref<4464xf32, #tpu.memory_space<vmem>>
      tpu.enqueue_dma source(%dma_start3A_1164 : memref<4464xf32, #tpu.memory_space<vmem>>) target(%dma_start3A_1162 : memref<4464xf32, #tpu.memory_space<hbm>>) target_semaphore(%arg23 : memref<!tpu.dma_semaphore, #tpu.memory_space<semaphore_mem>>)
      %mul3A_1165 = arith.constant 64 : i32
      %mul3A_1166 = arith.muli %select_n3A, %mul3A_1165 : i32
      %add3A_1167 = arith.constant 48 : i32
      %add3A_1168 = arith.addi %mul3A_1166, %add3A_1167 : i32
      %add3A_1169 = arith.constant 4 : i32
      %add3A_1170 = arith.addi %add3A_1168, %add3A_1169 : i32
      %mul3A_1171 = arith.constant 432 : i32
      %mul3A_1172 = arith.muli %add3A_1170, %mul3A_1171 : i32
      %add3A_1173 = arith.addi %mul3A_1172, %mul3A_57 : i32
      %mul3A_1174 = arith.constant 496 : i32
      %mul3A_1175 = arith.muli %add3A_1173, %mul3A_1174 : i32
      %dma_start3A_1176 = arith.constant 17856 : i32
      %dma_start3A_1177 = tpu.memref_slice %arg11[%dma_start3A_1176] : memref<71424xf32, #tpu.memory_space<vmem>> -> memref<4464xf32, #tpu.memory_space<vmem>>
      %dma_start3A_1178 = tpu.memref_slice %arg5[%mul3A_1175] : memref<54853632xf32, #tpu.memory_space<hbm>> -> memref<4464xf32, #tpu.memory_space<hbm>>
      %dma_start3A_1179 = tpu.memref_slice %arg5[%mul3A_1175] : memref<54853632xf32, #tpu.memory_space<hbm>> -> memref<4464xf32, #tpu.memory_space<hbm>>
      %dma_start3A_1180 = arith.constant 17856 : i32
      %dma_start3A_1181 = tpu.memref_slice %arg11[%dma_start3A_1180] : memref<71424xf32, #tpu.memory_space<vmem>> -> memref<4464xf32, #tpu.memory_space<vmem>>
      tpu.enqueue_dma source(%dma_start3A_1181 : memref<4464xf32, #tpu.memory_space<vmem>>) target(%dma_start3A_1179 : memref<4464xf32, #tpu.memory_space<hbm>>) target_semaphore(%arg23 : memref<!tpu.dma_semaphore, #tpu.memory_space<semaphore_mem>>)
      %mul3A_1182 = arith.constant 64 : i32
      %mul3A_1183 = arith.muli %select_n3A, %mul3A_1182 : i32
      %add3A_1184 = arith.constant 48 : i32
      %add3A_1185 = arith.addi %mul3A_1183, %add3A_1184 : i32
      %add3A_1186 = arith.constant 5 : i32
      %add3A_1187 = arith.addi %add3A_1185, %add3A_1186 : i32
      %mul3A_1188 = arith.constant 432 : i32
      %mul3A_1189 = arith.muli %add3A_1187, %mul3A_1188 : i32
      %add3A_1190 = arith.addi %mul3A_1189, %mul3A_57 : i32
      %mul3A_1191 = arith.constant 496 : i32
      %mul3A_1192 = arith.muli %add3A_1190, %mul3A_1191 : i32
      %dma_start3A_1193 = arith.constant 22320 : i32
      %dma_start3A_1194 = tpu.memref_slice %arg11[%dma_start3A_1193] : memref<71424xf32, #tpu.memory_space<vmem>> -> memref<4464xf32, #tpu.memory_space<vmem>>
      %dma_start3A_1195 = tpu.memref_slice %arg5[%mul3A_1192] : memref<54853632xf32, #tpu.memory_space<hbm>> -> memref<4464xf32, #tpu.memory_space<hbm>>
      %dma_start3A_1196 = tpu.memref_slice %arg5[%mul3A_1192] : memref<54853632xf32, #tpu.memory_space<hbm>> -> memref<4464xf32, #tpu.memory_space<hbm>>
      %dma_start3A_1197 = arith.constant 22320 : i32
      %dma_start3A_1198 = tpu.memref_slice %arg11[%dma_start3A_1197] : memref<71424xf32, #tpu.memory_space<vmem>> -> memref<4464xf32, #tpu.memory_space<vmem>>
      tpu.enqueue_dma source(%dma_start3A_1198 : memref<4464xf32, #tpu.memory_space<vmem>>) target(%dma_start3A_1196 : memref<4464xf32, #tpu.memory_space<hbm>>) target_semaphore(%arg23 : memref<!tpu.dma_semaphore, #tpu.memory_space<semaphore_mem>>)
      %mul3A_1199 = arith.constant 64 : i32
      %mul3A_1200 = arith.muli %select_n3A, %mul3A_1199 : i32
      %add3A_1201 = arith.constant 48 : i32
      %add3A_1202 = arith.addi %mul3A_1200, %add3A_1201 : i32
      %add3A_1203 = arith.constant 6 : i32
      %add3A_1204 = arith.addi %add3A_1202, %add3A_1203 : i32
      %mul3A_1205 = arith.constant 432 : i32
      %mul3A_1206 = arith.muli %add3A_1204, %mul3A_1205 : i32
      %add3A_1207 = arith.addi %mul3A_1206, %mul3A_57 : i32
      %mul3A_1208 = arith.constant 496 : i32
      %mul3A_1209 = arith.muli %add3A_1207, %mul3A_1208 : i32
      %dma_start3A_1210 = arith.constant 26784 : i32
      %dma_start3A_1211 = tpu.memref_slice %arg11[%dma_start3A_1210] : memref<71424xf32, #tpu.memory_space<vmem>> -> memref<4464xf32, #tpu.memory_space<vmem>>
      %dma_start3A_1212 = tpu.memref_slice %arg5[%mul3A_1209] : memref<54853632xf32, #tpu.memory_space<hbm>> -> memref<4464xf32, #tpu.memory_space<hbm>>
      %dma_start3A_1213 = tpu.memref_slice %arg5[%mul3A_1209] : memref<54853632xf32, #tpu.memory_space<hbm>> -> memref<4464xf32, #tpu.memory_space<hbm>>
      %dma_start3A_1214 = arith.constant 26784 : i32
      %dma_start3A_1215 = tpu.memref_slice %arg11[%dma_start3A_1214] : memref<71424xf32, #tpu.memory_space<vmem>> -> memref<4464xf32, #tpu.memory_space<vmem>>
      tpu.enqueue_dma source(%dma_start3A_1215 : memref<4464xf32, #tpu.memory_space<vmem>>) target(%dma_start3A_1213 : memref<4464xf32, #tpu.memory_space<hbm>>) target_semaphore(%arg23 : memref<!tpu.dma_semaphore, #tpu.memory_space<semaphore_mem>>)
      %mul3A_1216 = arith.constant 64 : i32
      %mul3A_1217 = arith.muli %select_n3A, %mul3A_1216 : i32
      %add3A_1218 = arith.constant 48 : i32
      %add3A_1219 = arith.addi %mul3A_1217, %add3A_1218 : i32
      %add3A_1220 = arith.constant 7 : i32
      %add3A_1221 = arith.addi %add3A_1219, %add3A_1220 : i32
      %mul3A_1222 = arith.constant 432 : i32
      %mul3A_1223 = arith.muli %add3A_1221, %mul3A_1222 : i32
      %add3A_1224 = arith.addi %mul3A_1223, %mul3A_57 : i32
      %mul3A_1225 = arith.constant 496 : i32
      %mul3A_1226 = arith.muli %add3A_1224, %mul3A_1225 : i32
      %dma_start3A_1227 = arith.constant 31248 : i32
      %dma_start3A_1228 = tpu.memref_slice %arg11[%dma_start3A_1227] : memref<71424xf32, #tpu.memory_space<vmem>> -> memref<4464xf32, #tpu.memory_space<vmem>>
      %dma_start3A_1229 = tpu.memref_slice %arg5[%mul3A_1226] : memref<54853632xf32, #tpu.memory_space<hbm>> -> memref<4464xf32, #tpu.memory_space<hbm>>
      %dma_start3A_1230 = tpu.memref_slice %arg5[%mul3A_1226] : memref<54853632xf32, #tpu.memory_space<hbm>> -> memref<4464xf32, #tpu.memory_space<hbm>>
      %dma_start3A_1231 = arith.constant 31248 : i32
      %dma_start3A_1232 = tpu.memref_slice %arg11[%dma_start3A_1231] : memref<71424xf32, #tpu.memory_space<vmem>> -> memref<4464xf32, #tpu.memory_space<vmem>>
      tpu.enqueue_dma source(%dma_start3A_1232 : memref<4464xf32, #tpu.memory_space<vmem>>) target(%dma_start3A_1230 : memref<4464xf32, #tpu.memory_space<hbm>>) target_semaphore(%arg23 : memref<!tpu.dma_semaphore, #tpu.memory_space<semaphore_mem>>)
      %mul3A_1233 = arith.constant 64 : i32
      %mul3A_1234 = arith.muli %select_n3A, %mul3A_1233 : i32
      %add3A_1235 = arith.constant 48 : i32
      %add3A_1236 = arith.addi %mul3A_1234, %add3A_1235 : i32
      %add3A_1237 = arith.constant 8 : i32
      %add3A_1238 = arith.addi %add3A_1236, %add3A_1237 : i32
      %mul3A_1239 = arith.constant 432 : i32
      %mul3A_1240 = arith.muli %add3A_1238, %mul3A_1239 : i32
      %add3A_1241 = arith.addi %mul3A_1240, %mul3A_57 : i32
      %mul3A_1242 = arith.constant 496 : i32
      %mul3A_1243 = arith.muli %add3A_1241, %mul3A_1242 : i32
      %dma_start3A_1244 = arith.constant 35712 : i32
      %dma_start3A_1245 = tpu.memref_slice %arg11[%dma_start3A_1244] : memref<71424xf32, #tpu.memory_space<vmem>> -> memref<4464xf32, #tpu.memory_space<vmem>>
      %dma_start3A_1246 = tpu.memref_slice %arg5[%mul3A_1243] : memref<54853632xf32, #tpu.memory_space<hbm>> -> memref<4464xf32, #tpu.memory_space<hbm>>
      %dma_start3A_1247 = tpu.memref_slice %arg5[%mul3A_1243] : memref<54853632xf32, #tpu.memory_space<hbm>> -> memref<4464xf32, #tpu.memory_space<hbm>>
      %dma_start3A_1248 = arith.constant 35712 : i32
      %dma_start3A_1249 = tpu.memref_slice %arg11[%dma_start3A_1248] : memref<71424xf32, #tpu.memory_space<vmem>> -> memref<4464xf32, #tpu.memory_space<vmem>>
      tpu.enqueue_dma source(%dma_start3A_1249 : memref<4464xf32, #tpu.memory_space<vmem>>) target(%dma_start3A_1247 : memref<4464xf32, #tpu.memory_space<hbm>>) target_semaphore(%arg23 : memref<!tpu.dma_semaphore, #tpu.memory_space<semaphore_mem>>)
      %mul3A_1250 = arith.constant 64 : i32
      %mul3A_1251 = arith.muli %select_n3A, %mul3A_1250 : i32
      %add3A_1252 = arith.constant 48 : i32
      %add3A_1253 = arith.addi %mul3A_1251, %add3A_1252 : i32
      %add3A_1254 = arith.constant 9 : i32
      %add3A_1255 = arith.addi %add3A_1253, %add3A_1254 : i32
      %mul3A_1256 = arith.constant 432 : i32
      %mul3A_1257 = arith.muli %add3A_1255, %mul3A_1256 : i32
      %add3A_1258 = arith.addi %mul3A_1257, %mul3A_57 : i32
      %mul3A_1259 = arith.constant 496 : i32
      %mul3A_1260 = arith.muli %add3A_1258, %mul3A_1259 : i32
      %dma_start3A_1261 = arith.constant 40176 : i32
      %dma_start3A_1262 = tpu.memref_slice %arg11[%dma_start3A_1261] : memref<71424xf32, #tpu.memory_space<vmem>> -> memref<4464xf32, #tpu.memory_space<vmem>>
      %dma_start3A_1263 = tpu.memref_slice %arg5[%mul3A_1260] : memref<54853632xf32, #tpu.memory_space<hbm>> -> memref<4464xf32, #tpu.memory_space<hbm>>
      %dma_start3A_1264 = tpu.memref_slice %arg5[%mul3A_1260] : memref<54853632xf32, #tpu.memory_space<hbm>> -> memref<4464xf32, #tpu.memory_space<hbm>>
      %dma_start3A_1265 = arith.constant 40176 : i32
      %dma_start3A_1266 = tpu.memref_slice %arg11[%dma_start3A_1265] : memref<71424xf32, #tpu.memory_space<vmem>> -> memref<4464xf32, #tpu.memory_space<vmem>>
      tpu.enqueue_dma source(%dma_start3A_1266 : memref<4464xf32, #tpu.memory_space<vmem>>) target(%dma_start3A_1264 : memref<4464xf32, #tpu.memory_space<hbm>>) target_semaphore(%arg23 : memref<!tpu.dma_semaphore, #tpu.memory_space<semaphore_mem>>)
      %mul3A_1267 = arith.constant 64 : i32
      %mul3A_1268 = arith.muli %select_n3A, %mul3A_1267 : i32
      %add3A_1269 = arith.constant 48 : i32
      %add3A_1270 = arith.addi %mul3A_1268, %add3A_1269 : i32
      %add3A_1271 = arith.constant 10 : i32
      %add3A_1272 = arith.addi %add3A_1270, %add3A_1271 : i32
      %mul3A_1273 = arith.constant 432 : i32
      %mul3A_1274 = arith.muli %add3A_1272, %mul3A_1273 : i32
      %add3A_1275 = arith.addi %mul3A_1274, %mul3A_57 : i32
      %mul3A_1276 = arith.constant 496 : i32
      %mul3A_1277 = arith.muli %add3A_1275, %mul3A_1276 : i32
      %dma_start3A_1278 = arith.constant 44640 : i32
      %dma_start3A_1279 = tpu.memref_slice %arg11[%dma_start3A_1278] : memref<71424xf32, #tpu.memory_space<vmem>> -> memref<4464xf32, #tpu.memory_space<vmem>>
      %dma_start3A_1280 = tpu.memref_slice %arg5[%mul3A_1277] : memref<54853632xf32, #tpu.memory_space<hbm>> -> memref<4464xf32, #tpu.memory_space<hbm>>
      %dma_start3A_1281 = tpu.memref_slice %arg5[%mul3A_1277] : memref<54853632xf32, #tpu.memory_space<hbm>> -> memref<4464xf32, #tpu.memory_space<hbm>>
      %dma_start3A_1282 = arith.constant 44640 : i32
      %dma_start3A_1283 = tpu.memref_slice %arg11[%dma_start3A_1282] : memref<71424xf32, #tpu.memory_space<vmem>> -> memref<4464xf32, #tpu.memory_space<vmem>>
      tpu.enqueue_dma source(%dma_start3A_1283 : memref<4464xf32, #tpu.memory_space<vmem>>) target(%dma_start3A_1281 : memref<4464xf32, #tpu.memory_space<hbm>>) target_semaphore(%arg23 : memref<!tpu.dma_semaphore, #tpu.memory_space<semaphore_mem>>)
      %mul3A_1284 = arith.constant 64 : i32
      %mul3A_1285 = arith.muli %select_n3A, %mul3A_1284 : i32
      %add3A_1286 = arith.constant 48 : i32
      %add3A_1287 = arith.addi %mul3A_1285, %add3A_1286 : i32
      %add3A_1288 = arith.constant 11 : i32
      %add3A_1289 = arith.addi %add3A_1287, %add3A_1288 : i32
      %mul3A_1290 = arith.constant 432 : i32
      %mul3A_1291 = arith.muli %add3A_1289, %mul3A_1290 : i32
      %add3A_1292 = arith.addi %mul3A_1291, %mul3A_57 : i32
      %mul3A_1293 = arith.constant 496 : i32
      %mul3A_1294 = arith.muli %add3A_1292, %mul3A_1293 : i32
      %dma_start3A_1295 = arith.constant 49104 : i32
      %dma_start3A_1296 = tpu.memref_slice %arg11[%dma_start3A_1295] : memref<71424xf32, #tpu.memory_space<vmem>> -> memref<4464xf32, #tpu.memory_space<vmem>>
      %dma_start3A_1297 = tpu.memref_slice %arg5[%mul3A_1294] : memref<54853632xf32, #tpu.memory_space<hbm>> -> memref<4464xf32, #tpu.memory_space<hbm>>
      %dma_start3A_1298 = tpu.memref_slice %arg5[%mul3A_1294] : memref<54853632xf32, #tpu.memory_space<hbm>> -> memref<4464xf32, #tpu.memory_space<hbm>>
      %dma_start3A_1299 = arith.constant 49104 : i32
      %dma_start3A_1300 = tpu.memref_slice %arg11[%dma_start3A_1299] : memref<71424xf32, #tpu.memory_space<vmem>> -> memref<4464xf32, #tpu.memory_space<vmem>>
      tpu.enqueue_dma source(%dma_start3A_1300 : memref<4464xf32, #tpu.memory_space<vmem>>) target(%dma_start3A_1298 : memref<4464xf32, #tpu.memory_space<hbm>>) target_semaphore(%arg23 : memref<!tpu.dma_semaphore, #tpu.memory_space<semaphore_mem>>)
      %mul3A_1301 = arith.constant 64 : i32
      %mul3A_1302 = arith.muli %select_n3A, %mul3A_1301 : i32
      %add3A_1303 = arith.constant 48 : i32
      %add3A_1304 = arith.addi %mul3A_1302, %add3A_1303 : i32
      %add3A_1305 = arith.constant 12 : i32
      %add3A_1306 = arith.addi %add3A_1304, %add3A_1305 : i32
      %mul3A_1307 = arith.constant 432 : i32
      %mul3A_1308 = arith.muli %add3A_1306, %mul3A_1307 : i32
      %add3A_1309 = arith.addi %mul3A_1308, %mul3A_57 : i32
      %mul3A_1310 = arith.constant 496 : i32
      %mul3A_1311 = arith.muli %add3A_1309, %mul3A_1310 : i32
      %dma_start3A_1312 = arith.constant 53568 : i32
      %dma_start3A_1313 = tpu.memref_slice %arg11[%dma_start3A_1312] : memref<71424xf32, #tpu.memory_space<vmem>> -> memref<4464xf32, #tpu.memory_space<vmem>>
      %dma_start3A_1314 = tpu.memref_slice %arg5[%mul3A_1311] : memref<54853632xf32, #tpu.memory_space<hbm>> -> memref<4464xf32, #tpu.memory_space<hbm>>
      %dma_start3A_1315 = tpu.memref_slice %arg5[%mul3A_1311] : memref<54853632xf32, #tpu.memory_space<hbm>> -> memref<4464xf32, #tpu.memory_space<hbm>>
      %dma_start3A_1316 = arith.constant 53568 : i32
      %dma_start3A_1317 = tpu.memref_slice %arg11[%dma_start3A_1316] : memref<71424xf32, #tpu.memory_space<vmem>> -> memref<4464xf32, #tpu.memory_space<vmem>>
      tpu.enqueue_dma source(%dma_start3A_1317 : memref<4464xf32, #tpu.memory_space<vmem>>) target(%dma_start3A_1315 : memref<4464xf32, #tpu.memory_space<hbm>>) target_semaphore(%arg23 : memref<!tpu.dma_semaphore, #tpu.memory_space<semaphore_mem>>)
      %mul3A_1318 = arith.constant 64 : i32
      %mul3A_1319 = arith.muli %select_n3A, %mul3A_1318 : i32
      %add3A_1320 = arith.constant 48 : i32
      %add3A_1321 = arith.addi %mul3A_1319, %add3A_1320 : i32
      %add3A_1322 = arith.constant 13 : i32
      %add3A_1323 = arith.addi %add3A_1321, %add3A_1322 : i32
      %mul3A_1324 = arith.constant 432 : i32
      %mul3A_1325 = arith.muli %add3A_1323, %mul3A_1324 : i32
      %add3A_1326 = arith.addi %mul3A_1325, %mul3A_57 : i32
      %mul3A_1327 = arith.constant 496 : i32
      %mul3A_1328 = arith.muli %add3A_1326, %mul3A_1327 : i32
      %dma_start3A_1329 = arith.constant 58032 : i32
      %dma_start3A_1330 = tpu.memref_slice %arg11[%dma_start3A_1329] : memref<71424xf32, #tpu.memory_space<vmem>> -> memref<4464xf32, #tpu.memory_space<vmem>>
      %dma_start3A_1331 = tpu.memref_slice %arg5[%mul3A_1328] : memref<54853632xf32, #tpu.memory_space<hbm>> -> memref<4464xf32, #tpu.memory_space<hbm>>
      %dma_start3A_1332 = tpu.memref_slice %arg5[%mul3A_1328] : memref<54853632xf32, #tpu.memory_space<hbm>> -> memref<4464xf32, #tpu.memory_space<hbm>>
      %dma_start3A_1333 = arith.constant 58032 : i32
      %dma_start3A_1334 = tpu.memref_slice %arg11[%dma_start3A_1333] : memref<71424xf32, #tpu.memory_space<vmem>> -> memref<4464xf32, #tpu.memory_space<vmem>>
      tpu.enqueue_dma source(%dma_start3A_1334 : memref<4464xf32, #tpu.memory_space<vmem>>) target(%dma_start3A_1332 : memref<4464xf32, #tpu.memory_space<hbm>>) target_semaphore(%arg23 : memref<!tpu.dma_semaphore, #tpu.memory_space<semaphore_mem>>)
      %mul3A_1335 = arith.constant 64 : i32
      %mul3A_1336 = arith.muli %select_n3A, %mul3A_1335 : i32
      %add3A_1337 = arith.constant 48 : i32
      %add3A_1338 = arith.addi %mul3A_1336, %add3A_1337 : i32
      %add3A_1339 = arith.constant 14 : i32
      %add3A_1340 = arith.addi %add3A_1338, %add3A_1339 : i32
      %mul3A_1341 = arith.constant 432 : i32
      %mul3A_1342 = arith.muli %add3A_1340, %mul3A_1341 : i32
      %add3A_1343 = arith.addi %mul3A_1342, %mul3A_57 : i32
      %mul3A_1344 = arith.constant 496 : i32
      %mul3A_1345 = arith.muli %add3A_1343, %mul3A_1344 : i32
      %dma_start3A_1346 = arith.constant 62496 : i32
      %dma_start3A_1347 = tpu.memref_slice %arg11[%dma_start3A_1346] : memref<71424xf32, #tpu.memory_space<vmem>> -> memref<4464xf32, #tpu.memory_space<vmem>>
      %dma_start3A_1348 = tpu.memref_slice %arg5[%mul3A_1345] : memref<54853632xf32, #tpu.memory_space<hbm>> -> memref<4464xf32, #tpu.memory_space<hbm>>
      %dma_start3A_1349 = tpu.memref_slice %arg5[%mul3A_1345] : memref<54853632xf32, #tpu.memory_space<hbm>> -> memref<4464xf32, #tpu.memory_space<hbm>>
      %dma_start3A_1350 = arith.constant 62496 : i32
      %dma_start3A_1351 = tpu.memref_slice %arg11[%dma_start3A_1350] : memref<71424xf32, #tpu.memory_space<vmem>> -> memref<4464xf32, #tpu.memory_space<vmem>>
      tpu.enqueue_dma source(%dma_start3A_1351 : memref<4464xf32, #tpu.memory_space<vmem>>) target(%dma_start3A_1349 : memref<4464xf32, #tpu.memory_space<hbm>>) target_semaphore(%arg23 : memref<!tpu.dma_semaphore, #tpu.memory_space<semaphore_mem>>)
      %mul3A_1352 = arith.constant 64 : i32
      %mul3A_1353 = arith.muli %select_n3A, %mul3A_1352 : i32
      %add3A_1354 = arith.constant 48 : i32
      %add3A_1355 = arith.addi %mul3A_1353, %add3A_1354 : i32
      %add3A_1356 = arith.constant 15 : i32
      %add3A_1357 = arith.addi %add3A_1355, %add3A_1356 : i32
      %mul3A_1358 = arith.constant 432 : i32
      %mul3A_1359 = arith.muli %add3A_1357, %mul3A_1358 : i32
      %add3A_1360 = arith.addi %mul3A_1359, %mul3A_57 : i32
      %mul3A_1361 = arith.constant 496 : i32
      %mul3A_1362 = arith.muli %add3A_1360, %mul3A_1361 : i32
      %dma_start3A_1363 = arith.constant 66960 : i32
      %dma_start3A_1364 = tpu.memref_slice %arg11[%dma_start3A_1363] : memref<71424xf32, #tpu.memory_space<vmem>> -> memref<4464xf32, #tpu.memory_space<vmem>>
      %dma_start3A_1365 = tpu.memref_slice %arg5[%mul3A_1362] : memref<54853632xf32, #tpu.memory_space<hbm>> -> memref<4464xf32, #tpu.memory_space<hbm>>
      %dma_start3A_1366 = tpu.memref_slice %arg5[%mul3A_1362] : memref<54853632xf32, #tpu.memory_space<hbm>> -> memref<4464xf32, #tpu.memory_space<hbm>>
      %dma_start3A_1367 = arith.constant 66960 : i32
      %dma_start3A_1368 = tpu.memref_slice %arg11[%dma_start3A_1367] : memref<71424xf32, #tpu.memory_space<vmem>> -> memref<4464xf32, #tpu.memory_space<vmem>>
      tpu.enqueue_dma source(%dma_start3A_1368 : memref<4464xf32, #tpu.memory_space<vmem>>) target(%dma_start3A_1366 : memref<4464xf32, #tpu.memory_space<hbm>>) target_semaphore(%arg23 : memref<!tpu.dma_semaphore, #tpu.memory_space<semaphore_mem>>)
      %add3A_1369 = arith.constant 16 : i32
      %add3A_1370 = arith.addi %reduce_max3A_139, %add3A_1369 : i32
      %sub3A_1371 = arith.constant 1 : i32
      %sub3A_1372 = arith.subi %add3A_1370, %sub3A_1371 : i32
      %jit3A_1373 = arith.constant 16 : i32
      %div3A_1374 = arith.divsi %sub3A_1372, %jit3A_1373 : i32
      %sign3A_1375 = arith.constant 0 : i32
      %sign3A_1376 = arith.cmpi sgt, %sub3A_1372, %sign3A_1375 : i32
      %sign3A_1377 = arith.extui %sign3A_1376 : i1 to i32
      %sign3A_1378 = arith.constant 0 : i32
      %sign3A_1379 = arith.cmpi slt, %sub3A_1372, %sign3A_1378 : i32
      %sign3A_1380 = arith.extui %sign3A_1379 : i1 to i32
      %sign3A_1381 = arith.subi %sign3A_1377, %sign3A_1380 : i32
      %sign3A_1382 = arith.constant 0 : i32
      %sign3A_1383 = arith.cmpi sgt, %jit3A_1373, %sign3A_1382 : i32
      %sign3A_1384 = arith.extui %sign3A_1383 : i1 to i32
      %sign3A_1385 = arith.constant 0 : i32
      %sign3A_1386 = arith.cmpi slt, %jit3A_1373, %sign3A_1385 : i32
      %sign3A_1387 = arith.extui %sign3A_1386 : i1 to i32
      %sign3A_1388 = arith.subi %sign3A_1384, %sign3A_1387 : i32
      %ne3A_1389 = arith.cmpi ne, %sign3A_1381, %sign3A_1388 : i32
      %rem3A_1390 = arith.remsi %sub3A_1372, %jit3A_1373 : i32
      %ne3A_1391 = arith.constant 0 : i32
      %ne3A_1392 = arith.cmpi ne, %rem3A_1390, %ne3A_1391 : i32
      %and3A_1393 = arith.andi %ne3A_1389, %ne3A_1392 : i1
      %sub3A_1394 = arith.constant 1 : i32
      %sub3A_1395 = arith.subi %div3A_1374, %sub3A_1394 : i32
      %select_n3A_1396 = arith.select %and3A_1393, %sub3A_1395, %div3A_1374 : i32
      %while3A_1397 = arith.constant 0 : i32
      %while3A_1398 = arith.constant 0 : i32
      %while3A_1399 = arith.subi %select_n3A_1396, %while3A_1397 : i32
      %while3A_1400 = arith.addi %while3A_1397, %while3A_1399 : i32
      %while3A_1401 = arith.constant 1 : i32
      %while3A_1402 = arith.divsi %while3A_1399, %while3A_1401 : i32
      %while3A_1403 = arith.muli %while3A_1402, %while3A_1401 : i32
      %while3A_1404 = arith.addi %while3A_1397, %while3A_1403 : i32
      %while3A_1405 = arith.constant 1 : i32
      %while3A_1406 = scf.for %while3A_1409 = %while3A_1397 to %while3A_1404 step %while3A_1405 iter_args(%while3A_1410 = %while3A_1398) -> (i32)  : i32 {
        %mul3A_1411 = arith.constant 16 : i32
        %mul3A_1412 = arith.muli %while3A_1409, %mul3A_1411 : i32
        %get3A = arith.index_cast %mul3A_1412 : i32 to index
        %get3A_1413 = tpu.vector_load %arg8[%get3A] {strides = array<i32>} : memref<12016xi32, #tpu.memory_space<vmem>>, vector<16xi32>,
        %mul3A_1414 = arith.constant 16 : i32
        %mul3A_1415 = arith.muli %while3A_1409, %mul3A_1414 : i32
        %swap3A = arith.index_cast %mul3A_1415 : i32 to index
        %swap3A_1416 = tpu.vector_load %arg14[%swap3A] {strides = array<i32>} : memref<4464xi32, #tpu.memory_space<vmem>>, vector<16xi32>,
        tpu.vector_store %arg14[%swap3A], %get3A_1413 {strides = array<i32>} : memref<4464xi32, #tpu.memory_space<vmem>>, vector<16xi32>,
        %while3A_1417 = arith.constant 0 : i32
        scf.yield %while3A_1417 : i32
      }
      %while3A_1407 = arith.constant 1 : i32
      %while3A_1408 = scf.for %while3A_1409 = %while3A_1404 to %while3A_1400 step %while3A_1407 iter_args(%while3A_1410 = %while3A_1406) -> (i32)  : i32 {
        %mul3A_1411 = arith.constant 16 : i32
        %mul3A_1412 = arith.muli %while3A_1409, %mul3A_1411 : i32
        %get3A = arith.index_cast %mul3A_1412 : i32 to index
        %get3A_1413 = tpu.vector_load %arg8[%get3A] {strides = array<i32>} : memref<12016xi32, #tpu.memory_space<vmem>>, vector<16xi32>,
        %mul3A_1414 = arith.constant 16 : i32
        %mul3A_1415 = arith.muli %while3A_1409, %mul3A_1414 : i32
        %swap3A = arith.index_cast %mul3A_1415 : i32 to index
        %swap3A_1416 = tpu.vector_load %arg14[%swap3A] {strides = array<i32>} : memref<4464xi32, #tpu.memory_space<vmem>>, vector<16xi32>,
        tpu.vector_store %arg14[%swap3A], %get3A_1413 {strides = array<i32>} : memref<4464xi32, #tpu.memory_space<vmem>>, vector<16xi32>,
        %while3A_1417 = arith.constant 0 : i32
        scf.yield %while3A_1417 : i32
      }
      scf.yield %reduce_max3A_139 : i32
    }
    %scan3A_17 = arith.constant 6 : i32
    %dma_wait3A = arith.constant 0 : i32
    %dma_wait3A_18 = tpu.memref_slice %arg5[%dma_wait3A] : memref<54853632xf32, #tpu.memory_space<hbm>> -> memref<71424xf32, #tpu.memory_space<hbm>>
    %dma_wait3A_19 = arith.constant 0 : i32
    %dma_wait3A_20 = tpu.memref_slice %arg5[%dma_wait3A_19] : memref<54853632xf32, #tpu.memory_space<hbm>> -> memref<71424xf32, #tpu.memory_space<hbm>>
    tpu.wait_dma2 semaphore(%arg23 : memref<!tpu.dma_semaphore, #tpu.memory_space<semaphore_mem>>) src(%arg11 : memref<71424xf32, #tpu.memory_space<vmem>>) dst(%dma_wait3A_20 : memref<71424xf32, #tpu.memory_space<hbm>>)
    return
  }
}

</mosaic_0001>

<sc_bundles>
// kernel: kernel.3.cloned.1.call-start
scs
__scs_entry_jumppad:
0x0: {  	(pc) =	sbr.rel $0x88, $3  }
0x1: {  	(tag) =	ssettag $0x0;
	lr =	simm.s32 $0x1  }
0x2: {  	[smem:$0x3F9F] =	sst lr;
	_ =	strace $0xD0000000  }
0x3: {  	_ = 	snop  }
0x4: {  	_ = 	snop  }
0x5: {  	_ = 	snop  }
0x6: {  	_ = 	snop  }
0x7: {  	_ = 	snop  }
__scs_overlays_trampoline_lowered:
0x8: {  	[smem:$0x3FAE] =	sst s0  }
0x9: {  	[smem:$0x3FAF] =	sst s1  }
0xa: {  	[smem:$0x3FB0] =	sst s2  }
0xb: {  	[smem:$0x3FB1] =	sst s3  }
0xc: {  	[smem:$0x3FB2] =	sst s4  }
0xd: {  	[smem:$0x3FB3] =	sst s5  }
0xe: {  	[smem:$0x3FB4] =	sst s6  }
0xf: {  	[smem:$0x3FB5] =	sst s7  }
0x10: {  	[smem:$0x3FB6] =	sst s8  }
0x11: {  	[smem:$0x3FB7] =	sst s9;
	s0 =	simm.s32 @!p0 $0x0  }
0x12: {  	s1 =	sld [smem:$0x3F9D];
	s0 =	simm.s32 @p0 $0x1  }
0x13: {  	[smem:$0x3FB8] =	sst s0;
	s0 =	simm.s32 @!p1 $0x0  }
0x14: {  	s2 =	sld [smem:$0x3F9C];
	s0 =	simm.s32 @p1 $0x1  }
0x15: {  	[smem:$0x3FB9] =	sst s0;
	s0 =	simm.s32 @!p2 $0x0  }
0x16: {  	s3 =	sld [smem:$0x3FDB];
	s0 =	simm.s32 @p2 $0x1  }
0x17: {  	s4 =	simm.s32 $0x1BF5;
	[smem:$0x3FBB] =	sst s0  }
0x18: {  	s0 =	sld [smem:$0x3F9E];
	_ =	swait.ge [sflag:s4], $0x0  }
0x19: {  	s7 =	sld [smem:$0x3F9F]  }
0x1a: {  	s8 =	sadd.s32 $0xFFFFE003, lr  }
0x1b: {  	s9 =	sadd.s32 $0xFFFFFEF7, lr;
	s5 =	simm.s32 $0xFFFFFFFF;
	p2 =	slt.u32 s8, $0xFFFFF086  }
0x1c: {  	p1 =	slt.u32 s9, $0xF7A;
	s5 =	simm.s32 @!p2 $0x0  }
0x1d: {  	s5 =	simm.s32 @p1 $0x1;
	p0 =	seq.s32 s7, s2  }
0x1e: {  	s7 =	smul.u32 @!p0 $0xF7A, s2;
	p2 =	seq.s32 @!p0 s5, $0x0  }
0x1f: {  	s9 =	smul.u32 $0xF7A, s1;
	s8 =	simm.s32 @!p0 $0x1BF5;
	p2 =	por !p2, p0  }
0x20: {  	[sflag:s8] =	ssyncset.s32 @!p0 $0xFFFFF086;
	s6 =	sadd.s32 @!p0 s3, s7;
	s7 =	simm.s32 @!p0 $0x108  }
0x21: {  	s3 =	sadd.s32 s3, s9;
	s6 =	sadd.s32 @!p0 $0x88, s6;
	s7 =	simm.s32 @p2 $0x1082  }
0x22: {  	[simem:s7], [sflag:s8] =	dma.local @!p0 [hbm:s6], $0xF7A  }
0x23: {  	s9 =	sor.u32 $0xD0000000, s2;
	s6 =	simm.s32 $0x108;
	_ =	swait.ge @!p0 [sflag:s8], $0x0  }
0x24: {  	s3 =	sadd.s32 $0x88, s3;
	s6 =	simm.s32 @!p1 $0x1082;
	[sflag:s4] =	ssyncset.s32 $0xFFFFF086  }
0x25: {  	[simem:s6], [sflag:s4] =	dma.local [hbm:s3], $0xF7A  }
0x26: {  	[smem:$0x3F9F] =	sst s1;
	(tag) =	ssettag s2;
	_ =	strace s9  }
0x27: {  	s1 =	sld [smem:$0x3FAF]  }
0x28: {  	s2 =	sld [smem:$0x3FB0]  }
0x29: {  	s4 =	sld [smem:$0x3FB2]  }
0x2a: {  	p0 =	seq.s32 s5, $0x0;
	s5 =	sld [smem:$0x3FB3]  }
0x2b: {  	s6 =	sld [smem:$0x3FB4]  }
0x2c: {  	s7 =	sld [smem:$0x3FB5]  }
0x2d: {  	s3 =	simm.s32 $0x108;
	s8 =	sld [smem:$0x3FB6]  }
0x2e: {  	s3 =	simm.s32 @!p0 $0x1082;
	s9 =	sld [smem:$0x3FB7]  }
0x2f: {  	lr =	sadd.s32 s0, s3;
	s0 =	sld [smem:$0x3FAE]  }
0x30: {  	s3 =	sld [smem:$0x3FB1]  }
0x31: {  	[smem:$0x3FBA] =	sst s10  }
0x32: {  	s10 =	sld [smem:$0x3FB8];
	_ =	sdelay $0x3  }
0x33: {  	p0 =	seq.s32 s10, $0x1;
	s10 =	sld [smem:$0x3FBA];
	_ =	sdelay $0x3  }
0x34: {  	[smem:$0x3FBA] =	sst s10  }
0x35: {  	s10 =	sld [smem:$0x3FB9];
	_ =	sdelay $0x3  }
0x36: {  	p1 =	seq.s32 s10, $0x1;
	s10 =	sld [smem:$0x3FBA];
	_ =	sdelay $0x3  }
0x37: {  	[smem:$0x3FBA] =	sst s10  }
0x38: {  	s10 =	sld [smem:$0x3FBB]  }
0x39: {  	_ = 	snop;
	(pc) =	sbr.ind lr, $3  }
0x3a: {  	_ = 	snop  }
0x3b: {  	_ = 	snop  }
0x3c: {  	p2 =	seq.s32 s10, $0x1;
	s10 =	sld [smem:$0x3FBA]  }
0x3d: {  	_ =	shalt  }
0x3e: {  	_ =	shalt  }
0x3f: {  	_ =	shalt  }
0x40: {  	_ =	shalt  }
0x41: {  	_ =	shalt  }
0x42: {  	_ =	shalt  }
0x43: {  	_ =	shalt  }
0x44: {  	_ =	shalt  }
0x45: {  	_ =	shalt  }
0x46: {  	_ =	shalt  }
0x47: {  	_ =	shalt  }
0x48: {  	_ =	shalt  }
0x49: {  	_ =	shalt  }
0x4a: {  	_ =	shalt  }
0x4b: {  	_ =	shalt  }
0x4c: {  	_ =	shalt  }
0x4d: {  	_ =	shalt  }
0x4e: {  	_ =	shalt  }
0x4f: {  	_ =	shalt  }
0x50: {  	_ =	shalt  }
0x51: {  	_ =	shalt  }
0x52: {  	_ =	shalt  }
0x53: {  	_ =	shalt  }
0x54: {  	_ =	shalt  }
0x55: {  	_ =	shalt  }
0x56: {  	_ =	shalt  }
0x57: {  	_ =	shalt  }
0x58: {  	_ =	shalt  }
0x59: {  	_ =	shalt  }
0x5a: {  	_ =	shalt  }
0x5b: {  	_ =	shalt  }
0x5c: {  	_ =	shalt  }
0x5d: {  	_ =	shalt  }
0x5e: {  	_ =	shalt  }
0x5f: {  	_ =	shalt  }
0x60: {  	_ =	shalt  }
0x61: {  	_ =	shalt  }
0x62: {  	_ =	shalt  }
0x63: {  	_ =	shalt  }
0x64: {  	_ =	shalt  }
0x65: {  	_ =	shalt  }
0x66: {  	_ =	shalt  }
0x67: {  	_ =	shalt  }
0x68: {  	_ =	shalt  }
0x69: {  	_ =	shalt  }
0x6a: {  	_ =	shalt  }
0x6b: {  	_ =	shalt  }
0x6c: {  	_ =	shalt  }
0x6d: {  	_ =	shalt  }
0x6e: {  	_ =	shalt  }
0x6f: {  	_ =	shalt  }
0x70: {  	_ =	shalt  }
0x71: {  	_ =	shalt  }
0x72: {  	_ =	shalt  }
0x73: {  	_ =	shalt  }
0x74: {  	_ =	shalt  }
0x75: {  	_ =	shalt  }
0x76: {  	_ =	shalt  }
0x77: {  	_ =	shalt  }
0x78: {  	_ =	shalt  }
0x79: {  	_ =	shalt  }
0x7a: {  	_ =	shalt  }
0x7b: {  	_ =	shalt  }
0x7c: {  	_ =	shalt  }
0x7d: {  	_ =	shalt  }
0x7e: {  	_ =	shalt  }
0x7f: {  	_ =	shalt  }
0x80: {  	_ =	shalt  }
0x81: {  	_ =	shalt  }
0x82: {  	_ =	shalt  }
0x83: {  	_ =	shalt  }
0x84: {  	_ =	shalt  }
0x85: {  	_ =	shalt  }
0x86: {  	_ =	shalt  }
0x87: {  	_ =	shalt  }
.Lfunc_end0:
.L_simem_size_0:
called_computation_lowered:
.L_overlay_start_0:
0x88: {  	s2 =	sld [smem:$0x3FD9]  }
0x89: {  	s3 =	sld [smem:$0x3FFE];
	_ =	sdelay $0x1  }
0x8a: {  	s1 =	srdreg.scid  }
0x8b: {  	s0 =	sand.u32 $0x1, s1  }
0x8c: {  	s17 =	sshll.u32 s0, $0xA;
	s2 =	sadd.s32 s3, s2  }
0x8d: {  	s2 =	sadd.s32 s2, s17  }
0x8e: {  	[smem:$0x3FC6] =	sst s2  }
0x8f: {  	_ = 	snop  }
0x90: {  	s2 =	sld [smem:$0x3FD0];
	(tm) =	ssettm $0x1  }
0x91: {  	s18 =	sld [smem:$0x3FFB];
	_ =	sdelay $0x3  }
0x92: {  	_ =	strace s18  }
0x93: {  	s3 =	sld [smem:$0x3FFC];
	_ =	sdelay $0x3  }
0x94: {  	_ =	strace s3  }
0x95: {  	s3 =	sld [smem:$0x3FFD];
	_ =	sdelay $0x3  }
0x96: {  	_ =	strace s3  }
0x97: {  	_ =	strace $0x8FFFFFFF  }
0x98: {  	s19 =	sld [smem:$0x3FDB];
	_ =	sdelay $0x1  }
0x99: {  	s4 =	simm.s32 $_scs_section_size  }
0x9a: {  	s5 =	simm.s32 $_size__tile_overlayer_lowered;
	s6 =	simm.s32 $_tile_overlayer_lowered  }
0x9b: {  	s22 =	simm.s32 $0x1BFF;
	s21 =	sshll.u32 s6, $0x1;
	s3 =	sadd.s32 s4, s19  }
0x9c: {  	s7 =	simm.s32 $0x0;
	s20 =	sshll.u32 s5, $0x1;
	s5 =	sadd.s32 s21, s3  }
0x9d: {  	[timem:s7], [sflag:s22] =	dma.local [hbm:s5], s20  }
0x9e: {  	_ =	swait.ge [sflag:s22], s20  }
0x9f: {  	s4 =	ssub.s32 $0x0, s20;
	[sflag:s22] =	ssyncset.done $0x0  }
0xa0: {  	[sflag:s22] =	ssyncadd.s32 s4;
	_ =	sdelay $0x1  }
0xa1: {  	s23 =	simm.s32 $0x1B8B  }
0xa2: {  	_ =	swait.ge [sflag:s23], $0x1  }
0xa3: {  	[sflag:s23] =	ssyncset.done $0x0  }
0xa4: {  	s25 =	simm.s32 $0x1B8E;
	s24 =	sld [smem:$0x3FFE];
	[sflag:s23] =	ssyncadd.s32 $0xFFFFFFFF  }
0xa5: {  	s26 =	simm.s32 $execute0_lowered;
	[smem:$0x3FD2] =	sst s25  }
0xa6: {  	s5 =	sshll.u32 s26, $0x1;
	_ =	strace $0x80000046;
	[dreg:$0x1] =	wrdreg $0xFFFFFFFF  }
0xa7: {  	s28 =	simm.s32 $_size_execute0_lowered;
	s3 =	sadd.s32 s3, s5;
	[dreg:$0x0] =	wrdreg $0x0  }
0xa8: {  	s5 =	sshll.u32 s28, $0x1;
	[dreg:$0x2] =	wrdreg s3  }
0xa9: {  	[dreg:$0x3] =	wrdreg s5  }
0xaa: {  	[dreg:$0x4] =	wrdreg $0xC0  }
0xab: {  	_ =	task [dreg:s7], $0x5FFFF  }
0xac: {  	[dreg:$0x1] =	wrdreg $0xFFFFFFFF  }
0xad: {  	[dreg:$0x0] =	wrdreg $0x60  }
0xae: {  	[dreg:$0x2] =	wrdreg s24  }
0xaf: {  	[dreg:$0x3] =	wrdreg s2  }
0xb0: {  	[dreg:$0x4] =	wrdreg $0x9  }
0xb1: {  	_ =	task.clear_ibuf [dreg:s7], $0x5FFFF;
	_ =	strace $0x90000046  }
0xb2: {  	s29 =	simm.s32 $0x9;
	_ =	strace $0x80000048  }
0xb3: {  	_ =	swait.ge [sflag:s29], $0x1  }
0xb4: {  	[sflag:s29] =	ssyncadd.s32 $0xFFFFFFFF  }
0xb5: {  	_ =	strace $0x90000048  }
0xb6: {  	_ =	sfence  }
0xb7: {  	s30 =	sld [smem:$0x0];
	_ =	sdelay $0x2  }
0xb8: {  	s31 =	sshll.u32 s1, $0xD;
	s1 =	sshrl.u32 s1, $0x2  }
0xb9: {  	s3 =	sand.u32 $0x4000, s31;
	s1 =	sadd.s32 s1, s30  }
0xba: {  	s0 =	sor.u32 s3, s0;
	s1 =	sshll.u32 s1, $0x11  }
0xbb: {  	s0 =	sor.u32 s1, s0  }
0xbc: {  	s0 =	sadd.s32 $0x8F2B, s0  }
0xbd: {  	[sflag:s0] =	ssyncadd.remote.s32 $0x1  }
0xbe: {  	_ =	sfence.sel $0xFFFF  }
0xbf: {  	[dreg:$0x0] =	wrdreg $0xFFFFFFFF;
	(pc) =	sbr.abs _section_cstart, $3  }
0xc0: {  	[dreg:$0x1] =	wrdreg $0xFFFFFFFF  }
0xc1: {  	_ =	task.clear_ibuf [dreg:s7], $0x2FFFF;
	_ =	strace $0x9FFFFFFF  }
0xc2: {  	(tm) =	ssettm $0x7FFFFFFF  }
0xc3: {  	_ =	shalt  }
tec
execute0_lowered:
.L_overlay_start_1:
0x0: {  	(tag) =	ssettag $0x1  }
0x1: {  	s0 =	rddreg [dreg:$0x0]  }
0x2: {  	s1 =	rddreg [dreg:$0x1];
	s3 =	srdreg.scid;
	s2 =	simm.s32 $0x0  }
0x3: {  	s8 =	stileid.u32;
	s10 =	simm.s32 $0xA;
	s11 =	simm.s32 $0x960  }
0x4: {  	s12 =	simm.s32 $0x12C0;
	s13 =	simm.s32 $0x41B0;
	s14 =	simm.s32 $0x1  }
0x5: {  	s15 =	simm.s32 $0x70A0;
	s16 =	simm.s32 $0x80;
	s18 =	simm.s32 $0x19D10  }
0x6: {  	s25 =	simm.s32 $0x1DD10;
	s26 =	simm.s32 $0x8210;
	s31 =	simm.s32 $0x7  }
0x7: {  	s9 =	simm.s32 $0x0;
	s3 =	sand.u32 $0x1, s3;
	[smem:$0x7FF] =	sst s2  }
.Ltmp0:
0x8: {  	v0 =	vlaneseq.u32;
	[dreg:$0x3] =	wrdreg s3;
	s3 =	ssub.s32 $0x2, s3;
	(pc) =	sbr.rel .LBB2_1-.Ltmp0, $4  }
0x9: {  	v1 =	vimm.f32 $0.0e+00;
	v3 =	vimm.s32 $0x0;
	v4 =	vimm.s32 $0xFFFFFFFF;
	s5 =	sadd.s32 $0x2000, s0;
	s6 =	sadd.s32 $0x800, s0;
	s4 =	sshrl.u32 s3, $0x1  }
0xa: {  	s7 =	sadd.s32 $0x3800, s0;
	s29 =	sshll.u32 s8, $0x1;
	v2 =	vmul.u32 $0x4, v0;
	v5 =	vor.u32 $0x10, v0;
	v6 =	vor.u32 $0x20, v0;
	s3 =	ssub.s32 s3, s4  }
0xb: {  	v7 =	vor.u32 $0x30, v0;
	v8 =	vor.u32 $0x40, v0;
	v12 =	vmul.u32 $0x1170, v0;
	_ =	strace $0x80000047;
	[dreg:$0x4] =	wrdreg s29;
	s30 =	smax.u32 s3, $0x1  }
0xc: {  	s0 =	simm.s32 $0x3;
	v9 =	vor.u32 $0x50, v0;
	v10 =	vor.u32 $0x60, v0;
	v11 =	vor.u32 $0x70, v0;
	s3 =	simm.s32 $0x5;
	[dreg:$0x5] =	wrdreg s30  }
.LBB2_111:
0xd: {  	s8 =	simm.s32 $0x9  }
0xe: {  	_ =	swait.ge [sflag:s8], $0x11700  }
0xf: {  	s9 =	rddreg [dreg:$0x6]  }
0x10: {  	s4 =	rddreg [dreg:$0x5];
	s9 =	sadd.s32 $0x1, s9  }
0x11: {  	p0 =	sne.s32 s9, s4  }
.Ltmp1:
0x12: {  	_ = 	snop;
	(pc) =	sbr.rel @!p0 .LBB2_112-.Ltmp1, $3  }
0x13: {  	_ =	sdelay $0x1  }
0x14: {  	[sflag:s8] =	ssyncset.done $0x0  }
0x15: {  	[sflag:s8] =	ssyncadd.s32 $0xFFFEE900  }
.LBB2_1:
0x16: {  	[dreg:$0x6] =	wrdreg s9;
	s4 =	simm.s32 $0x40;
	s8 =	simm.s32 $0x0  }
.LBB2_2:
0x17: {  	p0 =	sne.s32 s4, $0x45BC0;
	[tilespmem:s8+$0x8210] =	vst v1;
	s8 =	smov.u32 s4;
	s4 =	sadd.s32 $0x40, s4  }
.Ltmp2:
0x18: {  	(pc) =	sbr.rel @p0 .LBB2_2-.Ltmp2, $2  }
0x19: {  	_ =	sdelay $0x2  }
0x1a: {  	s8 =	sshra.s32 s8, $0x2  }
.Ltmp3:
0x1b: {  	(pc) =	sbr.rel .LBB2_4-.Ltmp3, $2  }
0x1c: {  	_ =	sdelay $0x2  }
0x1d: {  	[tilespmem:s8+$0x8210] =	vst v1;
	s17 =	simm.s32 $0x0;
	s23 =	simm.s32 $0x0  }
.LBB2_110:
0x1e: {  	s23 =	sadd.s32 $0x1, s23  }
0x1f: {  	p0 =	sne.s32 s23, $0x6  }
.Ltmp4:
0x20: {  	_ = 	snop;
	(pc) =	sbr.rel @!p0 .LBB2_111-.Ltmp4, $1  }
0x21: {  	_ =	sdelay $0x3  }
.LBB2_4:
0x22: {  	s8 =	sshll.u32 s23, $0x5;
	s4 =	rddreg [dreg:$0x4]  }
0x23: {  	s29 =	rddreg [dreg:$0x3];
	s8 =	sor.u32 s4, s8  }
0x24: {  	s9 =	sor.u32 s29, s8  }
0x25: {  	s19 =	smulhi.u32 $0x2AAAAAAB, s9;
	_ =	sdelay $0x1  }
0x26: {  	s19 =	sshrl.u32 s19, $0x3  }
0x27: {  	s19 =	smul.u32 $0x30, s19  }
0x28: {  	s8 =	smulhi.u32 $0x2AAAAAAB, s8  }
0x29: {  	s9 =	ssub.s32 s9, s19  }
0x2a: {  	s8 =	sshrl.u32 s8, $0x3;
	s30 =	smul.u32 $0x9, s9  }
0x2b: {  	s4 =	simm.s32 $0x19910;
	[dreg:$0xa] =	wrdreg s8;
	s8 =	smul.u32 $0x2EE0, s8  }
0x2c: {  	v14 =	vimm.s32 $0x0;
	s9 =	smov.u32 s17;
	s17 =	simm.s32 $0x0;
	[dreg:$0x9] =	wrdreg s30;
	v13 =	vmov s30  }
.LBB2_5:
0x2d: {  	s19 =	smul.u32 $0x960, s17;
	_ =	sdelay $0x1  }
0x2e: {  	s19 =	sadd.s32 s8, s19  }
0x2f: {  	s20 =	sshrl.u32 s19, $0x3  }
0x30: {  	s22 =	simm.s32 $0x0;
	s21 =	sadd.s32 s5, s20  }
0x31: {  	[tilespmem:s22], [sflag:$0xA] =	stream.linear.gather [hbm4b:s21+s22], $0x960, $0x38;
	[tilespmem:$0x1EE80] =	vst v63  }
0x32: {  	_ =	swait.ge [sflag:s10], $0x960  }
0x33: {  	[sflag:s10] =	ssyncset.done $0x0  }
0x34: {  	s20 =	sadd.s32 s6, s20;
	[sflag:s10] =	ssyncadd.s32 $0xFFFFF6A0  }
0x35: {  	[tilespmem:s11], [sflag:$0xA] =	stream.linear.gather [hbm4b:s20+s22], $0x960, $0x38;
	[tilespmem:$0x1EE80] =	vst v63  }
0x36: {  	_ =	swait.ge [sflag:s10], $0x960  }
0x37: {  	[sflag:s10] =	ssyncset.done $0x0  }
0x38: {  	s29 =	simm.s32 $0x0;
	[sflag:s10] =	ssyncadd.s32 $0xFFFFF6A0  }
0x39: {  	v15 =	vld [tilespmem:s29+$0x960]  }
0x3a: {  	v17 =	vld [tilespmem:s29+$0x0]  }
0x3b: {  	v16 =	vld [tilespmem:s29+$0x970]  }
0x3c: {  	v18 =	vld [tilespmem:s29+$0x10];
	_ =	sdelay $0x1  }
0x3d: {  	v15 =	vsub.s32 v15, v13  }
0x3e: {  	vm1 =	vlt.u32 v17, $0x1F0;
	vm0 =	vlt.u32 v15, $0x9  }
0x3f: {  	v19 =	vsub.s32 v16, v13;
	vm1 =	vmand vm0, vm1  }
0x40: {  	vm2 =	vlt.u32 v18, $0x1F0;
	vm0 =	vlt.u32 v19, $0x9;
	v16 =	vsel vm1, $0x1, v3  }
0x41: {  	vm0 =	vmand vm0, vm2;
	(xrf0) =	vadd.scan.msk.s32 $0xffff, v16  }
0x42: {  	v16 =	vsel vm0, $0x1, v3  }
0x43: {  	(xrf0) =	vadd.scan.msk.s32 $0xffff, v16;
	_ =	sdelay $0x3  }
0x44: {  	v16 =	vmpcnt.ones.xlane vm1;
	v20, _, _ =	vpop (xrf0)  }
0x45: {  	v20 =	vadd.s32 v20, v14  }
0x46: {  	v21 =	vadd.s32 v14, v16;
	v14, _, _ =	vpop (xrf0);
	v20 =	vadd.s32 $0xFFFFFFFF, v20  }
0x47: {  	v14 =	vadd.s32 v14, v21  }
0x48: {  	v22 =	vmov s19;
	v15 =	vmul.u32 $0x1F0, v15;
	v16 =	vadd.s32 $0xFFFFFFFF, v14  }
0x49: {  	v14 =	vshll.u32 v22, $0x2  }
0x4a: {  	v15 =	vadd.s32 v17, v15;
	v17 =	vmul.u32 $0x1F0, v19;
	v14 =	vor.u32 v2, v14  }
0x4b: {  	v19 =	vmpcnt.ones.xlane vm0;
	[tilespmem:v20+s12+$0x0] =	vst.idx.msk vm1, v15;
	v15 =	vadd.s32 s22, v14  }
0x4c: {  	s30 =	simm.s32 $0x40;
	v17 =	vadd.s32 v18, v17;
	[tilespmem:v20+s13+$0x0] =	vst.idx.msk vm1, v15  }
0x4d: {  	s19 =	simm.s32 $0x80;
	s20 =	simm.s32 $0x100;
	v15 =	vadd.s32 v19, v21;
	[tilespmem:v16+s12+$0x0] =	vst.idx.msk vm0, v17;
	v17 =	vadd.s32 s30, v14  }
.LBB2_6:
0x4e: {  	p0 =	sne.s32 s20, $0x2500  }
0x4f: {  	s21 =	sshra.s32 s19, $0x2;
	[tilespmem:v16+s13+$0x0] =	vst.idx.msk vm0, v17;
	s22 =	smov.u32 s20;
	s20 =	sadd.s32 $0x80, s20  }
0x50: {  	v16 =	vld [tilespmem:s21+$0x960]  }
0x51: {  	v17 =	vld [tilespmem:s21+$0x0]  }
0x52: {  	v18 =	vld [tilespmem:s21+$0x970]  }
0x53: {  	v19 =	vld [tilespmem:s21+$0x10];
	_ =	sdelay $0x1  }
0x54: {  	v16 =	vsub.s32 v16, v13  }
0x55: {  	vm0 =	vlt.u32 v16, $0x9;
	vm1 =	vlt.u32 v17, $0x1F0;
	v16 =	vmul.u32 $0x1F0, v16  }
0x56: {  	v18 =	vsub.s32 v18, v13;
	vm1 =	vmand vm0, vm1  }
0x57: {  	vm0 =	vlt.u32 v18, $0x9;
	vm2 =	vlt.u32 v19, $0x1F0;
	v20 =	vsel vm1, $0x1, v3  }
0x58: {  	v21 =	vmpcnt.ones.xlane vm1;
	v17 =	vadd.s32 v17, v16;
	vm0 =	vmand vm0, vm2;
	(xrf0) =	vadd.scan.msk.s32 $0xffff, v20  }
0x59: {  	v18 =	vmul.u32 $0x1F0, v18;
	v16 =	vsel vm0, $0x1, v3  }
0x5a: {  	(xrf0) =	vadd.scan.msk.s32 $0xffff, v16  }
0x5b: {  	v18 =	vadd.s32 v19, v18;
	_ =	sdelay $0x2  }
0x5c: {  	v16, _, _ =	vpop (xrf0)  }
0x5d: {  	v19 =	vmpcnt.ones.xlane vm0;
	v22 =	vadd.s32 v16, v15  }
0x5e: {  	v15 =	vadd.s32 v15, v21;
	v20 =	vadd.s32 $0xFFFFFFFF, v22;
	v16, _, _ =	vpop (xrf0)  }
0x5f: {  	v16 =	vadd.s32 v16, v15;
	v15 =	vadd.s32 v19, v15  }
0x60: {  	v16 =	vadd.s32 $0xFFFFFFFF, v16  }
.Ltmp5:
0x61: {  	(pc) =	sbr.rel @p0 .LBB2_6-.Ltmp5, $4  }
0x62: {  	_ = 	snop  }
0x63: {  	[tilespmem:v20+s12+$0x0] =	vst.idx.msk vm1, v17;
	v17 =	vadd.s32 s19, v14  }
0x64: {  	s21 =	sadd.s32 $0x40, s19;
	s19 =	smov.u32 s22;
	[tilespmem:v20+s13+$0x0] =	vst.idx.msk vm1, v17  }
0x65: {  	v17 =	vadd.s32 s21, v14;
	[tilespmem:v16+s12+$0x0] =	vst.idx.msk vm0, v18  }
0x66: {  	_ =	sdelay $0x4  }
0x67: {  	s20 =	sshra.s32 s19, $0x2;
	[tilespmem:v16+s13+$0x0] =	vst.idx.msk vm0, v17  }
0x68: {  	v16 =	vld [tilespmem:s20+$0x960]  }
0x69: {  	v17 =	vld [tilespmem:s20+$0x0]  }
0x6a: {  	v18 =	vld [tilespmem:s20+$0x970]  }
0x6b: {  	v19 =	vld [tilespmem:s20+$0x10];
	_ =	sdelay $0x1  }
0x6c: {  	v16 =	vsub.s32 v16, v13  }
0x6d: {  	vm1 =	vlt.u32 v17, $0x1F0;
	vm14 =	vlt.u32 v16, $0x9  }
0x6e: {  	v18 =	vsub.s32 v18, v13;
	vm0 =	vmand vm14, vm1  }
0x6f: {  	vm2 =	vlt.u32 v19, $0x1F0;
	vm15 =	vlt.u32 v18, $0x9;
	v20 =	vsel vm0, $0x1, v3  }
0x70: {  	vm1 =	vmand vm15, vm2;
	(xrf0) =	vadd.scan.msk.s32 $0xffff, v20  }
0x71: {  	v57 =	vsel vm1, $0x1, v3  }
0x72: {  	(xrf0) =	vadd.scan.msk.s32 $0xffff, v57;
	_ =	sdelay $0x3  }
0x73: {  	v58 =	vmpcnt.ones.xlane vm0;
	v21, _, _ =	vpop (xrf0)  }
0x74: {  	v21 =	vadd.s32 v21, v15  }
0x75: {  	v15 =	vadd.s32 v15, v58;
	v59, _, _ =	vpop (xrf0);
	v21 =	vadd.s32 $0xFFFFFFFF, v21  }
0x76: {  	v20 =	vadd.s32 v59, v15  }
0x77: {  	s17 =	sadd.s32 $0x1, s17;
	v16 =	vmul.u32 $0x1F0, v16;
	v20 =	vadd.s32 $0xFFFFFFFF, v20  }
0x78: {  	p0 =	sne.s32 s17, $0x5  }
.Ltmp6:
0x79: {  	v60 =	vmul.u32 $0x1F0, v18;
	v16 =	vadd.s32 v17, v16;
	(pc) =	sbr.rel @p0 .LBB2_5-.Ltmp6, $4  }
0x7a: {  	v61 =	vadd.s32 s19, v14;
	[tilespmem:v21+s12+$0x0] =	vst.idx.msk vm0, v16  }
0x7b: {  	s30 =	sadd.s32 $0x40, s19;
	v17 =	vadd.s32 v19, v60;
	v62 =	vmpcnt.ones.xlane vm1;
	[tilespmem:v21+s13+$0x0] =	vst.idx.msk vm0, v61  }
0x7c: {  	v63 =	vadd.s32 s30, v14;
	[tilespmem:v20+s12+$0x0] =	vst.idx.msk vm1, v17  }
0x7d: {  	v14 =	vadd.s32 v62, v15;
	[tilespmem:v20+s13+$0x0] =	vst.idx.msk vm1, v63  }
0x7e: {  	s8 =	simm.s32 $0x40;
	s17 =	simm.s32 $0x0  }
.LBB2_9:
0x7f: {  	p0 =	sne.s32 s8, $0x4580;
	[tilespmem:s17+$0x70A0] =	vst v4;
	s17 =	smov.u32 s8;
	s8 =	sadd.s32 $0x40, s8  }
.Ltmp7:
0x80: {  	(pc) =	sbr.rel @p0 .LBB2_9-.Ltmp7, $2  }
0x81: {  	_ =	sdelay $0x2  }
0x82: {  	s17 =	sshra.s32 s17, $0x2  }
0x83: {  	v13 =	vxor.u32 $0x80000000, v14  }
0x84: {  	(xrf0) =	vmax.scan.msk.u32 $0xffff, v13;
	_ =	sdelay $0x5  }
0x85: {  	v13, _, _ =	vpop (xrf0)  }
0x86: {  	(v2sf) =	vpush v13, $0xF;
	_ =	sdelay $0xe  }
0x87: {  	s19 =	spop (v2sf)  }
0x88: {  	s8 =	sadd.s32 $0x8000000F, s19  }
0x89: {  	s20 =	sand.u32 $0xF, s8  }
0x8a: {  	s30 =	sshra.s32 s8, $0x1F;
	p1 =	slt.s32 s8, $0x1;
	p0 =	sne.s32 s20, $0x0  }
0x8b: {  	s20 =	sshrl.u32 s30, $0x1C;
	p0 =	por !p1, !p0  }
0x8c: {  	s8 =	sadd.s32 s20, s8;
	s20 =	simm.s32 $0x1;
	p0 =	por !p0, !p0  }
0x8d: {  	s8 =	sshra.s32 s8, $0x4;
	s20 =	simm.s32 @!p0 $0x0  }
0x8e: {  	s8 =	ssub.s32 s8, s20  }
0x8f: {  	p0 =	slt.s32 s8, $0x1  }
.Ltmp8:
0x90: {  	_ = 	snop;
	(pc) =	sbr.rel @p0 .LBB2_11-.Ltmp8, $2  }
0x91: {  	_ =	sdelay $0x2  }
0x92: {  	[tilespmem:s17+$0x70A0] =	vst v4  }
.Ltmp9:
0x93: {  	(pc) =	sbr.rel .LBB2_13-.Ltmp9, $3  }
0x94: {  	_ =	sdelay $0x1  }
0x95: {  	s17 =	sxor.u32 $0x80000000, s19  }
0x96: {  	v13 =	vmov s17;
	s17 =	simm.s32 $0x0  }
.LBB2_15:
0x97: {  	s17 =	sadd.s32 $0x1, s17  }
0x98: {  	p0 =	sne.s32 s17, s8  }
.Ltmp10:
0x99: {  	_ = 	snop;
	(pc) =	sbr.rel @!p0 .LBB2_16-.Ltmp10, $1  }
0x9a: {  	_ =	sdelay $0x3  }
.LBB2_13:
0x9b: {  	s19 =	sshll.u32 s17, $0x4  }
0x9c: {  	v14 =	vor.u32 s19, v0  }
0x9d: {  	vm0 =	vlt.s32 v14, v13  }
0x9e: {  	v15 =	vsel vm0, $0x1, v3  }
0x9f: {  	v15 =	vor.u32 $0x80000000, v15  }
0xa0: {  	(xrf0) =	vmax.scan.msk.u32 $0xffff, v15;
	_ =	sdelay $0x5  }
0xa1: {  	v15, _, _ =	vpop (xrf0)  }
0xa2: {  	(v2sf) =	vpush v15, $0xF;
	_ =	sdelay $0xd  }
0xa3: {  	v15 =	vld [tilespmem:s19+$0x12C0]  }
0xa4: {  	s20 =	spop (v2sf)  }
0xa5: {  	p0 =	slt.u32 s20, $0x80000001  }
.Ltmp11:
0xa6: {  	_ = 	snop;
	(pc) =	sbr.rel @p0 .LBB2_15-.Ltmp11, $1  }
0xa7: {  	_ =	sdelay $0x3  }
.LBB2_14:
0xa8: {  	[tilespmem:v15+s15+$0x0] =	vst.idx.msk vm0, v14  }
0xa9: {  	v16 =	vld.idx.msk [tilespmem:v15+s15+$0x0], vm0;
	_ =	sdelay $0x4  }
0xaa: {  	vm1 =	vlt.s32 v16, v14  }
0xab: {  	vm0 =	vmand vm0, vm1  }
0xac: {  	v16 =	vsel vm0, $0x1, v3  }
0xad: {  	v16 =	vor.u32 $0x80000000, v16  }
0xae: {  	(xrf0) =	vmax.scan.msk.u32 $0xffff, v16;
	_ =	sdelay $0x5  }
0xaf: {  	v16, _, _ =	vpop (xrf0)  }
0xb0: {  	(v2sf) =	vpush v16, $0xF;
	_ =	sdelay $0xe  }
0xb1: {  	s19 =	spop (v2sf)  }
0xb2: {  	p0 =	sgt.u32 s19, $0x80000000  }
.Ltmp12:
0xb3: {  	_ = 	snop;
	(pc) =	sbr.rel @p0 .LBB2_14-.Ltmp12, $1  }
0xb4: {  	_ =	sdelay $0x3  }
.Ltmp13:
0xb5: {  	_ = 	snop;
	(pc) =	sbr.rel .LBB2_15-.Ltmp13, $1  }
0xb6: {  	_ =	sdelay $0x3  }
.LBB2_16:
0xb7: {  	v14 =	vimm.s32 $0x0;
	s17 =	simm.s32 $0x12C0;
	s19 =	simm.s32 $0x41B0;
	s20 =	simm.s32 $0x0  }
.LBB2_17:
0xb8: {  	v15 =	vld [tilespmem:s17+$0x0]  }
0xb9: {  	v16 =	vor.u32 s20, v0  }
0xba: {  	vm0 =	vlt.s32 v16, v13;
	_ =	sdelay $0x5  }
0xbb: {  	v17 =	vld.idx.msk [tilespmem:v15+s15+$0x0], vm0;
	_ =	sdelay $0x4  }
0xbc: {  	vm1 =	veq.s32 v17, v16  }
0xbd: {  	vm0 =	vmand vm0, vm1  }
0xbe: {  	v62 =	vsel vm0, $0x1, v3  }
0xbf: {  	(xrf0) =	vadd.scan.msk.s32 $0xffff, v62;
	_ =	sdelay $0x5  }
0xc0: {  	v16, _, _ =	vpop (xrf0)  }
0xc1: {  	v16 =	vadd.s32 v16, v14  }
0xc2: {  	v16 =	vadd.s32 $0xFFFFFFFF, v16  }
0xc3: {  	v63 =	vld [tilespmem:s19+$0x0];
	p0 =	sne.s32 s8, $0x1  }
.Ltmp14:
0xc4: {  	_ = 	snop;
	(pc) =	sbr.rel @p0 .LBB2_17-.Ltmp14, $4  }
0xc5: {  	_ = 	snop  }
0xc6: {  	v18 =	vmpcnt.ones.xlane vm0  }
0xc7: {  	s17 =	sadd.s32 $0x10, s17;
	[tilespmem:v16+s12+$0x0] =	vst.idx.msk vm0, v15  }
0xc8: {  	s19 =	sadd.s32 $0x10, s19;
	s20 =	sadd.s32 $0x10, s20;
	s8 =	sadd.s32 $0xFFFFFFFF, s8;
	v14 =	vadd.s32 v14, v18;
	[tilespmem:v16+s13+$0x0] =	vst.idx.msk vm0, v63  }
.Ltmp15:
0xc9: {  	(pc) =	sbr.rel .LBB2_19-.Ltmp15, $2  }
0xca: {  	_ =	sdelay $0x2  }
0xcb: {  	v13 =	vxor.u32 $0x80000000, v14  }
.LBB2_11:
0xcc: {  	v13 =	vimm.s32 $0x80000000  }
.LBB2_19:
0xcd: {  	(xrf0) =	vmax.scan.msk.u32 $0xffff, v13;
	_ =	sdelay $0x5  }
0xce: {  	v13, _, _ =	vpop (xrf0)  }
0xcf: {  	(v2sf) =	vpush v13, $0xF;
	_ =	sdelay $0xe  }
0xd0: {  	s20 =	spop (v2sf)  }
0xd1: {  	s8 =	sadd.s32 $0x8000007F, s20  }
0xd2: {  	s17 =	sand.u32 $0x7F, s8  }
0xd3: {  	s19 =	sshra.s32 s8, $0x1F;
	p0 =	slt.s32 s8, $0x1;
	p1 =	sne.s32 s17, $0x0  }
0xd4: {  	s30 =	sshrl.u32 s19, $0x19;
	p0 =	por !p0, !p1  }
0xd5: {  	s17 =	simm.s32 $0x1;
	s8 =	sadd.s32 s30, s8;
	p0 =	por !p0, !p0  }
0xd6: {  	s8 =	sshra.s32 s8, $0x7;
	s17 =	simm.s32 @!p0 $0x0  }
0xd7: {  	s8 =	ssub.s32 s8, s17  }
0xd8: {  	p0 =	slt.s32 s8, $0x1  }
.Ltmp16:
0xd9: {  	_ = 	snop;
	(pc) =	sbr.rel @p0 .LBB2_27-.Ltmp16, $3  }
0xda: {  	_ =	sdelay $0x1  }
0xdb: {  	s17 =	sxor.u32 $0x80000000, s20  }
0xdc: {  	[dreg:$0x8] =	wrdreg s20;
	v13 =	vmov s17  }
0xdd: {  	v14 =	vld [tilespmem:$0x41B0]  }
0xde: {  	v15 =	vld [tilespmem:$0x41C0]  }
0xdf: {  	v16 =	vld [tilespmem:$0x41D0]  }
0xe0: {  	v17 =	vld [tilespmem:$0x41E0]  }
0xe1: {  	vm0 =	vgt.s32 v13, v0;
	v18 =	vld [tilespmem:$0x41F0]  }
0xe2: {  	vm8 =	vgt.s32 v13, v5;
	v19 =	vld [tilespmem:$0x4200];
	v14 =	vnsel vm0, $0x0, v14  }
0xe3: {  	vm9 =	vgt.s32 v13, v6;
	[tilespmem:$0x19910] =	vst v14;
	v14 =	vnsel vm8, $0x0, v15;
	v15 =	vld [tilespmem:$0x4210]  }
0xe4: {  	vm10 =	vgt.s32 v13, v7;
	v63 =	vld [tilespmem:$0x4220];
	[tilespmem:$0x19920] =	vst v14;
	v14 =	vnsel vm9, $0x0, v16  }
0xe5: {  	vm11 =	vgt.s32 v13, v8;
	[tilespmem:$0x19930] =	vst v14;
	v14 =	vnsel vm10, $0x0, v17  }
0xe6: {  	vm12 =	vgt.s32 v13, v9;
	[tilespmem:$0x19940] =	vst v14;
	v14 =	vnsel vm11, $0x0, v18  }
0xe7: {  	vm13 =	vgt.s32 v13, v10;
	[tilespmem:$0x19950] =	vst v14;
	v14 =	vnsel vm12, $0x0, v19  }
0xe8: {  	vm14 =	vgt.s32 v13, v11;
	[tilespmem:$0x19960] =	vst v14;
	v14 =	vnsel vm13, $0x0, v15  }
0xe9: {  	[tilespmem:$0x19970] =	vst v14;
	v14 =	vnsel vm14, $0x0, v63  }
0xea: {  	p1 =	seq.s32 s8, $0x1;
	[tilespmem:$0x19980] =	vst v14  }
0xeb: {  	[tilespmem:s18], [sflag:$0x1] =	stream.indirect.gather [hbm4b:s1+s16], $0x10, s4, s16, $0xb8;
	[tilespmem:$0x1EE80] =	vst v63  }
0xec: {  	v14 =	vld @!p1 [tilespmem:$0x4230]  }
0xed: {  	v15 =	vld @!p1 [tilespmem:$0x4240]  }
0xee: {  	v16 =	vlaneseq.u32 @!p1;
	v17 =	vld @!p1 [tilespmem:$0x4250]  }
0xef: {  	v18 =	vor.u32 @!p1 $0x80, v16;
	v19 =	vld @!p1 [tilespmem:$0x4260]  }
0xf0: {  	vm0 =	vgt.s32 @!p1 v13, v18;
	v18 =	vor.u32 @!p1 $0x90, v16;
	v20 =	vld @!p1 [tilespmem:$0x4270]  }
0xf1: {  	v21 =	vld @!p1 [tilespmem:$0x4280];
	v14 =	vnsel @!p1 vm0, $0x0, v14;
	vm0 =	vgt.s32 @!p1 v13, v18;
	v18 =	vor.u32 @!p1 $0xA0, v16  }
0xf2: {  	[tilespmem:$0x19990] =	vst @!p1 v14;
	v14 =	vnsel @!p1 vm0, $0x0, v15;
	vm0 =	vgt.s32 @!p1 v13, v18;
	v15 =	vor.u32 @!p1 $0xB0, v16;
	v18 =	vld @!p1 [tilespmem:$0x4290]  }
0xf3: {  	[tilespmem:$0x199A0] =	vst @!p1 v14;
	v14 =	vnsel @!p1 vm0, $0x0, v17;
	vm0 =	vgt.s32 @!p1 v13, v15;
	v15 =	vor.u32 @!p1 $0xC0, v16;
	v17 =	vld @!p1 [tilespmem:$0x42A0]  }
0xf4: {  	[tilespmem:$0x199B0] =	vst @!p1 v14;
	v14 =	vnsel @!p1 vm0, $0x0, v19;
	vm0 =	vgt.s32 @!p1 v13, v15;
	v15 =	vor.u32 @!p1 $0xD0, v16  }
0xf5: {  	[tilespmem:$0x199C0] =	vst @!p1 v14;
	v14 =	vnsel @!p1 vm0, $0x0, v20;
	vm0 =	vgt.s32 @!p1 v13, v15;
	v15 =	vor.u32 @!p1 $0xE0, v16  }
0xf6: {  	[tilespmem:$0x199D0] =	vst @!p1 v14;
	v14 =	vnsel @!p1 vm0, $0x0, v21;
	vm0 =	vgt.s32 @!p1 v13, v15;
	v15 =	vor.u32 @!p1 $0xF0, v16  }
0xf7: {  	[tilespmem:$0x199E0] =	vst @!p1 v14;
	v14 =	vnsel @!p1 vm0, $0x0, v18;
	vm0 =	vgt.s32 @!p1 v13, v15  }
0xf8: {  	s29 =	simm.s32 $0x41B0;
	[tilespmem:$0x199F0] =	vst @!p1 v14;
	v14 =	vnsel @!p1 vm0, $0x0, v17  }
0xf9: {  	s19 =	simm.s32 @!p1 $0x80;
	s20 =	simm.s32 @!p1 $0x19990;
	s21 =	simm.s32 @!p1 $0x1A510;
	[tilespmem:$0x19A00] =	vst @!p1 v14  }
0xfa: {  	[tilespmem:s21], [sflag:$0x2] =	stream.indirect.gather @!p1 [hbm4b:s1+s19], $0x10, s20, s19, $0xb8;
	[tilespmem:$0x1EE80] =	vst v63  }
0xfb: {  	v14 =	vld [tilespmem:s29+$0x0];
	_ =	sdelay $0x2  }
0xfc: {  	s30 =	simm.s32 $0x0  }
0xfd: {  	v15 =	vor.u32 s30, v0  }
0xfe: {  	vm15 =	vlt.s32 v15, v13;
	v14 =	vadd.s32 $0x1, v14  }
0xff: {  	s19 =	simm.s32 $0x19A10;
	v14 =	vnsel vm15, $0x0, v14  }
0x100: {  	s20 =	simm.s32 $0x41C0;
	[tilespmem:s19+$0x0] =	vst v14  }
0x101: {  	s22 =	simm.s32 $0x20;
	s21 =	simm.s32 $0x10;
	v14 =	vld [tilespmem:s20+$0x0]  }
.LBB2_21:
0x102: {  	p2 =	sne.s32 s22, $0x70;
	_ =	sdelay $0x2  }
.Ltmp17:
0x103: {  	v15 =	vor.u32 s21, v0;
	s21 =	smov.u32 s22;
	(pc) =	sbr.rel @p2 .LBB2_21-.Ltmp17, $4  }
0x104: {  	vm0 =	vlt.s32 v15, v13;
	v14 =	vadd.s32 $0x1, v14  }
0x105: {  	s19 =	sadd.s32 $0x10, s19;
	v14 =	vnsel vm0, $0x0, v14  }
0x106: {  	s20 =	sadd.s32 $0x10, s20;
	[tilespmem:s19+$0x0] =	vst v14  }
0x107: {  	s22 =	sadd.s32 $0x10, s22;
	v14 =	vld [tilespmem:s20+$0x0]  }
0x108: {  	_ =	sdelay $0x2  }
0x109: {  	v15 =	vor.u32 s21, v0  }
0x10a: {  	vm0 =	vlt.s32 v15, v13;
	v14 =	vadd.s32 $0x1, v14  }
0x10b: {  	s19 =	sadd.s32 $0x10, s19;
	v14 =	vnsel vm0, $0x0, v14  }
0x10c: {  	s28 =	simm.s32 $0x19A10;
	s20 =	simm.s32 $0x1AD10;
	[tilespmem:s19+$0x0] =	vst v14  }
0x10d: {  	[tilespmem:s20], [sflag:$0x3] =	stream.indirect.gather [hbm4b:s1+s16], $0x10, s28, s16, $0xb8;
	[tilespmem:$0x1EE80] =	vst v63  }
0x10e: {  	v14 =	vld @!p1 [tilespmem:$0x4230]  }
0x10f: {  	v15 =	vld @!p1 [tilespmem:$0x4240]  }
0x110: {  	v16 =	vld @!p1 [tilespmem:$0x4250]  }
0x111: {  	v17 =	vlaneseq.u32 @!p1;
	v19 =	vld @!p1 [tilespmem:$0x4260]  }
0x112: {  	v18 =	vor.u32 @!p1 $0x80, v17  }
0x113: {  	vm0 =	vgt.s32 @!p1 v13, v18;
	v18 =	vor.u32 @!p1 $0x90, v17;
	v20 =	vld @!p1 [tilespmem:$0x4270];
	v14 =	vadd.s32 @!p1 $0x1, v14  }
0x114: {  	v21 =	vld @!p1 [tilespmem:$0x4280];
	v14 =	vnsel @!p1 vm0, $0x0, v14;
	vm0 =	vgt.s32 @!p1 v13, v18;
	v18 =	vor.u32 @!p1 $0xA0, v17  }
0x115: {  	v15 =	vadd.s32 @!p1 $0x1, v15;
	v16 =	vadd.s32 @!p1 $0x1, v16;
	vm1 =	vgt.s32 @!p1 v13, v18  }
0x116: {  	v22 =	vld @!p1 [tilespmem:$0x4290];
	v15 =	vnsel @!p1 vm0, $0x0, v15;
	v18 =	vor.u32 @!p1 $0xB0, v17;
	[tilespmem:$0x19A90] =	vst @!p1 v14;
	v14 =	vadd.s32 @!p1 $0x1, v19  }
0x117: {  	v19 =	vld @!p1 [tilespmem:$0x42A0];
	v16 =	vnsel @!p1 vm1, $0x0, v16;
	vm0 =	vgt.s32 @!p1 v13, v18;
	v18 =	vor.u32 @!p1 $0xC0, v17  }
0x118: {  	[tilespmem:$0x19AA0] =	vst @!p1 v15;
	v15 =	vor.u32 @!p1 $0xD0, v17;
	v14 =	vnsel @!p1 vm0, $0x0, v14;
	vm0 =	vgt.s32 @!p1 v13, v18  }
0x119: {  	[tilespmem:$0x19AB0] =	vst @!p1 v16;
	vm1 =	vgt.s32 @!p1 v13, v15;
	v15 =	vadd.s32 @!p1 $0x1, v20;
	v16 =	vadd.s32 @!p1 $0x1, v21  }
0x11a: {  	v15 =	vnsel @!p1 vm0, $0x0, v15;
	[tilespmem:$0x19AC0] =	vst @!p1 v14;
	v14 =	vnsel @!p1 vm1, $0x0, v16;
	v16 =	vor.u32 @!p1 $0xE0, v17  }
0x11b: {  	[tilespmem:$0x19AD0] =	vst @!p1 v15;
	vm0 =	vgt.s32 @!p1 v13, v16;
	v15 =	vadd.s32 @!p1 $0x1, v22;
	v16 =	vor.u32 @!p1 $0xF0, v17  }
0x11c: {  	[tilespmem:$0x19AE0] =	vst @!p1 v14;
	v14 =	vnsel @!p1 vm0, $0x0, v15;
	vm0 =	vgt.s32 @!p1 v13, v16;
	v15 =	vadd.s32 @!p1 $0x1, v19  }
0x11d: {  	s21 =	simm.s32 @!p1 $0x1B510;
	[tilespmem:$0x19AF0] =	vst @!p1 v14;
	v14 =	vnsel @!p1 vm0, $0x0, v15  }
0x11e: {  	s29 =	simm.s32 $0x41B0;
	s19 =	simm.s32 @!p1 $0x80;
	s20 =	simm.s32 @!p1 $0x19A90;
	[tilespmem:$0x19B00] =	vst @!p1 v14  }
0x11f: {  	[tilespmem:s21], [sflag:$0x4] =	stream.indirect.gather @!p1 [hbm4b:s1+s19], $0x10, s20, s19, $0xb8;
	[tilespmem:$0x1EE80] =	vst v63  }
0x120: {  	v14 =	vld [tilespmem:s29+$0x0];
	_ =	sdelay $0x2  }
0x121: {  	s30 =	simm.s32 $0x0  }
0x122: {  	v15 =	vor.u32 s30, v0  }
0x123: {  	vm15 =	vlt.s32 v15, v13;
	v14 =	vadd.s32 $0x2, v14  }
0x124: {  	s19 =	simm.s32 $0x19B10;
	v14 =	vnsel vm15, $0x0, v14  }
0x125: {  	s20 =	simm.s32 $0x41C0;
	[tilespmem:s19+$0x0] =	vst v14  }
0x126: {  	s22 =	simm.s32 $0x20;
	s21 =	simm.s32 $0x10;
	v14 =	vld [tilespmem:s20+$0x0]  }
.LBB2_23:
0x127: {  	p2 =	sne.s32 s22, $0x70;
	_ =	sdelay $0x2  }
.Ltmp18:
0x128: {  	v15 =	vor.u32 s21, v0;
	s21 =	smov.u32 s22;
	(pc) =	sbr.rel @p2 .LBB2_23-.Ltmp18, $4  }
0x129: {  	vm0 =	vlt.s32 v15, v13;
	v14 =	vadd.s32 $0x2, v14  }
0x12a: {  	s19 =	sadd.s32 $0x10, s19;
	v14 =	vnsel vm0, $0x0, v14  }
0x12b: {  	s20 =	sadd.s32 $0x10, s20;
	[tilespmem:s19+$0x0] =	vst v14  }
0x12c: {  	s22 =	sadd.s32 $0x10, s22;
	v14 =	vld [tilespmem:s20+$0x0]  }
0x12d: {  	_ =	sdelay $0x2  }
0x12e: {  	v15 =	vor.u32 s21, v0  }
0x12f: {  	vm0 =	vlt.s32 v15, v13;
	v14 =	vadd.s32 $0x2, v14  }
0x130: {  	s19 =	sadd.s32 $0x10, s19;
	v14 =	vnsel vm0, $0x0, v14  }
0x131: {  	s28 =	simm.s32 $0x19B10;
	s20 =	simm.s32 $0x1BD10;
	[tilespmem:s19+$0x0] =	vst v14  }
0x132: {  	[tilespmem:s20], [sflag:$0x5] =	stream.indirect.gather [hbm4b:s1+s16], $0x10, s28, s16, $0xb8;
	[tilespmem:$0x1EE80] =	vst v63  }
0x133: {  	v14 =	vld @!p1 [tilespmem:$0x4230]  }
0x134: {  	v15 =	vld @!p1 [tilespmem:$0x4240]  }
0x135: {  	v16 =	vld @!p1 [tilespmem:$0x4250]  }
0x136: {  	v17 =	vlaneseq.u32 @!p1;
	v19 =	vld @!p1 [tilespmem:$0x4260]  }
0x137: {  	v18 =	vor.u32 @!p1 $0x80, v17  }
0x138: {  	vm0 =	vgt.s32 @!p1 v13, v18;
	v18 =	vor.u32 @!p1 $0x90, v17;
	v20 =	vld @!p1 [tilespmem:$0x4270];
	v14 =	vadd.s32 @!p1 $0x2, v14  }
0x139: {  	v21 =	vld @!p1 [tilespmem:$0x4280];
	v14 =	vnsel @!p1 vm0, $0x0, v14;
	vm0 =	vgt.s32 @!p1 v13, v18;
	v18 =	vor.u32 @!p1 $0xA0, v17  }
0x13a: {  	v15 =	vadd.s32 @!p1 $0x2, v15;
	v16 =	vadd.s32 @!p1 $0x2, v16;
	vm1 =	vgt.s32 @!p1 v13, v18  }
0x13b: {  	v22 =	vld @!p1 [tilespmem:$0x4290];
	v15 =	vnsel @!p1 vm0, $0x0, v15;
	v18 =	vor.u32 @!p1 $0xB0, v17;
	[tilespmem:$0x19B90] =	vst @!p1 v14;
	v14 =	vadd.s32 @!p1 $0x2, v19  }
0x13c: {  	v19 =	vld @!p1 [tilespmem:$0x42A0];
	v16 =	vnsel @!p1 vm1, $0x0, v16;
	vm0 =	vgt.s32 @!p1 v13, v18;
	v18 =	vor.u32 @!p1 $0xC0, v17  }
0x13d: {  	[tilespmem:$0x19BA0] =	vst @!p1 v15;
	v15 =	vor.u32 @!p1 $0xD0, v17;
	v14 =	vnsel @!p1 vm0, $0x0, v14;
	vm0 =	vgt.s32 @!p1 v13, v18  }
0x13e: {  	[tilespmem:$0x19BB0] =	vst @!p1 v16;
	vm1 =	vgt.s32 @!p1 v13, v15;
	v15 =	vadd.s32 @!p1 $0x2, v20;
	v16 =	vadd.s32 @!p1 $0x2, v21  }
0x13f: {  	v15 =	vnsel @!p1 vm0, $0x0, v15;
	[tilespmem:$0x19BC0] =	vst @!p1 v14;
	v14 =	vnsel @!p1 vm1, $0x0, v16;
	v16 =	vor.u32 @!p1 $0xE0, v17  }
0x140: {  	[tilespmem:$0x19BD0] =	vst @!p1 v15;
	vm0 =	vgt.s32 @!p1 v13, v16;
	v15 =	vadd.s32 @!p1 $0x2, v22;
	v16 =	vor.u32 @!p1 $0xF0, v17  }
0x141: {  	[tilespmem:$0x19BE0] =	vst @!p1 v14;
	v14 =	vnsel @!p1 vm0, $0x0, v15;
	vm0 =	vgt.s32 @!p1 v13, v16;
	v15 =	vadd.s32 @!p1 $0x2, v19  }
0x142: {  	s21 =	simm.s32 @!p1 $0x1C510;
	[tilespmem:$0x19BF0] =	vst @!p1 v14;
	v14 =	vnsel @!p1 vm0, $0x0, v15  }
0x143: {  	s29 =	simm.s32 $0x41B0;
	s19 =	simm.s32 @!p1 $0x80;
	s20 =	simm.s32 @!p1 $0x19B90;
	[tilespmem:$0x19C00] =	vst @!p1 v14  }
0x144: {  	[tilespmem:s21], [sflag:$0x6] =	stream.indirect.gather @!p1 [hbm4b:s1+s19], $0x10, s20, s19, $0xb8;
	[tilespmem:$0x1EE80] =	vst v63  }
0x145: {  	v14 =	vld [tilespmem:s29+$0x0];
	_ =	sdelay $0x2  }
0x146: {  	s30 =	simm.s32 $0x0  }
0x147: {  	v15 =	vor.u32 s30, v0  }
0x148: {  	vm15 =	vlt.s32 v15, v13;
	v14 =	vadd.s32 $0x3, v14  }
0x149: {  	s19 =	simm.s32 $0x19C10;
	v14 =	vnsel vm15, $0x0, v14  }
0x14a: {  	s20 =	simm.s32 $0x41C0;
	[tilespmem:s19+$0x0] =	vst v14  }
0x14b: {  	s22 =	simm.s32 $0x20;
	s21 =	simm.s32 $0x10;
	v14 =	vld [tilespmem:s20+$0x0]  }
.LBB2_25:
0x14c: {  	p2 =	sne.s32 s22, $0x70;
	_ =	sdelay $0x2  }
.Ltmp19:
0x14d: {  	v15 =	vor.u32 s21, v0;
	s21 =	smov.u32 s22;
	(pc) =	sbr.rel @p2 .LBB2_25-.Ltmp19, $4  }
0x14e: {  	vm0 =	vlt.s32 v15, v13;
	v14 =	vadd.s32 $0x3, v14  }
0x14f: {  	s19 =	sadd.s32 $0x10, s19;
	v14 =	vnsel vm0, $0x0, v14  }
0x150: {  	s20 =	sadd.s32 $0x10, s20;
	[tilespmem:s19+$0x0] =	vst v14  }
0x151: {  	s22 =	sadd.s32 $0x10, s22;
	v14 =	vld [tilespmem:s20+$0x0]  }
0x152: {  	_ =	sdelay $0x2  }
0x153: {  	v15 =	vor.u32 s21, v0  }
0x154: {  	vm0 =	vlt.s32 v15, v13;
	v14 =	vadd.s32 $0x3, v14  }
0x155: {  	s19 =	sadd.s32 $0x10, s19;
	v14 =	vnsel vm0, $0x0, v14  }
0x156: {  	s30 =	simm.s32 $0x19C10;
	s20 =	simm.s32 $0x1CD10;
	[tilespmem:s19+$0x0] =	vst v14  }
0x157: {  	[tilespmem:s20], [sflag:$0x7] =	stream.indirect.gather [hbm4b:s1+s16], $0x10, s30, s16, $0xb8;
	[tilespmem:$0x1EE80] =	vst v63  }
0x158: {  	v14 =	vld @!p1 [tilespmem:$0x4230]  }
0x159: {  	v15 =	vld @!p1 [tilespmem:$0x4240]  }
0x15a: {  	v16 =	vld @!p1 [tilespmem:$0x4250]  }
0x15b: {  	v17 =	vlaneseq.u32 @!p1;
	v19 =	vld @!p1 [tilespmem:$0x4260]  }
0x15c: {  	v18 =	vor.u32 @!p1 $0x80, v17  }
0x15d: {  	vm0 =	vgt.s32 @!p1 v13, v18;
	v18 =	vor.u32 @!p1 $0x90, v17;
	v20 =	vld @!p1 [tilespmem:$0x4270];
	v14 =	vadd.s32 @!p1 $0x3, v14  }
0x15e: {  	v21 =	vld @!p1 [tilespmem:$0x4280];
	v14 =	vnsel @!p1 vm0, $0x0, v14;
	vm0 =	vgt.s32 @!p1 v13, v18;
	v18 =	vor.u32 @!p1 $0xA0, v17  }
0x15f: {  	v15 =	vadd.s32 @!p1 $0x3, v15;
	v16 =	vadd.s32 @!p1 $0x3, v16;
	vm1 =	vgt.s32 @!p1 v13, v18  }
0x160: {  	v22 =	vld @!p1 [tilespmem:$0x4290];
	v15 =	vnsel @!p1 vm0, $0x0, v15;
	v18 =	vor.u32 @!p1 $0xB0, v17;
	[tilespmem:$0x19C90] =	vst @!p1 v14;
	v14 =	vadd.s32 @!p1 $0x3, v19  }
0x161: {  	v19 =	vld @!p1 [tilespmem:$0x42A0];
	v16 =	vnsel @!p1 vm1, $0x0, v16;
	vm0 =	vgt.s32 @!p1 v13, v18;
	v18 =	vor.u32 @!p1 $0xC0, v17  }
0x162: {  	[tilespmem:$0x19CA0] =	vst @!p1 v15;
	v15 =	vor.u32 @!p1 $0xD0, v17;
	v14 =	vnsel @!p1 vm0, $0x0, v14;
	vm0 =	vgt.s32 @!p1 v13, v18  }
0x163: {  	[tilespmem:$0x19CB0] =	vst @!p1 v16;
	vm1 =	vgt.s32 @!p1 v13, v15;
	v15 =	vadd.s32 @!p1 $0x3, v20;
	v16 =	vadd.s32 @!p1 $0x3, v21  }
0x164: {  	v15 =	vnsel @!p1 vm0, $0x0, v15;
	[tilespmem:$0x19CC0] =	vst @!p1 v14;
	v14 =	vnsel @!p1 vm1, $0x0, v16;
	v16 =	vor.u32 @!p1 $0xE0, v17  }
0x165: {  	[tilespmem:$0x19CD0] =	vst @!p1 v15;
	vm0 =	vgt.s32 @!p1 v13, v16;
	v15 =	vadd.s32 @!p1 $0x3, v22;
	v16 =	vor.u32 @!p1 $0xF0, v17  }
0x166: {  	[tilespmem:$0x19CE0] =	vst @!p1 v14;
	v14 =	vnsel @!p1 vm0, $0x0, v15;
	vm0 =	vgt.s32 @!p1 v13, v16;
	v15 =	vadd.s32 @!p1 $0x3, v19  }
0x167: {  	[tilespmem:$0x19CF0] =	vst @!p1 v14;
	v14 =	vnsel @!p1 vm0, $0x0, v15  }
0x168: {  	s21 =	simm.s32 @!p1 $0x1D510;
	s19 =	simm.s32 @!p1 $0x80;
	s20 =	simm.s32 @!p1 $0x19C90;
	[tilespmem:$0x19D00] =	vst @!p1 v14  }
0x169: {  	[tilespmem:s21], [sflag:$0x8] =	stream.indirect.gather @!p1 [hbm4b:s1+s19], $0x10, s20, s19, $0xb8;
	[tilespmem:$0x1EE80] =	vst v63  }
.LBB2_27:
0x16a: {  	p2 =	sgt.s32 s9, $0x0  }
.Ltmp20:
0x16b: {  	p1 =	seq.s32 s23, $0x0;
	(pc) =	sbr.rel @!p2 .LBB2_28-.Ltmp20, $4  }
0x16c: {  	s19 =	simm.s32 @!p1 $0x9  }
0x16d: {  	_ =	swait.ge @!p1 [sflag:s19], $0x11700  }
0x16e: {  	[sflag:s19] =	ssyncset.done @!p1 $0x0  }
0x16f: {  	[sflag:s19] =	ssyncadd.s32 @!p1 $0xFFFEE900;
	s19 =	simm.s32 $0x0  }
0x170: {  	v14 =	vmov s19;
	_ =	sdelay $0x3  }
0x171: {  	s19 =	sadd.s32 $0x1, s19  }
0x172: {  	p1 =	seq.s32 s9, s19;
	v14 =	vld.idx.msk [tilespmem:v14+s25+$0x0], $0xffff  }
.Ltmp21:
0x173: {  	_ = 	snop;
	(pc) =	sbr.rel @p1 .LBB2_40-.Ltmp21, $2  }
0x174: {  	_ =	sdelay $0x2  }
0x175: {  	v14 =	vadd.s32 v12, v14  }
.LBB2_39:
0x176: {  	v15 =	vmov s19;
	s19 =	sadd.s32 $0x1, s19  }
0x177: {  	p1 =	seq.s32 s9, s19;
	_ =	sdelay $0x2  }
0x178: {  	[tilespmem:v14+s26+$0x0] =	vst.idx.msk $0xffff, v1  }
0x179: {  	v14 =	vld.idx.msk [tilespmem:v15+s25+$0x0], $0xffff;
	_ =	sdelay $0x1  }
.Ltmp22:
0x17a: {  	(pc) =	sbr.rel @!p1 .LBB2_39-.Ltmp22, $2  }
0x17b: {  	_ =	sdelay $0x2  }
0x17c: {  	v14 =	vadd.s32 v12, v14  }
.LBB2_40:
0x17d: {  	_ =	sdelay $0x3  }
0x17e: {  	[tilespmem:v14+s26+$0x0] =	vst.idx.msk $0xffff, v1  }
.LBB2_28:
.Ltmp23:
0x17f: {  	(pc) =	sbr.rel @p0 .LBB2_50-.Ltmp23, $2  }
0x180: {  	_ =	sdelay $0x2  }
0x181: {  	[dreg:$0x7] =	wrdreg s23  }
.Ltmp24:
0x182: {  	(pc) =	sbr.rel .LBB2_30-.Ltmp24, $3  }
0x183: {  	_ =	sdelay $0x1  }
0x184: {  	s9 =	simm.s32 $0x41B0  }
0x185: {  	s19 =	simm.s32 $0x0;
	s29 =	smov.u32 s17;
	s28 =	simm.s32 $0x0  }
.LBB2_48:
0x186: {  	v15 =	vadd.s32 v12, v15;
	_ =	sdelay $0x4  }
0x187: {  	[tilespmem:v15+s26+$0x0] =	vst.idx.msk $0xffff, v14  }
.LBB2_49:
0x188: {  	s28 =	sadd.s32 $0x1, s28  }
0x189: {  	p1 =	sne.s32 s28, s8  }
.Ltmp25:
0x18a: {  	_ = 	snop;
	(pc) =	sbr.rel @!p1 .LBB2_50-.Ltmp25, $2  }
0x18b: {  	_ =	sdelay $0x2  }
0x18c: {  	s29 =	sadd.s32 $0xFFFFFF80, s29;
	s9 =	sadd.s32 $0x80, s9;
	s19 =	sadd.s32 $0x80, s19  }
.LBB2_30:
0x18d: {  	s20 =	sand.u32 $0x1, s28;
	p1 =	slt.u32 s28, $0x2  }
0x18e: {  	p2 =	sne.s32 @!p1 s20, $0x0  }
0x18f: {  	p2 =	por p1, p2  }
.Ltmp26:
0x190: {  	_ = 	snop;
	(pc) =	sbr.rel @p2 .LBB2_41-.Ltmp26, $1  }
0x191: {  	_ =	sdelay $0x3  }
0x192: {  	s21 =	sadd.s32 $0x0, s9  }
0x193: {  	v14 =	vld [tilespmem:s21+$0x0];
	_ =	sdelay $0x2  }
0x194: {  	v15 =	vor.u32 s19, v0  }
0x195: {  	s24 =	simm.s32 $0x10;
	vm0 =	vlt.s32 v15, v13  }
0x196: {  	s23 =	simm.s32 $0x80;
	s22 =	smov.u32 s19;
	s21 =	simm.s32 $0x0;
	v14 =	vnsel vm0, $0x0, v14  }
.LBB2_32:
0x197: {  	p2 =	sne.s32 s23, $0x1C0;
	s30 =	sadd.s32 s24, s9;
	[tilespmem:s21+$0x19910] =	vst v14;
	s21 =	smov.u32 s24  }
0x198: {  	v14 =	vld [tilespmem:s30+$0x0]  }
.Ltmp27:
0x199: {  	(pc) =	sbr.rel @p2 .LBB2_32-.Ltmp27, $4  }
0x19a: {  	s22 =	sadd.s32 $0x10, s22  }
0x19b: {  	v15 =	vor.u32 s22, v0  }
0x19c: {  	vm0 =	vlt.s32 v15, v13  }
0x19d: {  	s24 =	sshra.s32 s23, $0x2;
	s23 =	sadd.s32 $0x40, s23;
	v14 =	vnsel vm0, $0x0, v14  }
0x19e: {  	s23 =	sadd.s32 s24, s9;
	[tilespmem:s21+$0x19910] =	vst v14  }
0x19f: {  	v14 =	vld [tilespmem:s23+$0x0];
	_ =	sdelay $0x1  }
0x1a0: {  	s30 =	sadd.s32 $0x10, s22  }
0x1a1: {  	v15 =	vor.u32 s30, v0  }
0x1a2: {  	vm0 =	vlt.s32 v15, v13  }
0x1a3: {  	v14 =	vnsel vm0, $0x0, v14  }
.Ltmp28:
0x1a4: {  	[tilespmem:s24+$0x19910] =	vst v14;
	(pc) =	sbr.rel .LBB2_34-.Ltmp28, $4  }
0x1a5: {  	[tilespmem:s18], [sflag:$0x1] =	stream.indirect.gather [hbm4b:s1+s16], $0x10, s4, s16, $0xb8;
	[tilespmem:$0x1EE80] =	vst v63  }
0x1a6: {  	_ =	swait.ge [sflag:s14], $0x800  }
0x1a7: {  	[sflag:s14] =	ssyncset.done $0x0  }
0x1a8: {  	[sflag:s14] =	ssyncadd.s32 $0xFFFFF800  }
.LBB2_41:
0x1a9: {  	p2 =	seq.s32 s28, $0x0  }
.Ltmp29:
0x1aa: {  	_ = 	snop;
	(pc) =	sbr.rel @p2 .LBB2_42-.Ltmp29, $1  }
0x1ab: {  	_ =	sdelay $0x3  }
.LBB2_34:
0x1ac: {  	p2 =	seq.s32 s20, $0x1  }
0x1ad: {  	p1 =	por p1, !p2  }
.Ltmp30:
0x1ae: {  	_ = 	snop;
	(pc) =	sbr.rel @p1 .LBB2_43-.Ltmp30, $1  }
0x1af: {  	_ =	sdelay $0x3  }
0x1b0: {  	s21 =	sadd.s32 $0x0, s9  }
0x1b1: {  	v14 =	vld [tilespmem:s21+$0x0];
	_ =	sdelay $0x2  }
0x1b2: {  	v15 =	vor.u32 s19, v0  }
0x1b3: {  	s24 =	simm.s32 $0x10;
	vm0 =	vlt.s32 v15, v13  }
0x1b4: {  	s23 =	simm.s32 $0x80;
	s22 =	smov.u32 s19;
	s21 =	simm.s32 $0x0;
	v14 =	vnsel vm0, $0x0, v14  }
.LBB2_36:
0x1b5: {  	p1 =	sne.s32 s23, $0x1C0;
	s30 =	sadd.s32 s24, s9;
	[tilespmem:s21+$0x19990] =	vst v14;
	s21 =	smov.u32 s24  }
0x1b6: {  	v14 =	vld [tilespmem:s30+$0x0]  }
.Ltmp31:
0x1b7: {  	(pc) =	sbr.rel @p1 .LBB2_36-.Ltmp31, $4  }
0x1b8: {  	s22 =	sadd.s32 $0x10, s22  }
0x1b9: {  	v15 =	vor.u32 s22, v0  }
0x1ba: {  	vm0 =	vlt.s32 v15, v13  }
0x1bb: {  	s24 =	sshra.s32 s23, $0x2;
	s23 =	sadd.s32 $0x40, s23;
	v14 =	vnsel vm0, $0x0, v14  }
0x1bc: {  	s23 =	sadd.s32 s24, s9;
	[tilespmem:s21+$0x19990] =	vst v14  }
0x1bd: {  	v14 =	vld [tilespmem:s23+$0x0];
	_ =	sdelay $0x1  }
0x1be: {  	s23 =	sadd.s32 $0x10, s22  }
0x1bf: {  	v15 =	vor.u32 s23, v0  }
0x1c0: {  	vm0 =	vlt.s32 v15, v13  }
0x1c1: {  	v14 =	vnsel vm0, $0x0, v14  }
0x1c2: {  	s30 =	simm.s32 $0x1A510;
	s21 =	simm.s32 $0x2;
	[tilespmem:s24+$0x19990] =	vst v14;
	s24 =	simm.s32 $0x19990  }
0x1c3: {  	[tilespmem:s30], [sflag:$0x2] =	stream.indirect.gather [hbm4b:s1+s16], $0x10, s24, s16, $0xb8;
	[tilespmem:$0x1EE80] =	vst v63  }
.LBB2_44:
0x1c4: {  	_ =	swait.ge [sflag:s21], $0x800  }
0x1c5: {  	[sflag:s21] =	ssyncset.done $0x0  }
0x1c6: {  	[sflag:s21] =	ssyncadd.s32 $0xFFFFF800  }
.LBB2_45:
0x1c7: {  	s21 =	sshll.u32 s28, $0x7  }
0x1c8: {  	s21 =	ssub.s32 s17, s21  }
0x1c9: {  	p1 =	slt.s32 s21, $0x1  }
.Ltmp32:
0x1ca: {  	_ = 	snop;
	(pc) =	sbr.rel @p1 .LBB2_49-.Ltmp32, $1  }
0x1cb: {  	_ =	sdelay $0x3  }
0x1cc: {  	s21 =	sadd.s32 $0x0, s19  }
0x1cd: {  	v14 =	vmov s21  }
0x1ce: {  	p1 =	sgt.s32 s29, $0x1;
	s21 =	smov.u32 s29  }
0x1cf: {  	s20 =	sshll.u32 s20, $0xB;
	s21 =	simm.s32 @!p1 $0x1  }
0x1d0: {  	s30 =	sadd.s32 $0x0, s20;
	s21 =	smin.u32 s21, $0x80  }
0x1d1: {  	v16 =	vor.u32 s30, v0;
	p1 =	sne.s32 s21, $0x1  }
.Ltmp33:
0x1d2: {  	v15 =	vld.idx.msk [tilespmem:v14+s12+$0x0], $0xffff;
	(pc) =	sbr.rel @!p1 .LBB2_48-.Ltmp33, $2  }
0x1d3: {  	_ =	sdelay $0x2  }
0x1d4: {  	s22 =	simm.s32 $0x1;
	v14 =	vld.idx.msk [tilespmem:v16+s18+$0x0], $0xffff  }
.LBB2_47:
0x1d5: {  	s23 =	sadd.s32 s22, s19;
	v15 =	vadd.s32 v12, v15;
	s24 =	smov.u32 s22;
	s22 =	sadd.s32 $0x1, s22  }
0x1d6: {  	v16 =	vmov s23;
	p1 =	sne.s32 s21, s22;
	_ =	sdelay $0x2  }
0x1d7: {  	s23 =	sshll.u32 s24, $0x4  }
0x1d8: {  	s23 =	sadd.s32 s20, s23;
	[tilespmem:v15+s26+$0x0] =	vst.idx.msk $0xffff, v14  }
0x1d9: {  	v14 =	vor.u32 s23, v0;
	v15 =	vld.idx.msk [tilespmem:v16+s12+$0x0], $0xffff  }
.Ltmp34:
0x1da: {  	(pc) =	sbr.rel @p1 .LBB2_47-.Ltmp34, $2  }
0x1db: {  	_ =	sdelay $0x2  }
0x1dc: {  	v14 =	vld.idx.msk [tilespmem:v14+s18+$0x0], $0xffff  }
.Ltmp35:
0x1dd: {  	_ = 	snop;
	(pc) =	sbr.rel .LBB2_48-.Ltmp35, $1  }
0x1de: {  	_ =	sdelay $0x3  }
.LBB2_43:
0x1df: {  	p1 =	sne.s32 s28, $0x1  }
.Ltmp36:
0x1e0: {  	_ = 	snop;
	(pc) =	sbr.rel @p1 .LBB2_45-.Ltmp36, $4  }
.Ltmp37:
0x1e1: {  	_ = 	snop;
	(pc) =	sbr.rel @!p1 .LBB2_44-.Ltmp37, $4  }
0x1e2: {  	_ = 	snop  }
0x1e3: {  	_ = 	snop  }
0x1e4: {  	s21 =	simm.s32 $0x2  }
0x1e5: {  	_ = 	snop  }
.LBB2_42:
.Ltmp38:
0x1e6: {  	(pc) =	sbr.rel .LBB2_44-.Ltmp38, $2  }
0x1e7: {  	_ =	sdelay $0x2  }
0x1e8: {  	s21 =	simm.s32 $0x1  }
.LBB2_50:
0x1e9: {  	s4 =	rddreg [dreg:$0xa]  }
0x1ea: {  	s9 =	smul.u32 $0x6C00, s4  }
0x1eb: {  	s21 =	rddreg [dreg:$0x9]  }
0x1ec: {  	s19 =	sor.u32 s9, s21  }
0x1ed: {  	s9 =	sadd.s32 s21, s9;
	s19 =	smul.u32 $0x3E, s19  }
0x1ee: {  	s28 =	smul.u32 $0x1F0, s9;
	_ =	sdelay $0x1  }
0x1ef: {  	s19 =	sadd.s32 s7, s19;
	s9 =	sadd.s32 $0x34500, s28  }
0x1f0: {  	[hbm4b:s19+s2] =	stream.linear.scatter [tilespmem:s26], [sflag:$0x9], $0x1170, $0x38;
	[tilespmem:$0x1EE80] =	vst v63  }
0x1f1: {  	s9 =	sshrl.u32 s9, $0x3  }
0x1f2: {  	s22 =	simm.s32 $0x9380;
	s23 =	sadd.s32 $0x68A00, s28;
	s9 =	sadd.s32 s7, s9  }
0x1f3: {  	[hbm4b:s9+s2] =	stream.linear.scatter [tilespmem:s22], [sflag:$0x9], $0x1170, $0x38;
	[tilespmem:$0x1EE80] =	vst v63  }
0x1f4: {  	s9 =	sshrl.u32 s23, $0x3  }
0x1f5: {  	s24 =	simm.s32 $0xA4F0;
	s29 =	sadd.s32 $0x9CF00, s28;
	s9 =	sadd.s32 s7, s9  }
0x1f6: {  	[hbm4b:s9+s2] =	stream.linear.scatter [tilespmem:s24], [sflag:$0x9], $0x1170, $0x38;
	[tilespmem:$0x1EE80] =	vst v63  }
0x1f7: {  	s9 =	sshrl.u32 s29, $0x3  }
0x1f8: {  	s30 =	simm.s32 $0xB660;
	s19 =	sadd.s32 $0xD1400, s28;
	s9 =	sadd.s32 s7, s9  }
0x1f9: {  	[hbm4b:s9+s2] =	stream.linear.scatter [tilespmem:s30], [sflag:$0x9], $0x1170, $0x38;
	[tilespmem:$0x1EE80] =	vst v63  }
0x1fa: {  	s9 =	sshrl.u32 s19, $0x3  }
0x1fb: {  	s20 =	simm.s32 $0xC7D0;
	s21 =	sadd.s32 $0x105900, s28;
	s9 =	sadd.s32 s7, s9  }
0x1fc: {  	[hbm4b:s9+s2] =	stream.linear.scatter [tilespmem:s20], [sflag:$0x9], $0x1170, $0x38;
	[tilespmem:$0x1EE80] =	vst v63  }
0x1fd: {  	s9 =	sshrl.u32 s21, $0x3  }
0x1fe: {  	s22 =	simm.s32 $0xD940;
	s23 =	sadd.s32 $0x139E00, s28;
	s9 =	sadd.s32 s7, s9  }
0x1ff: {  	[hbm4b:s9+s2] =	stream.linear.scatter [tilespmem:s22], [sflag:$0x9], $0x1170, $0x38;
	[tilespmem:$0x1EE80] =	vst v63  }
0x200: {  	s9 =	sshrl.u32 s23, $0x3  }
0x201: {  	s24 =	simm.s32 $0xEAB0;
	s29 =	sadd.s32 $0x16E300, s28;
	s9 =	sadd.s32 s7, s9  }
0x202: {  	[hbm4b:s9+s2] =	stream.linear.scatter [tilespmem:s24], [sflag:$0x9], $0x1170, $0x38;
	[tilespmem:$0x1EE80] =	vst v63  }
0x203: {  	s9 =	sshrl.u32 s29, $0x3  }
0x204: {  	s30 =	simm.s32 $0xFC20;
	s19 =	sadd.s32 $0x1A2800, s28;
	s9 =	sadd.s32 s7, s9  }
0x205: {  	[hbm4b:s9+s2] =	stream.linear.scatter [tilespmem:s30], [sflag:$0x9], $0x1170, $0x38;
	[tilespmem:$0x1EE80] =	vst v63  }
0x206: {  	s9 =	sshrl.u32 s19, $0x3  }
0x207: {  	s20 =	simm.s32 $0x10D90;
	s21 =	sadd.s32 $0x1D6D00, s28;
	s9 =	sadd.s32 s7, s9  }
0x208: {  	[hbm4b:s9+s2] =	stream.linear.scatter [tilespmem:s20], [sflag:$0x9], $0x1170, $0x38;
	[tilespmem:$0x1EE80] =	vst v63  }
0x209: {  	s9 =	sshrl.u32 s21, $0x3  }
0x20a: {  	s22 =	simm.s32 $0x11F00;
	s23 =	sadd.s32 $0x20B200, s28;
	s9 =	sadd.s32 s7, s9  }
0x20b: {  	[hbm4b:s9+s2] =	stream.linear.scatter [tilespmem:s22], [sflag:$0x9], $0x1170, $0x38;
	[tilespmem:$0x1EE80] =	vst v63  }
0x20c: {  	s9 =	sshrl.u32 s23, $0x3  }
0x20d: {  	s24 =	simm.s32 $0x13070;
	s29 =	sadd.s32 $0x23F700, s28;
	s9 =	sadd.s32 s7, s9  }
0x20e: {  	[hbm4b:s9+s2] =	stream.linear.scatter [tilespmem:s24], [sflag:$0x9], $0x1170, $0x38;
	[tilespmem:$0x1EE80] =	vst v63  }
0x20f: {  	s9 =	sshrl.u32 s29, $0x3  }
0x210: {  	s4 =	sadd.s32 $0x273C00, s28;
	s30 =	simm.s32 $0x141E0;
	s9 =	sadd.s32 s7, s9  }
0x211: {  	[hbm4b:s9+s2] =	stream.linear.scatter [tilespmem:s30], [sflag:$0x9], $0x1170, $0x38;
	[tilespmem:$0x1EE80] =	vst v63  }
0x212: {  	s9 =	sshrl.u32 s4, $0x3  }
0x213: {  	s19 =	simm.s32 $0x15350;
	s20 =	sadd.s32 $0x2A8100, s28;
	s9 =	sadd.s32 s7, s9  }
0x214: {  	[hbm4b:s9+s2] =	stream.linear.scatter [tilespmem:s19], [sflag:$0x9], $0x1170, $0x38;
	[tilespmem:$0x1EE80] =	vst v63  }
0x215: {  	s9 =	sshrl.u32 s20, $0x3  }
0x216: {  	s21 =	simm.s32 $0x164C0;
	s22 =	sadd.s32 $0x2DC600, s28;
	s9 =	sadd.s32 s7, s9  }
0x217: {  	[hbm4b:s9+s2] =	stream.linear.scatter [tilespmem:s21], [sflag:$0x9], $0x1170, $0x38;
	[tilespmem:$0x1EE80] =	vst v63  }
0x218: {  	s9 =	sshrl.u32 s22, $0x3  }
0x219: {  	s23 =	simm.s32 $0x17630;
	s24 =	sadd.s32 $0x310B00, s28;
	s9 =	sadd.s32 s7, s9  }
0x21a: {  	[hbm4b:s9+s2] =	stream.linear.scatter [tilespmem:s23], [sflag:$0x9], $0x1170, $0x38;
	[tilespmem:$0x1EE80] =	vst v63  }
0x21b: {  	s29 =	simm.s32 $0x187A0;
	s9 =	sshrl.u32 s24, $0x3  }
.Ltmp39:
0x21c: {  	s30 =	simm.s32 $0x9;
	s9 =	sadd.s32 s7, s9;
	(pc) =	sbr.rel @p0 .LBB2_69-.Ltmp39, $4  }
0x21d: {  	[hbm4b:s9+s2] =	stream.linear.scatter [tilespmem:s29], [sflag:$0x9], $0x1170, $0x38;
	[tilespmem:$0x1EE80] =	vst v63  }
0x21e: {  	_ =	swait.ge [sflag:s30], $0x11700  }
0x21f: {  	[sflag:s30] =	ssyncset.done $0x0  }
0x220: {  	[sflag:s30] =	ssyncadd.s32 $0xFFFEE900  }
.Ltmp40:
0x221: {  	(pc) =	sbr.rel .LBB2_52-.Ltmp40, $3  }
0x222: {  	_ =	sdelay $0x1  }
0x223: {  	s9 =	simm.s32 $0x41B0  }
0x224: {  	s30 =	simm.s32 $0x0;
	s29 =	smov.u32 s17;
	s19 =	simm.s32 $0x0  }
.LBB2_67:
0x225: {  	v15 =	vadd.s32 v12, v15;
	_ =	sdelay $0x4  }
0x226: {  	[tilespmem:v15+s26+$0x0] =	vst.idx.msk $0xffff, v14  }
.LBB2_68:
0x227: {  	s19 =	sadd.s32 $0x1, s19  }
0x228: {  	p1 =	sne.s32 s19, s8  }
.Ltmp41:
0x229: {  	_ = 	snop;
	(pc) =	sbr.rel @!p1 .LBB2_69-.Ltmp41, $2  }
0x22a: {  	_ =	sdelay $0x2  }
0x22b: {  	s29 =	sadd.s32 $0xFFFFFF80, s29;
	s9 =	sadd.s32 $0x80, s9;
	s30 =	sadd.s32 $0x80, s30  }
.LBB2_52:
0x22c: {  	s20 =	sand.u32 $0x1, s19;
	p1 =	slt.u32 s19, $0x2  }
0x22d: {  	p2 =	sne.s32 @!p1 s20, $0x0  }
0x22e: {  	p2 =	por p1, p2  }
.Ltmp42:
0x22f: {  	_ = 	snop;
	(pc) =	sbr.rel @p2 .LBB2_60-.Ltmp42, $1  }
0x230: {  	_ =	sdelay $0x3  }
0x231: {  	s21 =	sadd.s32 $0x0, s9  }
0x232: {  	v14 =	vld [tilespmem:s21+$0x0];
	_ =	sdelay $0x3  }
0x233: {  	v15 =	vor.u32 s30, v0  }
0x234: {  	s24 =	simm.s32 $0x10;
	vm0 =	vlt.s32 v15, v13;
	v14 =	vadd.s32 $0x1, v14  }
0x235: {  	s23 =	simm.s32 $0x80;
	s22 =	smov.u32 s30;
	s21 =	simm.s32 $0x0;
	v14 =	vnsel vm0, $0x0, v14  }
.LBB2_54:
0x236: {  	p2 =	sne.s32 s23, $0x1C0;
	s4 =	sadd.s32 s24, s9;
	[tilespmem:s21+$0x19A10] =	vst v14;
	s21 =	smov.u32 s24  }
0x237: {  	v14 =	vld [tilespmem:s4+$0x0];
	_ =	sdelay $0x1  }
.Ltmp43:
0x238: {  	(pc) =	sbr.rel @p2 .LBB2_54-.Ltmp43, $4  }
0x239: {  	s22 =	sadd.s32 $0x10, s22  }
0x23a: {  	v15 =	vor.u32 s22, v0  }
0x23b: {  	vm0 =	vlt.s32 v15, v13;
	v14 =	vadd.s32 $0x1, v14  }
0x23c: {  	s24 =	sshra.s32 s23, $0x2;
	s23 =	sadd.s32 $0x40, s23;
	v14 =	vnsel vm0, $0x0, v14  }
0x23d: {  	s4 =	sadd.s32 s24, s9;
	[tilespmem:s21+$0x19A10] =	vst v14  }
0x23e: {  	v14 =	vld [tilespmem:s4+$0x0];
	_ =	sdelay $0x2  }
0x23f: {  	s22 =	sadd.s32 $0x10, s22  }
0x240: {  	v15 =	vor.u32 s22, v0  }
0x241: {  	vm0 =	vlt.s32 v15, v13;
	v14 =	vadd.s32 $0x1, v14  }
0x242: {  	v14 =	vnsel vm0, $0x0, v14  }
.Ltmp44:
0x243: {  	s23 =	simm.s32 $0x19A10;
	[tilespmem:s24+$0x19A10] =	vst v14;
	s24 =	simm.s32 $0x1AD10;
	(pc) =	sbr.rel .LBB2_56-.Ltmp44, $4  }
0x244: {  	[tilespmem:s24], [sflag:$0x3] =	stream.indirect.gather [hbm4b:s1+s16], $0x10, s23, s16, $0xb8;
	[tilespmem:$0x1EE80] =	vst v63  }
0x245: {  	_ =	swait.ge [sflag:s0], $0x800  }
0x246: {  	[sflag:s0] =	ssyncset.done $0x0  }
0x247: {  	[sflag:s0] =	ssyncadd.s32 $0xFFFFF800  }
.LBB2_60:
0x248: {  	p2 =	seq.s32 s19, $0x0  }
.Ltmp45:
0x249: {  	_ = 	snop;
	(pc) =	sbr.rel @p2 .LBB2_61-.Ltmp45, $1  }
0x24a: {  	_ =	sdelay $0x3  }
.LBB2_56:
0x24b: {  	p2 =	seq.s32 s20, $0x1  }
0x24c: {  	p1 =	por p1, !p2  }
.Ltmp46:
0x24d: {  	_ = 	snop;
	(pc) =	sbr.rel @p1 .LBB2_62-.Ltmp46, $1  }
0x24e: {  	_ =	sdelay $0x3  }
0x24f: {  	s4 =	sadd.s32 $0x0, s9  }
0x250: {  	v14 =	vld [tilespmem:s4+$0x0];
	_ =	sdelay $0x3  }
0x251: {  	v15 =	vor.u32 s30, v0  }
0x252: {  	s21 =	simm.s32 $0x0;
	vm0 =	vlt.s32 v15, v13;
	v14 =	vadd.s32 $0x1, v14  }
0x253: {  	s24 =	simm.s32 $0x10;
	s23 =	simm.s32 $0x80;
	s22 =	smov.u32 s30;
	v14 =	vnsel vm0, $0x0, v14  }
.LBB2_58:
0x254: {  	p1 =	sne.s32 s23, $0x1C0;
	s4 =	sadd.s32 s24, s9;
	[tilespmem:s21+$0x19A90] =	vst v14;
	s21 =	smov.u32 s24  }
0x255: {  	v14 =	vld [tilespmem:s4+$0x0];
	_ =	sdelay $0x1  }
.Ltmp47:
0x256: {  	(pc) =	sbr.rel @p1 .LBB2_58-.Ltmp47, $4  }
0x257: {  	s22 =	sadd.s32 $0x10, s22  }
0x258: {  	v15 =	vor.u32 s22, v0  }
0x259: {  	vm0 =	vlt.s32 v15, v13;
	v14 =	vadd.s32 $0x1, v14  }
0x25a: {  	s24 =	sshra.s32 s23, $0x2;
	s23 =	sadd.s32 $0x40, s23;
	v14 =	vnsel vm0, $0x0, v14  }
0x25b: {  	s4 =	sadd.s32 s24, s9;
	[tilespmem:s21+$0x19A90] =	vst v14  }
0x25c: {  	v14 =	vld [tilespmem:s4+$0x0];
	_ =	sdelay $0x2  }
0x25d: {  	s22 =	sadd.s32 $0x10, s22  }
0x25e: {  	v15 =	vor.u32 s22, v0  }
0x25f: {  	vm0 =	vlt.s32 v15, v13;
	v14 =	vadd.s32 $0x1, v14  }
0x260: {  	v14 =	vnsel vm0, $0x0, v14  }
0x261: {  	s23 =	simm.s32 $0x19A90;
	s21 =	simm.s32 $0x4;
	[tilespmem:s24+$0x19A90] =	vst v14;
	s24 =	simm.s32 $0x1B510  }
0x262: {  	[tilespmem:s24], [sflag:$0x4] =	stream.indirect.gather [hbm4b:s1+s16], $0x10, s23, s16, $0xb8;
	[tilespmem:$0x1EE80] =	vst v63  }
.LBB2_63:
0x263: {  	_ =	swait.ge [sflag:s21], $0x800  }
0x264: {  	[sflag:s21] =	ssyncset.done $0x0  }
0x265: {  	[sflag:s21] =	ssyncadd.s32 $0xFFFFF800  }
.LBB2_64:
0x266: {  	s4 =	sshll.u32 s19, $0x7  }
0x267: {  	s4 =	ssub.s32 s17, s4  }
0x268: {  	p1 =	slt.s32 s4, $0x1  }
.Ltmp48:
0x269: {  	_ = 	snop;
	(pc) =	sbr.rel @p1 .LBB2_68-.Ltmp48, $1  }
0x26a: {  	_ =	sdelay $0x3  }
0x26b: {  	s23 =	sadd.s32 $0x0, s30  }
0x26c: {  	s4 =	sshll.u32 s20, $0xB;
	v14 =	vmov s23  }
0x26d: {  	p1 =	sgt.s32 s29, $0x1;
	s20 =	sor.u32 $0x1000, s4;
	s4 =	smov.u32 s29  }
0x26e: {  	s4 =	simm.s32 @!p1 $0x1  }
0x26f: {  	s24 =	sadd.s32 $0x0, s20;
	s21 =	smin.u32 s4, $0x80  }
0x270: {  	v16 =	vor.u32 s24, v0;
	p1 =	sne.s32 s21, $0x1  }
.Ltmp49:
0x271: {  	v15 =	vld.idx.msk [tilespmem:v14+s12+$0x0], $0xffff;
	(pc) =	sbr.rel @!p1 .LBB2_67-.Ltmp49, $2  }
0x272: {  	_ =	sdelay $0x2  }
0x273: {  	s22 =	simm.s32 $0x1;
	v14 =	vld.idx.msk [tilespmem:v16+s18+$0x0], $0xffff  }
.LBB2_66:
0x274: {  	s4 =	sadd.s32 s22, s30;
	v15 =	vadd.s32 v12, v15;
	s23 =	smov.u32 s22;
	s22 =	sadd.s32 $0x1, s22  }
0x275: {  	v16 =	vmov s4;
	p1 =	sne.s32 s21, s22;
	_ =	sdelay $0x2  }
0x276: {  	s4 =	sshll.u32 s23, $0x4  }
0x277: {  	s4 =	sadd.s32 s20, s4;
	[tilespmem:v15+s26+$0x0] =	vst.idx.msk $0xffff, v14  }
0x278: {  	v14 =	vor.u32 s4, v0;
	v15 =	vld.idx.msk [tilespmem:v16+s12+$0x0], $0xffff  }
.Ltmp50:
0x279: {  	(pc) =	sbr.rel @p1 .LBB2_66-.Ltmp50, $2  }
0x27a: {  	_ =	sdelay $0x2  }
0x27b: {  	v14 =	vld.idx.msk [tilespmem:v14+s18+$0x0], $0xffff  }
.Ltmp51:
0x27c: {  	_ = 	snop;
	(pc) =	sbr.rel .LBB2_67-.Ltmp51, $1  }
0x27d: {  	_ =	sdelay $0x3  }
.LBB2_62:
0x27e: {  	p1 =	sne.s32 s19, $0x1  }
.Ltmp52:
0x27f: {  	_ = 	snop;
	(pc) =	sbr.rel @p1 .LBB2_64-.Ltmp52, $4  }
.Ltmp53:
0x280: {  	_ = 	snop;
	(pc) =	sbr.rel @!p1 .LBB2_63-.Ltmp53, $4  }
0x281: {  	_ = 	snop  }
0x282: {  	_ = 	snop  }
0x283: {  	s21 =	simm.s32 $0x4  }
0x284: {  	_ = 	snop  }
.LBB2_61:
.Ltmp54:
0x285: {  	(pc) =	sbr.rel .LBB2_63-.Ltmp54, $2  }
0x286: {  	_ =	sdelay $0x2  }
0x287: {  	s21 =	simm.s32 $0x3  }
.LBB2_69:
0x288: {  	s4 =	sadd.s32 $0x345000, s28  }
0x289: {  	s4 =	sshrl.u32 s4, $0x3  }
0x28a: {  	s22 =	sadd.s32 $0x379500, s28;
	s4 =	sadd.s32 s7, s4  }
0x28b: {  	[hbm4b:s4+s2] =	stream.linear.scatter [tilespmem:s26], [sflag:$0x9], $0x1170, $0x38;
	[tilespmem:$0x1EE80] =	vst v63  }
0x28c: {  	s4 =	sshrl.u32 s22, $0x3  }
0x28d: {  	s9 =	simm.s32 $0x9380;
	s23 =	sadd.s32 $0x3ADA00, s28;
	s4 =	sadd.s32 s7, s4  }
0x28e: {  	[hbm4b:s4+s2] =	stream.linear.scatter [tilespmem:s9], [sflag:$0x9], $0x1170, $0x38;
	[tilespmem:$0x1EE80] =	vst v63  }
0x28f: {  	s4 =	sshrl.u32 s23, $0x3  }
0x290: {  	s24 =	simm.s32 $0xA4F0;
	s29 =	sadd.s32 $0x3E1F00, s28;
	s4 =	sadd.s32 s7, s4  }
0x291: {  	[hbm4b:s4+s2] =	stream.linear.scatter [tilespmem:s24], [sflag:$0x9], $0x1170, $0x38;
	[tilespmem:$0x1EE80] =	vst v63  }
0x292: {  	s4 =	sshrl.u32 s29, $0x3  }
0x293: {  	s30 =	simm.s32 $0xB660;
	s19 =	sadd.s32 $0x416400, s28;
	s4 =	sadd.s32 s7, s4  }
0x294: {  	[hbm4b:s4+s2] =	stream.linear.scatter [tilespmem:s30], [sflag:$0x9], $0x1170, $0x38;
	[tilespmem:$0x1EE80] =	vst v63  }
0x295: {  	s4 =	sshrl.u32 s19, $0x3  }
0x296: {  	s20 =	simm.s32 $0xC7D0;
	s21 =	sadd.s32 $0x44A900, s28;
	s4 =	sadd.s32 s7, s4  }
0x297: {  	[hbm4b:s4+s2] =	stream.linear.scatter [tilespmem:s20], [sflag:$0x9], $0x1170, $0x38;
	[tilespmem:$0x1EE80] =	vst v63  }
0x298: {  	s4 =	sshrl.u32 s21, $0x3  }
0x299: {  	s22 =	simm.s32 $0xD940;
	s23 =	sadd.s32 $0x47EE00, s28;
	s4 =	sadd.s32 s7, s4  }
0x29a: {  	[hbm4b:s4+s2] =	stream.linear.scatter [tilespmem:s22], [sflag:$0x9], $0x1170, $0x38;
	[tilespmem:$0x1EE80] =	vst v63  }
0x29b: {  	s4 =	sshrl.u32 s23, $0x3  }
0x29c: {  	s24 =	simm.s32 $0xEAB0;
	s29 =	sadd.s32 $0x4B3300, s28;
	s4 =	sadd.s32 s7, s4  }
0x29d: {  	[hbm4b:s4+s2] =	stream.linear.scatter [tilespmem:s24], [sflag:$0x9], $0x1170, $0x38;
	[tilespmem:$0x1EE80] =	vst v63  }
0x29e: {  	s4 =	sshrl.u32 s29, $0x3  }
0x29f: {  	s30 =	simm.s32 $0xFC20;
	s19 =	sadd.s32 $0x4E7800, s28;
	s4 =	sadd.s32 s7, s4  }
0x2a0: {  	[hbm4b:s4+s2] =	stream.linear.scatter [tilespmem:s30], [sflag:$0x9], $0x1170, $0x38;
	[tilespmem:$0x1EE80] =	vst v63  }
0x2a1: {  	s4 =	sshrl.u32 s19, $0x3  }
0x2a2: {  	s20 =	simm.s32 $0x10D90;
	s21 =	sadd.s32 $0x51BD00, s28;
	s4 =	sadd.s32 s7, s4  }
0x2a3: {  	[hbm4b:s4+s2] =	stream.linear.scatter [tilespmem:s20], [sflag:$0x9], $0x1170, $0x38;
	[tilespmem:$0x1EE80] =	vst v63  }
0x2a4: {  	s4 =	sshrl.u32 s21, $0x3  }
0x2a5: {  	s22 =	simm.s32 $0x11F00;
	s23 =	sadd.s32 $0x550200, s28;
	s4 =	sadd.s32 s7, s4  }
0x2a6: {  	[hbm4b:s4+s2] =	stream.linear.scatter [tilespmem:s22], [sflag:$0x9], $0x1170, $0x38;
	[tilespmem:$0x1EE80] =	vst v63  }
0x2a7: {  	s4 =	sshrl.u32 s23, $0x3  }
0x2a8: {  	s24 =	simm.s32 $0x13070;
	s29 =	sadd.s32 $0x584700, s28;
	s4 =	sadd.s32 s7, s4  }
0x2a9: {  	[hbm4b:s4+s2] =	stream.linear.scatter [tilespmem:s24], [sflag:$0x9], $0x1170, $0x38;
	[tilespmem:$0x1EE80] =	vst v63  }
0x2aa: {  	s4 =	sshrl.u32 s29, $0x3  }
0x2ab: {  	s9 =	sadd.s32 $0x5B8C00, s28;
	s30 =	simm.s32 $0x141E0;
	s4 =	sadd.s32 s7, s4  }
0x2ac: {  	[hbm4b:s4+s2] =	stream.linear.scatter [tilespmem:s30], [sflag:$0x9], $0x1170, $0x38;
	[tilespmem:$0x1EE80] =	vst v63  }
0x2ad: {  	s4 =	sshrl.u32 s9, $0x3  }
0x2ae: {  	s19 =	simm.s32 $0x15350;
	s20 =	sadd.s32 $0x5ED100, s28;
	s4 =	sadd.s32 s7, s4  }
0x2af: {  	[hbm4b:s4+s2] =	stream.linear.scatter [tilespmem:s19], [sflag:$0x9], $0x1170, $0x38;
	[tilespmem:$0x1EE80] =	vst v63  }
0x2b0: {  	s4 =	sshrl.u32 s20, $0x3  }
0x2b1: {  	s21 =	simm.s32 $0x164C0;
	s22 =	sadd.s32 $0x621600, s28;
	s4 =	sadd.s32 s7, s4  }
0x2b2: {  	[hbm4b:s4+s2] =	stream.linear.scatter [tilespmem:s21], [sflag:$0x9], $0x1170, $0x38;
	[tilespmem:$0x1EE80] =	vst v63  }
0x2b3: {  	s4 =	sshrl.u32 s22, $0x3  }
0x2b4: {  	s23 =	simm.s32 $0x17630;
	s24 =	sadd.s32 $0x655B00, s28;
	s4 =	sadd.s32 s7, s4  }
0x2b5: {  	[hbm4b:s4+s2] =	stream.linear.scatter [tilespmem:s23], [sflag:$0x9], $0x1170, $0x38;
	[tilespmem:$0x1EE80] =	vst v63  }
0x2b6: {  	s29 =	simm.s32 $0x187A0;
	s4 =	sshrl.u32 s24, $0x3  }
.Ltmp55:
0x2b7: {  	s30 =	simm.s32 $0x9;
	s4 =	sadd.s32 s7, s4;
	(pc) =	sbr.rel @p0 .LBB2_88-.Ltmp55, $4  }
0x2b8: {  	[hbm4b:s4+s2] =	stream.linear.scatter [tilespmem:s29], [sflag:$0x9], $0x1170, $0x38;
	[tilespmem:$0x1EE80] =	vst v63  }
0x2b9: {  	_ =	swait.ge [sflag:s30], $0x11700  }
0x2ba: {  	[sflag:s30] =	ssyncset.done $0x0  }
0x2bb: {  	[sflag:s30] =	ssyncadd.s32 $0xFFFEE900  }
.Ltmp56:
0x2bc: {  	(pc) =	sbr.rel .LBB2_71-.Ltmp56, $3  }
0x2bd: {  	_ =	sdelay $0x1  }
0x2be: {  	s9 =	simm.s32 $0x41B0  }
0x2bf: {  	s30 =	simm.s32 $0x0;
	s29 =	smov.u32 s17;
	s19 =	simm.s32 $0x0  }
.LBB2_86:
0x2c0: {  	v15 =	vadd.s32 v12, v15;
	_ =	sdelay $0x4  }
0x2c1: {  	[tilespmem:v15+s26+$0x0] =	vst.idx.msk $0xffff, v14  }
.LBB2_87:
0x2c2: {  	s19 =	sadd.s32 $0x1, s19  }
0x2c3: {  	p1 =	sne.s32 s19, s8  }
.Ltmp57:
0x2c4: {  	_ = 	snop;
	(pc) =	sbr.rel @!p1 .LBB2_88-.Ltmp57, $2  }
0x2c5: {  	_ =	sdelay $0x2  }
0x2c6: {  	s29 =	sadd.s32 $0xFFFFFF80, s29;
	s9 =	sadd.s32 $0x80, s9;
	s30 =	sadd.s32 $0x80, s30  }
.LBB2_71:
0x2c7: {  	s20 =	sand.u32 $0x1, s19;
	p1 =	slt.u32 s19, $0x2  }
0x2c8: {  	p2 =	sne.s32 @!p1 s20, $0x0  }
0x2c9: {  	p2 =	por p1, p2  }
.Ltmp58:
0x2ca: {  	_ = 	snop;
	(pc) =	sbr.rel @p2 .LBB2_79-.Ltmp58, $1  }
0x2cb: {  	_ =	sdelay $0x3  }
0x2cc: {  	s4 =	sadd.s32 $0x0, s9  }
0x2cd: {  	v14 =	vld [tilespmem:s4+$0x0];
	_ =	sdelay $0x3  }
0x2ce: {  	v15 =	vor.u32 s30, v0  }
0x2cf: {  	s21 =	simm.s32 $0x0;
	vm0 =	vlt.s32 v15, v13;
	v14 =	vadd.s32 $0x2, v14  }
0x2d0: {  	s24 =	simm.s32 $0x10;
	s23 =	simm.s32 $0x80;
	s22 =	smov.u32 s30;
	v14 =	vnsel vm0, $0x0, v14  }
.LBB2_73:
0x2d1: {  	p2 =	sne.s32 s23, $0x1C0;
	s4 =	sadd.s32 s24, s9;
	[tilespmem:s21+$0x19B10] =	vst v14;
	s21 =	smov.u32 s24  }
0x2d2: {  	v14 =	vld [tilespmem:s4+$0x0];
	_ =	sdelay $0x1  }
.Ltmp59:
0x2d3: {  	(pc) =	sbr.rel @p2 .LBB2_73-.Ltmp59, $4  }
0x2d4: {  	s22 =	sadd.s32 $0x10, s22  }
0x2d5: {  	v15 =	vor.u32 s22, v0  }
0x2d6: {  	vm0 =	vlt.s32 v15, v13;
	v14 =	vadd.s32 $0x2, v14  }
0x2d7: {  	s24 =	sshra.s32 s23, $0x2;
	s23 =	sadd.s32 $0x40, s23;
	v14 =	vnsel vm0, $0x0, v14  }
0x2d8: {  	s4 =	sadd.s32 s24, s9;
	[tilespmem:s21+$0x19B10] =	vst v14  }
0x2d9: {  	v14 =	vld [tilespmem:s4+$0x0];
	_ =	sdelay $0x2  }
0x2da: {  	s22 =	sadd.s32 $0x10, s22  }
0x2db: {  	v15 =	vor.u32 s22, v0  }
0x2dc: {  	vm0 =	vlt.s32 v15, v13;
	v14 =	vadd.s32 $0x2, v14  }
0x2dd: {  	v14 =	vnsel vm0, $0x0, v14  }
.Ltmp60:
0x2de: {  	s23 =	simm.s32 $0x19B10;
	[tilespmem:s24+$0x19B10] =	vst v14;
	s24 =	simm.s32 $0x1BD10;
	(pc) =	sbr.rel .LBB2_75-.Ltmp60, $4  }
0x2df: {  	[tilespmem:s24], [sflag:$0x5] =	stream.indirect.gather [hbm4b:s1+s16], $0x10, s23, s16, $0xb8;
	[tilespmem:$0x1EE80] =	vst v63  }
0x2e0: {  	_ =	swait.ge [sflag:s3], $0x800  }
0x2e1: {  	[sflag:s3] =	ssyncset.done $0x0  }
0x2e2: {  	[sflag:s3] =	ssyncadd.s32 $0xFFFFF800  }
.LBB2_79:
0x2e3: {  	p2 =	seq.s32 s19, $0x0  }
.Ltmp61:
0x2e4: {  	_ = 	snop;
	(pc) =	sbr.rel @p2 .LBB2_80-.Ltmp61, $1  }
0x2e5: {  	_ =	sdelay $0x3  }
.LBB2_75:
0x2e6: {  	p2 =	seq.s32 s20, $0x1  }
0x2e7: {  	p1 =	por p1, !p2  }
.Ltmp62:
0x2e8: {  	_ = 	snop;
	(pc) =	sbr.rel @p1 .LBB2_81-.Ltmp62, $1  }
0x2e9: {  	_ =	sdelay $0x3  }
0x2ea: {  	s4 =	sadd.s32 $0x0, s9  }
0x2eb: {  	v14 =	vld [tilespmem:s4+$0x0];
	_ =	sdelay $0x3  }
0x2ec: {  	v15 =	vor.u32 s30, v0  }
0x2ed: {  	s21 =	simm.s32 $0x0;
	vm0 =	vlt.s32 v15, v13;
	v14 =	vadd.s32 $0x2, v14  }
0x2ee: {  	s24 =	simm.s32 $0x10;
	s23 =	simm.s32 $0x80;
	s22 =	smov.u32 s30;
	v14 =	vnsel vm0, $0x0, v14  }
.LBB2_77:
0x2ef: {  	p1 =	sne.s32 s23, $0x1C0;
	s4 =	sadd.s32 s24, s9;
	[tilespmem:s21+$0x19B90] =	vst v14;
	s21 =	smov.u32 s24  }
0x2f0: {  	v14 =	vld [tilespmem:s4+$0x0];
	_ =	sdelay $0x1  }
.Ltmp63:
0x2f1: {  	(pc) =	sbr.rel @p1 .LBB2_77-.Ltmp63, $4  }
0x2f2: {  	s22 =	sadd.s32 $0x10, s22  }
0x2f3: {  	v15 =	vor.u32 s22, v0  }
0x2f4: {  	vm0 =	vlt.s32 v15, v13;
	v14 =	vadd.s32 $0x2, v14  }
0x2f5: {  	s24 =	sshra.s32 s23, $0x2;
	s23 =	sadd.s32 $0x40, s23;
	v14 =	vnsel vm0, $0x0, v14  }
0x2f6: {  	s4 =	sadd.s32 s24, s9;
	[tilespmem:s21+$0x19B90] =	vst v14  }
0x2f7: {  	v14 =	vld [tilespmem:s4+$0x0];
	_ =	sdelay $0x2  }
0x2f8: {  	s22 =	sadd.s32 $0x10, s22  }
0x2f9: {  	v15 =	vor.u32 s22, v0  }
0x2fa: {  	vm0 =	vlt.s32 v15, v13;
	v14 =	vadd.s32 $0x2, v14  }
0x2fb: {  	v14 =	vnsel vm0, $0x0, v14  }
0x2fc: {  	s23 =	simm.s32 $0x19B90;
	s21 =	simm.s32 $0x6;
	[tilespmem:s24+$0x19B90] =	vst v14;
	s24 =	simm.s32 $0x1C510  }
0x2fd: {  	[tilespmem:s24], [sflag:$0x6] =	stream.indirect.gather [hbm4b:s1+s16], $0x10, s23, s16, $0xb8;
	[tilespmem:$0x1EE80] =	vst v63  }
.LBB2_82:
0x2fe: {  	_ =	swait.ge [sflag:s21], $0x800  }
0x2ff: {  	[sflag:s21] =	ssyncset.done $0x0  }
0x300: {  	[sflag:s21] =	ssyncadd.s32 $0xFFFFF800  }
.LBB2_83:
0x301: {  	s4 =	sshll.u32 s19, $0x7  }
0x302: {  	s4 =	ssub.s32 s17, s4  }
0x303: {  	p1 =	slt.s32 s4, $0x1  }
.Ltmp64:
0x304: {  	_ = 	snop;
	(pc) =	sbr.rel @p1 .LBB2_87-.Ltmp64, $1  }
0x305: {  	_ =	sdelay $0x3  }
0x306: {  	s23 =	sadd.s32 $0x0, s30  }
0x307: {  	s4 =	sshll.u32 s20, $0xB;
	v14 =	vmov s23  }
0x308: {  	p1 =	sgt.s32 s29, $0x1;
	s20 =	sor.u32 $0x2000, s4;
	s4 =	smov.u32 s29  }
0x309: {  	s4 =	simm.s32 @!p1 $0x1  }
0x30a: {  	s24 =	sadd.s32 $0x0, s20;
	s21 =	smin.u32 s4, $0x80  }
0x30b: {  	v16 =	vor.u32 s24, v0;
	p1 =	sne.s32 s21, $0x1  }
.Ltmp65:
0x30c: {  	v15 =	vld.idx.msk [tilespmem:v14+s12+$0x0], $0xffff;
	(pc) =	sbr.rel @!p1 .LBB2_86-.Ltmp65, $2  }
0x30d: {  	_ =	sdelay $0x2  }
0x30e: {  	s22 =	simm.s32 $0x1;
	v14 =	vld.idx.msk [tilespmem:v16+s18+$0x0], $0xffff  }
.LBB2_85:
0x30f: {  	s4 =	sadd.s32 s22, s30;
	v15 =	vadd.s32 v12, v15;
	s23 =	smov.u32 s22;
	s22 =	sadd.s32 $0x1, s22  }
0x310: {  	v16 =	vmov s4;
	p1 =	sne.s32 s21, s22;
	_ =	sdelay $0x2  }
0x311: {  	s4 =	sshll.u32 s23, $0x4  }
0x312: {  	s4 =	sadd.s32 s20, s4;
	[tilespmem:v15+s26+$0x0] =	vst.idx.msk $0xffff, v14  }
0x313: {  	v14 =	vor.u32 s4, v0;
	v15 =	vld.idx.msk [tilespmem:v16+s12+$0x0], $0xffff  }
.Ltmp66:
0x314: {  	(pc) =	sbr.rel @p1 .LBB2_85-.Ltmp66, $2  }
0x315: {  	_ =	sdelay $0x2  }
0x316: {  	v14 =	vld.idx.msk [tilespmem:v14+s18+$0x0], $0xffff  }
.Ltmp67:
0x317: {  	_ = 	snop;
	(pc) =	sbr.rel .LBB2_86-.Ltmp67, $1  }
0x318: {  	_ =	sdelay $0x3  }
.LBB2_81:
0x319: {  	p1 =	sne.s32 s19, $0x1  }
.Ltmp68:
0x31a: {  	_ = 	snop;
	(pc) =	sbr.rel @p1 .LBB2_83-.Ltmp68, $4  }
.Ltmp69:
0x31b: {  	_ = 	snop;
	(pc) =	sbr.rel @!p1 .LBB2_82-.Ltmp69, $4  }
0x31c: {  	_ = 	snop  }
0x31d: {  	_ = 	snop  }
0x31e: {  	s21 =	simm.s32 $0x6  }
0x31f: {  	_ = 	snop  }
.LBB2_80:
.Ltmp70:
0x320: {  	(pc) =	sbr.rel .LBB2_82-.Ltmp70, $2  }
0x321: {  	_ =	sdelay $0x2  }
0x322: {  	s21 =	simm.s32 $0x5  }
.LBB2_88:
0x323: {  	s4 =	sadd.s32 $0x68A000, s28  }
0x324: {  	s4 =	sshrl.u32 s4, $0x3  }
0x325: {  	s22 =	sadd.s32 $0x6BE500, s28;
	s4 =	sadd.s32 s7, s4  }
0x326: {  	[hbm4b:s4+s2] =	stream.linear.scatter [tilespmem:s26], [sflag:$0x9], $0x1170, $0x38;
	[tilespmem:$0x1EE80] =	vst v63  }
0x327: {  	s4 =	sshrl.u32 s22, $0x3  }
0x328: {  	s9 =	simm.s32 $0x9380;
	s23 =	sadd.s32 $0x6F2A00, s28;
	s4 =	sadd.s32 s7, s4  }
0x329: {  	[hbm4b:s4+s2] =	stream.linear.scatter [tilespmem:s9], [sflag:$0x9], $0x1170, $0x38;
	[tilespmem:$0x1EE80] =	vst v63  }
0x32a: {  	s4 =	sshrl.u32 s23, $0x3  }
0x32b: {  	s24 =	simm.s32 $0xA4F0;
	s29 =	sadd.s32 $0x726F00, s28;
	s4 =	sadd.s32 s7, s4  }
0x32c: {  	[hbm4b:s4+s2] =	stream.linear.scatter [tilespmem:s24], [sflag:$0x9], $0x1170, $0x38;
	[tilespmem:$0x1EE80] =	vst v63  }
0x32d: {  	s4 =	sshrl.u32 s29, $0x3  }
0x32e: {  	s30 =	simm.s32 $0xB660;
	s19 =	sadd.s32 $0x75B400, s28;
	s4 =	sadd.s32 s7, s4  }
0x32f: {  	[hbm4b:s4+s2] =	stream.linear.scatter [tilespmem:s30], [sflag:$0x9], $0x1170, $0x38;
	[tilespmem:$0x1EE80] =	vst v63  }
0x330: {  	s4 =	sshrl.u32 s19, $0x3  }
0x331: {  	s20 =	simm.s32 $0xC7D0;
	s21 =	sadd.s32 $0x78F900, s28;
	s4 =	sadd.s32 s7, s4  }
0x332: {  	[hbm4b:s4+s2] =	stream.linear.scatter [tilespmem:s20], [sflag:$0x9], $0x1170, $0x38;
	[tilespmem:$0x1EE80] =	vst v63  }
0x333: {  	s4 =	sshrl.u32 s21, $0x3  }
0x334: {  	s22 =	simm.s32 $0xD940;
	s23 =	sadd.s32 $0x7C3E00, s28;
	s4 =	sadd.s32 s7, s4  }
0x335: {  	[hbm4b:s4+s2] =	stream.linear.scatter [tilespmem:s22], [sflag:$0x9], $0x1170, $0x38;
	[tilespmem:$0x1EE80] =	vst v63  }
0x336: {  	s4 =	sshrl.u32 s23, $0x3  }
0x337: {  	s24 =	simm.s32 $0xEAB0;
	s29 =	sadd.s32 $0x7F8300, s28;
	s4 =	sadd.s32 s7, s4  }
0x338: {  	[hbm4b:s4+s2] =	stream.linear.scatter [tilespmem:s24], [sflag:$0x9], $0x1170, $0x38;
	[tilespmem:$0x1EE80] =	vst v63  }
0x339: {  	s4 =	sshrl.u32 s29, $0x3  }
0x33a: {  	s30 =	simm.s32 $0xFC20;
	s19 =	sadd.s32 $0x82C800, s28;
	s4 =	sadd.s32 s7, s4  }
0x33b: {  	[hbm4b:s4+s2] =	stream.linear.scatter [tilespmem:s30], [sflag:$0x9], $0x1170, $0x38;
	[tilespmem:$0x1EE80] =	vst v63  }
0x33c: {  	s4 =	sshrl.u32 s19, $0x3  }
0x33d: {  	s20 =	simm.s32 $0x10D90;
	s21 =	sadd.s32 $0x860D00, s28;
	s4 =	sadd.s32 s7, s4  }
0x33e: {  	[hbm4b:s4+s2] =	stream.linear.scatter [tilespmem:s20], [sflag:$0x9], $0x1170, $0x38;
	[tilespmem:$0x1EE80] =	vst v63  }
0x33f: {  	s4 =	sshrl.u32 s21, $0x3  }
0x340: {  	s22 =	simm.s32 $0x11F00;
	s23 =	sadd.s32 $0x895200, s28;
	s4 =	sadd.s32 s7, s4  }
0x341: {  	[hbm4b:s4+s2] =	stream.linear.scatter [tilespmem:s22], [sflag:$0x9], $0x1170, $0x38;
	[tilespmem:$0x1EE80] =	vst v63  }
0x342: {  	s4 =	sshrl.u32 s23, $0x3  }
0x343: {  	s24 =	simm.s32 $0x13070;
	s29 =	sadd.s32 $0x8C9700, s28;
	s4 =	sadd.s32 s7, s4  }
0x344: {  	[hbm4b:s4+s2] =	stream.linear.scatter [tilespmem:s24], [sflag:$0x9], $0x1170, $0x38;
	[tilespmem:$0x1EE80] =	vst v63  }
0x345: {  	s4 =	sshrl.u32 s29, $0x3  }
0x346: {  	s9 =	sadd.s32 $0x8FDC00, s28;
	s30 =	simm.s32 $0x141E0;
	s4 =	sadd.s32 s7, s4  }
0x347: {  	[hbm4b:s4+s2] =	stream.linear.scatter [tilespmem:s30], [sflag:$0x9], $0x1170, $0x38;
	[tilespmem:$0x1EE80] =	vst v63  }
0x348: {  	s4 =	sshrl.u32 s9, $0x3  }
0x349: {  	s19 =	simm.s32 $0x15350;
	s20 =	sadd.s32 $0x932100, s28;
	s4 =	sadd.s32 s7, s4  }
0x34a: {  	[hbm4b:s4+s2] =	stream.linear.scatter [tilespmem:s19], [sflag:$0x9], $0x1170, $0x38;
	[tilespmem:$0x1EE80] =	vst v63  }
0x34b: {  	s4 =	sshrl.u32 s20, $0x3  }
0x34c: {  	s21 =	simm.s32 $0x164C0;
	s22 =	sadd.s32 $0x966600, s28;
	s4 =	sadd.s32 s7, s4  }
0x34d: {  	[hbm4b:s4+s2] =	stream.linear.scatter [tilespmem:s21], [sflag:$0x9], $0x1170, $0x38;
	[tilespmem:$0x1EE80] =	vst v63  }
0x34e: {  	s4 =	sshrl.u32 s22, $0x3  }
0x34f: {  	s23 =	simm.s32 $0x17630;
	s24 =	sadd.s32 $0x99AB00, s28;
	s4 =	sadd.s32 s7, s4  }
0x350: {  	[hbm4b:s4+s2] =	stream.linear.scatter [tilespmem:s23], [sflag:$0x9], $0x1170, $0x38;
	[tilespmem:$0x1EE80] =	vst v63  }
0x351: {  	s29 =	simm.s32 $0x187A0;
	s4 =	sshrl.u32 s24, $0x3  }
.Ltmp71:
0x352: {  	s30 =	simm.s32 $0x9;
	s4 =	sadd.s32 s7, s4;
	(pc) =	sbr.rel @p0 .LBB2_107-.Ltmp71, $4  }
0x353: {  	[hbm4b:s4+s2] =	stream.linear.scatter [tilespmem:s29], [sflag:$0x9], $0x1170, $0x38;
	[tilespmem:$0x1EE80] =	vst v63  }
0x354: {  	_ =	swait.ge [sflag:s30], $0x11700  }
0x355: {  	[sflag:s30] =	ssyncset.done $0x0  }
0x356: {  	[sflag:s30] =	ssyncadd.s32 $0xFFFEE900  }
.Ltmp72:
0x357: {  	(pc) =	sbr.rel .LBB2_90-.Ltmp72, $3  }
0x358: {  	_ =	sdelay $0x1  }
0x359: {  	s9 =	simm.s32 $0x41B0  }
0x35a: {  	s30 =	simm.s32 $0x0;
	s29 =	smov.u32 s17;
	s19 =	simm.s32 $0x0  }
.LBB2_105:
0x35b: {  	v15 =	vadd.s32 v12, v15;
	_ =	sdelay $0x4  }
0x35c: {  	[tilespmem:v15+s26+$0x0] =	vst.idx.msk $0xffff, v14  }
.LBB2_106:
0x35d: {  	s19 =	sadd.s32 $0x1, s19  }
0x35e: {  	p0 =	sne.s32 s19, s8  }
.Ltmp73:
0x35f: {  	_ = 	snop;
	(pc) =	sbr.rel @!p0 .LBB2_107-.Ltmp73, $2  }
0x360: {  	_ =	sdelay $0x2  }
0x361: {  	s29 =	sadd.s32 $0xFFFFFF80, s29;
	s9 =	sadd.s32 $0x80, s9;
	s30 =	sadd.s32 $0x80, s30  }
.LBB2_90:
0x362: {  	s20 =	sand.u32 $0x1, s19;
	p0 =	slt.u32 s19, $0x2  }
0x363: {  	p1 =	sne.s32 @!p0 s20, $0x0  }
0x364: {  	p1 =	por p0, p1  }
.Ltmp74:
0x365: {  	_ = 	snop;
	(pc) =	sbr.rel @p1 .LBB2_98-.Ltmp74, $1  }
0x366: {  	_ =	sdelay $0x3  }
0x367: {  	s4 =	sadd.s32 $0x0, s9  }
0x368: {  	v14 =	vld [tilespmem:s4+$0x0];
	_ =	sdelay $0x3  }
0x369: {  	v15 =	vor.u32 s30, v0  }
0x36a: {  	s21 =	simm.s32 $0x0;
	vm0 =	vlt.s32 v15, v13;
	v14 =	vadd.s32 $0x3, v14  }
0x36b: {  	s24 =	simm.s32 $0x10;
	s23 =	simm.s32 $0x80;
	s22 =	smov.u32 s30;
	v14 =	vnsel vm0, $0x0, v14  }
.LBB2_92:
0x36c: {  	p1 =	sne.s32 s23, $0x1C0;
	s4 =	sadd.s32 s24, s9;
	[tilespmem:s21+$0x19C10] =	vst v14;
	s21 =	smov.u32 s24  }
0x36d: {  	v14 =	vld [tilespmem:s4+$0x0];
	_ =	sdelay $0x1  }
.Ltmp75:
0x36e: {  	(pc) =	sbr.rel @p1 .LBB2_92-.Ltmp75, $4  }
0x36f: {  	s22 =	sadd.s32 $0x10, s22  }
0x370: {  	v15 =	vor.u32 s22, v0  }
0x371: {  	vm0 =	vlt.s32 v15, v13;
	v14 =	vadd.s32 $0x3, v14  }
0x372: {  	s24 =	sshra.s32 s23, $0x2;
	s23 =	sadd.s32 $0x40, s23;
	v14 =	vnsel vm0, $0x0, v14  }
0x373: {  	s4 =	sadd.s32 s24, s9;
	[tilespmem:s21+$0x19C10] =	vst v14  }
0x374: {  	v14 =	vld [tilespmem:s4+$0x0];
	_ =	sdelay $0x2  }
0x375: {  	s22 =	sadd.s32 $0x10, s22  }
0x376: {  	v15 =	vor.u32 s22, v0  }
0x377: {  	vm0 =	vlt.s32 v15, v13;
	v14 =	vadd.s32 $0x3, v14  }
0x378: {  	v14 =	vnsel vm0, $0x0, v14  }
.Ltmp76:
0x379: {  	s23 =	simm.s32 $0x19C10;
	[tilespmem:s24+$0x19C10] =	vst v14;
	s24 =	simm.s32 $0x1CD10;
	(pc) =	sbr.rel .LBB2_94-.Ltmp76, $4  }
0x37a: {  	[tilespmem:s24], [sflag:$0x7] =	stream.indirect.gather [hbm4b:s1+s16], $0x10, s23, s16, $0xb8;
	[tilespmem:$0x1EE80] =	vst v63  }
0x37b: {  	_ =	swait.ge [sflag:s31], $0x800  }
0x37c: {  	[sflag:s31] =	ssyncset.done $0x0  }
0x37d: {  	[sflag:s31] =	ssyncadd.s32 $0xFFFFF800  }
.LBB2_98:
0x37e: {  	p1 =	seq.s32 s19, $0x0  }
.Ltmp77:
0x37f: {  	_ = 	snop;
	(pc) =	sbr.rel @p1 .LBB2_99-.Ltmp77, $1  }
0x380: {  	_ =	sdelay $0x3  }
.LBB2_94:
0x381: {  	p1 =	seq.s32 s20, $0x1  }
0x382: {  	p0 =	por p0, !p1  }
.Ltmp78:
0x383: {  	_ = 	snop;
	(pc) =	sbr.rel @p0 .LBB2_100-.Ltmp78, $1  }
0x384: {  	_ =	sdelay $0x3  }
0x385: {  	s4 =	sadd.s32 $0x0, s9  }
0x386: {  	v14 =	vld [tilespmem:s4+$0x0];
	_ =	sdelay $0x3  }
0x387: {  	v15 =	vor.u32 s30, v0  }
0x388: {  	s21 =	simm.s32 $0x0;
	vm0 =	vlt.s32 v15, v13;
	v14 =	vadd.s32 $0x3, v14  }
0x389: {  	s24 =	simm.s32 $0x10;
	s23 =	simm.s32 $0x80;
	s22 =	smov.u32 s30;
	v14 =	vnsel vm0, $0x0, v14  }
.LBB2_96:
0x38a: {  	p0 =	sne.s32 s23, $0x1C0;
	s4 =	sadd.s32 s24, s9;
	[tilespmem:s21+$0x19C90] =	vst v14;
	s21 =	smov.u32 s24  }
0x38b: {  	v14 =	vld [tilespmem:s4+$0x0];
	_ =	sdelay $0x1  }
.Ltmp79:
0x38c: {  	(pc) =	sbr.rel @p0 .LBB2_96-.Ltmp79, $4  }
0x38d: {  	s22 =	sadd.s32 $0x10, s22  }
0x38e: {  	v15 =	vor.u32 s22, v0  }
0x38f: {  	vm0 =	vlt.s32 v15, v13;
	v14 =	vadd.s32 $0x3, v14  }
0x390: {  	s24 =	sshra.s32 s23, $0x2;
	s23 =	sadd.s32 $0x40, s23;
	v14 =	vnsel vm0, $0x0, v14  }
0x391: {  	s4 =	sadd.s32 s24, s9;
	[tilespmem:s21+$0x19C90] =	vst v14  }
0x392: {  	v14 =	vld [tilespmem:s4+$0x0];
	_ =	sdelay $0x2  }
0x393: {  	s22 =	sadd.s32 $0x10, s22  }
0x394: {  	v15 =	vor.u32 s22, v0  }
0x395: {  	vm0 =	vlt.s32 v15, v13;
	v14 =	vadd.s32 $0x3, v14  }
0x396: {  	v14 =	vnsel vm0, $0x0, v14  }
0x397: {  	s23 =	simm.s32 $0x19C90;
	s21 =	simm.s32 $0x8;
	[tilespmem:s24+$0x19C90] =	vst v14;
	s24 =	simm.s32 $0x1D510  }
0x398: {  	[tilespmem:s24], [sflag:$0x8] =	stream.indirect.gather [hbm4b:s1+s16], $0x10, s23, s16, $0xb8;
	[tilespmem:$0x1EE80] =	vst v63  }
.LBB2_101:
0x399: {  	_ =	swait.ge [sflag:s21], $0x800  }
0x39a: {  	[sflag:s21] =	ssyncset.done $0x0  }
0x39b: {  	[sflag:s21] =	ssyncadd.s32 $0xFFFFF800  }
.LBB2_102:
0x39c: {  	s4 =	sshll.u32 s19, $0x7  }
0x39d: {  	s4 =	ssub.s32 s17, s4  }
0x39e: {  	p0 =	slt.s32 s4, $0x1  }
.Ltmp80:
0x39f: {  	_ = 	snop;
	(pc) =	sbr.rel @p0 .LBB2_106-.Ltmp80, $1  }
0x3a0: {  	_ =	sdelay $0x3  }
0x3a1: {  	s23 =	sadd.s32 $0x0, s30  }
0x3a2: {  	s4 =	sshll.u32 s20, $0xB;
	v14 =	vmov s23  }
0x3a3: {  	p0 =	sgt.s32 s29, $0x1;
	s20 =	sor.u32 $0x3000, s4;
	s4 =	smov.u32 s29  }
0x3a4: {  	s4 =	simm.s32 @!p0 $0x1  }
0x3a5: {  	s24 =	sadd.s32 $0x0, s20;
	s21 =	smin.u32 s4, $0x80  }
0x3a6: {  	v16 =	vor.u32 s24, v0;
	p0 =	sne.s32 s21, $0x1  }
.Ltmp81:
0x3a7: {  	v15 =	vld.idx.msk [tilespmem:v14+s12+$0x0], $0xffff;
	(pc) =	sbr.rel @!p0 .LBB2_105-.Ltmp81, $2  }
0x3a8: {  	_ =	sdelay $0x2  }
0x3a9: {  	s22 =	simm.s32 $0x1;
	v14 =	vld.idx.msk [tilespmem:v16+s18+$0x0], $0xffff  }
.LBB2_104:
0x3aa: {  	s4 =	sadd.s32 s22, s30;
	v15 =	vadd.s32 v12, v15;
	s23 =	smov.u32 s22;
	s22 =	sadd.s32 $0x1, s22  }
0x3ab: {  	v16 =	vmov s4;
	p0 =	sne.s32 s21, s22;
	_ =	sdelay $0x2  }
0x3ac: {  	s4 =	sshll.u32 s23, $0x4  }
0x3ad: {  	s4 =	sadd.s32 s20, s4;
	[tilespmem:v15+s26+$0x0] =	vst.idx.msk $0xffff, v14  }
0x3ae: {  	v14 =	vor.u32 s4, v0;
	v15 =	vld.idx.msk [tilespmem:v16+s12+$0x0], $0xffff  }
.Ltmp82:
0x3af: {  	(pc) =	sbr.rel @p0 .LBB2_104-.Ltmp82, $2  }
0x3b0: {  	_ =	sdelay $0x2  }
0x3b1: {  	v14 =	vld.idx.msk [tilespmem:v14+s18+$0x0], $0xffff  }
.Ltmp83:
0x3b2: {  	_ = 	snop;
	(pc) =	sbr.rel .LBB2_105-.Ltmp83, $1  }
0x3b3: {  	_ =	sdelay $0x3  }
.LBB2_100:
0x3b4: {  	p0 =	sne.s32 s19, $0x1  }
.Ltmp84:
0x3b5: {  	_ = 	snop;
	(pc) =	sbr.rel @p0 .LBB2_102-.Ltmp84, $4  }
.Ltmp85:
0x3b6: {  	_ = 	snop;
	(pc) =	sbr.rel @!p0 .LBB2_101-.Ltmp85, $4  }
0x3b7: {  	_ = 	snop  }
0x3b8: {  	_ = 	snop  }
0x3b9: {  	s21 =	simm.s32 $0x8  }
0x3ba: {  	_ = 	snop  }
.LBB2_99:
.Ltmp86:
0x3bb: {  	(pc) =	sbr.rel .LBB2_101-.Ltmp86, $2  }
0x3bc: {  	_ =	sdelay $0x2  }
0x3bd: {  	s21 =	simm.s32 $0x7  }
.LBB2_107:
0x3be: {  	s4 =	sadd.s32 $0x9CF000, s28  }
0x3bf: {  	s4 =	sshrl.u32 s4, $0x3  }
0x3c0: {  	s30 =	sadd.s32 $0xA03500, s28;
	s4 =	sadd.s32 s7, s4  }
0x3c1: {  	[hbm4b:s4+s2] =	stream.linear.scatter [tilespmem:s26], [sflag:$0x9], $0x1170, $0x38;
	[tilespmem:$0x1EE80] =	vst v63  }
0x3c2: {  	s4 =	sshrl.u32 s30, $0x3  }
0x3c3: {  	s8 =	simm.s32 $0x9380;
	s4 =	sadd.s32 s7, s4  }
0x3c4: {  	[hbm4b:s4+s2] =	stream.linear.scatter [tilespmem:s8], [sflag:$0x9], $0x1170, $0x38;
	[tilespmem:$0x1EE80] =	vst v63  }
0x3c5: {  	s8 =	sadd.s32 $0xA37A00, s28  }
0x3c6: {  	s4 =	sshrl.u32 s8, $0x3  }
0x3c7: {  	s9 =	simm.s32 $0xA4F0;
	s19 =	sadd.s32 $0xA6BF00, s28;
	s4 =	sadd.s32 s7, s4  }
0x3c8: {  	[hbm4b:s4+s2] =	stream.linear.scatter [tilespmem:s9], [sflag:$0x9], $0x1170, $0x38;
	[tilespmem:$0x1EE80] =	vst v63  }
0x3c9: {  	s4 =	sshrl.u32 s19, $0x3  }
0x3ca: {  	s20 =	simm.s32 $0xB660;
	s21 =	sadd.s32 $0xAA0400, s28;
	s4 =	sadd.s32 s7, s4  }
0x3cb: {  	[hbm4b:s4+s2] =	stream.linear.scatter [tilespmem:s20], [sflag:$0x9], $0x1170, $0x38;
	[tilespmem:$0x1EE80] =	vst v63  }
0x3cc: {  	s4 =	sshrl.u32 s21, $0x3  }
0x3cd: {  	s22 =	simm.s32 $0xC7D0;
	s23 =	sadd.s32 $0xAD4900, s28;
	s4 =	sadd.s32 s7, s4  }
0x3ce: {  	[hbm4b:s4+s2] =	stream.linear.scatter [tilespmem:s22], [sflag:$0x9], $0x1170, $0x38;
	[tilespmem:$0x1EE80] =	vst v63  }
0x3cf: {  	s4 =	sshrl.u32 s23, $0x3  }
0x3d0: {  	s24 =	simm.s32 $0xD940;
	s29 =	sadd.s32 $0xB08E00, s28;
	s4 =	sadd.s32 s7, s4  }
0x3d1: {  	[hbm4b:s4+s2] =	stream.linear.scatter [tilespmem:s24], [sflag:$0x9], $0x1170, $0x38;
	[tilespmem:$0x1EE80] =	vst v63  }
0x3d2: {  	s4 =	sshrl.u32 s29, $0x3  }
0x3d3: {  	s30 =	simm.s32 $0xEAB0;
	s8 =	sadd.s32 $0xB3D300, s28;
	s4 =	sadd.s32 s7, s4  }
0x3d4: {  	[hbm4b:s4+s2] =	stream.linear.scatter [tilespmem:s30], [sflag:$0x9], $0x1170, $0x38;
	[tilespmem:$0x1EE80] =	vst v63  }
0x3d5: {  	s4 =	sshrl.u32 s8, $0x3  }
0x3d6: {  	s9 =	simm.s32 $0xFC20;
	s19 =	sadd.s32 $0xB71800, s28;
	s4 =	sadd.s32 s7, s4  }
0x3d7: {  	[hbm4b:s4+s2] =	stream.linear.scatter [tilespmem:s9], [sflag:$0x9], $0x1170, $0x38;
	[tilespmem:$0x1EE80] =	vst v63  }
0x3d8: {  	s4 =	sshrl.u32 s19, $0x3  }
0x3d9: {  	s20 =	simm.s32 $0x10D90;
	s21 =	sadd.s32 $0xBA5D00, s28;
	s4 =	sadd.s32 s7, s4  }
0x3da: {  	[hbm4b:s4+s2] =	stream.linear.scatter [tilespmem:s20], [sflag:$0x9], $0x1170, $0x38;
	[tilespmem:$0x1EE80] =	vst v63  }
0x3db: {  	s4 =	sshrl.u32 s21, $0x3  }
0x3dc: {  	s22 =	simm.s32 $0x11F00;
	s23 =	sadd.s32 $0xBDA200, s28;
	s4 =	sadd.s32 s7, s4  }
0x3dd: {  	[hbm4b:s4+s2] =	stream.linear.scatter [tilespmem:s22], [sflag:$0x9], $0x1170, $0x38;
	[tilespmem:$0x1EE80] =	vst v63  }
0x3de: {  	s4 =	sshrl.u32 s23, $0x3  }
0x3df: {  	s24 =	simm.s32 $0x13070;
	s29 =	sadd.s32 $0xC0E700, s28;
	s4 =	sadd.s32 s7, s4  }
0x3e0: {  	[hbm4b:s4+s2] =	stream.linear.scatter [tilespmem:s24], [sflag:$0x9], $0x1170, $0x38;
	[tilespmem:$0x1EE80] =	vst v63  }
0x3e1: {  	s4 =	sshrl.u32 s29, $0x3  }
0x3e2: {  	s30 =	simm.s32 $0x141E0;
	s8 =	sadd.s32 $0xC42C00, s28;
	s4 =	sadd.s32 s7, s4  }
0x3e3: {  	[hbm4b:s4+s2] =	stream.linear.scatter [tilespmem:s30], [sflag:$0x9], $0x1170, $0x38;
	[tilespmem:$0x1EE80] =	vst v63  }
0x3e4: {  	s4 =	sshrl.u32 s8, $0x3  }
0x3e5: {  	s9 =	simm.s32 $0x15350;
	s19 =	sadd.s32 $0xC77100, s28;
	s4 =	sadd.s32 s7, s4  }
0x3e6: {  	[hbm4b:s4+s2] =	stream.linear.scatter [tilespmem:s9], [sflag:$0x9], $0x1170, $0x38;
	[tilespmem:$0x1EE80] =	vst v63  }
0x3e7: {  	s4 =	sshrl.u32 s19, $0x3  }
0x3e8: {  	s20 =	simm.s32 $0x164C0;
	s21 =	sadd.s32 $0xCAB600, s28;
	s4 =	sadd.s32 s7, s4  }
0x3e9: {  	[hbm4b:s4+s2] =	stream.linear.scatter [tilespmem:s20], [sflag:$0x9], $0x1170, $0x38;
	[tilespmem:$0x1EE80] =	vst v63  }
0x3ea: {  	s4 =	sshrl.u32 s21, $0x3  }
0x3eb: {  	s22 =	simm.s32 $0x17630;
	s23 =	sadd.s32 $0xCDFB00, s28;
	s4 =	sadd.s32 s7, s4  }
0x3ec: {  	[hbm4b:s4+s2] =	stream.linear.scatter [tilespmem:s22], [sflag:$0x9], $0x1170, $0x38;
	[tilespmem:$0x1EE80] =	vst v63  }
0x3ed: {  	s4 =	sshrl.u32 s23, $0x3  }
0x3ee: {  	s28 =	rddreg [dreg:$0x8];
	s24 =	simm.s32 $0x187A0;
	s4 =	sadd.s32 s7, s4  }
0x3ef: {  	[hbm4b:s4+s2] =	stream.linear.scatter [tilespmem:s24], [sflag:$0x9], $0x1170, $0x38;
	[tilespmem:$0x1EE80] =	vst v63  }
0x3f0: {  	s4 =	sadd.s32 $0x8000000F, s28  }
0x3f1: {  	s29 =	sand.u32 $0xF, s4  }
0x3f2: {  	s9 =	sshra.s32 s4, $0x1F;
	p0 =	slt.s32 s4, $0x1;
	p1 =	sne.s32 s29, $0x0  }
0x3f3: {  	s30 =	sshrl.u32 s9, $0x1C;
	p0 =	por !p0, !p1  }
0x3f4: {  	s8 =	simm.s32 $0x1;
	s4 =	sadd.s32 s30, s4;
	p0 =	por !p0, !p0  }
0x3f5: {  	s4 =	sshra.s32 s4, $0x4;
	s8 =	simm.s32 @!p0 $0x0  }
0x3f6: {  	s9 =	ssub.s32 s4, s8  }
0x3f7: {  	p0 =	slt.s32 s9, $0x1  }
.Ltmp87:
0x3f8: {  	_ = 	snop;
	(pc) =	sbr.rel @p0 .LBB2_110-.Ltmp87, $2  }
0x3f9: {  	_ =	sdelay $0x2  }
0x3fa: {  	s23 =	rddreg [dreg:$0x7]  }
0x3fb: {  	s4 =	simm.s32 $0x12C0  }
0x3fc: {  	p0 =	sne.s32 s9, $0x1;
	v13 =	vld [tilespmem:s4+$0x0]  }
.Ltmp88:
0x3fd: {  	_ = 	snop;
	(pc) =	sbr.rel @!p0 .LBB2_110-.Ltmp88, $3  }
0x3fe: {  	_ =	sdelay $0x1  }
0x3ff: {  	s8 =	simm.s32 $0x1DD10  }
0x400: {  	s9 =	sadd.s32 $0xFFFFFFFF, s9;
	s19 =	simm.s32 $0x12D0;
	[tilespmem:s8+$0x0] =	vst v13  }
.LBB2_109:
0x401: {  	v13 =	vld [tilespmem:s19+$0x0];
	p0 =	sne.s32 s9, $0x1;
	s9 =	sadd.s32 $0xFFFFFFFF, s9  }
.Ltmp89:
0x402: {  	(pc) =	sbr.rel @p0 .LBB2_109-.Ltmp89, $3  }
0x403: {  	_ =	sdelay $0x1  }
0x404: {  	s8 =	sadd.s32 $0x10, s8  }
0x405: {  	s19 =	sadd.s32 $0x10, s19;
	[tilespmem:s8+$0x0] =	vst v13  }
.Ltmp90:
0x406: {  	_ = 	snop;
	(pc) =	sbr.rel .LBB2_110-.Ltmp90, $1  }
0x407: {  	_ =	sdelay $0x3  }
.LBB2_112:
0x408: {  	_ =	sfence.sel $0x180000  }
0x409: {  	[bflag:$0x0] =	sbarrier.arrive $0xFFFF  }
0x40a: {  	_ =	strace $0x90000047  }
0x40b: {  	s0 =	stileid.u32;
	[bflag:$0x2] =	sbarrier.arrive $0xFFFF  }
0x40c: {  	p0 =	sne.s32 s0, $0x0;
	s0 =	rddreg [dreg:$0x2]  }
0x40d: {  	s0 =	sadd.s32 @!p0 $0x100000, s0  }
0x40e: {  	[sflag:s0] =	ssyncadd.tile.s32 @!p0 $0x1;
	_ =	shalt  }
.Lfunc_end2:
_tile_overlayer_lowered:
.L_overlay_start_2:
0x40f: {  	(tag) =	ssettag $0x2  }
0x410: {  	s0 =	rddreg [dreg:$0x0];
	s2 =	stileid.u32  }
0x411: {  	s1 =	rddreg [dreg:$0x1];
	p0 =	sne.s32 s2, $0x0  }
0x412: {  	s3 =	rddreg [dreg:$0x2];
	[bflag:$0x3] =	sbarrier.arrive $0xFFFF;
	s2 =	simm.s32 @!p0 $0x1C0A  }
0x413: {  	[timem:s3], [sflag:s2] =	dma.local @!p0 [hbm:s0], s1  }
0x414: {  	s0 =	simm.s32 @!p0 $0xA  }
0x415: {  	_ =	swait.ge @!p0 [sflag:s0], s1  }
0x416: {  	s1 =	ssub.s32 @!p0 $0x0, s1;
	[sflag:s0] =	ssyncset.done @!p0 $0x0  }
0x417: {  	[sflag:s0] =	ssyncadd.s32 @!p0 s1  }
0x418: {  	[bflag:$0x3] =	sbarrier.arrive $0xFFFF  }
0x419: {  	_ =	shalt  }

</sc_bundles>
